<compile_context>
chip_gen: v7x
topology: tpu7x:2x2x1
jax: 0.10.2.dev20260603
libtpu: 0.0.44.dev20260713+nightly
codegen_flags: <defaults>
</compile_context>

<pallas_src>
import functools
import jax
import jax.numpy as jnp
from jax import lax
from jax.experimental import pallas as pl
from jax.experimental.pallas import tpu as pltpu
from jax.experimental.pallas import tpu_sc as plsc

_N = 10000
_E = 320000
_H = 128
_C = 10
_L = 3

_NC = 2
_NS = 16
_NW = _NC * _NS
_EW = _E // _NW
_K = 80
_CH = _EW // _K
_NPAD = 10240
_RT = _NPAD // _NS


_FS = 4


def _rnd16(u):
    return u + jnp.uint32(0x7FFF) + ((u >> jnp.uint32(16)) & jnp.uint32(1))


def _filt_body(d_ref, wf1t_ref, bf1_ref, wf2_ref, bf2_ref, o_ref):
    wf1t = wf1t_ref[...]
    wf2 = wf2_ref[...]
    bf1c = bf1_ref[...]
    bf2 = bf2_ref[...]
    mu_c = lax.broadcasted_iota(jnp.int32, (_H, 1), 0).astype(jnp.float32) * (
        1.0 / (_H - 1))
    for j in range(_FS):
        dj = d_ref[0, j:j + 1, :]
        cut = 0.5 * (jnp.cos(jnp.pi * jnp.clip(dj, 0.0, 1.0)) + 1.0)
        dif = dj - mu_c
        ect = jnp.exp(-10.0 * dif * dif) * cut
        vt = jnp.dot(wf1t, ect, preferred_element_type=jnp.float32) + bf1c
        sspt = (jnp.maximum(vt, 0.0)
                + jnp.log(1.0 + jnp.exp(-jnp.abs(vt)))
                - jnp.log(2.0))
        y = lax.dot_general(sspt, wf2, (((0,), (0,)), ((), ())),
                            preferred_element_type=jnp.float32) + bf2
        ua = _rnd16(lax.bitcast_convert_type(y[:, :_H // 2],
                                             jnp.uint32)) >> jnp.uint32(16)
        ub = _rnd16(lax.bitcast_convert_type(y[:, _H // 2:],
                                             jnp.uint32)) & jnp.uint32(
            0xFFFF0000)
        o_ref[pl.ds(j * _H, _H), :] = lax.bitcast_convert_type(
            ua | ub, jnp.int32)


def _filt_call(d3, wf1t, bf1c, wf2, bf2):
    grid = _E // (_FS * _H)
    return pl.pallas_call(
        _filt_body,
        grid=(grid,),
        in_specs=[
            pl.BlockSpec((1, _FS, _H), lambda i: (i, 0, 0)),
            pl.BlockSpec((_H, _H), lambda i: (0, 0)),
            pl.BlockSpec((_H, 1), lambda i: (0, 0)),
            pl.BlockSpec((_H, _H), lambda i: (0, 0)),
            pl.BlockSpec((1, _H), lambda i: (0, 0)),
        ],
        out_specs=pl.BlockSpec((_FS * _H, _H // 2), lambda i: (i, 0)),
        out_shape=jax.ShapeDtypeStruct((_E, _H // 2), jnp.int32),
    )(d3, wf1t, bf1c, wf2, bf2)


def _mm_body(h_ref, w_ref, o_ref):
    o_ref[...] = jnp.dot(h_ref[...], w_ref[...],
                         preferred_element_type=jnp.float32)


def _mm_call(h, w):
    return pl.pallas_call(
        _mm_body,
        grid=(10,),
        in_specs=[
            pl.BlockSpec((_N // 10, _H), lambda i: (i, 0)),
            pl.BlockSpec((_H, _H), lambda i: (0, 0)),
        ],
        out_specs=pl.BlockSpec((_N // 10, _H), lambda i: (i, 0)),
        out_shape=jax.ShapeDtypeStruct((_N, _H), jnp.float32),
    )(h, w)


def _posthead_body(a0_ref, a1_ref, wout_ref, w_ref, b_ref, o_ref, acc_ref):
    i = pl.program_id(0)
    t = jnp.maximum(
        jnp.dot(a0_ref[...] + a1_ref[...], wout_ref[...],
                preferred_element_type=jnp.float32), 0.0)

    @pl.when(i == 0)
    def _():
        acc_ref[...] = jnp.zeros_like(acc_ref)

    acc_ref[...] += jnp.sum(t, axis=0, keepdims=True)

    @pl.when(i == pl.num_programs(0) - 1)
    def _():
        g = acc_ref[...] * (1.0 / _N)
        logits = jnp.dot(g, w_ref[...],
                         preferred_element_type=jnp.float32) + b_ref[...]
        mask = lax.broadcasted_iota(jnp.int32, (1, _H), 1) < _C
        ml = jnp.where(mask, logits, -1e30)
        m = jnp.max(ml, axis=1, keepdims=True)
        lse = m + jnp.log(
            jnp.sum(jnp.where(mask, jnp.exp(ml - m), 0.0),
                    axis=1, keepdims=True))
        o_ref[...] = logits - lse


def _posthead_call(a0, a1, wout, w_pad, b_pad):
    nb = 10
    rb = _N // nb
    return pl.pallas_call(
        _posthead_body,
        grid=(nb,),
        in_specs=[
            pl.BlockSpec((rb, _H), lambda i: (i, 0)),
            pl.BlockSpec((rb, _H), lambda i: (i, 0)),
            pl.BlockSpec((_H, _H), lambda i: (0, 0)),
            pl.BlockSpec((_H, _H), lambda i: (0, 0)),
            pl.BlockSpec((1, _H), lambda i: (0, 0)),
        ],
        out_specs=pl.BlockSpec((1, _H), lambda i: (0, 0)),
        out_shape=jax.ShapeDtypeStruct((1, _H), jnp.float32),
        scratch_shapes=[pltpu.VMEM((1, _H), jnp.float32)],
    )(a0, a1, wout, w_pad, b_pad)


def _postmm_body(a0_ref, a1_ref, wout_ref, win_ref, o_ref):
    t = jnp.maximum(
        jnp.dot(a0_ref[...] + a1_ref[...], wout_ref[...],
                preferred_element_type=jnp.float32), 0.0)
    o_ref[...] = jnp.dot(t, win_ref[...], preferred_element_type=jnp.float32)


def _postmm_call(a0, a1, wout, win_next):
    nb = 10
    rb = _N // nb
    return pl.pallas_call(
        _postmm_body,
        grid=(nb,),
        in_specs=[
            pl.BlockSpec((rb, _H), lambda i: (i, 0)),
            pl.BlockSpec((rb, _H), lambda i: (i, 0)),
            pl.BlockSpec((_H, _H), lambda i: (0, 0)),
            pl.BlockSpec((_H, _H), lambda i: (0, 0)),
        ],
        out_specs=pl.BlockSpec((rb, _H), lambda i: (i, 0)),
        out_shape=jax.ShapeDtypeStruct((_N, _H), jnp.float32),
    )(a0, a1, wout, win_next)


_GRP = 25
_NG = _CH // _GRP


def _sc_body(hi_hbm, filt_hbm, sd_hbm, out_hbm,
             sd_v, gath_v, filt_v, acc_sh, semg0, semg1, semf0, semf1):
    c = lax.axis_index("c")
    s = lax.axis_index("s")
    wid = s * _NC + c

    def zrow(r, carry):
        for cc in range(_H // 16):
            gath_v[0, r, pl.ds(cc * 16, 16)] = jnp.zeros((16,), jnp.float32)
        return carry

    lax.fori_loop(0, _K, zrow, 0)
    for j in range(_RT // _K):
        pltpu.sync_copy(gath_v.at[0],
                        acc_sh.at[pl.ds(s * _RT + j * _K, _K)])
    plsc.subcore_barrier()

    def chunk(g, carry):
        grp = g // _GRP
        j = g % _GRP
        b = g % 2
        base = wid * _EW + g * _K

        @pl.when(j == 0)
        def _():
            pltpu.sync_copy(sd_hbm.at[wid, grp], sd_v)

        @pl.when((j == 0) & (b == 0))
        def _():
            pltpu.async_copy(hi_hbm.at[sd_v.at[0, 0]], gath_v.at[0], semg0)
            pltpu.async_copy(hi_hbm.at[sd_v.at[1, 0]], gath_v.at[1], semg1)

        @pl.when((j == 0) & (b == 1))
        def _():
            pltpu.async_copy(hi_hbm.at[sd_v.at[0, 0]], gath_v.at[1], semg1)
            pltpu.async_copy(hi_hbm.at[sd_v.at[1, 0]], gath_v.at[0], semg0)

        @pl.when(g == 0)
        def _():
            pltpu.async_copy(filt_hbm.at[pl.ds(base, _K)], filt_v.at[0],
                             semf0)

        @pl.when((g + 1 < _CH) & (b == 0))
        def _():
            pltpu.async_copy(filt_hbm.at[pl.ds(base + _K, _K)], filt_v.at[1],
                             semf1)

        @pl.when((g + 1 < _CH) & (b == 1))
        def _():
            pltpu.async_copy(filt_hbm.at[pl.ds(base + _K, _K)], filt_v.at[0],
                             semf0)

        @pl.when(b == 0)
        def _():
            pltpu.make_async_copy(filt_hbm.at[pl.ds(base, _K)], filt_v.at[0],
                                  semf0).wait()
            pltpu.make_async_copy(hi_hbm.at[sd_v.at[j, 0]], gath_v.at[0],
                                  semg0).wait()

        @pl.when(b == 1)
        def _():
            pltpu.make_async_copy(filt_hbm.at[pl.ds(base, _K)], filt_v.at[1],
                                  semf1).wait()
            pltpu.make_async_copy(hi_hbm.at[sd_v.at[j, 0]], gath_v.at[1],
                                  semg1).wait()

        msk = jnp.full((16,), -65536, jnp.int32)
        sh16 = jnp.full((16,), 16, jnp.int32)

        @plsc.parallel_loop(0, _K, step=1, unroll=4)
        def _mult(r):
            for cc in range(4):
                x = filt_v[b, r, pl.ds(16 * cc, 16)]
                lo = lax.bitcast_convert_type(lax.shift_left(x, sh16),
                                              jnp.float32)
                hi = lax.bitcast_convert_type(x & msk, jnp.float32)
                sla = pl.ds(16 * cc, 16)
                slb = pl.ds(64 + 16 * cc, 16)
                gath_v[b, r, sla] = gath_v[b, r, sla] * lo
                gath_v[b, r, slb] = gath_v[b, r, slb] * hi

        pltpu.sync_copy(gath_v.at[b], acc_sh.at[sd_v.at[j, 1]], add=True)

        @pl.when((j < _GRP - 2) & (b == 0))
        def _():
            pltpu.async_copy(hi_hbm.at[sd_v.at[j + 2, 0]], gath_v.at[0],
                             semg0)

        @pl.when((j < _GRP - 2) & (b == 1))
        def _():
            pltpu.async_copy(hi_hbm.at[sd_v.at[j + 2, 0]], gath_v.at[1],
                             semg1)

        return carry

    lax.fori_loop(0, _CH, chunk, 0)
    plsc.subcore_barrier()

    pltpu.sync_copy(acc_sh.at[pl.ds(s * _RT, _RT)],
                    out_hbm.at[c * _NS + s])


@functools.cache
def _sc_pass_fn():
    mesh = plsc.VectorSubcoreMesh(core_axis_name="c", subcore_axis_name="s",
                                  num_cores=_NC, num_subcores=_NS)
    return pl.kernel(
        _sc_body,
        out_type=jax.ShapeDtypeStruct((_NW, _RT, _H), jnp.float32),
        mesh=mesh,
        scratch_types=[
            pltpu.VMEM((_GRP, 2, _K), jnp.int32),
            pltpu.VMEM((2, _K, _H), jnp.float32),
            pltpu.VMEM((2, _K, _H // 2), jnp.int32),
            pltpu.VMEM_SHARED((_NPAD, _H), jnp.float32),
        ] + [pltpu.SemaphoreType.DMA] * 4,
    )


def _sc_pass(hi, filt, sd5):
    return _sc_pass_fn()(hi, filt, sd5)


def kernel(x, edge_index, edge_dist, Wf1, bf1, Wf2, bf2, Win, Wout,
           fc_W, fc_b):
    sd5 = jnp.stack(
        [edge_index[0].reshape(_NW, _NG, _GRP, _K),
         edge_index[1].reshape(_NW, _NG, _GRP, _K)], axis=3)
    d2 = edge_dist.reshape(_E // (_FS * _H), _FS, _H)

    filt = _filt_call(d2, Wf1.T, bf1.reshape(_H, 1), Wf2,
                      bf2.reshape(1, _H))

    w_pad = jnp.zeros((_H, _H), jnp.float32).at[:, :_C].set(fc_W)
    b_pad = jnp.zeros((1, _H), jnp.float32).at[0, :_C].set(fc_b)

    hi = _mm_call(x, Win[0])
    for i in range(_L):
        agg32 = _sc_pass(hi, filt, sd5)
        flat = agg32.reshape(2 * _NPAD, _H)
        a0, a1 = flat[:_N], flat[_NPAD:_NPAD + _N]
        if i < _L - 1:
            hi = _postmm_call(a0, a1, Wout[i], Win[i + 1])
        else:
            out = _posthead_call(a0, a1, Wout[i], w_pad, b_pad)
    return out[:, :_C]

# --- scband reference (transcript-rebuilt; emitter-appended) ---
"""Pipeline reference for scband-sch-net-57939108823522 (READ-ONLY COPY).

The authoritative reference and input builder live on the scoring server;
editing this copy changes nothing except your own understanding.
"""

import jax, jax.numpy as jnp
import numpy as np

N = 10000
E = 320000
F = 128
H = 128
C = 10
L = 3

def _ssp(v):
    # shifted softplus used by SchNet filter networks
    return jnp.logaddexp(v, 0.0) - jnp.log(2.0)

def setup_inputs(seed: int = 0):
    key = jax.random.key(seed)
    ks = jax.random.split(key, 11)
    x = jax.random.normal(ks[0], (N, F), dtype=jnp.float32)
    edge_index = jax.random.randint(ks[1], (2, E), 0, N, dtype=jnp.int32)
    edge_dist = jax.random.uniform(ks[2], (E,), dtype=jnp.float32)
    s = 1.0 / np.sqrt(H)
    Wf1 = jax.random.normal(ks[3], (H, H), dtype=jnp.float32) * s
    bf1 = jnp.zeros((H,), dtype=jnp.float32)
    Wf2 = jax.random.normal(ks[4], (H, H), dtype=jnp.float32) * s
    bf2 = jnp.zeros((H,), dtype=jnp.float32)
    Win = jax.random.normal(ks[5], (L, H, H), dtype=jnp.float32) * s
    Wout = jax.random.normal(ks[6], (L, H, H), dtype=jnp.float32) * s
    fc_W = jax.random.normal(ks[7], (H, C), dtype=jnp.float32) * s
    fc_b = jnp.zeros((C,), dtype=jnp.float32)
    return {"x": x, "edge_index": edge_index, "edge_dist": edge_dist,
            "Wf1": Wf1, "bf1": bf1, "Wf2": Wf2, "bf2": bf2,
            "Win": Win, "Wout": Wout, "fc_W": fc_W, "fc_b": fc_b}

def reference(x, edge_index, edge_dist, Wf1, bf1, Wf2, bf2, Win, Wout, fc_W, fc_b):
    src = edge_index[0]
    dst = edge_index[1]
    # radial basis expansion of edge distances on (0, 1) with cosine cutoff
    mu = jnp.linspace(0.0, 1.0, H)
    gamma = 10.0
    bfeat = jnp.exp(-gamma * (edge_dist[:, None] - mu[None, :]) ** 2)
    cutoff = 0.5 * (jnp.cos(jnp.pi * jnp.clip(edge_dist, 0.0, 1.0)) + 1.0)
    ec = bfeat * cutoff[:, None]
    # shared filter-generating MLP (radial_embedding -> edge filters)
    filt = _ssp(ec @ Wf1 + bf1) @ Wf2 + bf2  # [E, H]
    h = x
    n = x.shape[0]
    for i in range(L):
        hi = h @ Win[i]                                  # node projection
        msg = jnp.take(hi, src, axis=0) * filt           # gather src + cfconv filter
        agg = jax.ops.segment_sum(msg, dst, num_segments=n)  # scatter-add to dst
        h = jax.nn.relu(agg @ Wout[i])                   # F.relu(layer(g, x))
    g = jnp.mean(h, axis=0, keepdims=True)               # dgl.mean_nodes (single graph)
    logits = g @ fc_W + fc_b
    return jax.nn.log_softmax(logits, axis=1)

if __name__ == "__main__":
    import jax
    _d = setup_inputs()
    print(jax.jit(kernel)(*tuple(_d.values())))

</pallas_src>

<mosaic_0001>
#map = affine_map<(d0, d1) -> (0, 0)>
#map1 = affine_map<(d0, d1) -> (0, 0, 0, 0, 0)>
#map2 = affine_map<(d0, d1) -> (0, 0, 0)>
module attributes {stable_mosaic.version = 14 : i64} {
  func.func @_sc_body(%arg0: i32, %arg1: i32, %arg2: memref<10000x128xf32, #tpu.memory_space<hbm>>, %arg3: memref<320000x64xi32, #tpu.memory_space<hbm>>, %arg4: memref<32x5x25x2x80xi32, #tpu.memory_space<hbm>>, %arg5: memref<32x640x128xf32, #tpu.memory_space<hbm>>, %arg6: memref<25x2x80xi32, #tpu.memory_space<vmem>>, %arg7: memref<2x80x128xf32, #tpu.memory_space<vmem>>, %arg8: memref<2x80x64xi32, #tpu.memory_space<vmem>>, %arg9: memref<10240x128xf32, #tpu.memory_space<vmem_shared>>, %arg10: memref<!tpu.dma_semaphore, #tpu.memory_space<semaphore_mem>>, %arg11: memref<!tpu.dma_semaphore, #tpu.memory_space<semaphore_mem>>, %arg12: memref<!tpu.dma_semaphore, #tpu.memory_space<semaphore_mem>>, %arg13: memref<!tpu.dma_semaphore, #tpu.memory_space<semaphore_mem>>) attributes {dimension_semantics = [#tpu.dimension_semantics<core_parallel>, #tpu.dimension_semantics<subcore_parallel>], iteration_bounds = array<i64: 2, 16>, scalar_prefetch = 0 : i64, scratch_operands = 8 : i64, tpu.core_type = #tpu.core_type<sc_vector_subcore>, window_params = [{transform_indices = #map}, {transform_indices = #map}, {transform_indices = #map1}, {transform_indices = #map2}]} {
    %mul3A = arith.constant 2 : i32
    %mul3A_0 = arith.muli %arg1, %mul3A : i32
    %add3A = arith.addi %mul3A_0, %arg0 : i32
    %scan3A = arith.constant 0 : i32
    %scan3A_1 = arith.constant 0 : i32
    %scan3A_2 = arith.constant 80 : i32
    %scan3A_3 = arith.addi %scan3A_1, %scan3A_2 : i32
    %scan3A_4 = arith.constant 1 : i32
    scf.for %scan3A_57 = %scan3A_1 to %scan3A_3 step %scan3A_4  : i32 {
      %broadcast_in_dim3A = arith.constant 0.000000e+00 : f32
      %broadcast_in_dim3A_58 = vector.broadcast %broadcast_in_dim3A : f32 to vector<16xf32>
      %swap3A = arith.constant 0 : i32
      %swap3A_59 = arith.index_cast %swap3A : i32 to index
      %swap3A_60 = arith.index_cast %scan3A_57 : i32 to index
      %swap3A_61 = arith.constant 0 : index
      %swap3A_62 = tpu.vector_load %arg7[%swap3A_59, %swap3A_60, %swap3A_61] {strides = array<i32>} : memref<2x80x128xf32, #tpu.memory_space<vmem>>, vector<1x1x16xf32>,
      %swap3A_63 = vector.shape_cast %swap3A_62 : vector<1x1x16xf32> to vector<16xf32>
      %swap3A_64 = vector.shape_cast %broadcast_in_dim3A_58 : vector<16xf32> to vector<1x1x16xf32>
      tpu.vector_store %arg7[%swap3A_59, %swap3A_60, %swap3A_61], %swap3A_64 {strides = array<i32>} : memref<2x80x128xf32, #tpu.memory_space<vmem>>, vector<1x1x16xf32>,
      %broadcast_in_dim3A_65 = arith.constant 0.000000e+00 : f32
      %broadcast_in_dim3A_66 = vector.broadcast %broadcast_in_dim3A_65 : f32 to vector<16xf32>
      %swap3A_67 = arith.constant 0 : i32
      %swap3A_68 = arith.index_cast %swap3A_67 : i32 to index
      %swap3A_69 = arith.index_cast %scan3A_57 : i32 to index
      %swap3A_70 = arith.constant 16 : index
      %swap3A_71 = tpu.vector_load %arg7[%swap3A_68, %swap3A_69, %swap3A_70] {strides = array<i32>} : memref<2x80x128xf32, #tpu.memory_space<vmem>>, vector<1x1x16xf32>,
      %swap3A_72 = vector.shape_cast %swap3A_71 : vector<1x1x16xf32> to vector<16xf32>
      %swap3A_73 = vector.shape_cast %broadcast_in_dim3A_66 : vector<16xf32> to vector<1x1x16xf32>
      tpu.vector_store %arg7[%swap3A_68, %swap3A_69, %swap3A_70], %swap3A_73 {strides = array<i32>} : memref<2x80x128xf32, #tpu.memory_space<vmem>>, vector<1x1x16xf32>,
      %broadcast_in_dim3A_74 = arith.constant 0.000000e+00 : f32
      %broadcast_in_dim3A_75 = vector.broadcast %broadcast_in_dim3A_74 : f32 to vector<16xf32>
      %swap3A_76 = arith.constant 0 : i32
      %swap3A_77 = arith.index_cast %swap3A_76 : i32 to index
      %swap3A_78 = arith.index_cast %scan3A_57 : i32 to index
      %swap3A_79 = arith.constant 32 : index
      %swap3A_80 = tpu.vector_load %arg7[%swap3A_77, %swap3A_78, %swap3A_79] {strides = array<i32>} : memref<2x80x128xf32, #tpu.memory_space<vmem>>, vector<1x1x16xf32>,
      %swap3A_81 = vector.shape_cast %swap3A_80 : vector<1x1x16xf32> to vector<16xf32>
      %swap3A_82 = vector.shape_cast %broadcast_in_dim3A_75 : vector<16xf32> to vector<1x1x16xf32>
      tpu.vector_store %arg7[%swap3A_77, %swap3A_78, %swap3A_79], %swap3A_82 {strides = array<i32>} : memref<2x80x128xf32, #tpu.memory_space<vmem>>, vector<1x1x16xf32>,
      %broadcast_in_dim3A_83 = arith.constant 0.000000e+00 : f32
      %broadcast_in_dim3A_84 = vector.broadcast %broadcast_in_dim3A_83 : f32 to vector<16xf32>
      %swap3A_85 = arith.constant 0 : i32
      %swap3A_86 = arith.index_cast %swap3A_85 : i32 to index
      %swap3A_87 = arith.index_cast %scan3A_57 : i32 to index
      %swap3A_88 = arith.constant 48 : index
      %swap3A_89 = tpu.vector_load %arg7[%swap3A_86, %swap3A_87, %swap3A_88] {strides = array<i32>} : memref<2x80x128xf32, #tpu.memory_space<vmem>>, vector<1x1x16xf32>,
      %swap3A_90 = vector.shape_cast %swap3A_89 : vector<1x1x16xf32> to vector<16xf32>
      %swap3A_91 = vector.shape_cast %broadcast_in_dim3A_84 : vector<16xf32> to vector<1x1x16xf32>
      tpu.vector_store %arg7[%swap3A_86, %swap3A_87, %swap3A_88], %swap3A_91 {strides = array<i32>} : memref<2x80x128xf32, #tpu.memory_space<vmem>>, vector<1x1x16xf32>,
      %broadcast_in_dim3A_92 = arith.constant 0.000000e+00 : f32
      %broadcast_in_dim3A_93 = vector.broadcast %broadcast_in_dim3A_92 : f32 to vector<16xf32>
      %swap3A_94 = arith.constant 0 : i32
      %swap3A_95 = arith.index_cast %swap3A_94 : i32 to index
      %swap3A_96 = arith.index_cast %scan3A_57 : i32 to index
      %swap3A_97 = arith.constant 64 : index
      %swap3A_98 = tpu.vector_load %arg7[%swap3A_95, %swap3A_96, %swap3A_97] {strides = array<i32>} : memref<2x80x128xf32, #tpu.memory_space<vmem>>, vector<1x1x16xf32>,
      %swap3A_99 = vector.shape_cast %swap3A_98 : vector<1x1x16xf32> to vector<16xf32>
      %swap3A_100 = vector.shape_cast %broadcast_in_dim3A_93 : vector<16xf32> to vector<1x1x16xf32>
      tpu.vector_store %arg7[%swap3A_95, %swap3A_96, %swap3A_97], %swap3A_100 {strides = array<i32>} : memref<2x80x128xf32, #tpu.memory_space<vmem>>, vector<1x1x16xf32>,
      %broadcast_in_dim3A_101 = arith.constant 0.000000e+00 : f32
      %broadcast_in_dim3A_102 = vector.broadcast %broadcast_in_dim3A_101 : f32 to vector<16xf32>
      %swap3A_103 = arith.constant 0 : i32
      %swap3A_104 = arith.index_cast %swap3A_103 : i32 to index
      %swap3A_105 = arith.index_cast %scan3A_57 : i32 to index
      %swap3A_106 = arith.constant 80 : index
      %swap3A_107 = tpu.vector_load %arg7[%swap3A_104, %swap3A_105, %swap3A_106] {strides = array<i32>} : memref<2x80x128xf32, #tpu.memory_space<vmem>>, vector<1x1x16xf32>,
      %swap3A_108 = vector.shape_cast %swap3A_107 : vector<1x1x16xf32> to vector<16xf32>
      %swap3A_109 = vector.shape_cast %broadcast_in_dim3A_102 : vector<16xf32> to vector<1x1x16xf32>
      tpu.vector_store %arg7[%swap3A_104, %swap3A_105, %swap3A_106], %swap3A_109 {strides = array<i32>} : memref<2x80x128xf32, #tpu.memory_space<vmem>>, vector<1x1x16xf32>,
      %broadcast_in_dim3A_110 = arith.constant 0.000000e+00 : f32
      %broadcast_in_dim3A_111 = vector.broadcast %broadcast_in_dim3A_110 : f32 to vector<16xf32>
      %swap3A_112 = arith.constant 0 : i32
      %swap3A_113 = arith.index_cast %swap3A_112 : i32 to index
      %swap3A_114 = arith.index_cast %scan3A_57 : i32 to index
      %swap3A_115 = arith.constant 96 : index
      %swap3A_116 = tpu.vector_load %arg7[%swap3A_113, %swap3A_114, %swap3A_115] {strides = array<i32>} : memref<2x80x128xf32, #tpu.memory_space<vmem>>, vector<1x1x16xf32>,
      %swap3A_117 = vector.shape_cast %swap3A_116 : vector<1x1x16xf32> to vector<16xf32>
      %swap3A_118 = vector.shape_cast %broadcast_in_dim3A_111 : vector<16xf32> to vector<1x1x16xf32>
      tpu.vector_store %arg7[%swap3A_113, %swap3A_114, %swap3A_115], %swap3A_118 {strides = array<i32>} : memref<2x80x128xf32, #tpu.memory_space<vmem>>, vector<1x1x16xf32>,
      %broadcast_in_dim3A_119 = arith.constant 0.000000e+00 : f32
      %broadcast_in_dim3A_120 = vector.broadcast %broadcast_in_dim3A_119 : f32 to vector<16xf32>
      %swap3A_121 = arith.constant 0 : i32
      %swap3A_122 = arith.index_cast %swap3A_121 : i32 to index
      %swap3A_123 = arith.index_cast %scan3A_57 : i32 to index
      %swap3A_124 = arith.constant 112 : index
      %swap3A_125 = tpu.vector_load %arg7[%swap3A_122, %swap3A_123, %swap3A_124] {strides = array<i32>} : memref<2x80x128xf32, #tpu.memory_space<vmem>>, vector<1x1x16xf32>,
      %swap3A_126 = vector.shape_cast %swap3A_125 : vector<1x1x16xf32> to vector<16xf32>
      %swap3A_127 = vector.shape_cast %broadcast_in_dim3A_120 : vector<16xf32> to vector<1x1x16xf32>
      tpu.vector_store %arg7[%swap3A_122, %swap3A_123, %swap3A_124], %swap3A_127 {strides = array<i32>} : memref<2x80x128xf32, #tpu.memory_space<vmem>>, vector<1x1x16xf32>,
    }
    %scan3A_5 = arith.constant 80 : i32
    %mul3A_6 = arith.constant 640 : i32
    %mul3A_7 = arith.muli %arg1, %mul3A_6 : i32
    %add3A_8 = arith.constant 0 : i32
    %add3A_9 = arith.addi %mul3A_7, %add3A_8 : i32
    %run_scoped3A = arith.constant 0 : i32
    "tpu.region"() ({
      %run_scoped3A_57 = tpu.sem_alloc : memref<!tpu.dma_semaphore, #tpu.memory_space<semaphore_mem>>
      %dma_start3A = arith.constant 0 : i32
      %dma_start3A_58 = arith.constant 0 : i32
      %dma_start3A_59 = tpu.memref_slice %arg7[%run_scoped3A, %dma_start3A, %dma_start3A_58] : memref<2x80x128xf32, #tpu.memory_space<vmem>> -> memref<1x80x128xf32, #tpu.memory_space<vmem>>
      %dma_start3A_60 = tpu.memref_squeeze %dma_start3A_59 : memref<1x80x128xf32, #tpu.memory_space<vmem>> -> memref<80x128xf32, #tpu.memory_space<vmem>>
      %dma_start3A_61 = arith.constant 0 : i32
      %dma_start3A_62 = tpu.memref_slice %arg9[%add3A_9, %dma_start3A_61] : memref<10240x128xf32, #tpu.memory_space<vmem_shared>> -> memref<80x128xf32, #tpu.memory_space<vmem_shared>>
      %dma_start3A_63 = arith.constant 0 : i32
      %dma_start3A_64 = tpu.memref_slice %arg9[%add3A_9, %dma_start3A_63] : memref<10240x128xf32, #tpu.memory_space<vmem_shared>> -> memref<80x128xf32, #tpu.memory_space<vmem_shared>>
      %dma_start3A_65 = arith.constant 0 : i32
      %dma_start3A_66 = arith.constant 0 : i32
      %dma_start3A_67 = tpu.memref_slice %arg7[%run_scoped3A, %dma_start3A_65, %dma_start3A_66] : memref<2x80x128xf32, #tpu.memory_space<vmem>> -> memref<1x80x128xf32, #tpu.memory_space<vmem>>
      %dma_start3A_68 = tpu.memref_squeeze %dma_start3A_67 : memref<1x80x128xf32, #tpu.memory_space<vmem>> -> memref<80x128xf32, #tpu.memory_space<vmem>>
      tpu.enqueue_dma source(%dma_start3A_68 : memref<80x128xf32, #tpu.memory_space<vmem>>) target(%dma_start3A_64 : memref<80x128xf32, #tpu.memory_space<vmem_shared>>) target_semaphore(%run_scoped3A_57 : memref<!tpu.dma_semaphore, #tpu.memory_space<semaphore_mem>>)
      %dma_wait3A = arith.constant 0 : i32
      %dma_wait3A_69 = arith.constant 0 : i32
      %dma_wait3A_70 = tpu.memref_slice %arg7[%run_scoped3A, %dma_wait3A, %dma_wait3A_69] : memref<2x80x128xf32, #tpu.memory_space<vmem>> -> memref<1x80x128xf32, #tpu.memory_space<vmem>>
      %dma_wait3A_71 = tpu.memref_squeeze %dma_wait3A_70 : memref<1x80x128xf32, #tpu.memory_space<vmem>> -> memref<80x128xf32, #tpu.memory_space<vmem>>
      %dma_wait3A_72 = arith.constant 0 : i32
      %dma_wait3A_73 = tpu.memref_slice %arg9[%add3A_9, %dma_wait3A_72] : memref<10240x128xf32, #tpu.memory_space<vmem_shared>> -> memref<80x128xf32, #tpu.memory_space<vmem_shared>>
      %dma_wait3A_74 = arith.constant 0 : i32
      %dma_wait3A_75 = tpu.memref_slice %arg9[%add3A_9, %dma_wait3A_74] : memref<10240x128xf32, #tpu.memory_space<vmem_shared>> -> memref<80x128xf32, #tpu.memory_space<vmem_shared>>
      %dma_wait3A_76 = arith.constant 0 : i32
      %dma_wait3A_77 = arith.constant 0 : i32
      %dma_wait3A_78 = tpu.memref_slice %arg7[%run_scoped3A, %dma_wait3A_76, %dma_wait3A_77] : memref<2x80x128xf32, #tpu.memory_space<vmem>> -> memref<1x80x128xf32, #tpu.memory_space<vmem>>
      %dma_wait3A_79 = tpu.memref_squeeze %dma_wait3A_78 : memref<1x80x128xf32, #tpu.memory_space<vmem>> -> memref<80x128xf32, #tpu.memory_space<vmem>>
      tpu.wait_dma2 semaphore(%run_scoped3A_57 : memref<!tpu.dma_semaphore, #tpu.memory_space<semaphore_mem>>) src(%dma_wait3A_79 : memref<80x128xf32, #tpu.memory_space<vmem>>) dst(%dma_wait3A_75 : memref<80x128xf32, #tpu.memory_space<vmem_shared>>)
      tpu.yield
    }) : () -> ()
    %mul3A_10 = arith.constant 640 : i32
    %mul3A_11 = arith.muli %arg1, %mul3A_10 : i32
    %add3A_12 = arith.constant 80 : i32
    %add3A_13 = arith.addi %mul3A_11, %add3A_12 : i32
    %run_scoped3A_14 = arith.constant 0 : i32
    "tpu.region"() ({
      %run_scoped3A_57 = tpu.sem_alloc : memref<!tpu.dma_semaphore, #tpu.memory_space<semaphore_mem>>
      %dma_start3A = arith.constant 0 : i32
      %dma_start3A_58 = arith.constant 0 : i32
      %dma_start3A_59 = tpu.memref_slice %arg7[%run_scoped3A_14, %dma_start3A, %dma_start3A_58] : memref<2x80x128xf32, #tpu.memory_space<vmem>> -> memref<1x80x128xf32, #tpu.memory_space<vmem>>
      %dma_start3A_60 = tpu.memref_squeeze %dma_start3A_59 : memref<1x80x128xf32, #tpu.memory_space<vmem>> -> memref<80x128xf32, #tpu.memory_space<vmem>>
      %dma_start3A_61 = arith.constant 0 : i32
      %dma_start3A_62 = tpu.memref_slice %arg9[%add3A_13, %dma_start3A_61] : memref<10240x128xf32, #tpu.memory_space<vmem_shared>> -> memref<80x128xf32, #tpu.memory_space<vmem_shared>>
      %dma_start3A_63 = arith.constant 0 : i32
      %dma_start3A_64 = tpu.memref_slice %arg9[%add3A_13, %dma_start3A_63] : memref<10240x128xf32, #tpu.memory_space<vmem_shared>> -> memref<80x128xf32, #tpu.memory_space<vmem_shared>>
      %dma_start3A_65 = arith.constant 0 : i32
      %dma_start3A_66 = arith.constant 0 : i32
      %dma_start3A_67 = tpu.memref_slice %arg7[%run_scoped3A_14, %dma_start3A_65, %dma_start3A_66] : memref<2x80x128xf32, #tpu.memory_space<vmem>> -> memref<1x80x128xf32, #tpu.memory_space<vmem>>
      %dma_start3A_68 = tpu.memref_squeeze %dma_start3A_67 : memref<1x80x128xf32, #tpu.memory_space<vmem>> -> memref<80x128xf32, #tpu.memory_space<vmem>>
      tpu.enqueue_dma source(%dma_start3A_68 : memref<80x128xf32, #tpu.memory_space<vmem>>) target(%dma_start3A_64 : memref<80x128xf32, #tpu.memory_space<vmem_shared>>) target_semaphore(%run_scoped3A_57 : memref<!tpu.dma_semaphore, #tpu.memory_space<semaphore_mem>>)
      %dma_wait3A = arith.constant 0 : i32
      %dma_wait3A_69 = arith.constant 0 : i32
      %dma_wait3A_70 = tpu.memref_slice %arg7[%run_scoped3A_14, %dma_wait3A, %dma_wait3A_69] : memref<2x80x128xf32, #tpu.memory_space<vmem>> -> memref<1x80x128xf32, #tpu.memory_space<vmem>>
      %dma_wait3A_71 = tpu.memref_squeeze %dma_wait3A_70 : memref<1x80x128xf32, #tpu.memory_space<vmem>> -> memref<80x128xf32, #tpu.memory_space<vmem>>
      %dma_wait3A_72 = arith.constant 0 : i32
      %dma_wait3A_73 = tpu.memref_slice %arg9[%add3A_13, %dma_wait3A_72] : memref<10240x128xf32, #tpu.memory_space<vmem_shared>> -> memref<80x128xf32, #tpu.memory_space<vmem_shared>>
      %dma_wait3A_74 = arith.constant 0 : i32
      %dma_wait3A_75 = tpu.memref_slice %arg9[%add3A_13, %dma_wait3A_74] : memref<10240x128xf32, #tpu.memory_space<vmem_shared>> -> memref<80x128xf32, #tpu.memory_space<vmem_shared>>
      %dma_wait3A_76 = arith.constant 0 : i32
      %dma_wait3A_77 = arith.constant 0 : i32
      %dma_wait3A_78 = tpu.memref_slice %arg7[%run_scoped3A_14, %dma_wait3A_76, %dma_wait3A_77] : memref<2x80x128xf32, #tpu.memory_space<vmem>> -> memref<1x80x128xf32, #tpu.memory_space<vmem>>
      %dma_wait3A_79 = tpu.memref_squeeze %dma_wait3A_78 : memref<1x80x128xf32, #tpu.memory_space<vmem>> -> memref<80x128xf32, #tpu.memory_space<vmem>>
      tpu.wait_dma2 semaphore(%run_scoped3A_57 : memref<!tpu.dma_semaphore, #tpu.memory_space<semaphore_mem>>) src(%dma_wait3A_79 : memref<80x128xf32, #tpu.memory_space<vmem>>) dst(%dma_wait3A_75 : memref<80x128xf32, #tpu.memory_space<vmem_shared>>)
      tpu.yield
    }) : () -> ()
    %mul3A_15 = arith.constant 640 : i32
    %mul3A_16 = arith.muli %arg1, %mul3A_15 : i32
    %add3A_17 = arith.constant 160 : i32
    %add3A_18 = arith.addi %mul3A_16, %add3A_17 : i32
    %run_scoped3A_19 = arith.constant 0 : i32
    "tpu.region"() ({
      %run_scoped3A_57 = tpu.sem_alloc : memref<!tpu.dma_semaphore, #tpu.memory_space<semaphore_mem>>
      %dma_start3A = arith.constant 0 : i32
      %dma_start3A_58 = arith.constant 0 : i32
      %dma_start3A_59 = tpu.memref_slice %arg7[%run_scoped3A_19, %dma_start3A, %dma_start3A_58] : memref<2x80x128xf32, #tpu.memory_space<vmem>> -> memref<1x80x128xf32, #tpu.memory_space<vmem>>
      %dma_start3A_60 = tpu.memref_squeeze %dma_start3A_59 : memref<1x80x128xf32, #tpu.memory_space<vmem>> -> memref<80x128xf32, #tpu.memory_space<vmem>>
      %dma_start3A_61 = arith.constant 0 : i32
      %dma_start3A_62 = tpu.memref_slice %arg9[%add3A_18, %dma_start3A_61] : memref<10240x128xf32, #tpu.memory_space<vmem_shared>> -> memref<80x128xf32, #tpu.memory_space<vmem_shared>>
      %dma_start3A_63 = arith.constant 0 : i32
      %dma_start3A_64 = tpu.memref_slice %arg9[%add3A_18, %dma_start3A_63] : memref<10240x128xf32, #tpu.memory_space<vmem_shared>> -> memref<80x128xf32, #tpu.memory_space<vmem_shared>>
      %dma_start3A_65 = arith.constant 0 : i32
      %dma_start3A_66 = arith.constant 0 : i32
      %dma_start3A_67 = tpu.memref_slice %arg7[%run_scoped3A_19, %dma_start3A_65, %dma_start3A_66] : memref<2x80x128xf32, #tpu.memory_space<vmem>> -> memref<1x80x128xf32, #tpu.memory_space<vmem>>
      %dma_start3A_68 = tpu.memref_squeeze %dma_start3A_67 : memref<1x80x128xf32, #tpu.memory_space<vmem>> -> memref<80x128xf32, #tpu.memory_space<vmem>>
      tpu.enqueue_dma source(%dma_start3A_68 : memref<80x128xf32, #tpu.memory_space<vmem>>) target(%dma_start3A_64 : memref<80x128xf32, #tpu.memory_space<vmem_shared>>) target_semaphore(%run_scoped3A_57 : memref<!tpu.dma_semaphore, #tpu.memory_space<semaphore_mem>>)
      %dma_wait3A = arith.constant 0 : i32
      %dma_wait3A_69 = arith.constant 0 : i32
      %dma_wait3A_70 = tpu.memref_slice %arg7[%run_scoped3A_19, %dma_wait3A, %dma_wait3A_69] : memref<2x80x128xf32, #tpu.memory_space<vmem>> -> memref<1x80x128xf32, #tpu.memory_space<vmem>>
      %dma_wait3A_71 = tpu.memref_squeeze %dma_wait3A_70 : memref<1x80x128xf32, #tpu.memory_space<vmem>> -> memref<80x128xf32, #tpu.memory_space<vmem>>
      %dma_wait3A_72 = arith.constant 0 : i32
      %dma_wait3A_73 = tpu.memref_slice %arg9[%add3A_18, %dma_wait3A_72] : memref<10240x128xf32, #tpu.memory_space<vmem_shared>> -> memref<80x128xf32, #tpu.memory_space<vmem_shared>>
      %dma_wait3A_74 = arith.constant 0 : i32
      %dma_wait3A_75 = tpu.memref_slice %arg9[%add3A_18, %dma_wait3A_74] : memref<10240x128xf32, #tpu.memory_space<vmem_shared>> -> memref<80x128xf32, #tpu.memory_space<vmem_shared>>
      %dma_wait3A_76 = arith.constant 0 : i32
      %dma_wait3A_77 = arith.constant 0 : i32
      %dma_wait3A_78 = tpu.memref_slice %arg7[%run_scoped3A_19, %dma_wait3A_76, %dma_wait3A_77] : memref<2x80x128xf32, #tpu.memory_space<vmem>> -> memref<1x80x128xf32, #tpu.memory_space<vmem>>
      %dma_wait3A_79 = tpu.memref_squeeze %dma_wait3A_78 : memref<1x80x128xf32, #tpu.memory_space<vmem>> -> memref<80x128xf32, #tpu.memory_space<vmem>>
      tpu.wait_dma2 semaphore(%run_scoped3A_57 : memref<!tpu.dma_semaphore, #tpu.memory_space<semaphore_mem>>) src(%dma_wait3A_79 : memref<80x128xf32, #tpu.memory_space<vmem>>) dst(%dma_wait3A_75 : memref<80x128xf32, #tpu.memory_space<vmem_shared>>)
      tpu.yield
    }) : () -> ()
    %mul3A_20 = arith.constant 640 : i32
    %mul3A_21 = arith.muli %arg1, %mul3A_20 : i32
    %add3A_22 = arith.constant 240 : i32
    %add3A_23 = arith.addi %mul3A_21, %add3A_22 : i32
    %run_scoped3A_24 = arith.constant 0 : i32
    "tpu.region"() ({
      %run_scoped3A_57 = tpu.sem_alloc : memref<!tpu.dma_semaphore, #tpu.memory_space<semaphore_mem>>
      %dma_start3A = arith.constant 0 : i32
      %dma_start3A_58 = arith.constant 0 : i32
      %dma_start3A_59 = tpu.memref_slice %arg7[%run_scoped3A_24, %dma_start3A, %dma_start3A_58] : memref<2x80x128xf32, #tpu.memory_space<vmem>> -> memref<1x80x128xf32, #tpu.memory_space<vmem>>
      %dma_start3A_60 = tpu.memref_squeeze %dma_start3A_59 : memref<1x80x128xf32, #tpu.memory_space<vmem>> -> memref<80x128xf32, #tpu.memory_space<vmem>>
      %dma_start3A_61 = arith.constant 0 : i32
      %dma_start3A_62 = tpu.memref_slice %arg9[%add3A_23, %dma_start3A_61] : memref<10240x128xf32, #tpu.memory_space<vmem_shared>> -> memref<80x128xf32, #tpu.memory_space<vmem_shared>>
      %dma_start3A_63 = arith.constant 0 : i32
      %dma_start3A_64 = tpu.memref_slice %arg9[%add3A_23, %dma_start3A_63] : memref<10240x128xf32, #tpu.memory_space<vmem_shared>> -> memref<80x128xf32, #tpu.memory_space<vmem_shared>>
      %dma_start3A_65 = arith.constant 0 : i32
      %dma_start3A_66 = arith.constant 0 : i32
      %dma_start3A_67 = tpu.memref_slice %arg7[%run_scoped3A_24, %dma_start3A_65, %dma_start3A_66] : memref<2x80x128xf32, #tpu.memory_space<vmem>> -> memref<1x80x128xf32, #tpu.memory_space<vmem>>
      %dma_start3A_68 = tpu.memref_squeeze %dma_start3A_67 : memref<1x80x128xf32, #tpu.memory_space<vmem>> -> memref<80x128xf32, #tpu.memory_space<vmem>>
      tpu.enqueue_dma source(%dma_start3A_68 : memref<80x128xf32, #tpu.memory_space<vmem>>) target(%dma_start3A_64 : memref<80x128xf32, #tpu.memory_space<vmem_shared>>) target_semaphore(%run_scoped3A_57 : memref<!tpu.dma_semaphore, #tpu.memory_space<semaphore_mem>>)
      %dma_wait3A = arith.constant 0 : i32
      %dma_wait3A_69 = arith.constant 0 : i32
      %dma_wait3A_70 = tpu.memref_slice %arg7[%run_scoped3A_24, %dma_wait3A, %dma_wait3A_69] : memref<2x80x128xf32, #tpu.memory_space<vmem>> -> memref<1x80x128xf32, #tpu.memory_space<vmem>>
      %dma_wait3A_71 = tpu.memref_squeeze %dma_wait3A_70 : memref<1x80x128xf32, #tpu.memory_space<vmem>> -> memref<80x128xf32, #tpu.memory_space<vmem>>
      %dma_wait3A_72 = arith.constant 0 : i32
      %dma_wait3A_73 = tpu.memref_slice %arg9[%add3A_23, %dma_wait3A_72] : memref<10240x128xf32, #tpu.memory_space<vmem_shared>> -> memref<80x128xf32, #tpu.memory_space<vmem_shared>>
      %dma_wait3A_74 = arith.constant 0 : i32
      %dma_wait3A_75 = tpu.memref_slice %arg9[%add3A_23, %dma_wait3A_74] : memref<10240x128xf32, #tpu.memory_space<vmem_shared>> -> memref<80x128xf32, #tpu.memory_space<vmem_shared>>
      %dma_wait3A_76 = arith.constant 0 : i32
      %dma_wait3A_77 = arith.constant 0 : i32
      %dma_wait3A_78 = tpu.memref_slice %arg7[%run_scoped3A_24, %dma_wait3A_76, %dma_wait3A_77] : memref<2x80x128xf32, #tpu.memory_space<vmem>> -> memref<1x80x128xf32, #tpu.memory_space<vmem>>
      %dma_wait3A_79 = tpu.memref_squeeze %dma_wait3A_78 : memref<1x80x128xf32, #tpu.memory_space<vmem>> -> memref<80x128xf32, #tpu.memory_space<vmem>>
      tpu.wait_dma2 semaphore(%run_scoped3A_57 : memref<!tpu.dma_semaphore, #tpu.memory_space<semaphore_mem>>) src(%dma_wait3A_79 : memref<80x128xf32, #tpu.memory_space<vmem>>) dst(%dma_wait3A_75 : memref<80x128xf32, #tpu.memory_space<vmem_shared>>)
      tpu.yield
    }) : () -> ()
    %mul3A_25 = arith.constant 640 : i32
    %mul3A_26 = arith.muli %arg1, %mul3A_25 : i32
    %add3A_27 = arith.constant 320 : i32
    %add3A_28 = arith.addi %mul3A_26, %add3A_27 : i32
    %run_scoped3A_29 = arith.constant 0 : i32
    "tpu.region"() ({
      %run_scoped3A_57 = tpu.sem_alloc : memref<!tpu.dma_semaphore, #tpu.memory_space<semaphore_mem>>
      %dma_start3A = arith.constant 0 : i32
      %dma_start3A_58 = arith.constant 0 : i32
      %dma_start3A_59 = tpu.memref_slice %arg7[%run_scoped3A_29, %dma_start3A, %dma_start3A_58] : memref<2x80x128xf32, #tpu.memory_space<vmem>> -> memref<1x80x128xf32, #tpu.memory_space<vmem>>
      %dma_start3A_60 = tpu.memref_squeeze %dma_start3A_59 : memref<1x80x128xf32, #tpu.memory_space<vmem>> -> memref<80x128xf32, #tpu.memory_space<vmem>>
      %dma_start3A_61 = arith.constant 0 : i32
      %dma_start3A_62 = tpu.memref_slice %arg9[%add3A_28, %dma_start3A_61] : memref<10240x128xf32, #tpu.memory_space<vmem_shared>> -> memref<80x128xf32, #tpu.memory_space<vmem_shared>>
      %dma_start3A_63 = arith.constant 0 : i32
      %dma_start3A_64 = tpu.memref_slice %arg9[%add3A_28, %dma_start3A_63] : memref<10240x128xf32, #tpu.memory_space<vmem_shared>> -> memref<80x128xf32, #tpu.memory_space<vmem_shared>>
      %dma_start3A_65 = arith.constant 0 : i32
      %dma_start3A_66 = arith.constant 0 : i32
      %dma_start3A_67 = tpu.memref_slice %arg7[%run_scoped3A_29, %dma_start3A_65, %dma_start3A_66] : memref<2x80x128xf32, #tpu.memory_space<vmem>> -> memref<1x80x128xf32, #tpu.memory_space<vmem>>
      %dma_start3A_68 = tpu.memref_squeeze %dma_start3A_67 : memref<1x80x128xf32, #tpu.memory_space<vmem>> -> memref<80x128xf32, #tpu.memory_space<vmem>>
      tpu.enqueue_dma source(%dma_start3A_68 : memref<80x128xf32, #tpu.memory_space<vmem>>) target(%dma_start3A_64 : memref<80x128xf32, #tpu.memory_space<vmem_shared>>) target_semaphore(%run_scoped3A_57 : memref<!tpu.dma_semaphore, #tpu.memory_space<semaphore_mem>>)
      %dma_wait3A = arith.constant 0 : i32
      %dma_wait3A_69 = arith.constant 0 : i32
      %dma_wait3A_70 = tpu.memref_slice %arg7[%run_scoped3A_29, %dma_wait3A, %dma_wait3A_69] : memref<2x80x128xf32, #tpu.memory_space<vmem>> -> memref<1x80x128xf32, #tpu.memory_space<vmem>>
      %dma_wait3A_71 = tpu.memref_squeeze %dma_wait3A_70 : memref<1x80x128xf32, #tpu.memory_space<vmem>> -> memref<80x128xf32, #tpu.memory_space<vmem>>
      %dma_wait3A_72 = arith.constant 0 : i32
      %dma_wait3A_73 = tpu.memref_slice %arg9[%add3A_28, %dma_wait3A_72] : memref<10240x128xf32, #tpu.memory_space<vmem_shared>> -> memref<80x128xf32, #tpu.memory_space<vmem_shared>>
      %dma_wait3A_74 = arith.constant 0 : i32
      %dma_wait3A_75 = tpu.memref_slice %arg9[%add3A_28, %dma_wait3A_74] : memref<10240x128xf32, #tpu.memory_space<vmem_shared>> -> memref<80x128xf32, #tpu.memory_space<vmem_shared>>
      %dma_wait3A_76 = arith.constant 0 : i32
      %dma_wait3A_77 = arith.constant 0 : i32
      %dma_wait3A_78 = tpu.memref_slice %arg7[%run_scoped3A_29, %dma_wait3A_76, %dma_wait3A_77] : memref<2x80x128xf32, #tpu.memory_space<vmem>> -> memref<1x80x128xf32, #tpu.memory_space<vmem>>
      %dma_wait3A_79 = tpu.memref_squeeze %dma_wait3A_78 : memref<1x80x128xf32, #tpu.memory_space<vmem>> -> memref<80x128xf32, #tpu.memory_space<vmem>>
      tpu.wait_dma2 semaphore(%run_scoped3A_57 : memref<!tpu.dma_semaphore, #tpu.memory_space<semaphore_mem>>) src(%dma_wait3A_79 : memref<80x128xf32, #tpu.memory_space<vmem>>) dst(%dma_wait3A_75 : memref<80x128xf32, #tpu.memory_space<vmem_shared>>)
      tpu.yield
    }) : () -> ()
    %mul3A_30 = arith.constant 640 : i32
    %mul3A_31 = arith.muli %arg1, %mul3A_30 : i32
    %add3A_32 = arith.constant 400 : i32
    %add3A_33 = arith.addi %mul3A_31, %add3A_32 : i32
    %run_scoped3A_34 = arith.constant 0 : i32
    "tpu.region"() ({
      %run_scoped3A_57 = tpu.sem_alloc : memref<!tpu.dma_semaphore, #tpu.memory_space<semaphore_mem>>
      %dma_start3A = arith.constant 0 : i32
      %dma_start3A_58 = arith.constant 0 : i32
      %dma_start3A_59 = tpu.memref_slice %arg7[%run_scoped3A_34, %dma_start3A, %dma_start3A_58] : memref<2x80x128xf32, #tpu.memory_space<vmem>> -> memref<1x80x128xf32, #tpu.memory_space<vmem>>
      %dma_start3A_60 = tpu.memref_squeeze %dma_start3A_59 : memref<1x80x128xf32, #tpu.memory_space<vmem>> -> memref<80x128xf32, #tpu.memory_space<vmem>>
      %dma_start3A_61 = arith.constant 0 : i32
      %dma_start3A_62 = tpu.memref_slice %arg9[%add3A_33, %dma_start3A_61] : memref<10240x128xf32, #tpu.memory_space<vmem_shared>> -> memref<80x128xf32, #tpu.memory_space<vmem_shared>>
      %dma_start3A_63 = arith.constant 0 : i32
      %dma_start3A_64 = tpu.memref_slice %arg9[%add3A_33, %dma_start3A_63] : memref<10240x128xf32, #tpu.memory_space<vmem_shared>> -> memref<80x128xf32, #tpu.memory_space<vmem_shared>>
      %dma_start3A_65 = arith.constant 0 : i32
      %dma_start3A_66 = arith.constant 0 : i32
      %dma_start3A_67 = tpu.memref_slice %arg7[%run_scoped3A_34, %dma_start3A_65, %dma_start3A_66] : memref<2x80x128xf32, #tpu.memory_space<vmem>> -> memref<1x80x128xf32, #tpu.memory_space<vmem>>
      %dma_start3A_68 = tpu.memref_squeeze %dma_start3A_67 : memref<1x80x128xf32, #tpu.memory_space<vmem>> -> memref<80x128xf32, #tpu.memory_space<vmem>>
      tpu.enqueue_dma source(%dma_start3A_68 : memref<80x128xf32, #tpu.memory_space<vmem>>) target(%dma_start3A_64 : memref<80x128xf32, #tpu.memory_space<vmem_shared>>) target_semaphore(%run_scoped3A_57 : memref<!tpu.dma_semaphore, #tpu.memory_space<semaphore_mem>>)
      %dma_wait3A = arith.constant 0 : i32
      %dma_wait3A_69 = arith.constant 0 : i32
      %dma_wait3A_70 = tpu.memref_slice %arg7[%run_scoped3A_34, %dma_wait3A, %dma_wait3A_69] : memref<2x80x128xf32, #tpu.memory_space<vmem>> -> memref<1x80x128xf32, #tpu.memory_space<vmem>>
      %dma_wait3A_71 = tpu.memref_squeeze %dma_wait3A_70 : memref<1x80x128xf32, #tpu.memory_space<vmem>> -> memref<80x128xf32, #tpu.memory_space<vmem>>
      %dma_wait3A_72 = arith.constant 0 : i32
      %dma_wait3A_73 = tpu.memref_slice %arg9[%add3A_33, %dma_wait3A_72] : memref<10240x128xf32, #tpu.memory_space<vmem_shared>> -> memref<80x128xf32, #tpu.memory_space<vmem_shared>>
      %dma_wait3A_74 = arith.constant 0 : i32
      %dma_wait3A_75 = tpu.memref_slice %arg9[%add3A_33, %dma_wait3A_74] : memref<10240x128xf32, #tpu.memory_space<vmem_shared>> -> memref<80x128xf32, #tpu.memory_space<vmem_shared>>
      %dma_wait3A_76 = arith.constant 0 : i32
      %dma_wait3A_77 = arith.constant 0 : i32
      %dma_wait3A_78 = tpu.memref_slice %arg7[%run_scoped3A_34, %dma_wait3A_76, %dma_wait3A_77] : memref<2x80x128xf32, #tpu.memory_space<vmem>> -> memref<1x80x128xf32, #tpu.memory_space<vmem>>
      %dma_wait3A_79 = tpu.memref_squeeze %dma_wait3A_78 : memref<1x80x128xf32, #tpu.memory_space<vmem>> -> memref<80x128xf32, #tpu.memory_space<vmem>>
      tpu.wait_dma2 semaphore(%run_scoped3A_57 : memref<!tpu.dma_semaphore, #tpu.memory_space<semaphore_mem>>) src(%dma_wait3A_79 : memref<80x128xf32, #tpu.memory_space<vmem>>) dst(%dma_wait3A_75 : memref<80x128xf32, #tpu.memory_space<vmem_shared>>)
      tpu.yield
    }) : () -> ()
    %mul3A_35 = arith.constant 640 : i32
    %mul3A_36 = arith.muli %arg1, %mul3A_35 : i32
    %add3A_37 = arith.constant 480 : i32
    %add3A_38 = arith.addi %mul3A_36, %add3A_37 : i32
    %run_scoped3A_39 = arith.constant 0 : i32
    "tpu.region"() ({
      %run_scoped3A_57 = tpu.sem_alloc : memref<!tpu.dma_semaphore, #tpu.memory_space<semaphore_mem>>
      %dma_start3A = arith.constant 0 : i32
      %dma_start3A_58 = arith.constant 0 : i32
      %dma_start3A_59 = tpu.memref_slice %arg7[%run_scoped3A_39, %dma_start3A, %dma_start3A_58] : memref<2x80x128xf32, #tpu.memory_space<vmem>> -> memref<1x80x128xf32, #tpu.memory_space<vmem>>
      %dma_start3A_60 = tpu.memref_squeeze %dma_start3A_59 : memref<1x80x128xf32, #tpu.memory_space<vmem>> -> memref<80x128xf32, #tpu.memory_space<vmem>>
      %dma_start3A_61 = arith.constant 0 : i32
      %dma_start3A_62 = tpu.memref_slice %arg9[%add3A_38, %dma_start3A_61] : memref<10240x128xf32, #tpu.memory_space<vmem_shared>> -> memref<80x128xf32, #tpu.memory_space<vmem_shared>>
      %dma_start3A_63 = arith.constant 0 : i32
      %dma_start3A_64 = tpu.memref_slice %arg9[%add3A_38, %dma_start3A_63] : memref<10240x128xf32, #tpu.memory_space<vmem_shared>> -> memref<80x128xf32, #tpu.memory_space<vmem_shared>>
      %dma_start3A_65 = arith.constant 0 : i32
      %dma_start3A_66 = arith.constant 0 : i32
      %dma_start3A_67 = tpu.memref_slice %arg7[%run_scoped3A_39, %dma_start3A_65, %dma_start3A_66] : memref<2x80x128xf32, #tpu.memory_space<vmem>> -> memref<1x80x128xf32, #tpu.memory_space<vmem>>
      %dma_start3A_68 = tpu.memref_squeeze %dma_start3A_67 : memref<1x80x128xf32, #tpu.memory_space<vmem>> -> memref<80x128xf32, #tpu.memory_space<vmem>>
      tpu.enqueue_dma source(%dma_start3A_68 : memref<80x128xf32, #tpu.memory_space<vmem>>) target(%dma_start3A_64 : memref<80x128xf32, #tpu.memory_space<vmem_shared>>) target_semaphore(%run_scoped3A_57 : memref<!tpu.dma_semaphore, #tpu.memory_space<semaphore_mem>>)
      %dma_wait3A = arith.constant 0 : i32
      %dma_wait3A_69 = arith.constant 0 : i32
      %dma_wait3A_70 = tpu.memref_slice %arg7[%run_scoped3A_39, %dma_wait3A, %dma_wait3A_69] : memref<2x80x128xf32, #tpu.memory_space<vmem>> -> memref<1x80x128xf32, #tpu.memory_space<vmem>>
      %dma_wait3A_71 = tpu.memref_squeeze %dma_wait3A_70 : memref<1x80x128xf32, #tpu.memory_space<vmem>> -> memref<80x128xf32, #tpu.memory_space<vmem>>
      %dma_wait3A_72 = arith.constant 0 : i32
      %dma_wait3A_73 = tpu.memref_slice %arg9[%add3A_38, %dma_wait3A_72] : memref<10240x128xf32, #tpu.memory_space<vmem_shared>> -> memref<80x128xf32, #tpu.memory_space<vmem_shared>>
      %dma_wait3A_74 = arith.constant 0 : i32
      %dma_wait3A_75 = tpu.memref_slice %arg9[%add3A_38, %dma_wait3A_74] : memref<10240x128xf32, #tpu.memory_space<vmem_shared>> -> memref<80x128xf32, #tpu.memory_space<vmem_shared>>
      %dma_wait3A_76 = arith.constant 0 : i32
      %dma_wait3A_77 = arith.constant 0 : i32
      %dma_wait3A_78 = tpu.memref_slice %arg7[%run_scoped3A_39, %dma_wait3A_76, %dma_wait3A_77] : memref<2x80x128xf32, #tpu.memory_space<vmem>> -> memref<1x80x128xf32, #tpu.memory_space<vmem>>
      %dma_wait3A_79 = tpu.memref_squeeze %dma_wait3A_78 : memref<1x80x128xf32, #tpu.memory_space<vmem>> -> memref<80x128xf32, #tpu.memory_space<vmem>>
      tpu.wait_dma2 semaphore(%run_scoped3A_57 : memref<!tpu.dma_semaphore, #tpu.memory_space<semaphore_mem>>) src(%dma_wait3A_79 : memref<80x128xf32, #tpu.memory_space<vmem>>) dst(%dma_wait3A_75 : memref<80x128xf32, #tpu.memory_space<vmem_shared>>)
      tpu.yield
    }) : () -> ()
    %mul3A_40 = arith.constant 640 : i32
    %mul3A_41 = arith.muli %arg1, %mul3A_40 : i32
    %add3A_42 = arith.constant 560 : i32
    %add3A_43 = arith.addi %mul3A_41, %add3A_42 : i32
    %run_scoped3A_44 = arith.constant 0 : i32
    "tpu.region"() ({
      %run_scoped3A_57 = tpu.sem_alloc : memref<!tpu.dma_semaphore, #tpu.memory_space<semaphore_mem>>
      %dma_start3A = arith.constant 0 : i32
      %dma_start3A_58 = arith.constant 0 : i32
      %dma_start3A_59 = tpu.memref_slice %arg7[%run_scoped3A_44, %dma_start3A, %dma_start3A_58] : memref<2x80x128xf32, #tpu.memory_space<vmem>> -> memref<1x80x128xf32, #tpu.memory_space<vmem>>
      %dma_start3A_60 = tpu.memref_squeeze %dma_start3A_59 : memref<1x80x128xf32, #tpu.memory_space<vmem>> -> memref<80x128xf32, #tpu.memory_space<vmem>>
      %dma_start3A_61 = arith.constant 0 : i32
      %dma_start3A_62 = tpu.memref_slice %arg9[%add3A_43, %dma_start3A_61] : memref<10240x128xf32, #tpu.memory_space<vmem_shared>> -> memref<80x128xf32, #tpu.memory_space<vmem_shared>>
      %dma_start3A_63 = arith.constant 0 : i32
      %dma_start3A_64 = tpu.memref_slice %arg9[%add3A_43, %dma_start3A_63] : memref<10240x128xf32, #tpu.memory_space<vmem_shared>> -> memref<80x128xf32, #tpu.memory_space<vmem_shared>>
      %dma_start3A_65 = arith.constant 0 : i32
      %dma_start3A_66 = arith.constant 0 : i32
      %dma_start3A_67 = tpu.memref_slice %arg7[%run_scoped3A_44, %dma_start3A_65, %dma_start3A_66] : memref<2x80x128xf32, #tpu.memory_space<vmem>> -> memref<1x80x128xf32, #tpu.memory_space<vmem>>
      %dma_start3A_68 = tpu.memref_squeeze %dma_start3A_67 : memref<1x80x128xf32, #tpu.memory_space<vmem>> -> memref<80x128xf32, #tpu.memory_space<vmem>>
      tpu.enqueue_dma source(%dma_start3A_68 : memref<80x128xf32, #tpu.memory_space<vmem>>) target(%dma_start3A_64 : memref<80x128xf32, #tpu.memory_space<vmem_shared>>) target_semaphore(%run_scoped3A_57 : memref<!tpu.dma_semaphore, #tpu.memory_space<semaphore_mem>>)
      %dma_wait3A = arith.constant 0 : i32
      %dma_wait3A_69 = arith.constant 0 : i32
      %dma_wait3A_70 = tpu.memref_slice %arg7[%run_scoped3A_44, %dma_wait3A, %dma_wait3A_69] : memref<2x80x128xf32, #tpu.memory_space<vmem>> -> memref<1x80x128xf32, #tpu.memory_space<vmem>>
      %dma_wait3A_71 = tpu.memref_squeeze %dma_wait3A_70 : memref<1x80x128xf32, #tpu.memory_space<vmem>> -> memref<80x128xf32, #tpu.memory_space<vmem>>
      %dma_wait3A_72 = arith.constant 0 : i32
      %dma_wait3A_73 = tpu.memref_slice %arg9[%add3A_43, %dma_wait3A_72] : memref<10240x128xf32, #tpu.memory_space<vmem_shared>> -> memref<80x128xf32, #tpu.memory_space<vmem_shared>>
      %dma_wait3A_74 = arith.constant 0 : i32
      %dma_wait3A_75 = tpu.memref_slice %arg9[%add3A_43, %dma_wait3A_74] : memref<10240x128xf32, #tpu.memory_space<vmem_shared>> -> memref<80x128xf32, #tpu.memory_space<vmem_shared>>
      %dma_wait3A_76 = arith.constant 0 : i32
      %dma_wait3A_77 = arith.constant 0 : i32
      %dma_wait3A_78 = tpu.memref_slice %arg7[%run_scoped3A_44, %dma_wait3A_76, %dma_wait3A_77] : memref<2x80x128xf32, #tpu.memory_space<vmem>> -> memref<1x80x128xf32, #tpu.memory_space<vmem>>
      %dma_wait3A_79 = tpu.memref_squeeze %dma_wait3A_78 : memref<1x80x128xf32, #tpu.memory_space<vmem>> -> memref<80x128xf32, #tpu.memory_space<vmem>>
      tpu.wait_dma2 semaphore(%run_scoped3A_57 : memref<!tpu.dma_semaphore, #tpu.memory_space<semaphore_mem>>) src(%dma_wait3A_79 : memref<80x128xf32, #tpu.memory_space<vmem>>) dst(%dma_wait3A_75 : memref<80x128xf32, #tpu.memory_space<vmem_shared>>)
      tpu.yield
    }) : () -> ()
    %barrier3A = arith.constant 0 : index
    tpu.barrier barrier_id(%barrier3A)
    %scan3A_45 = arith.constant 0 : i32
    %scan3A_46 = arith.constant 0 : i32
    %scan3A_47 = arith.constant 125 : i32
    %scan3A_48 = arith.addi %scan3A_46, %scan3A_47 : i32
    %scan3A_49 = arith.constant 1 : i32
    scf.for %scan3A_57 = %scan3A_46 to %scan3A_48 step %scan3A_49  : i32 {
      %jit3A = arith.constant 25 : i32
      %div3A = arith.divsi %scan3A_57, %jit3A : i32
      %sign3A = arith.constant 0 : i32
      %sign3A_58 = arith.cmpi sgt, %scan3A_57, %sign3A : i32
      %sign3A_59 = arith.extui %sign3A_58 : i1 to i32
      %sign3A_60 = arith.constant 0 : i32
      %sign3A_61 = arith.cmpi slt, %scan3A_57, %sign3A_60 : i32
      %sign3A_62 = arith.extui %sign3A_61 : i1 to i32
      %sign3A_63 = arith.subi %sign3A_59, %sign3A_62 : i32
      %sign3A_64 = arith.constant 0 : i32
      %sign3A_65 = arith.cmpi sgt, %jit3A, %sign3A_64 : i32
      %sign3A_66 = arith.extui %sign3A_65 : i1 to i32
      %sign3A_67 = arith.constant 0 : i32
      %sign3A_68 = arith.cmpi slt, %jit3A, %sign3A_67 : i32
      %sign3A_69 = arith.extui %sign3A_68 : i1 to i32
      %sign3A_70 = arith.subi %sign3A_66, %sign3A_69 : i32
      %ne3A = arith.cmpi ne, %sign3A_63, %sign3A_70 : i32
      %rem3A = arith.remsi %scan3A_57, %jit3A : i32
      %ne3A_71 = arith.constant 0 : i32
      %ne3A_72 = arith.cmpi ne, %rem3A, %ne3A_71 : i32
      %and3A = arith.andi %ne3A, %ne3A_72 : i1
      %sub3A = arith.constant 1 : i32
      %sub3A_73 = arith.subi %div3A, %sub3A : i32
      %select_n3A = arith.select %and3A, %sub3A_73, %div3A : i32
      %jit3A_74 = arith.constant 25 : i32
      %eq3A = arith.constant 0 : i32
      %eq3A_75 = arith.cmpi eq, %jit3A_74, %eq3A : i32
      %jit3A_76 = arith.constant 1 : i32
      %select_n3A_77 = arith.select %eq3A_75, %jit3A_76, %jit3A_74 : i32
      %rem3A_78 = arith.remsi %scan3A_57, %select_n3A_77 : i32
      %ne3A_79 = arith.constant 0 : i32
      %ne3A_80 = arith.cmpi ne, %rem3A_78, %ne3A_79 : i32
      %lt3A = arith.constant 0 : i32
      %lt3A_81 = arith.cmpi slt, %rem3A_78, %lt3A : i32
      %lt3A_82 = arith.constant 0 : i32
      %lt3A_83 = arith.cmpi slt, %select_n3A_77, %lt3A_82 : i32
      %ne3A_84 = arith.xori %lt3A_81, %lt3A_83 : i1
      %and3A_85 = arith.andi %ne3A_84, %ne3A_80 : i1
      %add3A_86 = arith.addi %rem3A_78, %select_n3A_77 : i32
      %select_n3A_87 = arith.select %and3A_85, %add3A_86, %rem3A_78 : i32
      %jit3A_88 = arith.constant 2 : i32
      %eq3A_89 = arith.constant 0 : i32
      %eq3A_90 = arith.cmpi eq, %jit3A_88, %eq3A_89 : i32
      %jit3A_91 = arith.constant 1 : i32
      %select_n3A_92 = arith.select %eq3A_90, %jit3A_91, %jit3A_88 : i32
      %rem3A_93 = arith.remsi %scan3A_57, %select_n3A_92 : i32
      %ne3A_94 = arith.constant 0 : i32
      %ne3A_95 = arith.cmpi ne, %rem3A_93, %ne3A_94 : i32
      %lt3A_96 = arith.constant 0 : i32
      %lt3A_97 = arith.cmpi slt, %rem3A_93, %lt3A_96 : i32
      %lt3A_98 = arith.constant 0 : i32
      %lt3A_99 = arith.cmpi slt, %select_n3A_92, %lt3A_98 : i32
      %ne3A_100 = arith.xori %lt3A_97, %lt3A_99 : i1
      %and3A_101 = arith.andi %ne3A_100, %ne3A_95 : i1
      %add3A_102 = arith.addi %rem3A_93, %select_n3A_92 : i32
      %select_n3A_103 = arith.select %and3A_101, %add3A_102, %rem3A_93 : i32
      %mul3A_104 = arith.constant 10000 : i32
      %mul3A_105 = arith.muli %add3A, %mul3A_104 : i32
      %mul3A_106 = arith.constant 80 : i32
      %mul3A_107 = arith.muli %scan3A_57, %mul3A_106 : i32
      %add3A_108 = arith.addi %mul3A_105, %mul3A_107 : i32
      %eq3A_109 = arith.constant 0 : i32
      %eq3A_110 = arith.cmpi eq, %select_n3A_87, %eq3A_109 : i32
      %convert_element_type3A = arith.extui %eq3A_110 : i1 to i32
      %cond3A = arith.constant 0 : i32
      %cond3A_111 = arith.cmpi ne, %convert_element_type3A, %cond3A : i32
      scf.if %cond3A_111 {
        "tpu.region"() ({
          %run_scoped3A_185 = tpu.sem_alloc : memref<!tpu.dma_semaphore, #tpu.memory_space<semaphore_mem>>
          %dma_start3A = arith.constant 0 : i32
          %dma_start3A_186 = arith.constant 0 : i32
          %dma_start3A_187 = arith.constant 0 : i32
          %dma_start3A_188 = tpu.memref_slice %arg4[%add3A, %select_n3A, %dma_start3A, %dma_start3A_186, %dma_start3A_187] : memref<32x5x25x2x80xi32, #tpu.memory_space<hbm>> -> memref<1x1x25x2x80xi32, #tpu.memory_space<hbm>>
          %dma_start3A_189 = tpu.memref_squeeze %dma_start3A_188 : memref<1x1x25x2x80xi32, #tpu.memory_space<hbm>> -> memref<25x2x80xi32, #tpu.memory_space<hbm>>
          %dma_start3A_190 = arith.constant 0 : i32
          %dma_start3A_191 = arith.constant 0 : i32
          %dma_start3A_192 = arith.constant 0 : i32
          %dma_start3A_193 = tpu.memref_slice %arg4[%add3A, %select_n3A, %dma_start3A_190, %dma_start3A_191, %dma_start3A_192] : memref<32x5x25x2x80xi32, #tpu.memory_space<hbm>> -> memref<1x1x25x2x80xi32, #tpu.memory_space<hbm>>
          %dma_start3A_194 = tpu.memref_squeeze %dma_start3A_193 : memref<1x1x25x2x80xi32, #tpu.memory_space<hbm>> -> memref<25x2x80xi32, #tpu.memory_space<hbm>>
          tpu.enqueue_dma source(%dma_start3A_194 : memref<25x2x80xi32, #tpu.memory_space<hbm>>) target(%arg6 : memref<25x2x80xi32, #tpu.memory_space<vmem>>) target_semaphore(%run_scoped3A_185 : memref<!tpu.dma_semaphore, #tpu.memory_space<semaphore_mem>>)
          %dma_wait3A = arith.constant 0 : i32
          %dma_wait3A_195 = arith.constant 0 : i32
          %dma_wait3A_196 = arith.constant 0 : i32
          %dma_wait3A_197 = tpu.memref_slice %arg4[%add3A, %select_n3A, %dma_wait3A, %dma_wait3A_195, %dma_wait3A_196] : memref<32x5x25x2x80xi32, #tpu.memory_space<hbm>> -> memref<1x1x25x2x80xi32, #tpu.memory_space<hbm>>
          %dma_wait3A_198 = tpu.memref_squeeze %dma_wait3A_197 : memref<1x1x25x2x80xi32, #tpu.memory_space<hbm>> -> memref<25x2x80xi32, #tpu.memory_space<hbm>>
          %dma_wait3A_199 = arith.constant 0 : i32
          %dma_wait3A_200 = arith.constant 0 : i32
          %dma_wait3A_201 = arith.constant 0 : i32
          %dma_wait3A_202 = tpu.memref_slice %arg4[%add3A, %select_n3A, %dma_wait3A_199, %dma_wait3A_200, %dma_wait3A_201] : memref<32x5x25x2x80xi32, #tpu.memory_space<hbm>> -> memref<1x1x25x2x80xi32, #tpu.memory_space<hbm>>
          %dma_wait3A_203 = tpu.memref_squeeze %dma_wait3A_202 : memref<1x1x25x2x80xi32, #tpu.memory_space<hbm>> -> memref<25x2x80xi32, #tpu.memory_space<hbm>>
          tpu.wait_dma2 semaphore(%run_scoped3A_185 : memref<!tpu.dma_semaphore, #tpu.memory_space<semaphore_mem>>) src(%dma_wait3A_203 : memref<25x2x80xi32, #tpu.memory_space<hbm>>) dst(%arg6 : memref<25x2x80xi32, #tpu.memory_space<vmem>>)
          tpu.yield
        }) : () -> ()
      } else {
      }
      %eq3A_112 = arith.constant 0 : i32
      %eq3A_113 = arith.cmpi eq, %select_n3A_87, %eq3A_112 : i32
      %eq3A_114 = arith.constant 0 : i32
      %eq3A_115 = arith.cmpi eq, %select_n3A_103, %eq3A_114 : i32
      %and3A_116 = arith.andi %eq3A_113, %eq3A_115 : i1
      %convert_element_type3A_117 = arith.extui %and3A_116 : i1 to i32
      %cond3A_118 = arith.constant 0 : i32
      %cond3A_119 = arith.cmpi ne, %convert_element_type3A_117, %cond3A_118 : i32
      scf.if %cond3A_119 {
        %dma_start3A = arith.constant 0 : i32
        %dma_start3A_185 = arith.constant 0 : i32
        %dma_start3A_186 = arith.constant 0 : i32
        %dma_start3A_187 = arith.constant 0 : i32
        %dma_start3A_188 = arith.constant 0 : i32
        %dma_start3A_189 = tpu.memref_slice %arg7[%dma_start3A_186, %dma_start3A_187, %dma_start3A_188] : memref<2x80x128xf32, #tpu.memory_space<vmem>> -> memref<1x80x128xf32, #tpu.memory_space<vmem>>
        %dma_start3A_190 = tpu.memref_squeeze %dma_start3A_189 : memref<1x80x128xf32, #tpu.memory_space<vmem>> -> memref<80x128xf32, #tpu.memory_space<vmem>>
        %dma_start3A_191 = arith.constant 0 : i32
        %dma_start3A_192 = tpu.memref_slice %arg6[%dma_start3A, %dma_start3A_185, %dma_start3A_191] : memref<25x2x80xi32, #tpu.memory_space<vmem>> -> memref<1x1x80xi32, #tpu.memory_space<vmem>>
        %dma_start3A_193 = tpu.memref_squeeze %dma_start3A_192 : memref<1x1x80xi32, #tpu.memory_space<vmem>> -> memref<80xi32, #tpu.memory_space<vmem>>
        %dma_start3A_194 = arith.constant 0 : i32
        %dma_start3A_195 = arith.constant 0 : i32
        %dma_start3A_196 = tpu.memref_slice %arg2[%dma_start3A_194, %dma_start3A_195] : memref<10000x128xf32, #tpu.memory_space<hbm>> -> memref<10000x128xf32, #tpu.memory_space<hbm>>
        tpu.enqueue_indirect_dma source(%dma_start3A_196 : memref<10000x128xf32, #tpu.memory_space<hbm>>) target(%dma_start3A_190 : memref<80x128xf32, #tpu.memory_space<vmem>>) offsets(%dma_start3A_193 : memref<80xi32, #tpu.memory_space<vmem>>) semaphore(%arg10 : memref<!tpu.dma_semaphore, #tpu.memory_space<semaphore_mem>>)
        %dma_start3A_197 = arith.constant 1 : i32
        %dma_start3A_198 = arith.constant 0 : i32
        %dma_start3A_199 = arith.constant 1 : i32
        %dma_start3A_200 = arith.constant 0 : i32
        %dma_start3A_201 = arith.constant 0 : i32
        %dma_start3A_202 = tpu.memref_slice %arg7[%dma_start3A_199, %dma_start3A_200, %dma_start3A_201] : memref<2x80x128xf32, #tpu.memory_space<vmem>> -> memref<1x80x128xf32, #tpu.memory_space<vmem>>
        %dma_start3A_203 = tpu.memref_squeeze %dma_start3A_202 : memref<1x80x128xf32, #tpu.memory_space<vmem>> -> memref<80x128xf32, #tpu.memory_space<vmem>>
        %dma_start3A_204 = arith.constant 0 : i32
        %dma_start3A_205 = tpu.memref_slice %arg6[%dma_start3A_197, %dma_start3A_198, %dma_start3A_204] : memref<25x2x80xi32, #tpu.memory_space<vmem>> -> memref<1x1x80xi32, #tpu.memory_space<vmem>>
        %dma_start3A_206 = tpu.memref_squeeze %dma_start3A_205 : memref<1x1x80xi32, #tpu.memory_space<vmem>> -> memref<80xi32, #tpu.memory_space<vmem>>
        %dma_start3A_207 = arith.constant 0 : i32
        %dma_start3A_208 = arith.constant 0 : i32
        %dma_start3A_209 = tpu.memref_slice %arg2[%dma_start3A_207, %dma_start3A_208] : memref<10000x128xf32, #tpu.memory_space<hbm>> -> memref<10000x128xf32, #tpu.memory_space<hbm>>
        tpu.enqueue_indirect_dma source(%dma_start3A_209 : memref<10000x128xf32, #tpu.memory_space<hbm>>) target(%dma_start3A_203 : memref<80x128xf32, #tpu.memory_space<vmem>>) offsets(%dma_start3A_206 : memref<80xi32, #tpu.memory_space<vmem>>) semaphore(%arg11 : memref<!tpu.dma_semaphore, #tpu.memory_space<semaphore_mem>>)
      } else {
      }
      %eq3A_120 = arith.constant 0 : i32
      %eq3A_121 = arith.cmpi eq, %select_n3A_87, %eq3A_120 : i32
      %eq3A_122 = arith.constant 1 : i32
      %eq3A_123 = arith.cmpi eq, %select_n3A_103, %eq3A_122 : i32
      %and3A_124 = arith.andi %eq3A_121, %eq3A_123 : i1
      %convert_element_type3A_125 = arith.extui %and3A_124 : i1 to i32
      %cond3A_126 = arith.constant 0 : i32
      %cond3A_127 = arith.cmpi ne, %convert_element_type3A_125, %cond3A_126 : i32
      scf.if %cond3A_127 {
        %dma_start3A = arith.constant 0 : i32
        %dma_start3A_185 = arith.constant 0 : i32
        %dma_start3A_186 = arith.constant 1 : i32
        %dma_start3A_187 = arith.constant 0 : i32
        %dma_start3A_188 = arith.constant 0 : i32
        %dma_start3A_189 = tpu.memref_slice %arg7[%dma_start3A_186, %dma_start3A_187, %dma_start3A_188] : memref<2x80x128xf32, #tpu.memory_space<vmem>> -> memref<1x80x128xf32, #tpu.memory_space<vmem>>
        %dma_start3A_190 = tpu.memref_squeeze %dma_start3A_189 : memref<1x80x128xf32, #tpu.memory_space<vmem>> -> memref<80x128xf32, #tpu.memory_space<vmem>>
        %dma_start3A_191 = arith.constant 0 : i32
        %dma_start3A_192 = tpu.memref_slice %arg6[%dma_start3A, %dma_start3A_185, %dma_start3A_191] : memref<25x2x80xi32, #tpu.memory_space<vmem>> -> memref<1x1x80xi32, #tpu.memory_space<vmem>>
        %dma_start3A_193 = tpu.memref_squeeze %dma_start3A_192 : memref<1x1x80xi32, #tpu.memory_space<vmem>> -> memref<80xi32, #tpu.memory_space<vmem>>
        %dma_start3A_194 = arith.constant 0 : i32
        %dma_start3A_195 = arith.constant 0 : i32
        %dma_start3A_196 = tpu.memref_slice %arg2[%dma_start3A_194, %dma_start3A_195] : memref<10000x128xf32, #tpu.memory_space<hbm>> -> memref<10000x128xf32, #tpu.memory_space<hbm>>
        tpu.enqueue_indirect_dma source(%dma_start3A_196 : memref<10000x128xf32, #tpu.memory_space<hbm>>) target(%dma_start3A_190 : memref<80x128xf32, #tpu.memory_space<vmem>>) offsets(%dma_start3A_193 : memref<80xi32, #tpu.memory_space<vmem>>) semaphore(%arg11 : memref<!tpu.dma_semaphore, #tpu.memory_space<semaphore_mem>>)
        %dma_start3A_197 = arith.constant 1 : i32
        %dma_start3A_198 = arith.constant 0 : i32
        %dma_start3A_199 = arith.constant 0 : i32
        %dma_start3A_200 = arith.constant 0 : i32
        %dma_start3A_201 = arith.constant 0 : i32
        %dma_start3A_202 = tpu.memref_slice %arg7[%dma_start3A_199, %dma_start3A_200, %dma_start3A_201] : memref<2x80x128xf32, #tpu.memory_space<vmem>> -> memref<1x80x128xf32, #tpu.memory_space<vmem>>
        %dma_start3A_203 = tpu.memref_squeeze %dma_start3A_202 : memref<1x80x128xf32, #tpu.memory_space<vmem>> -> memref<80x128xf32, #tpu.memory_space<vmem>>
        %dma_start3A_204 = arith.constant 0 : i32
        %dma_start3A_205 = tpu.memref_slice %arg6[%dma_start3A_197, %dma_start3A_198, %dma_start3A_204] : memref<25x2x80xi32, #tpu.memory_space<vmem>> -> memref<1x1x80xi32, #tpu.memory_space<vmem>>
        %dma_start3A_206 = tpu.memref_squeeze %dma_start3A_205 : memref<1x1x80xi32, #tpu.memory_space<vmem>> -> memref<80xi32, #tpu.memory_space<vmem>>
        %dma_start3A_207 = arith.constant 0 : i32
        %dma_start3A_208 = arith.constant 0 : i32
        %dma_start3A_209 = tpu.memref_slice %arg2[%dma_start3A_207, %dma_start3A_208] : memref<10000x128xf32, #tpu.memory_space<hbm>> -> memref<10000x128xf32, #tpu.memory_space<hbm>>
        tpu.enqueue_indirect_dma source(%dma_start3A_209 : memref<10000x128xf32, #tpu.memory_space<hbm>>) target(%dma_start3A_203 : memref<80x128xf32, #tpu.memory_space<vmem>>) offsets(%dma_start3A_206 : memref<80xi32, #tpu.memory_space<vmem>>) semaphore(%arg10 : memref<!tpu.dma_semaphore, #tpu.memory_space<semaphore_mem>>)
      } else {
      }
      %eq3A_128 = arith.constant 0 : i32
      %eq3A_129 = arith.cmpi eq, %scan3A_57, %eq3A_128 : i32
      %convert_element_type3A_130 = arith.extui %eq3A_129 : i1 to i32
      %cond3A_131 = arith.constant 0 : i32
      %cond3A_132 = arith.cmpi ne, %convert_element_type3A_130, %cond3A_131 : i32
      scf.if %cond3A_132 {
        %dma_start3A = arith.constant 0 : i32
        %dma_start3A_185 = arith.constant 0 : i32
        %dma_start3A_186 = arith.constant 0 : i32
        %dma_start3A_187 = tpu.memref_slice %arg8[%dma_start3A, %dma_start3A_185, %dma_start3A_186] : memref<2x80x64xi32, #tpu.memory_space<vmem>> -> memref<1x80x64xi32, #tpu.memory_space<vmem>>
        %dma_start3A_188 = tpu.memref_squeeze %dma_start3A_187 : memref<1x80x64xi32, #tpu.memory_space<vmem>> -> memref<80x64xi32, #tpu.memory_space<vmem>>
        %dma_start3A_189 = arith.constant 0 : i32
        %dma_start3A_190 = tpu.memref_slice %arg3[%add3A_108, %dma_start3A_189] : memref<320000x64xi32, #tpu.memory_space<hbm>> -> memref<80x64xi32, #tpu.memory_space<hbm>>
        %dma_start3A_191 = arith.constant 0 : i32
        %dma_start3A_192 = arith.constant 0 : i32
        %dma_start3A_193 = tpu.memref_slice %arg8[%dma_start3A, %dma_start3A_191, %dma_start3A_192] : memref<2x80x64xi32, #tpu.memory_space<vmem>> -> memref<1x80x64xi32, #tpu.memory_space<vmem>>
        %dma_start3A_194 = tpu.memref_squeeze %dma_start3A_193 : memref<1x80x64xi32, #tpu.memory_space<vmem>> -> memref<80x64xi32, #tpu.memory_space<vmem>>
        %dma_start3A_195 = arith.constant 0 : i32
        %dma_start3A_196 = tpu.memref_slice %arg3[%add3A_108, %dma_start3A_195] : memref<320000x64xi32, #tpu.memory_space<hbm>> -> memref<80x64xi32, #tpu.memory_space<hbm>>
        tpu.enqueue_dma source(%dma_start3A_196 : memref<80x64xi32, #tpu.memory_space<hbm>>) target(%dma_start3A_194 : memref<80x64xi32, #tpu.memory_space<vmem>>) target_semaphore(%arg12 : memref<!tpu.dma_semaphore, #tpu.memory_space<semaphore_mem>>)
      } else {
      }
      %add3A_133 = arith.constant 1 : i32
      %add3A_134 = arith.addi %scan3A_57, %add3A_133 : i32
      %lt3A_135 = arith.constant 125 : i32
      %lt3A_136 = arith.cmpi slt, %add3A_134, %lt3A_135 : i32
      %eq3A_137 = arith.constant 0 : i32
      %eq3A_138 = arith.cmpi eq, %select_n3A_103, %eq3A_137 : i32
      %and3A_139 = arith.andi %lt3A_136, %eq3A_138 : i1
      %convert_element_type3A_140 = arith.extui %and3A_139 : i1 to i32
      %cond3A_141 = arith.constant 0 : i32
      %cond3A_142 = arith.cmpi ne, %convert_element_type3A_140, %cond3A_141 : i32
      scf.if %cond3A_142 {
        %add3A_185 = arith.constant 80 : i32
        %add3A_186 = arith.addi %add3A_108, %add3A_185 : i32
        %dma_start3A = arith.constant 1 : i32
        %dma_start3A_187 = arith.constant 0 : i32
        %dma_start3A_188 = arith.constant 0 : i32
        %dma_start3A_189 = tpu.memref_slice %arg8[%dma_start3A, %dma_start3A_187, %dma_start3A_188] : memref<2x80x64xi32, #tpu.memory_space<vmem>> -> memref<1x80x64xi32, #tpu.memory_space<vmem>>
        %dma_start3A_190 = tpu.memref_squeeze %dma_start3A_189 : memref<1x80x64xi32, #tpu.memory_space<vmem>> -> memref<80x64xi32, #tpu.memory_space<vmem>>
        %dma_start3A_191 = arith.constant 0 : i32
        %dma_start3A_192 = tpu.memref_slice %arg3[%add3A_186, %dma_start3A_191] : memref<320000x64xi32, #tpu.memory_space<hbm>> -> memref<80x64xi32, #tpu.memory_space<hbm>>
        %dma_start3A_193 = arith.constant 0 : i32
        %dma_start3A_194 = arith.constant 0 : i32
        %dma_start3A_195 = tpu.memref_slice %arg8[%dma_start3A, %dma_start3A_193, %dma_start3A_194] : memref<2x80x64xi32, #tpu.memory_space<vmem>> -> memref<1x80x64xi32, #tpu.memory_space<vmem>>
        %dma_start3A_196 = tpu.memref_squeeze %dma_start3A_195 : memref<1x80x64xi32, #tpu.memory_space<vmem>> -> memref<80x64xi32, #tpu.memory_space<vmem>>
        %dma_start3A_197 = arith.constant 0 : i32
        %dma_start3A_198 = tpu.memref_slice %arg3[%add3A_186, %dma_start3A_197] : memref<320000x64xi32, #tpu.memory_space<hbm>> -> memref<80x64xi32, #tpu.memory_space<hbm>>
        tpu.enqueue_dma source(%dma_start3A_198 : memref<80x64xi32, #tpu.memory_space<hbm>>) target(%dma_start3A_196 : memref<80x64xi32, #tpu.memory_space<vmem>>) target_semaphore(%arg13 : memref<!tpu.dma_semaphore, #tpu.memory_space<semaphore_mem>>)
      } else {
      }
      %add3A_143 = arith.constant 1 : i32
      %add3A_144 = arith.addi %scan3A_57, %add3A_143 : i32
      %lt3A_145 = arith.constant 125 : i32
      %lt3A_146 = arith.cmpi slt, %add3A_144, %lt3A_145 : i32
      %eq3A_147 = arith.constant 1 : i32
      %eq3A_148 = arith.cmpi eq, %select_n3A_103, %eq3A_147 : i32
      %and3A_149 = arith.andi %lt3A_146, %eq3A_148 : i1
      %convert_element_type3A_150 = arith.extui %and3A_149 : i1 to i32
      %cond3A_151 = arith.constant 0 : i32
      %cond3A_152 = arith.cmpi ne, %convert_element_type3A_150, %cond3A_151 : i32
      scf.if %cond3A_152 {
        %add3A_185 = arith.constant 80 : i32
        %add3A_186 = arith.addi %add3A_108, %add3A_185 : i32
        %dma_start3A = arith.constant 0 : i32
        %dma_start3A_187 = arith.constant 0 : i32
        %dma_start3A_188 = arith.constant 0 : i32
        %dma_start3A_189 = tpu.memref_slice %arg8[%dma_start3A, %dma_start3A_187, %dma_start3A_188] : memref<2x80x64xi32, #tpu.memory_space<vmem>> -> memref<1x80x64xi32, #tpu.memory_space<vmem>>
        %dma_start3A_190 = tpu.memref_squeeze %dma_start3A_189 : memref<1x80x64xi32, #tpu.memory_space<vmem>> -> memref<80x64xi32, #tpu.memory_space<vmem>>
        %dma_start3A_191 = arith.constant 0 : i32
        %dma_start3A_192 = tpu.memref_slice %arg3[%add3A_186, %dma_start3A_191] : memref<320000x64xi32, #tpu.memory_space<hbm>> -> memref<80x64xi32, #tpu.memory_space<hbm>>
        %dma_start3A_193 = arith.constant 0 : i32
        %dma_start3A_194 = arith.constant 0 : i32
        %dma_start3A_195 = tpu.memref_slice %arg8[%dma_start3A, %dma_start3A_193, %dma_start3A_194] : memref<2x80x64xi32, #tpu.memory_space<vmem>> -> memref<1x80x64xi32, #tpu.memory_space<vmem>>
        %dma_start3A_196 = tpu.memref_squeeze %dma_start3A_195 : memref<1x80x64xi32, #tpu.memory_space<vmem>> -> memref<80x64xi32, #tpu.memory_space<vmem>>
        %dma_start3A_197 = arith.constant 0 : i32
        %dma_start3A_198 = tpu.memref_slice %arg3[%add3A_186, %dma_start3A_197] : memref<320000x64xi32, #tpu.memory_space<hbm>> -> memref<80x64xi32, #tpu.memory_space<hbm>>
        tpu.enqueue_dma source(%dma_start3A_198 : memref<80x64xi32, #tpu.memory_space<hbm>>) target(%dma_start3A_196 : memref<80x64xi32, #tpu.memory_space<vmem>>) target_semaphore(%arg12 : memref<!tpu.dma_semaphore, #tpu.memory_space<semaphore_mem>>)
      } else {
      }
      %eq3A_153 = arith.constant 0 : i32
      %eq3A_154 = arith.cmpi eq, %select_n3A_103, %eq3A_153 : i32
      %convert_element_type3A_155 = arith.extui %eq3A_154 : i1 to i32
      %cond3A_156 = arith.constant 0 : i32
      %cond3A_157 = arith.cmpi ne, %convert_element_type3A_155, %cond3A_156 : i32
      scf.if %cond3A_157 {
        %dma_wait3A = arith.constant 0 : i32
        %dma_wait3A_185 = arith.constant 0 : i32
        %dma_wait3A_186 = arith.constant 0 : i32
        %dma_wait3A_187 = tpu.memref_slice %arg8[%dma_wait3A, %dma_wait3A_185, %dma_wait3A_186] : memref<2x80x64xi32, #tpu.memory_space<vmem>> -> memref<1x80x64xi32, #tpu.memory_space<vmem>>
        %dma_wait3A_188 = tpu.memref_squeeze %dma_wait3A_187 : memref<1x80x64xi32, #tpu.memory_space<vmem>> -> memref<80x64xi32, #tpu.memory_space<vmem>>
        %dma_wait3A_189 = arith.constant 0 : i32
        %dma_wait3A_190 = tpu.memref_slice %arg3[%add3A_108, %dma_wait3A_189] : memref<320000x64xi32, #tpu.memory_space<hbm>> -> memref<80x64xi32, #tpu.memory_space<hbm>>
        %dma_wait3A_191 = arith.constant 0 : i32
        %dma_wait3A_192 = arith.constant 0 : i32
        %dma_wait3A_193 = tpu.memref_slice %arg8[%dma_wait3A, %dma_wait3A_191, %dma_wait3A_192] : memref<2x80x64xi32, #tpu.memory_space<vmem>> -> memref<1x80x64xi32, #tpu.memory_space<vmem>>
        %dma_wait3A_194 = tpu.memref_squeeze %dma_wait3A_193 : memref<1x80x64xi32, #tpu.memory_space<vmem>> -> memref<80x64xi32, #tpu.memory_space<vmem>>
        %dma_wait3A_195 = arith.constant 0 : i32
        %dma_wait3A_196 = tpu.memref_slice %arg3[%add3A_108, %dma_wait3A_195] : memref<320000x64xi32, #tpu.memory_space<hbm>> -> memref<80x64xi32, #tpu.memory_space<hbm>>
        tpu.wait_dma2 semaphore(%arg12 : memref<!tpu.dma_semaphore, #tpu.memory_space<semaphore_mem>>) src(%dma_wait3A_196 : memref<80x64xi32, #tpu.memory_space<hbm>>) dst(%dma_wait3A_194 : memref<80x64xi32, #tpu.memory_space<vmem>>)
        %dma_wait3A_197 = arith.constant 0 : i32
        %dma_wait3A_198 = arith.constant 0 : i32
        %dma_wait3A_199 = arith.constant 0 : i32
        %dma_wait3A_200 = arith.constant 0 : i32
        %dma_wait3A_201 = tpu.memref_slice %arg7[%dma_wait3A_198, %dma_wait3A_199, %dma_wait3A_200] : memref<2x80x128xf32, #tpu.memory_space<vmem>> -> memref<1x80x128xf32, #tpu.memory_space<vmem>>
        %dma_wait3A_202 = tpu.memref_squeeze %dma_wait3A_201 : memref<1x80x128xf32, #tpu.memory_space<vmem>> -> memref<80x128xf32, #tpu.memory_space<vmem>>
        %dma_wait3A_203 = arith.constant 0 : i32
        %dma_wait3A_204 = tpu.memref_slice %arg6[%select_n3A_87, %dma_wait3A_197, %dma_wait3A_203] : memref<25x2x80xi32, #tpu.memory_space<vmem>> -> memref<1x1x80xi32, #tpu.memory_space<vmem>>
        %dma_wait3A_205 = tpu.memref_squeeze %dma_wait3A_204 : memref<1x1x80xi32, #tpu.memory_space<vmem>> -> memref<80xi32, #tpu.memory_space<vmem>>
        %dma_wait3A_206 = arith.constant 0 : i32
        %dma_wait3A_207 = arith.constant 0 : i32
        %dma_wait3A_208 = tpu.memref_slice %arg2[%dma_wait3A_206, %dma_wait3A_207] : memref<10000x128xf32, #tpu.memory_space<hbm>> -> memref<10000x128xf32, #tpu.memory_space<hbm>>
        tpu.wait_indirect_dma semaphore(%arg10 : memref<!tpu.dma_semaphore, #tpu.memory_space<semaphore_mem>>) src(%dma_wait3A_208 : memref<10000x128xf32, #tpu.memory_space<hbm>>) dst(%dma_wait3A_202 : memref<80x128xf32, #tpu.memory_space<vmem>>)
      } else {
      }
      %eq3A_158 = arith.constant 1 : i32
      %eq3A_159 = arith.cmpi eq, %select_n3A_103, %eq3A_158 : i32
      %convert_element_type3A_160 = arith.extui %eq3A_159 : i1 to i32
      %cond3A_161 = arith.constant 0 : i32
      %cond3A_162 = arith.cmpi ne, %convert_element_type3A_160, %cond3A_161 : i32
      scf.if %cond3A_162 {
        %dma_wait3A = arith.constant 1 : i32
        %dma_wait3A_185 = arith.constant 0 : i32
        %dma_wait3A_186 = arith.constant 0 : i32
        %dma_wait3A_187 = tpu.memref_slice %arg8[%dma_wait3A, %dma_wait3A_185, %dma_wait3A_186] : memref<2x80x64xi32, #tpu.memory_space<vmem>> -> memref<1x80x64xi32, #tpu.memory_space<vmem>>
        %dma_wait3A_188 = tpu.memref_squeeze %dma_wait3A_187 : memref<1x80x64xi32, #tpu.memory_space<vmem>> -> memref<80x64xi32, #tpu.memory_space<vmem>>
        %dma_wait3A_189 = arith.constant 0 : i32
        %dma_wait3A_190 = tpu.memref_slice %arg3[%add3A_108, %dma_wait3A_189] : memref<320000x64xi32, #tpu.memory_space<hbm>> -> memref<80x64xi32, #tpu.memory_space<hbm>>
        %dma_wait3A_191 = arith.constant 0 : i32
        %dma_wait3A_192 = arith.constant 0 : i32
        %dma_wait3A_193 = tpu.memref_slice %arg8[%dma_wait3A, %dma_wait3A_191, %dma_wait3A_192] : memref<2x80x64xi32, #tpu.memory_space<vmem>> -> memref<1x80x64xi32, #tpu.memory_space<vmem>>
        %dma_wait3A_194 = tpu.memref_squeeze %dma_wait3A_193 : memref<1x80x64xi32, #tpu.memory_space<vmem>> -> memref<80x64xi32, #tpu.memory_space<vmem>>
        %dma_wait3A_195 = arith.constant 0 : i32
        %dma_wait3A_196 = tpu.memref_slice %arg3[%add3A_108, %dma_wait3A_195] : memref<320000x64xi32, #tpu.memory_space<hbm>> -> memref<80x64xi32, #tpu.memory_space<hbm>>
        tpu.wait_dma2 semaphore(%arg13 : memref<!tpu.dma_semaphore, #tpu.memory_space<semaphore_mem>>) src(%dma_wait3A_196 : memref<80x64xi32, #tpu.memory_space<hbm>>) dst(%dma_wait3A_194 : memref<80x64xi32, #tpu.memory_space<vmem>>)
        %dma_wait3A_197 = arith.constant 0 : i32
        %dma_wait3A_198 = arith.constant 1 : i32
        %dma_wait3A_199 = arith.constant 0 : i32
        %dma_wait3A_200 = arith.constant 0 : i32
        %dma_wait3A_201 = tpu.memref_slice %arg7[%dma_wait3A_198, %dma_wait3A_199, %dma_wait3A_200] : memref<2x80x128xf32, #tpu.memory_space<vmem>> -> memref<1x80x128xf32, #tpu.memory_space<vmem>>
        %dma_wait3A_202 = tpu.memref_squeeze %dma_wait3A_201 : memref<1x80x128xf32, #tpu.memory_space<vmem>> -> memref<80x128xf32, #tpu.memory_space<vmem>>
        %dma_wait3A_203 = arith.constant 0 : i32
        %dma_wait3A_204 = tpu.memref_slice %arg6[%select_n3A_87, %dma_wait3A_197, %dma_wait3A_203] : memref<25x2x80xi32, #tpu.memory_space<vmem>> -> memref<1x1x80xi32, #tpu.memory_space<vmem>>
        %dma_wait3A_205 = tpu.memref_squeeze %dma_wait3A_204 : memref<1x1x80xi32, #tpu.memory_space<vmem>> -> memref<80xi32, #tpu.memory_space<vmem>>
        %dma_wait3A_206 = arith.constant 0 : i32
        %dma_wait3A_207 = arith.constant 0 : i32
        %dma_wait3A_208 = tpu.memref_slice %arg2[%dma_wait3A_206, %dma_wait3A_207] : memref<10000x128xf32, #tpu.memory_space<hbm>> -> memref<10000x128xf32, #tpu.memory_space<hbm>>
        tpu.wait_indirect_dma semaphore(%arg11 : memref<!tpu.dma_semaphore, #tpu.memory_space<semaphore_mem>>) src(%dma_wait3A_208 : memref<10000x128xf32, #tpu.memory_space<hbm>>) dst(%dma_wait3A_202 : memref<80x128xf32, #tpu.memory_space<vmem>>)
      } else {
      }
      %broadcast_in_dim3A = arith.constant -65536 : i32
      %broadcast_in_dim3A_163 = vector.broadcast %broadcast_in_dim3A : i32 to vector<16xi32>
      %broadcast_in_dim3A_164 = arith.constant 16 : i32
      %broadcast_in_dim3A_165 = vector.broadcast %broadcast_in_dim3A_164 : i32 to vector<16xi32>
      %parallel_loop3A = arith.constant 0 : i32
      %parallel_loop3A_166 = arith.constant 80 : i32
      %parallel_loop3A_167 = arith.constant 1 : i32
      scf.for %parallel_loop3A_185 = %parallel_loop3A to %parallel_loop3A_166 step %parallel_loop3A_167  : i32 {
        %parallel_loop3A_186 = arith.index_cast %select_n3A_103 : i32 to index
        %parallel_loop3A_187 = arith.index_cast %parallel_loop3A_185 : i32 to index
        %parallel_loop3A_188 = arith.constant 0 : index
        %parallel_loop3A_189 = tpu.vector_load %arg8[%parallel_loop3A_186, %parallel_loop3A_187, %parallel_loop3A_188] {strides = array<i32>} : memref<2x80x64xi32, #tpu.memory_space<vmem>>, vector<1x1x16xi32>,
        %parallel_loop3A_190 = vector.shape_cast %parallel_loop3A_189 : vector<1x1x16xi32> to vector<16xi32>
        %parallel_loop3A_191 = arith.shli %parallel_loop3A_190, %broadcast_in_dim3A_165 : vector<16xi32>
        %parallel_loop3A_192 = tpu.bitcast %parallel_loop3A_191 : vector<16xi32> -> vector<16xf32>
        %parallel_loop3A_193 = arith.andi %parallel_loop3A_190, %broadcast_in_dim3A_163 : vector<16xi32>
        %parallel_loop3A_194 = tpu.bitcast %parallel_loop3A_193 : vector<16xi32> -> vector<16xf32>
        %parallel_loop3A_195 = arith.index_cast %select_n3A_103 : i32 to index
        %parallel_loop3A_196 = arith.index_cast %parallel_loop3A_185 : i32 to index
        %parallel_loop3A_197 = arith.constant 0 : index
        %parallel_loop3A_198 = tpu.vector_load %arg7[%parallel_loop3A_195, %parallel_loop3A_196, %parallel_loop3A_197] {strides = array<i32>} : memref<2x80x128xf32, #tpu.memory_space<vmem>>, vector<1x1x16xf32>,
        %parallel_loop3A_199 = vector.shape_cast %parallel_loop3A_198 : vector<1x1x16xf32> to vector<16xf32>
        %parallel_loop3A_200 = arith.mulf %parallel_loop3A_199, %parallel_loop3A_192 : vector<16xf32>
        %parallel_loop3A_201 = arith.index_cast %select_n3A_103 : i32 to index
        %parallel_loop3A_202 = arith.index_cast %parallel_loop3A_185 : i32 to index
        %parallel_loop3A_203 = arith.constant 0 : index
        %parallel_loop3A_204 = tpu.vector_load %arg7[%parallel_loop3A_201, %parallel_loop3A_202, %parallel_loop3A_203] {strides = array<i32>} : memref<2x80x128xf32, #tpu.memory_space<vmem>>, vector<1x1x16xf32>,
        %parallel_loop3A_205 = vector.shape_cast %parallel_loop3A_204 : vector<1x1x16xf32> to vector<16xf32>
        %parallel_loop3A_206 = vector.shape_cast %parallel_loop3A_200 : vector<16xf32> to vector<1x1x16xf32>
        tpu.vector_store %arg7[%parallel_loop3A_201, %parallel_loop3A_202, %parallel_loop3A_203], %parallel_loop3A_206 {strides = array<i32>} : memref<2x80x128xf32, #tpu.memory_space<vmem>>, vector<1x1x16xf32>,
        %parallel_loop3A_207 = arith.index_cast %select_n3A_103 : i32 to index
        %parallel_loop3A_208 = arith.index_cast %parallel_loop3A_185 : i32 to index
        %parallel_loop3A_209 = arith.constant 64 : index
        %parallel_loop3A_210 = tpu.vector_load %arg7[%parallel_loop3A_207, %parallel_loop3A_208, %parallel_loop3A_209] {strides = array<i32>} : memref<2x80x128xf32, #tpu.memory_space<vmem>>, vector<1x1x16xf32>,
        %parallel_loop3A_211 = vector.shape_cast %parallel_loop3A_210 : vector<1x1x16xf32> to vector<16xf32>
        %parallel_loop3A_212 = arith.mulf %parallel_loop3A_211, %parallel_loop3A_194 : vector<16xf32>
        %parallel_loop3A_213 = arith.index_cast %select_n3A_103 : i32 to index
        %parallel_loop3A_214 = arith.index_cast %parallel_loop3A_185 : i32 to index
        %parallel_loop3A_215 = arith.constant 64 : index
        %parallel_loop3A_216 = tpu.vector_load %arg7[%parallel_loop3A_213, %parallel_loop3A_214, %parallel_loop3A_215] {strides = array<i32>} : memref<2x80x128xf32, #tpu.memory_space<vmem>>, vector<1x1x16xf32>,
        %parallel_loop3A_217 = vector.shape_cast %parallel_loop3A_216 : vector<1x1x16xf32> to vector<16xf32>
        %parallel_loop3A_218 = vector.shape_cast %parallel_loop3A_212 : vector<16xf32> to vector<1x1x16xf32>
        tpu.vector_store %arg7[%parallel_loop3A_213, %parallel_loop3A_214, %parallel_loop3A_215], %parallel_loop3A_218 {strides = array<i32>} : memref<2x80x128xf32, #tpu.memory_space<vmem>>, vector<1x1x16xf32>,
        %parallel_loop3A_219 = arith.index_cast %select_n3A_103 : i32 to index
        %parallel_loop3A_220 = arith.index_cast %parallel_loop3A_185 : i32 to index
        %parallel_loop3A_221 = arith.constant 16 : index
        %parallel_loop3A_222 = tpu.vector_load %arg8[%parallel_loop3A_219, %parallel_loop3A_220, %parallel_loop3A_221] {strides = array<i32>} : memref<2x80x64xi32, #tpu.memory_space<vmem>>, vector<1x1x16xi32>,
        %parallel_loop3A_223 = vector.shape_cast %parallel_loop3A_222 : vector<1x1x16xi32> to vector<16xi32>
        %parallel_loop3A_224 = arith.shli %parallel_loop3A_223, %broadcast_in_dim3A_165 : vector<16xi32>
        %parallel_loop3A_225 = tpu.bitcast %parallel_loop3A_224 : vector<16xi32> -> vector<16xf32>
        %parallel_loop3A_226 = arith.andi %parallel_loop3A_223, %broadcast_in_dim3A_163 : vector<16xi32>
        %parallel_loop3A_227 = tpu.bitcast %parallel_loop3A_226 : vector<16xi32> -> vector<16xf32>
        %parallel_loop3A_228 = arith.index_cast %select_n3A_103 : i32 to index
        %parallel_loop3A_229 = arith.index_cast %parallel_loop3A_185 : i32 to index
        %parallel_loop3A_230 = arith.constant 16 : index
        %parallel_loop3A_231 = tpu.vector_load %arg7[%parallel_loop3A_228, %parallel_loop3A_229, %parallel_loop3A_230] {strides = array<i32>} : memref<2x80x128xf32, #tpu.memory_space<vmem>>, vector<1x1x16xf32>,
        %parallel_loop3A_232 = vector.shape_cast %parallel_loop3A_231 : vector<1x1x16xf32> to vector<16xf32>
        %parallel_loop3A_233 = arith.mulf %parallel_loop3A_232, %parallel_loop3A_225 : vector<16xf32>
        %parallel_loop3A_234 = arith.index_cast %select_n3A_103 : i32 to index
        %parallel_loop3A_235 = arith.index_cast %parallel_loop3A_185 : i32 to index
        %parallel_loop3A_236 = arith.constant 16 : index
        %parallel_loop3A_237 = tpu.vector_load %arg7[%parallel_loop3A_234, %parallel_loop3A_235, %parallel_loop3A_236] {strides = array<i32>} : memref<2x80x128xf32, #tpu.memory_space<vmem>>, vector<1x1x16xf32>,
        %parallel_loop3A_238 = vector.shape_cast %parallel_loop3A_237 : vector<1x1x16xf32> to vector<16xf32>
        %parallel_loop3A_239 = vector.shape_cast %parallel_loop3A_233 : vector<16xf32> to vector<1x1x16xf32>
        tpu.vector_store %arg7[%parallel_loop3A_234, %parallel_loop3A_235, %parallel_loop3A_236], %parallel_loop3A_239 {strides = array<i32>} : memref<2x80x128xf32, #tpu.memory_space<vmem>>, vector<1x1x16xf32>,
        %parallel_loop3A_240 = arith.index_cast %select_n3A_103 : i32 to index
        %parallel_loop3A_241 = arith.index_cast %parallel_loop3A_185 : i32 to index
        %parallel_loop3A_242 = arith.constant 80 : index
        %parallel_loop3A_243 = tpu.vector_load %arg7[%parallel_loop3A_240, %parallel_loop3A_241, %parallel_loop3A_242] {strides = array<i32>} : memref<2x80x128xf32, #tpu.memory_space<vmem>>, vector<1x1x16xf32>,
        %parallel_loop3A_244 = vector.shape_cast %parallel_loop3A_243 : vector<1x1x16xf32> to vector<16xf32>
        %parallel_loop3A_245 = arith.mulf %parallel_loop3A_244, %parallel_loop3A_227 : vector<16xf32>
        %parallel_loop3A_246 = arith.index_cast %select_n3A_103 : i32 to index
        %parallel_loop3A_247 = arith.index_cast %parallel_loop3A_185 : i32 to index
        %parallel_loop3A_248 = arith.constant 80 : index
        %parallel_loop3A_249 = tpu.vector_load %arg7[%parallel_loop3A_246, %parallel_loop3A_247, %parallel_loop3A_248] {strides = array<i32>} : memref<2x80x128xf32, #tpu.memory_space<vmem>>, vector<1x1x16xf32>,
        %parallel_loop3A_250 = vector.shape_cast %parallel_loop3A_249 : vector<1x1x16xf32> to vector<16xf32>
        %parallel_loop3A_251 = vector.shape_cast %parallel_loop3A_245 : vector<16xf32> to vector<1x1x16xf32>
        tpu.vector_store %arg7[%parallel_loop3A_246, %parallel_loop3A_247, %parallel_loop3A_248], %parallel_loop3A_251 {strides = array<i32>} : memref<2x80x128xf32, #tpu.memory_space<vmem>>, vector<1x1x16xf32>,
        %parallel_loop3A_252 = arith.index_cast %select_n3A_103 : i32 to index
        %parallel_loop3A_253 = arith.index_cast %parallel_loop3A_185 : i32 to index
        %parallel_loop3A_254 = arith.constant 32 : index
        %parallel_loop3A_255 = tpu.vector_load %arg8[%parallel_loop3A_252, %parallel_loop3A_253, %parallel_loop3A_254] {strides = array<i32>} : memref<2x80x64xi32, #tpu.memory_space<vmem>>, vector<1x1x16xi32>,
        %parallel_loop3A_256 = vector.shape_cast %parallel_loop3A_255 : vector<1x1x16xi32> to vector<16xi32>
        %parallel_loop3A_257 = arith.shli %parallel_loop3A_256, %broadcast_in_dim3A_165 : vector<16xi32>
        %parallel_loop3A_258 = tpu.bitcast %parallel_loop3A_257 : vector<16xi32> -> vector<16xf32>
        %parallel_loop3A_259 = arith.andi %parallel_loop3A_256, %broadcast_in_dim3A_163 : vector<16xi32>
        %parallel_loop3A_260 = tpu.bitcast %parallel_loop3A_259 : vector<16xi32> -> vector<16xf32>
        %parallel_loop3A_261 = arith.index_cast %select_n3A_103 : i32 to index
        %parallel_loop3A_262 = arith.index_cast %parallel_loop3A_185 : i32 to index
        %parallel_loop3A_263 = arith.constant 32 : index
        %parallel_loop3A_264 = tpu.vector_load %arg7[%parallel_loop3A_261, %parallel_loop3A_262, %parallel_loop3A_263] {strides = array<i32>} : memref<2x80x128xf32, #tpu.memory_space<vmem>>, vector<1x1x16xf32>,
        %parallel_loop3A_265 = vector.shape_cast %parallel_loop3A_264 : vector<1x1x16xf32> to vector<16xf32>
        %parallel_loop3A_266 = arith.mulf %parallel_loop3A_265, %parallel_loop3A_258 : vector<16xf32>
        %parallel_loop3A_267 = arith.index_cast %select_n3A_103 : i32 to index
        %parallel_loop3A_268 = arith.index_cast %parallel_loop3A_185 : i32 to index
        %parallel_loop3A_269 = arith.constant 32 : index
        %parallel_loop3A_270 = tpu.vector_load %arg7[%parallel_loop3A_267, %parallel_loop3A_268, %parallel_loop3A_269] {strides = array<i32>} : memref<2x80x128xf32, #tpu.memory_space<vmem>>, vector<1x1x16xf32>,
        %parallel_loop3A_271 = vector.shape_cast %parallel_loop3A_270 : vector<1x1x16xf32> to vector<16xf32>
        %parallel_loop3A_272 = vector.shape_cast %parallel_loop3A_266 : vector<16xf32> to vector<1x1x16xf32>
        tpu.vector_store %arg7[%parallel_loop3A_267, %parallel_loop3A_268, %parallel_loop3A_269], %parallel_loop3A_272 {strides = array<i32>} : memref<2x80x128xf32, #tpu.memory_space<vmem>>, vector<1x1x16xf32>,
        %parallel_loop3A_273 = arith.index_cast %select_n3A_103 : i32 to index
        %parallel_loop3A_274 = arith.index_cast %parallel_loop3A_185 : i32 to index
        %parallel_loop3A_275 = arith.constant 96 : index
        %parallel_loop3A_276 = tpu.vector_load %arg7[%parallel_loop3A_273, %parallel_loop3A_274, %parallel_loop3A_275] {strides = array<i32>} : memref<2x80x128xf32, #tpu.memory_space<vmem>>, vector<1x1x16xf32>,
        %parallel_loop3A_277 = vector.shape_cast %parallel_loop3A_276 : vector<1x1x16xf32> to vector<16xf32>
        %parallel_loop3A_278 = arith.mulf %parallel_loop3A_277, %parallel_loop3A_260 : vector<16xf32>
        %parallel_loop3A_279 = arith.index_cast %select_n3A_103 : i32 to index
        %parallel_loop3A_280 = arith.index_cast %parallel_loop3A_185 : i32 to index
        %parallel_loop3A_281 = arith.constant 96 : index
        %parallel_loop3A_282 = tpu.vector_load %arg7[%parallel_loop3A_279, %parallel_loop3A_280, %parallel_loop3A_281] {strides = array<i32>} : memref<2x80x128xf32, #tpu.memory_space<vmem>>, vector<1x1x16xf32>,
        %parallel_loop3A_283 = vector.shape_cast %parallel_loop3A_282 : vector<1x1x16xf32> to vector<16xf32>
        %parallel_loop3A_284 = vector.shape_cast %parallel_loop3A_278 : vector<16xf32> to vector<1x1x16xf32>
        tpu.vector_store %arg7[%parallel_loop3A_279, %parallel_loop3A_280, %parallel_loop3A_281], %parallel_loop3A_284 {strides = array<i32>} : memref<2x80x128xf32, #tpu.memory_space<vmem>>, vector<1x1x16xf32>,
        %parallel_loop3A_285 = arith.index_cast %select_n3A_103 : i32 to index
        %parallel_loop3A_286 = arith.index_cast %parallel_loop3A_185 : i32 to index
        %parallel_loop3A_287 = arith.constant 48 : index
        %parallel_loop3A_288 = tpu.vector_load %arg8[%parallel_loop3A_285, %parallel_loop3A_286, %parallel_loop3A_287] {strides = array<i32>} : memref<2x80x64xi32, #tpu.memory_space<vmem>>, vector<1x1x16xi32>,
        %parallel_loop3A_289 = vector.shape_cast %parallel_loop3A_288 : vector<1x1x16xi32> to vector<16xi32>
        %parallel_loop3A_290 = arith.shli %parallel_loop3A_289, %broadcast_in_dim3A_165 : vector<16xi32>
        %parallel_loop3A_291 = tpu.bitcast %parallel_loop3A_290 : vector<16xi32> -> vector<16xf32>
        %parallel_loop3A_292 = arith.andi %parallel_loop3A_289, %broadcast_in_dim3A_163 : vector<16xi32>
        %parallel_loop3A_293 = tpu.bitcast %parallel_loop3A_292 : vector<16xi32> -> vector<16xf32>
        %parallel_loop3A_294 = arith.index_cast %select_n3A_103 : i32 to index
        %parallel_loop3A_295 = arith.index_cast %parallel_loop3A_185 : i32 to index
        %parallel_loop3A_296 = arith.constant 48 : index
        %parallel_loop3A_297 = tpu.vector_load %arg7[%parallel_loop3A_294, %parallel_loop3A_295, %parallel_loop3A_296] {strides = array<i32>} : memref<2x80x128xf32, #tpu.memory_space<vmem>>, vector<1x1x16xf32>,
        %parallel_loop3A_298 = vector.shape_cast %parallel_loop3A_297 : vector<1x1x16xf32> to vector<16xf32>
        %parallel_loop3A_299 = arith.mulf %parallel_loop3A_298, %parallel_loop3A_291 : vector<16xf32>
        %parallel_loop3A_300 = arith.index_cast %select_n3A_103 : i32 to index
        %parallel_loop3A_301 = arith.index_cast %parallel_loop3A_185 : i32 to index
        %parallel_loop3A_302 = arith.constant 48 : index
        %parallel_loop3A_303 = tpu.vector_load %arg7[%parallel_loop3A_300, %parallel_loop3A_301, %parallel_loop3A_302] {strides = array<i32>} : memref<2x80x128xf32, #tpu.memory_space<vmem>>, vector<1x1x16xf32>,
        %parallel_loop3A_304 = vector.shape_cast %parallel_loop3A_303 : vector<1x1x16xf32> to vector<16xf32>
        %parallel_loop3A_305 = vector.shape_cast %parallel_loop3A_299 : vector<16xf32> to vector<1x1x16xf32>
        tpu.vector_store %arg7[%parallel_loop3A_300, %parallel_loop3A_301, %parallel_loop3A_302], %parallel_loop3A_305 {strides = array<i32>} : memref<2x80x128xf32, #tpu.memory_space<vmem>>, vector<1x1x16xf32>,
        %parallel_loop3A_306 = arith.index_cast %select_n3A_103 : i32 to index
        %parallel_loop3A_307 = arith.index_cast %parallel_loop3A_185 : i32 to index
        %parallel_loop3A_308 = arith.constant 112 : index
        %parallel_loop3A_309 = tpu.vector_load %arg7[%parallel_loop3A_306, %parallel_loop3A_307, %parallel_loop3A_308] {strides = array<i32>} : memref<2x80x128xf32, #tpu.memory_space<vmem>>, vector<1x1x16xf32>,
        %parallel_loop3A_310 = vector.shape_cast %parallel_loop3A_309 : vector<1x1x16xf32> to vector<16xf32>
        %parallel_loop3A_311 = arith.mulf %parallel_loop3A_310, %parallel_loop3A_293 : vector<16xf32>
        %parallel_loop3A_312 = arith.index_cast %select_n3A_103 : i32 to index
        %parallel_loop3A_313 = arith.index_cast %parallel_loop3A_185 : i32 to index
        %parallel_loop3A_314 = arith.constant 112 : index
        %parallel_loop3A_315 = tpu.vector_load %arg7[%parallel_loop3A_312, %parallel_loop3A_313, %parallel_loop3A_314] {strides = array<i32>} : memref<2x80x128xf32, #tpu.memory_space<vmem>>, vector<1x1x16xf32>,
        %parallel_loop3A_316 = vector.shape_cast %parallel_loop3A_315 : vector<1x1x16xf32> to vector<16xf32>
        %parallel_loop3A_317 = vector.shape_cast %parallel_loop3A_311 : vector<16xf32> to vector<1x1x16xf32>
        tpu.vector_store %arg7[%parallel_loop3A_312, %parallel_loop3A_313, %parallel_loop3A_314], %parallel_loop3A_317 {strides = array<i32>} : memref<2x80x128xf32, #tpu.memory_space<vmem>>, vector<1x1x16xf32>,
      } {sc.loop_unroll_factor = 4 : i64, sc.parallel_access}
      %run_scoped3A_168 = arith.constant 1 : i32
      "tpu.region"() ({
        %run_scoped3A_185 = tpu.sem_alloc : memref<!tpu.dma_semaphore, #tpu.memory_space<semaphore_mem>>
        %dma_start3A = arith.constant 0 : i32
        %dma_start3A_186 = arith.constant 0 : i32
        %dma_start3A_187 = tpu.memref_slice %arg7[%select_n3A_103, %dma_start3A, %dma_start3A_186] : memref<2x80x128xf32, #tpu.memory_space<vmem>> -> memref<1x80x128xf32, #tpu.memory_space<vmem>>
        %dma_start3A_188 = tpu.memref_squeeze %dma_start3A_187 : memref<1x80x128xf32, #tpu.memory_space<vmem>> -> memref<80x128xf32, #tpu.memory_space<vmem>>
        %dma_start3A_189 = arith.constant 0 : i32
        %dma_start3A_190 = tpu.memref_slice %arg6[%select_n3A_87, %run_scoped3A_168, %dma_start3A_189] : memref<25x2x80xi32, #tpu.memory_space<vmem>> -> memref<1x1x80xi32, #tpu.memory_space<vmem>>
        %dma_start3A_191 = tpu.memref_squeeze %dma_start3A_190 : memref<1x1x80xi32, #tpu.memory_space<vmem>> -> memref<80xi32, #tpu.memory_space<vmem>>
        %dma_start3A_192 = arith.constant 0 : i32
        %dma_start3A_193 = arith.constant 0 : i32
        %dma_start3A_194 = tpu.memref_slice %arg9[%dma_start3A_192, %dma_start3A_193] : memref<10240x128xf32, #tpu.memory_space<vmem_shared>> -> memref<10240x128xf32, #tpu.memory_space<vmem_shared>>
        tpu.enqueue_indirect_dma source(%dma_start3A_188 : memref<80x128xf32, #tpu.memory_space<vmem>>) target(%dma_start3A_194 : memref<10240x128xf32, #tpu.memory_space<vmem_shared>>) offsets(%dma_start3A_191 : memref<80xi32, #tpu.memory_space<vmem>>) semaphore(%run_scoped3A_185 : memref<!tpu.dma_semaphore, #tpu.memory_space<semaphore_mem>>) {add = true}
        %dma_wait3A = arith.constant 0 : i32
        %dma_wait3A_195 = arith.constant 0 : i32
        %dma_wait3A_196 = tpu.memref_slice %arg7[%select_n3A_103, %dma_wait3A, %dma_wait3A_195] : memref<2x80x128xf32, #tpu.memory_space<vmem>> -> memref<1x80x128xf32, #tpu.memory_space<vmem>>
        %dma_wait3A_197 = tpu.memref_squeeze %dma_wait3A_196 : memref<1x80x128xf32, #tpu.memory_space<vmem>> -> memref<80x128xf32, #tpu.memory_space<vmem>>
        %dma_wait3A_198 = arith.constant 0 : i32
        %dma_wait3A_199 = tpu.memref_slice %arg6[%select_n3A_87, %run_scoped3A_168, %dma_wait3A_198] : memref<25x2x80xi32, #tpu.memory_space<vmem>> -> memref<1x1x80xi32, #tpu.memory_space<vmem>>
        %dma_wait3A_200 = tpu.memref_squeeze %dma_wait3A_199 : memref<1x1x80xi32, #tpu.memory_space<vmem>> -> memref<80xi32, #tpu.memory_space<vmem>>
        %dma_wait3A_201 = arith.constant 0 : i32
        %dma_wait3A_202 = arith.constant 0 : i32
        %dma_wait3A_203 = tpu.memref_slice %arg9[%dma_wait3A_201, %dma_wait3A_202] : memref<10240x128xf32, #tpu.memory_space<vmem_shared>> -> memref<10240x128xf32, #tpu.memory_space<vmem_shared>>
        tpu.wait_indirect_dma semaphore(%run_scoped3A_185 : memref<!tpu.dma_semaphore, #tpu.memory_space<semaphore_mem>>) src(%dma_wait3A_197 : memref<80x128xf32, #tpu.memory_space<vmem>>) dst(%dma_wait3A_203 : memref<10240x128xf32, #tpu.memory_space<vmem_shared>>)
        tpu.yield
      }) : () -> ()
      %lt3A_169 = arith.constant 23 : i32
      %lt3A_170 = arith.cmpi slt, %select_n3A_87, %lt3A_169 : i32
      %eq3A_171 = arith.constant 0 : i32
      %eq3A_172 = arith.cmpi eq, %select_n3A_103, %eq3A_171 : i32
      %and3A_173 = arith.andi %lt3A_170, %eq3A_172 : i1
      %convert_element_type3A_174 = arith.extui %and3A_173 : i1 to i32
      %cond3A_175 = arith.constant 0 : i32
      %cond3A_176 = arith.cmpi ne, %convert_element_type3A_174, %cond3A_175 : i32
      scf.if %cond3A_176 {
        %add3A_185 = arith.constant 2 : i32
        %add3A_186 = arith.addi %select_n3A_87, %add3A_185 : i32
        %dma_start3A = arith.constant 0 : i32
        %dma_start3A_187 = arith.constant 0 : i32
        %dma_start3A_188 = arith.constant 0 : i32
        %dma_start3A_189 = arith.constant 0 : i32
        %dma_start3A_190 = tpu.memref_slice %arg7[%dma_start3A_187, %dma_start3A_188, %dma_start3A_189] : memref<2x80x128xf32, #tpu.memory_space<vmem>> -> memref<1x80x128xf32, #tpu.memory_space<vmem>>
        %dma_start3A_191 = tpu.memref_squeeze %dma_start3A_190 : memref<1x80x128xf32, #tpu.memory_space<vmem>> -> memref<80x128xf32, #tpu.memory_space<vmem>>
        %dma_start3A_192 = arith.constant 0 : i32
        %dma_start3A_193 = tpu.memref_slice %arg6[%add3A_186, %dma_start3A, %dma_start3A_192] : memref<25x2x80xi32, #tpu.memory_space<vmem>> -> memref<1x1x80xi32, #tpu.memory_space<vmem>>
        %dma_start3A_194 = tpu.memref_squeeze %dma_start3A_193 : memref<1x1x80xi32, #tpu.memory_space<vmem>> -> memref<80xi32, #tpu.memory_space<vmem>>
        %dma_start3A_195 = arith.constant 0 : i32
        %dma_start3A_196 = arith.constant 0 : i32
        %dma_start3A_197 = tpu.memref_slice %arg2[%dma_start3A_195, %dma_start3A_196] : memref<10000x128xf32, #tpu.memory_space<hbm>> -> memref<10000x128xf32, #tpu.memory_space<hbm>>
        tpu.enqueue_indirect_dma source(%dma_start3A_197 : memref<10000x128xf32, #tpu.memory_space<hbm>>) target(%dma_start3A_191 : memref<80x128xf32, #tpu.memory_space<vmem>>) offsets(%dma_start3A_194 : memref<80xi32, #tpu.memory_space<vmem>>) semaphore(%arg10 : memref<!tpu.dma_semaphore, #tpu.memory_space<semaphore_mem>>)
      } else {
      }
      %lt3A_177 = arith.constant 23 : i32
      %lt3A_178 = arith.cmpi slt, %select_n3A_87, %lt3A_177 : i32
      %eq3A_179 = arith.constant 1 : i32
      %eq3A_180 = arith.cmpi eq, %select_n3A_103, %eq3A_179 : i32
      %and3A_181 = arith.andi %lt3A_178, %eq3A_180 : i1
      %convert_element_type3A_182 = arith.extui %and3A_181 : i1 to i32
      %cond3A_183 = arith.constant 0 : i32
      %cond3A_184 = arith.cmpi ne, %convert_element_type3A_182, %cond3A_183 : i32
      scf.if %cond3A_184 {
        %add3A_185 = arith.constant 2 : i32
        %add3A_186 = arith.addi %select_n3A_87, %add3A_185 : i32
        %dma_start3A = arith.constant 0 : i32
        %dma_start3A_187 = arith.constant 1 : i32
        %dma_start3A_188 = arith.constant 0 : i32
        %dma_start3A_189 = arith.constant 0 : i32
        %dma_start3A_190 = tpu.memref_slice %arg7[%dma_start3A_187, %dma_start3A_188, %dma_start3A_189] : memref<2x80x128xf32, #tpu.memory_space<vmem>> -> memref<1x80x128xf32, #tpu.memory_space<vmem>>
        %dma_start3A_191 = tpu.memref_squeeze %dma_start3A_190 : memref<1x80x128xf32, #tpu.memory_space<vmem>> -> memref<80x128xf32, #tpu.memory_space<vmem>>
        %dma_start3A_192 = arith.constant 0 : i32
        %dma_start3A_193 = tpu.memref_slice %arg6[%add3A_186, %dma_start3A, %dma_start3A_192] : memref<25x2x80xi32, #tpu.memory_space<vmem>> -> memref<1x1x80xi32, #tpu.memory_space<vmem>>
        %dma_start3A_194 = tpu.memref_squeeze %dma_start3A_193 : memref<1x1x80xi32, #tpu.memory_space<vmem>> -> memref<80xi32, #tpu.memory_space<vmem>>
        %dma_start3A_195 = arith.constant 0 : i32
        %dma_start3A_196 = arith.constant 0 : i32
        %dma_start3A_197 = tpu.memref_slice %arg2[%dma_start3A_195, %dma_start3A_196] : memref<10000x128xf32, #tpu.memory_space<hbm>> -> memref<10000x128xf32, #tpu.memory_space<hbm>>
        tpu.enqueue_indirect_dma source(%dma_start3A_197 : memref<10000x128xf32, #tpu.memory_space<hbm>>) target(%dma_start3A_191 : memref<80x128xf32, #tpu.memory_space<vmem>>) offsets(%dma_start3A_194 : memref<80xi32, #tpu.memory_space<vmem>>) semaphore(%arg11 : memref<!tpu.dma_semaphore, #tpu.memory_space<semaphore_mem>>)
      } else {
      }
    }
    %scan3A_50 = arith.constant 125 : i32
    %barrier3A_51 = arith.constant 0 : index
    tpu.barrier barrier_id(%barrier3A_51)
    %mul3A_52 = arith.constant 640 : i32
    %mul3A_53 = arith.muli %arg1, %mul3A_52 : i32
    %mul3A_54 = arith.constant 16 : i32
    %mul3A_55 = arith.muli %arg0, %mul3A_54 : i32
    %add3A_56 = arith.addi %mul3A_55, %arg1 : i32
    "tpu.region"() ({
      %run_scoped3A_57 = tpu.sem_alloc : memref<!tpu.dma_semaphore, #tpu.memory_space<semaphore_mem>>
      %dma_start3A = arith.constant 0 : i32
      %dma_start3A_58 = arith.constant 0 : i32
      %dma_start3A_59 = tpu.memref_slice %arg5[%add3A_56, %dma_start3A, %dma_start3A_58] : memref<32x640x128xf32, #tpu.memory_space<hbm>> -> memref<1x640x128xf32, #tpu.memory_space<hbm>>
      %dma_start3A_60 = tpu.memref_squeeze %dma_start3A_59 : memref<1x640x128xf32, #tpu.memory_space<hbm>> -> memref<640x128xf32, #tpu.memory_space<hbm>>
      %dma_start3A_61 = arith.constant 0 : i32
      %dma_start3A_62 = tpu.memref_slice %arg9[%mul3A_53, %dma_start3A_61] : memref<10240x128xf32, #tpu.memory_space<vmem_shared>> -> memref<640x128xf32, #tpu.memory_space<vmem_shared>>
      tpu.enqueue_dma source(%dma_start3A_62 : memref<640x128xf32, #tpu.memory_space<vmem_shared>>) target(%dma_start3A_60 : memref<640x128xf32, #tpu.memory_space<hbm>>) target_semaphore(%run_scoped3A_57 : memref<!tpu.dma_semaphore, #tpu.memory_space<semaphore_mem>>)
      %dma_wait3A = arith.constant 0 : i32
      %dma_wait3A_63 = arith.constant 0 : i32
      %dma_wait3A_64 = tpu.memref_slice %arg5[%add3A_56, %dma_wait3A, %dma_wait3A_63] : memref<32x640x128xf32, #tpu.memory_space<hbm>> -> memref<1x640x128xf32, #tpu.memory_space<hbm>>
      %dma_wait3A_65 = tpu.memref_squeeze %dma_wait3A_64 : memref<1x640x128xf32, #tpu.memory_space<hbm>> -> memref<640x128xf32, #tpu.memory_space<hbm>>
      %dma_wait3A_66 = arith.constant 0 : i32
      %dma_wait3A_67 = tpu.memref_slice %arg9[%mul3A_53, %dma_wait3A_66] : memref<10240x128xf32, #tpu.memory_space<vmem_shared>> -> memref<640x128xf32, #tpu.memory_space<vmem_shared>>
      tpu.wait_dma2 semaphore(%run_scoped3A_57 : memref<!tpu.dma_semaphore, #tpu.memory_space<semaphore_mem>>) src(%dma_wait3A_67 : memref<640x128xf32, #tpu.memory_space<vmem_shared>>) dst(%dma_wait3A_65 : memref<640x128xf32, #tpu.memory_space<hbm>>)
      tpu.yield
    }) : () -> ()
    return
  }
}

#map = affine_map<(d0, d1) -> (0, 0)>
#map1 = affine_map<(d0, d1) -> (0, 0, 0, 0, 0)>
#map2 = affine_map<(d0, d1) -> (0, 0, 0)>
module attributes {stable_mosaic.version = 14 : i64} {
  func.func @_sc_body(%arg0: i32, %arg1: i32, %arg2: memref<10000x128xf32, #tpu.memory_space<hbm>>, %arg3: memref<320000x64xi32, #tpu.memory_space<hbm>>, %arg4: memref<32x5x25x2x80xi32, #tpu.memory_space<hbm>>, %arg5: memref<32x640x128xf32, #tpu.memory_space<hbm>>, %arg6: memref<25x2x80xi32, #tpu.memory_space<vmem>>, %arg7: memref<2x80x128xf32, #tpu.memory_space<vmem>>, %arg8: memref<2x80x64xi32, #tpu.memory_space<vmem>>, %arg9: memref<10240x128xf32, #tpu.memory_space<vmem_shared>>, %arg10: memref<!tpu.dma_semaphore, #tpu.memory_space<semaphore_mem>>, %arg11: memref<!tpu.dma_semaphore, #tpu.memory_space<semaphore_mem>>, %arg12: memref<!tpu.dma_semaphore, #tpu.memory_space<semaphore_mem>>, %arg13: memref<!tpu.dma_semaphore, #tpu.memory_space<semaphore_mem>>) attributes {dimension_semantics = [#tpu.dimension_semantics<core_parallel>, #tpu.dimension_semantics<subcore_parallel>], iteration_bounds = array<i64: 2, 16>, scalar_prefetch = 0 : i64, scratch_operands = 8 : i64, tpu.core_type = #tpu.core_type<sc_vector_subcore>, window_params = [{transform_indices = #map}, {transform_indices = #map}, {transform_indices = #map1}, {transform_indices = #map2}]} {
    %mul3A = arith.constant 2 : i32
    %mul3A_0 = arith.muli %arg1, %mul3A : i32
    %add3A = arith.addi %mul3A_0, %arg0 : i32
    %scan3A = arith.constant 0 : i32
    %scan3A_1 = arith.constant 0 : i32
    %scan3A_2 = arith.constant 80 : i32
    %scan3A_3 = arith.addi %scan3A_1, %scan3A_2 : i32
    %scan3A_4 = arith.constant 1 : i32
    scf.for %scan3A_57 = %scan3A_1 to %scan3A_3 step %scan3A_4  : i32 {
      %broadcast_in_dim3A = arith.constant 0.000000e+00 : f32
      %broadcast_in_dim3A_58 = vector.broadcast %broadcast_in_dim3A : f32 to vector<16xf32>
      %swap3A = arith.constant 0 : i32
      %swap3A_59 = arith.index_cast %swap3A : i32 to index
      %swap3A_60 = arith.index_cast %scan3A_57 : i32 to index
      %swap3A_61 = arith.constant 0 : index
      %swap3A_62 = tpu.vector_load %arg7[%swap3A_59, %swap3A_60, %swap3A_61] {strides = array<i32>} : memref<2x80x128xf32, #tpu.memory_space<vmem>>, vector<1x1x16xf32>,
      %swap3A_63 = vector.shape_cast %swap3A_62 : vector<1x1x16xf32> to vector<16xf32>
      %swap3A_64 = vector.shape_cast %broadcast_in_dim3A_58 : vector<16xf32> to vector<1x1x16xf32>
      tpu.vector_store %arg7[%swap3A_59, %swap3A_60, %swap3A_61], %swap3A_64 {strides = array<i32>} : memref<2x80x128xf32, #tpu.memory_space<vmem>>, vector<1x1x16xf32>,
      %broadcast_in_dim3A_65 = arith.constant 0.000000e+00 : f32
      %broadcast_in_dim3A_66 = vector.broadcast %broadcast_in_dim3A_65 : f32 to vector<16xf32>
      %swap3A_67 = arith.constant 0 : i32
      %swap3A_68 = arith.index_cast %swap3A_67 : i32 to index
      %swap3A_69 = arith.index_cast %scan3A_57 : i32 to index
      %swap3A_70 = arith.constant 16 : index
      %swap3A_71 = tpu.vector_load %arg7[%swap3A_68, %swap3A_69, %swap3A_70] {strides = array<i32>} : memref<2x80x128xf32, #tpu.memory_space<vmem>>, vector<1x1x16xf32>,
      %swap3A_72 = vector.shape_cast %swap3A_71 : vector<1x1x16xf32> to vector<16xf32>
      %swap3A_73 = vector.shape_cast %broadcast_in_dim3A_66 : vector<16xf32> to vector<1x1x16xf32>
      tpu.vector_store %arg7[%swap3A_68, %swap3A_69, %swap3A_70], %swap3A_73 {strides = array<i32>} : memref<2x80x128xf32, #tpu.memory_space<vmem>>, vector<1x1x16xf32>,
      %broadcast_in_dim3A_74 = arith.constant 0.000000e+00 : f32
      %broadcast_in_dim3A_75 = vector.broadcast %broadcast_in_dim3A_74 : f32 to vector<16xf32>
      %swap3A_76 = arith.constant 0 : i32
      %swap3A_77 = arith.index_cast %swap3A_76 : i32 to index
      %swap3A_78 = arith.index_cast %scan3A_57 : i32 to index
      %swap3A_79 = arith.constant 32 : index
      %swap3A_80 = tpu.vector_load %arg7[%swap3A_77, %swap3A_78, %swap3A_79] {strides = array<i32>} : memref<2x80x128xf32, #tpu.memory_space<vmem>>, vector<1x1x16xf32>,
      %swap3A_81 = vector.shape_cast %swap3A_80 : vector<1x1x16xf32> to vector<16xf32>
      %swap3A_82 = vector.shape_cast %broadcast_in_dim3A_75 : vector<16xf32> to vector<1x1x16xf32>
      tpu.vector_store %arg7[%swap3A_77, %swap3A_78, %swap3A_79], %swap3A_82 {strides = array<i32>} : memref<2x80x128xf32, #tpu.memory_space<vmem>>, vector<1x1x16xf32>,
      %broadcast_in_dim3A_83 = arith.constant 0.000000e+00 : f32
      %broadcast_in_dim3A_84 = vector.broadcast %broadcast_in_dim3A_83 : f32 to vector<16xf32>
      %swap3A_85 = arith.constant 0 : i32
      %swap3A_86 = arith.index_cast %swap3A_85 : i32 to index
      %swap3A_87 = arith.index_cast %scan3A_57 : i32 to index
      %swap3A_88 = arith.constant 48 : index
      %swap3A_89 = tpu.vector_load %arg7[%swap3A_86, %swap3A_87, %swap3A_88] {strides = array<i32>} : memref<2x80x128xf32, #tpu.memory_space<vmem>>, vector<1x1x16xf32>,
      %swap3A_90 = vector.shape_cast %swap3A_89 : vector<1x1x16xf32> to vector<16xf32>
      %swap3A_91 = vector.shape_cast %broadcast_in_dim3A_84 : vector<16xf32> to vector<1x1x16xf32>
      tpu.vector_store %arg7[%swap3A_86, %swap3A_87, %swap3A_88], %swap3A_91 {strides = array<i32>} : memref<2x80x128xf32, #tpu.memory_space<vmem>>, vector<1x1x16xf32>,
      %broadcast_in_dim3A_92 = arith.constant 0.000000e+00 : f32
      %broadcast_in_dim3A_93 = vector.broadcast %broadcast_in_dim3A_92 : f32 to vector<16xf32>
      %swap3A_94 = arith.constant 0 : i32
      %swap3A_95 = arith.index_cast %swap3A_94 : i32 to index
      %swap3A_96 = arith.index_cast %scan3A_57 : i32 to index
      %swap3A_97 = arith.constant 64 : index
      %swap3A_98 = tpu.vector_load %arg7[%swap3A_95, %swap3A_96, %swap3A_97] {strides = array<i32>} : memref<2x80x128xf32, #tpu.memory_space<vmem>>, vector<1x1x16xf32>,
      %swap3A_99 = vector.shape_cast %swap3A_98 : vector<1x1x16xf32> to vector<16xf32>
      %swap3A_100 = vector.shape_cast %broadcast_in_dim3A_93 : vector<16xf32> to vector<1x1x16xf32>
      tpu.vector_store %arg7[%swap3A_95, %swap3A_96, %swap3A_97], %swap3A_100 {strides = array<i32>} : memref<2x80x128xf32, #tpu.memory_space<vmem>>, vector<1x1x16xf32>,
      %broadcast_in_dim3A_101 = arith.constant 0.000000e+00 : f32
      %broadcast_in_dim3A_102 = vector.broadcast %broadcast_in_dim3A_101 : f32 to vector<16xf32>
      %swap3A_103 = arith.constant 0 : i32
      %swap3A_104 = arith.index_cast %swap3A_103 : i32 to index
      %swap3A_105 = arith.index_cast %scan3A_57 : i32 to index
      %swap3A_106 = arith.constant 80 : index
      %swap3A_107 = tpu.vector_load %arg7[%swap3A_104, %swap3A_105, %swap3A_106] {strides = array<i32>} : memref<2x80x128xf32, #tpu.memory_space<vmem>>, vector<1x1x16xf32>,
      %swap3A_108 = vector.shape_cast %swap3A_107 : vector<1x1x16xf32> to vector<16xf32>
      %swap3A_109 = vector.shape_cast %broadcast_in_dim3A_102 : vector<16xf32> to vector<1x1x16xf32>
      tpu.vector_store %arg7[%swap3A_104, %swap3A_105, %swap3A_106], %swap3A_109 {strides = array<i32>} : memref<2x80x128xf32, #tpu.memory_space<vmem>>, vector<1x1x16xf32>,
      %broadcast_in_dim3A_110 = arith.constant 0.000000e+00 : f32
      %broadcast_in_dim3A_111 = vector.broadcast %broadcast_in_dim3A_110 : f32 to vector<16xf32>
      %swap3A_112 = arith.constant 0 : i32
      %swap3A_113 = arith.index_cast %swap3A_112 : i32 to index
      %swap3A_114 = arith.index_cast %scan3A_57 : i32 to index
      %swap3A_115 = arith.constant 96 : index
      %swap3A_116 = tpu.vector_load %arg7[%swap3A_113, %swap3A_114, %swap3A_115] {strides = array<i32>} : memref<2x80x128xf32, #tpu.memory_space<vmem>>, vector<1x1x16xf32>,
      %swap3A_117 = vector.shape_cast %swap3A_116 : vector<1x1x16xf32> to vector<16xf32>
      %swap3A_118 = vector.shape_cast %broadcast_in_dim3A_111 : vector<16xf32> to vector<1x1x16xf32>
      tpu.vector_store %arg7[%swap3A_113, %swap3A_114, %swap3A_115], %swap3A_118 {strides = array<i32>} : memref<2x80x128xf32, #tpu.memory_space<vmem>>, vector<1x1x16xf32>,
      %broadcast_in_dim3A_119 = arith.constant 0.000000e+00 : f32
      %broadcast_in_dim3A_120 = vector.broadcast %broadcast_in_dim3A_119 : f32 to vector<16xf32>
      %swap3A_121 = arith.constant 0 : i32
      %swap3A_122 = arith.index_cast %swap3A_121 : i32 to index
      %swap3A_123 = arith.index_cast %scan3A_57 : i32 to index
      %swap3A_124 = arith.constant 112 : index
      %swap3A_125 = tpu.vector_load %arg7[%swap3A_122, %swap3A_123, %swap3A_124] {strides = array<i32>} : memref<2x80x128xf32, #tpu.memory_space<vmem>>, vector<1x1x16xf32>,
      %swap3A_126 = vector.shape_cast %swap3A_125 : vector<1x1x16xf32> to vector<16xf32>
      %swap3A_127 = vector.shape_cast %broadcast_in_dim3A_120 : vector<16xf32> to vector<1x1x16xf32>
      tpu.vector_store %arg7[%swap3A_122, %swap3A_123, %swap3A_124], %swap3A_127 {strides = array<i32>} : memref<2x80x128xf32, #tpu.memory_space<vmem>>, vector<1x1x16xf32>,
    }
    %scan3A_5 = arith.constant 80 : i32
    %mul3A_6 = arith.constant 640 : i32
    %mul3A_7 = arith.muli %arg1, %mul3A_6 : i32
    %add3A_8 = arith.constant 0 : i32
    %add3A_9 = arith.addi %mul3A_7, %add3A_8 : i32
    %run_scoped3A = arith.constant 0 : i32
    "tpu.region"() ({
      %run_scoped3A_57 = tpu.sem_alloc : memref<!tpu.dma_semaphore, #tpu.memory_space<semaphore_mem>>
      %dma_start3A = arith.constant 0 : i32
      %dma_start3A_58 = arith.constant 0 : i32
      %dma_start3A_59 = tpu.memref_slice %arg7[%run_scoped3A, %dma_start3A, %dma_start3A_58] : memref<2x80x128xf32, #tpu.memory_space<vmem>> -> memref<1x80x128xf32, #tpu.memory_space<vmem>>
      %dma_start3A_60 = tpu.memref_squeeze %dma_start3A_59 : memref<1x80x128xf32, #tpu.memory_space<vmem>> -> memref<80x128xf32, #tpu.memory_space<vmem>>
      %dma_start3A_61 = arith.constant 0 : i32
      %dma_start3A_62 = tpu.memref_slice %arg9[%add3A_9, %dma_start3A_61] : memref<10240x128xf32, #tpu.memory_space<vmem_shared>> -> memref<80x128xf32, #tpu.memory_space<vmem_shared>>
      %dma_start3A_63 = arith.constant 0 : i32
      %dma_start3A_64 = tpu.memref_slice %arg9[%add3A_9, %dma_start3A_63] : memref<10240x128xf32, #tpu.memory_space<vmem_shared>> -> memref<80x128xf32, #tpu.memory_space<vmem_shared>>
      %dma_start3A_65 = arith.constant 0 : i32
      %dma_start3A_66 = arith.constant 0 : i32
      %dma_start3A_67 = tpu.memref_slice %arg7[%run_scoped3A, %dma_start3A_65, %dma_start3A_66] : memref<2x80x128xf32, #tpu.memory_space<vmem>> -> memref<1x80x128xf32, #tpu.memory_space<vmem>>
      %dma_start3A_68 = tpu.memref_squeeze %dma_start3A_67 : memref<1x80x128xf32, #tpu.memory_space<vmem>> -> memref<80x128xf32, #tpu.memory_space<vmem>>
      tpu.enqueue_dma source(%dma_start3A_68 : memref<80x128xf32, #tpu.memory_space<vmem>>) target(%dma_start3A_64 : memref<80x128xf32, #tpu.memory_space<vmem_shared>>) target_semaphore(%run_scoped3A_57 : memref<!tpu.dma_semaphore, #tpu.memory_space<semaphore_mem>>)
      %dma_wait3A = arith.constant 0 : i32
      %dma_wait3A_69 = arith.constant 0 : i32
      %dma_wait3A_70 = tpu.memref_slice %arg7[%run_scoped3A, %dma_wait3A, %dma_wait3A_69] : memref<2x80x128xf32, #tpu.memory_space<vmem>> -> memref<1x80x128xf32, #tpu.memory_space<vmem>>
      %dma_wait3A_71 = tpu.memref_squeeze %dma_wait3A_70 : memref<1x80x128xf32, #tpu.memory_space<vmem>> -> memref<80x128xf32, #tpu.memory_space<vmem>>
      %dma_wait3A_72 = arith.constant 0 : i32
      %dma_wait3A_73 = tpu.memref_slice %arg9[%add3A_9, %dma_wait3A_72] : memref<10240x128xf32, #tpu.memory_space<vmem_shared>> -> memref<80x128xf32, #tpu.memory_space<vmem_shared>>
      %dma_wait3A_74 = arith.constant 0 : i32
      %dma_wait3A_75 = tpu.memref_slice %arg9[%add3A_9, %dma_wait3A_74] : memref<10240x128xf32, #tpu.memory_space<vmem_shared>> -> memref<80x128xf32, #tpu.memory_space<vmem_shared>>
      %dma_wait3A_76 = arith.constant 0 : i32
      %dma_wait3A_77 = arith.constant 0 : i32
      %dma_wait3A_78 = tpu.memref_slice %arg7[%run_scoped3A, %dma_wait3A_76, %dma_wait3A_77] : memref<2x80x128xf32, #tpu.memory_space<vmem>> -> memref<1x80x128xf32, #tpu.memory_space<vmem>>
      %dma_wait3A_79 = tpu.memref_squeeze %dma_wait3A_78 : memref<1x80x128xf32, #tpu.memory_space<vmem>> -> memref<80x128xf32, #tpu.memory_space<vmem>>
      tpu.wait_dma2 semaphore(%run_scoped3A_57 : memref<!tpu.dma_semaphore, #tpu.memory_space<semaphore_mem>>) src(%dma_wait3A_79 : memref<80x128xf32, #tpu.memory_space<vmem>>) dst(%dma_wait3A_75 : memref<80x128xf32, #tpu.memory_space<vmem_shared>>)
      tpu.yield
    }) : () -> ()
    %mul3A_10 = arith.constant 640 : i32
    %mul3A_11 = arith.muli %arg1, %mul3A_10 : i32
    %add3A_12 = arith.constant 80 : i32
    %add3A_13 = arith.addi %mul3A_11, %add3A_12 : i32
    %run_scoped3A_14 = arith.constant 0 : i32
    "tpu.region"() ({
      %run_scoped3A_57 = tpu.sem_alloc : memref<!tpu.dma_semaphore, #tpu.memory_space<semaphore_mem>>
      %dma_start3A = arith.constant 0 : i32
      %dma_start3A_58 = arith.constant 0 : i32
      %dma_start3A_59 = tpu.memref_slice %arg7[%run_scoped3A_14, %dma_start3A, %dma_start3A_58] : memref<2x80x128xf32, #tpu.memory_space<vmem>> -> memref<1x80x128xf32, #tpu.memory_space<vmem>>
      %dma_start3A_60 = tpu.memref_squeeze %dma_start3A_59 : memref<1x80x128xf32, #tpu.memory_space<vmem>> -> memref<80x128xf32, #tpu.memory_space<vmem>>
      %dma_start3A_61 = arith.constant 0 : i32
      %dma_start3A_62 = tpu.memref_slice %arg9[%add3A_13, %dma_start3A_61] : memref<10240x128xf32, #tpu.memory_space<vmem_shared>> -> memref<80x128xf32, #tpu.memory_space<vmem_shared>>
      %dma_start3A_63 = arith.constant 0 : i32
      %dma_start3A_64 = tpu.memref_slice %arg9[%add3A_13, %dma_start3A_63] : memref<10240x128xf32, #tpu.memory_space<vmem_shared>> -> memref<80x128xf32, #tpu.memory_space<vmem_shared>>
      %dma_start3A_65 = arith.constant 0 : i32
      %dma_start3A_66 = arith.constant 0 : i32
      %dma_start3A_67 = tpu.memref_slice %arg7[%run_scoped3A_14, %dma_start3A_65, %dma_start3A_66] : memref<2x80x128xf32, #tpu.memory_space<vmem>> -> memref<1x80x128xf32, #tpu.memory_space<vmem>>
      %dma_start3A_68 = tpu.memref_squeeze %dma_start3A_67 : memref<1x80x128xf32, #tpu.memory_space<vmem>> -> memref<80x128xf32, #tpu.memory_space<vmem>>
      tpu.enqueue_dma source(%dma_start3A_68 : memref<80x128xf32, #tpu.memory_space<vmem>>) target(%dma_start3A_64 : memref<80x128xf32, #tpu.memory_space<vmem_shared>>) target_semaphore(%run_scoped3A_57 : memref<!tpu.dma_semaphore, #tpu.memory_space<semaphore_mem>>)
      %dma_wait3A = arith.constant 0 : i32
      %dma_wait3A_69 = arith.constant 0 : i32
      %dma_wait3A_70 = tpu.memref_slice %arg7[%run_scoped3A_14, %dma_wait3A, %dma_wait3A_69] : memref<2x80x128xf32, #tpu.memory_space<vmem>> -> memref<1x80x128xf32, #tpu.memory_space<vmem>>
      %dma_wait3A_71 = tpu.memref_squeeze %dma_wait3A_70 : memref<1x80x128xf32, #tpu.memory_space<vmem>> -> memref<80x128xf32, #tpu.memory_space<vmem>>
      %dma_wait3A_72 = arith.constant 0 : i32
      %dma_wait3A_73 = tpu.memref_slice %arg9[%add3A_13, %dma_wait3A_72] : memref<10240x128xf32, #tpu.memory_space<vmem_shared>> -> memref<80x128xf32, #tpu.memory_space<vmem_shared>>
      %dma_wait3A_74 = arith.constant 0 : i32
      %dma_wait3A_75 = tpu.memref_slice %arg9[%add3A_13, %dma_wait3A_74] : memref<10240x128xf32, #tpu.memory_space<vmem_shared>> -> memref<80x128xf32, #tpu.memory_space<vmem_shared>>
      %dma_wait3A_76 = arith.constant 0 : i32
      %dma_wait3A_77 = arith.constant 0 : i32
      %dma_wait3A_78 = tpu.memref_slice %arg7[%run_scoped3A_14, %dma_wait3A_76, %dma_wait3A_77] : memref<2x80x128xf32, #tpu.memory_space<vmem>> -> memref<1x80x128xf32, #tpu.memory_space<vmem>>
      %dma_wait3A_79 = tpu.memref_squeeze %dma_wait3A_78 : memref<1x80x128xf32, #tpu.memory_space<vmem>> -> memref<80x128xf32, #tpu.memory_space<vmem>>
      tpu.wait_dma2 semaphore(%run_scoped3A_57 : memref<!tpu.dma_semaphore, #tpu.memory_space<semaphore_mem>>) src(%dma_wait3A_79 : memref<80x128xf32, #tpu.memory_space<vmem>>) dst(%dma_wait3A_75 : memref<80x128xf32, #tpu.memory_space<vmem_shared>>)
      tpu.yield
    }) : () -> ()
    %mul3A_15 = arith.constant 640 : i32
    %mul3A_16 = arith.muli %arg1, %mul3A_15 : i32
    %add3A_17 = arith.constant 160 : i32
    %add3A_18 = arith.addi %mul3A_16, %add3A_17 : i32
    %run_scoped3A_19 = arith.constant 0 : i32
    "tpu.region"() ({
      %run_scoped3A_57 = tpu.sem_alloc : memref<!tpu.dma_semaphore, #tpu.memory_space<semaphore_mem>>
      %dma_start3A = arith.constant 0 : i32
      %dma_start3A_58 = arith.constant 0 : i32
      %dma_start3A_59 = tpu.memref_slice %arg7[%run_scoped3A_19, %dma_start3A, %dma_start3A_58] : memref<2x80x128xf32, #tpu.memory_space<vmem>> -> memref<1x80x128xf32, #tpu.memory_space<vmem>>
      %dma_start3A_60 = tpu.memref_squeeze %dma_start3A_59 : memref<1x80x128xf32, #tpu.memory_space<vmem>> -> memref<80x128xf32, #tpu.memory_space<vmem>>
      %dma_start3A_61 = arith.constant 0 : i32
      %dma_start3A_62 = tpu.memref_slice %arg9[%add3A_18, %dma_start3A_61] : memref<10240x128xf32, #tpu.memory_space<vmem_shared>> -> memref<80x128xf32, #tpu.memory_space<vmem_shared>>
      %dma_start3A_63 = arith.constant 0 : i32
      %dma_start3A_64 = tpu.memref_slice %arg9[%add3A_18, %dma_start3A_63] : memref<10240x128xf32, #tpu.memory_space<vmem_shared>> -> memref<80x128xf32, #tpu.memory_space<vmem_shared>>
      %dma_start3A_65 = arith.constant 0 : i32
      %dma_start3A_66 = arith.constant 0 : i32
      %dma_start3A_67 = tpu.memref_slice %arg7[%run_scoped3A_19, %dma_start3A_65, %dma_start3A_66] : memref<2x80x128xf32, #tpu.memory_space<vmem>> -> memref<1x80x128xf32, #tpu.memory_space<vmem>>
      %dma_start3A_68 = tpu.memref_squeeze %dma_start3A_67 : memref<1x80x128xf32, #tpu.memory_space<vmem>> -> memref<80x128xf32, #tpu.memory_space<vmem>>
      tpu.enqueue_dma source(%dma_start3A_68 : memref<80x128xf32, #tpu.memory_space<vmem>>) target(%dma_start3A_64 : memref<80x128xf32, #tpu.memory_space<vmem_shared>>) target_semaphore(%run_scoped3A_57 : memref<!tpu.dma_semaphore, #tpu.memory_space<semaphore_mem>>)
      %dma_wait3A = arith.constant 0 : i32
      %dma_wait3A_69 = arith.constant 0 : i32
      %dma_wait3A_70 = tpu.memref_slice %arg7[%run_scoped3A_19, %dma_wait3A, %dma_wait3A_69] : memref<2x80x128xf32, #tpu.memory_space<vmem>> -> memref<1x80x128xf32, #tpu.memory_space<vmem>>
      %dma_wait3A_71 = tpu.memref_squeeze %dma_wait3A_70 : memref<1x80x128xf32, #tpu.memory_space<vmem>> -> memref<80x128xf32, #tpu.memory_space<vmem>>
      %dma_wait3A_72 = arith.constant 0 : i32
      %dma_wait3A_73 = tpu.memref_slice %arg9[%add3A_18, %dma_wait3A_72] : memref<10240x128xf32, #tpu.memory_space<vmem_shared>> -> memref<80x128xf32, #tpu.memory_space<vmem_shared>>
      %dma_wait3A_74 = arith.constant 0 : i32
      %dma_wait3A_75 = tpu.memref_slice %arg9[%add3A_18, %dma_wait3A_74] : memref<10240x128xf32, #tpu.memory_space<vmem_shared>> -> memref<80x128xf32, #tpu.memory_space<vmem_shared>>
      %dma_wait3A_76 = arith.constant 0 : i32
      %dma_wait3A_77 = arith.constant 0 : i32
      %dma_wait3A_78 = tpu.memref_slice %arg7[%run_scoped3A_19, %dma_wait3A_76, %dma_wait3A_77] : memref<2x80x128xf32, #tpu.memory_space<vmem>> -> memref<1x80x128xf32, #tpu.memory_space<vmem>>
      %dma_wait3A_79 = tpu.memref_squeeze %dma_wait3A_78 : memref<1x80x128xf32, #tpu.memory_space<vmem>> -> memref<80x128xf32, #tpu.memory_space<vmem>>
      tpu.wait_dma2 semaphore(%run_scoped3A_57 : memref<!tpu.dma_semaphore, #tpu.memory_space<semaphore_mem>>) src(%dma_wait3A_79 : memref<80x128xf32, #tpu.memory_space<vmem>>) dst(%dma_wait3A_75 : memref<80x128xf32, #tpu.memory_space<vmem_shared>>)
      tpu.yield
    }) : () -> ()
    %mul3A_20 = arith.constant 640 : i32
    %mul3A_21 = arith.muli %arg1, %mul3A_20 : i32
    %add3A_22 = arith.constant 240 : i32
    %add3A_23 = arith.addi %mul3A_21, %add3A_22 : i32
    %run_scoped3A_24 = arith.constant 0 : i32
    "tpu.region"() ({
      %run_scoped3A_57 = tpu.sem_alloc : memref<!tpu.dma_semaphore, #tpu.memory_space<semaphore_mem>>
      %dma_start3A = arith.constant 0 : i32
      %dma_start3A_58 = arith.constant 0 : i32
      %dma_start3A_59 = tpu.memref_slice %arg7[%run_scoped3A_24, %dma_start3A, %dma_start3A_58] : memref<2x80x128xf32, #tpu.memory_space<vmem>> -> memref<1x80x128xf32, #tpu.memory_space<vmem>>
      %dma_start3A_60 = tpu.memref_squeeze %dma_start3A_59 : memref<1x80x128xf32, #tpu.memory_space<vmem>> -> memref<80x128xf32, #tpu.memory_space<vmem>>
      %dma_start3A_61 = arith.constant 0 : i32
      %dma_start3A_62 = tpu.memref_slice %arg9[%add3A_23, %dma_start3A_61] : memref<10240x128xf32, #tpu.memory_space<vmem_shared>> -> memref<80x128xf32, #tpu.memory_space<vmem_shared>>
      %dma_start3A_63 = arith.constant 0 : i32
      %dma_start3A_64 = tpu.memref_slice %arg9[%add3A_23, %dma_start3A_63] : memref<10240x128xf32, #tpu.memory_space<vmem_shared>> -> memref<80x128xf32, #tpu.memory_space<vmem_shared>>
      %dma_start3A_65 = arith.constant 0 : i32
      %dma_start3A_66 = arith.constant 0 : i32
      %dma_start3A_67 = tpu.memref_slice %arg7[%run_scoped3A_24, %dma_start3A_65, %dma_start3A_66] : memref<2x80x128xf32, #tpu.memory_space<vmem>> -> memref<1x80x128xf32, #tpu.memory_space<vmem>>
      %dma_start3A_68 = tpu.memref_squeeze %dma_start3A_67 : memref<1x80x128xf32, #tpu.memory_space<vmem>> -> memref<80x128xf32, #tpu.memory_space<vmem>>
      tpu.enqueue_dma source(%dma_start3A_68 : memref<80x128xf32, #tpu.memory_space<vmem>>) target(%dma_start3A_64 : memref<80x128xf32, #tpu.memory_space<vmem_shared>>) target_semaphore(%run_scoped3A_57 : memref<!tpu.dma_semaphore, #tpu.memory_space<semaphore_mem>>)
      %dma_wait3A = arith.constant 0 : i32
      %dma_wait3A_69 = arith.constant 0 : i32
      %dma_wait3A_70 = tpu.memref_slice %arg7[%run_scoped3A_24, %dma_wait3A, %dma_wait3A_69] : memref<2x80x128xf32, #tpu.memory_space<vmem>> -> memref<1x80x128xf32, #tpu.memory_space<vmem>>
      %dma_wait3A_71 = tpu.memref_squeeze %dma_wait3A_70 : memref<1x80x128xf32, #tpu.memory_space<vmem>> -> memref<80x128xf32, #tpu.memory_space<vmem>>
      %dma_wait3A_72 = arith.constant 0 : i32
      %dma_wait3A_73 = tpu.memref_slice %arg9[%add3A_23, %dma_wait3A_72] : memref<10240x128xf32, #tpu.memory_space<vmem_shared>> -> memref<80x128xf32, #tpu.memory_space<vmem_shared>>
      %dma_wait3A_74 = arith.constant 0 : i32
      %dma_wait3A_75 = tpu.memref_slice %arg9[%add3A_23, %dma_wait3A_74] : memref<10240x128xf32, #tpu.memory_space<vmem_shared>> -> memref<80x128xf32, #tpu.memory_space<vmem_shared>>
      %dma_wait3A_76 = arith.constant 0 : i32
      %dma_wait3A_77 = arith.constant 0 : i32
      %dma_wait3A_78 = tpu.memref_slice %arg7[%run_scoped3A_24, %dma_wait3A_76, %dma_wait3A_77] : memref<2x80x128xf32, #tpu.memory_space<vmem>> -> memref<1x80x128xf32, #tpu.memory_space<vmem>>
      %dma_wait3A_79 = tpu.memref_squeeze %dma_wait3A_78 : memref<1x80x128xf32, #tpu.memory_space<vmem>> -> memref<80x128xf32, #tpu.memory_space<vmem>>
      tpu.wait_dma2 semaphore(%run_scoped3A_57 : memref<!tpu.dma_semaphore, #tpu.memory_space<semaphore_mem>>) src(%dma_wait3A_79 : memref<80x128xf32, #tpu.memory_space<vmem>>) dst(%dma_wait3A_75 : memref<80x128xf32, #tpu.memory_space<vmem_shared>>)
      tpu.yield
    }) : () -> ()
    %mul3A_25 = arith.constant 640 : i32
    %mul3A_26 = arith.muli %arg1, %mul3A_25 : i32
    %add3A_27 = arith.constant 320 : i32
    %add3A_28 = arith.addi %mul3A_26, %add3A_27 : i32
    %run_scoped3A_29 = arith.constant 0 : i32
    "tpu.region"() ({
      %run_scoped3A_57 = tpu.sem_alloc : memref<!tpu.dma_semaphore, #tpu.memory_space<semaphore_mem>>
      %dma_start3A = arith.constant 0 : i32
      %dma_start3A_58 = arith.constant 0 : i32
      %dma_start3A_59 = tpu.memref_slice %arg7[%run_scoped3A_29, %dma_start3A, %dma_start3A_58] : memref<2x80x128xf32, #tpu.memory_space<vmem>> -> memref<1x80x128xf32, #tpu.memory_space<vmem>>
      %dma_start3A_60 = tpu.memref_squeeze %dma_start3A_59 : memref<1x80x128xf32, #tpu.memory_space<vmem>> -> memref<80x128xf32, #tpu.memory_space<vmem>>
      %dma_start3A_61 = arith.constant 0 : i32
      %dma_start3A_62 = tpu.memref_slice %arg9[%add3A_28, %dma_start3A_61] : memref<10240x128xf32, #tpu.memory_space<vmem_shared>> -> memref<80x128xf32, #tpu.memory_space<vmem_shared>>
      %dma_start3A_63 = arith.constant 0 : i32
      %dma_start3A_64 = tpu.memref_slice %arg9[%add3A_28, %dma_start3A_63] : memref<10240x128xf32, #tpu.memory_space<vmem_shared>> -> memref<80x128xf32, #tpu.memory_space<vmem_shared>>
      %dma_start3A_65 = arith.constant 0 : i32
      %dma_start3A_66 = arith.constant 0 : i32
      %dma_start3A_67 = tpu.memref_slice %arg7[%run_scoped3A_29, %dma_start3A_65, %dma_start3A_66] : memref<2x80x128xf32, #tpu.memory_space<vmem>> -> memref<1x80x128xf32, #tpu.memory_space<vmem>>
      %dma_start3A_68 = tpu.memref_squeeze %dma_start3A_67 : memref<1x80x128xf32, #tpu.memory_space<vmem>> -> memref<80x128xf32, #tpu.memory_space<vmem>>
      tpu.enqueue_dma source(%dma_start3A_68 : memref<80x128xf32, #tpu.memory_space<vmem>>) target(%dma_start3A_64 : memref<80x128xf32, #tpu.memory_space<vmem_shared>>) target_semaphore(%run_scoped3A_57 : memref<!tpu.dma_semaphore, #tpu.memory_space<semaphore_mem>>)
      %dma_wait3A = arith.constant 0 : i32
      %dma_wait3A_69 = arith.constant 0 : i32
      %dma_wait3A_70 = tpu.memref_slice %arg7[%run_scoped3A_29, %dma_wait3A, %dma_wait3A_69] : memref<2x80x128xf32, #tpu.memory_space<vmem>> -> memref<1x80x128xf32, #tpu.memory_space<vmem>>
      %dma_wait3A_71 = tpu.memref_squeeze %dma_wait3A_70 : memref<1x80x128xf32, #tpu.memory_space<vmem>> -> memref<80x128xf32, #tpu.memory_space<vmem>>
      %dma_wait3A_72 = arith.constant 0 : i32
      %dma_wait3A_73 = tpu.memref_slice %arg9[%add3A_28, %dma_wait3A_72] : memref<10240x128xf32, #tpu.memory_space<vmem_shared>> -> memref<80x128xf32, #tpu.memory_space<vmem_shared>>
      %dma_wait3A_74 = arith.constant 0 : i32
      %dma_wait3A_75 = tpu.memref_slice %arg9[%add3A_28, %dma_wait3A_74] : memref<10240x128xf32, #tpu.memory_space<vmem_shared>> -> memref<80x128xf32, #tpu.memory_space<vmem_shared>>
      %dma_wait3A_76 = arith.constant 0 : i32
      %dma_wait3A_77 = arith.constant 0 : i32
      %dma_wait3A_78 = tpu.memref_slice %arg7[%run_scoped3A_29, %dma_wait3A_76, %dma_wait3A_77] : memref<2x80x128xf32, #tpu.memory_space<vmem>> -> memref<1x80x128xf32, #tpu.memory_space<vmem>>
      %dma_wait3A_79 = tpu.memref_squeeze %dma_wait3A_78 : memref<1x80x128xf32, #tpu.memory_space<vmem>> -> memref<80x128xf32, #tpu.memory_space<vmem>>
      tpu.wait_dma2 semaphore(%run_scoped3A_57 : memref<!tpu.dma_semaphore, #tpu.memory_space<semaphore_mem>>) src(%dma_wait3A_79 : memref<80x128xf32, #tpu.memory_space<vmem>>) dst(%dma_wait3A_75 : memref<80x128xf32, #tpu.memory_space<vmem_shared>>)
      tpu.yield
    }) : () -> ()
    %mul3A_30 = arith.constant 640 : i32
    %mul3A_31 = arith.muli %arg1, %mul3A_30 : i32
    %add3A_32 = arith.constant 400 : i32
    %add3A_33 = arith.addi %mul3A_31, %add3A_32 : i32
    %run_scoped3A_34 = arith.constant 0 : i32
    "tpu.region"() ({
      %run_scoped3A_57 = tpu.sem_alloc : memref<!tpu.dma_semaphore, #tpu.memory_space<semaphore_mem>>
      %dma_start3A = arith.constant 0 : i32
      %dma_start3A_58 = arith.constant 0 : i32
      %dma_start3A_59 = tpu.memref_slice %arg7[%run_scoped3A_34, %dma_start3A, %dma_start3A_58] : memref<2x80x128xf32, #tpu.memory_space<vmem>> -> memref<1x80x128xf32, #tpu.memory_space<vmem>>
      %dma_start3A_60 = tpu.memref_squeeze %dma_start3A_59 : memref<1x80x128xf32, #tpu.memory_space<vmem>> -> memref<80x128xf32, #tpu.memory_space<vmem>>
      %dma_start3A_61 = arith.constant 0 : i32
      %dma_start3A_62 = tpu.memref_slice %arg9[%add3A_33, %dma_start3A_61] : memref<10240x128xf32, #tpu.memory_space<vmem_shared>> -> memref<80x128xf32, #tpu.memory_space<vmem_shared>>
      %dma_start3A_63 = arith.constant 0 : i32
      %dma_start3A_64 = tpu.memref_slice %arg9[%add3A_33, %dma_start3A_63] : memref<10240x128xf32, #tpu.memory_space<vmem_shared>> -> memref<80x128xf32, #tpu.memory_space<vmem_shared>>
      %dma_start3A_65 = arith.constant 0 : i32
      %dma_start3A_66 = arith.constant 0 : i32
      %dma_start3A_67 = tpu.memref_slice %arg7[%run_scoped3A_34, %dma_start3A_65, %dma_start3A_66] : memref<2x80x128xf32, #tpu.memory_space<vmem>> -> memref<1x80x128xf32, #tpu.memory_space<vmem>>
      %dma_start3A_68 = tpu.memref_squeeze %dma_start3A_67 : memref<1x80x128xf32, #tpu.memory_space<vmem>> -> memref<80x128xf32, #tpu.memory_space<vmem>>
      tpu.enqueue_dma source(%dma_start3A_68 : memref<80x128xf32, #tpu.memory_space<vmem>>) target(%dma_start3A_64 : memref<80x128xf32, #tpu.memory_space<vmem_shared>>) target_semaphore(%run_scoped3A_57 : memref<!tpu.dma_semaphore, #tpu.memory_space<semaphore_mem>>)
      %dma_wait3A = arith.constant 0 : i32
      %dma_wait3A_69 = arith.constant 0 : i32
      %dma_wait3A_70 = tpu.memref_slice %arg7[%run_scoped3A_34, %dma_wait3A, %dma_wait3A_69] : memref<2x80x128xf32, #tpu.memory_space<vmem>> -> memref<1x80x128xf32, #tpu.memory_space<vmem>>
      %dma_wait3A_71 = tpu.memref_squeeze %dma_wait3A_70 : memref<1x80x128xf32, #tpu.memory_space<vmem>> -> memref<80x128xf32, #tpu.memory_space<vmem>>
      %dma_wait3A_72 = arith.constant 0 : i32
      %dma_wait3A_73 = tpu.memref_slice %arg9[%add3A_33, %dma_wait3A_72] : memref<10240x128xf32, #tpu.memory_space<vmem_shared>> -> memref<80x128xf32, #tpu.memory_space<vmem_shared>>
      %dma_wait3A_74 = arith.constant 0 : i32
      %dma_wait3A_75 = tpu.memref_slice %arg9[%add3A_33, %dma_wait3A_74] : memref<10240x128xf32, #tpu.memory_space<vmem_shared>> -> memref<80x128xf32, #tpu.memory_space<vmem_shared>>
      %dma_wait3A_76 = arith.constant 0 : i32
      %dma_wait3A_77 = arith.constant 0 : i32
      %dma_wait3A_78 = tpu.memref_slice %arg7[%run_scoped3A_34, %dma_wait3A_76, %dma_wait3A_77] : memref<2x80x128xf32, #tpu.memory_space<vmem>> -> memref<1x80x128xf32, #tpu.memory_space<vmem>>
      %dma_wait3A_79 = tpu.memref_squeeze %dma_wait3A_78 : memref<1x80x128xf32, #tpu.memory_space<vmem>> -> memref<80x128xf32, #tpu.memory_space<vmem>>
      tpu.wait_dma2 semaphore(%run_scoped3A_57 : memref<!tpu.dma_semaphore, #tpu.memory_space<semaphore_mem>>) src(%dma_wait3A_79 : memref<80x128xf32, #tpu.memory_space<vmem>>) dst(%dma_wait3A_75 : memref<80x128xf32, #tpu.memory_space<vmem_shared>>)
      tpu.yield
    }) : () -> ()
    %mul3A_35 = arith.constant 640 : i32
    %mul3A_36 = arith.muli %arg1, %mul3A_35 : i32
    %add3A_37 = arith.constant 480 : i32
    %add3A_38 = arith.addi %mul3A_36, %add3A_37 : i32
    %run_scoped3A_39 = arith.constant 0 : i32
    "tpu.region"() ({
      %run_scoped3A_57 = tpu.sem_alloc : memref<!tpu.dma_semaphore, #tpu.memory_space<semaphore_mem>>
      %dma_start3A = arith.constant 0 : i32
      %dma_start3A_58 = arith.constant 0 : i32
      %dma_start3A_59 = tpu.memref_slice %arg7[%run_scoped3A_39, %dma_start3A, %dma_start3A_58] : memref<2x80x128xf32, #tpu.memory_space<vmem>> -> memref<1x80x128xf32, #tpu.memory_space<vmem>>
      %dma_start3A_60 = tpu.memref_squeeze %dma_start3A_59 : memref<1x80x128xf32, #tpu.memory_space<vmem>> -> memref<80x128xf32, #tpu.memory_space<vmem>>
      %dma_start3A_61 = arith.constant 0 : i32
      %dma_start3A_62 = tpu.memref_slice %arg9[%add3A_38, %dma_start3A_61] : memref<10240x128xf32, #tpu.memory_space<vmem_shared>> -> memref<80x128xf32, #tpu.memory_space<vmem_shared>>
      %dma_start3A_63 = arith.constant 0 : i32
      %dma_start3A_64 = tpu.memref_slice %arg9[%add3A_38, %dma_start3A_63] : memref<10240x128xf32, #tpu.memory_space<vmem_shared>> -> memref<80x128xf32, #tpu.memory_space<vmem_shared>>
      %dma_start3A_65 = arith.constant 0 : i32
      %dma_start3A_66 = arith.constant 0 : i32
      %dma_start3A_67 = tpu.memref_slice %arg7[%run_scoped3A_39, %dma_start3A_65, %dma_start3A_66] : memref<2x80x128xf32, #tpu.memory_space<vmem>> -> memref<1x80x128xf32, #tpu.memory_space<vmem>>
      %dma_start3A_68 = tpu.memref_squeeze %dma_start3A_67 : memref<1x80x128xf32, #tpu.memory_space<vmem>> -> memref<80x128xf32, #tpu.memory_space<vmem>>
      tpu.enqueue_dma source(%dma_start3A_68 : memref<80x128xf32, #tpu.memory_space<vmem>>) target(%dma_start3A_64 : memref<80x128xf32, #tpu.memory_space<vmem_shared>>) target_semaphore(%run_scoped3A_57 : memref<!tpu.dma_semaphore, #tpu.memory_space<semaphore_mem>>)
      %dma_wait3A = arith.constant 0 : i32
      %dma_wait3A_69 = arith.constant 0 : i32
      %dma_wait3A_70 = tpu.memref_slice %arg7[%run_scoped3A_39, %dma_wait3A, %dma_wait3A_69] : memref<2x80x128xf32, #tpu.memory_space<vmem>> -> memref<1x80x128xf32, #tpu.memory_space<vmem>>
      %dma_wait3A_71 = tpu.memref_squeeze %dma_wait3A_70 : memref<1x80x128xf32, #tpu.memory_space<vmem>> -> memref<80x128xf32, #tpu.memory_space<vmem>>
      %dma_wait3A_72 = arith.constant 0 : i32
      %dma_wait3A_73 = tpu.memref_slice %arg9[%add3A_38, %dma_wait3A_72] : memref<10240x128xf32, #tpu.memory_space<vmem_shared>> -> memref<80x128xf32, #tpu.memory_space<vmem_shared>>
      %dma_wait3A_74 = arith.constant 0 : i32
      %dma_wait3A_75 = tpu.memref_slice %arg9[%add3A_38, %dma_wait3A_74] : memref<10240x128xf32, #tpu.memory_space<vmem_shared>> -> memref<80x128xf32, #tpu.memory_space<vmem_shared>>
      %dma_wait3A_76 = arith.constant 0 : i32
      %dma_wait3A_77 = arith.constant 0 : i32
      %dma_wait3A_78 = tpu.memref_slice %arg7[%run_scoped3A_39, %dma_wait3A_76, %dma_wait3A_77] : memref<2x80x128xf32, #tpu.memory_space<vmem>> -> memref<1x80x128xf32, #tpu.memory_space<vmem>>
      %dma_wait3A_79 = tpu.memref_squeeze %dma_wait3A_78 : memref<1x80x128xf32, #tpu.memory_space<vmem>> -> memref<80x128xf32, #tpu.memory_space<vmem>>
      tpu.wait_dma2 semaphore(%run_scoped3A_57 : memref<!tpu.dma_semaphore, #tpu.memory_space<semaphore_mem>>) src(%dma_wait3A_79 : memref<80x128xf32, #tpu.memory_space<vmem>>) dst(%dma_wait3A_75 : memref<80x128xf32, #tpu.memory_space<vmem_shared>>)
      tpu.yield
    }) : () -> ()
    %mul3A_40 = arith.constant 640 : i32
    %mul3A_41 = arith.muli %arg1, %mul3A_40 : i32
    %add3A_42 = arith.constant 560 : i32
    %add3A_43 = arith.addi %mul3A_41, %add3A_42 : i32
    %run_scoped3A_44 = arith.constant 0 : i32
    "tpu.region"() ({
      %run_scoped3A_57 = tpu.sem_alloc : memref<!tpu.dma_semaphore, #tpu.memory_space<semaphore_mem>>
      %dma_start3A = arith.constant 0 : i32
      %dma_start3A_58 = arith.constant 0 : i32
      %dma_start3A_59 = tpu.memref_slice %arg7[%run_scoped3A_44, %dma_start3A, %dma_start3A_58] : memref<2x80x128xf32, #tpu.memory_space<vmem>> -> memref<1x80x128xf32, #tpu.memory_space<vmem>>
      %dma_start3A_60 = tpu.memref_squeeze %dma_start3A_59 : memref<1x80x128xf32, #tpu.memory_space<vmem>> -> memref<80x128xf32, #tpu.memory_space<vmem>>
      %dma_start3A_61 = arith.constant 0 : i32
      %dma_start3A_62 = tpu.memref_slice %arg9[%add3A_43, %dma_start3A_61] : memref<10240x128xf32, #tpu.memory_space<vmem_shared>> -> memref<80x128xf32, #tpu.memory_space<vmem_shared>>
      %dma_start3A_63 = arith.constant 0 : i32
      %dma_start3A_64 = tpu.memref_slice %arg9[%add3A_43, %dma_start3A_63] : memref<10240x128xf32, #tpu.memory_space<vmem_shared>> -> memref<80x128xf32, #tpu.memory_space<vmem_shared>>
      %dma_start3A_65 = arith.constant 0 : i32
      %dma_start3A_66 = arith.constant 0 : i32
      %dma_start3A_67 = tpu.memref_slice %arg7[%run_scoped3A_44, %dma_start3A_65, %dma_start3A_66] : memref<2x80x128xf32, #tpu.memory_space<vmem>> -> memref<1x80x128xf32, #tpu.memory_space<vmem>>
      %dma_start3A_68 = tpu.memref_squeeze %dma_start3A_67 : memref<1x80x128xf32, #tpu.memory_space<vmem>> -> memref<80x128xf32, #tpu.memory_space<vmem>>
      tpu.enqueue_dma source(%dma_start3A_68 : memref<80x128xf32, #tpu.memory_space<vmem>>) target(%dma_start3A_64 : memref<80x128xf32, #tpu.memory_space<vmem_shared>>) target_semaphore(%run_scoped3A_57 : memref<!tpu.dma_semaphore, #tpu.memory_space<semaphore_mem>>)
      %dma_wait3A = arith.constant 0 : i32
      %dma_wait3A_69 = arith.constant 0 : i32
      %dma_wait3A_70 = tpu.memref_slice %arg7[%run_scoped3A_44, %dma_wait3A, %dma_wait3A_69] : memref<2x80x128xf32, #tpu.memory_space<vmem>> -> memref<1x80x128xf32, #tpu.memory_space<vmem>>
      %dma_wait3A_71 = tpu.memref_squeeze %dma_wait3A_70 : memref<1x80x128xf32, #tpu.memory_space<vmem>> -> memref<80x128xf32, #tpu.memory_space<vmem>>
      %dma_wait3A_72 = arith.constant 0 : i32
      %dma_wait3A_73 = tpu.memref_slice %arg9[%add3A_43, %dma_wait3A_72] : memref<10240x128xf32, #tpu.memory_space<vmem_shared>> -> memref<80x128xf32, #tpu.memory_space<vmem_shared>>
      %dma_wait3A_74 = arith.constant 0 : i32
      %dma_wait3A_75 = tpu.memref_slice %arg9[%add3A_43, %dma_wait3A_74] : memref<10240x128xf32, #tpu.memory_space<vmem_shared>> -> memref<80x128xf32, #tpu.memory_space<vmem_shared>>
      %dma_wait3A_76 = arith.constant 0 : i32
      %dma_wait3A_77 = arith.constant 0 : i32
      %dma_wait3A_78 = tpu.memref_slice %arg7[%run_scoped3A_44, %dma_wait3A_76, %dma_wait3A_77] : memref<2x80x128xf32, #tpu.memory_space<vmem>> -> memref<1x80x128xf32, #tpu.memory_space<vmem>>
      %dma_wait3A_79 = tpu.memref_squeeze %dma_wait3A_78 : memref<1x80x128xf32, #tpu.memory_space<vmem>> -> memref<80x128xf32, #tpu.memory_space<vmem>>
      tpu.wait_dma2 semaphore(%run_scoped3A_57 : memref<!tpu.dma_semaphore, #tpu.memory_space<semaphore_mem>>) src(%dma_wait3A_79 : memref<80x128xf32, #tpu.memory_space<vmem>>) dst(%dma_wait3A_75 : memref<80x128xf32, #tpu.memory_space<vmem_shared>>)
      tpu.yield
    }) : () -> ()
    %barrier3A = arith.constant 0 : index
    tpu.barrier barrier_id(%barrier3A)
    %scan3A_45 = arith.constant 0 : i32
    %scan3A_46 = arith.constant 0 : i32
    %scan3A_47 = arith.constant 125 : i32
    %scan3A_48 = arith.addi %scan3A_46, %scan3A_47 : i32
    %scan3A_49 = arith.constant 1 : i32
    scf.for %scan3A_57 = %scan3A_46 to %scan3A_48 step %scan3A_49  : i32 {
      %jit3A = arith.constant 25 : i32
      %div3A = arith.divsi %scan3A_57, %jit3A : i32
      %sign3A = arith.constant 0 : i32
      %sign3A_58 = arith.cmpi sgt, %scan3A_57, %sign3A : i32
      %sign3A_59 = arith.extui %sign3A_58 : i1 to i32
      %sign3A_60 = arith.constant 0 : i32
      %sign3A_61 = arith.cmpi slt, %scan3A_57, %sign3A_60 : i32
      %sign3A_62 = arith.extui %sign3A_61 : i1 to i32
      %sign3A_63 = arith.subi %sign3A_59, %sign3A_62 : i32
      %sign3A_64 = arith.constant 0 : i32
      %sign3A_65 = arith.cmpi sgt, %jit3A, %sign3A_64 : i32
      %sign3A_66 = arith.extui %sign3A_65 : i1 to i32
      %sign3A_67 = arith.constant 0 : i32
      %sign3A_68 = arith.cmpi slt, %jit3A, %sign3A_67 : i32
      %sign3A_69 = arith.extui %sign3A_68 : i1 to i32
      %sign3A_70 = arith.subi %sign3A_66, %sign3A_69 : i32
      %ne3A = arith.cmpi ne, %sign3A_63, %sign3A_70 : i32
      %rem3A = arith.remsi %scan3A_57, %jit3A : i32
      %ne3A_71 = arith.constant 0 : i32
      %ne3A_72 = arith.cmpi ne, %rem3A, %ne3A_71 : i32
      %and3A = arith.andi %ne3A, %ne3A_72 : i1
      %sub3A = arith.constant 1 : i32
      %sub3A_73 = arith.subi %div3A, %sub3A : i32
      %select_n3A = arith.select %and3A, %sub3A_73, %div3A : i32
      %jit3A_74 = arith.constant 25 : i32
      %eq3A = arith.constant 0 : i32
      %eq3A_75 = arith.cmpi eq, %jit3A_74, %eq3A : i32
      %jit3A_76 = arith.constant 1 : i32
      %select_n3A_77 = arith.select %eq3A_75, %jit3A_76, %jit3A_74 : i32
      %rem3A_78 = arith.remsi %scan3A_57, %select_n3A_77 : i32
      %ne3A_79 = arith.constant 0 : i32
      %ne3A_80 = arith.cmpi ne, %rem3A_78, %ne3A_79 : i32
      %lt3A = arith.constant 0 : i32
      %lt3A_81 = arith.cmpi slt, %rem3A_78, %lt3A : i32
      %lt3A_82 = arith.constant 0 : i32
      %lt3A_83 = arith.cmpi slt, %select_n3A_77, %lt3A_82 : i32
      %ne3A_84 = arith.xori %lt3A_81, %lt3A_83 : i1
      %and3A_85 = arith.andi %ne3A_84, %ne3A_80 : i1
      %add3A_86 = arith.addi %rem3A_78, %select_n3A_77 : i32
      %select_n3A_87 = arith.select %and3A_85, %add3A_86, %rem3A_78 : i32
      %jit3A_88 = arith.constant 2 : i32
      %eq3A_89 = arith.constant 0 : i32
      %eq3A_90 = arith.cmpi eq, %jit3A_88, %eq3A_89 : i32
      %jit3A_91 = arith.constant 1 : i32
      %select_n3A_92 = arith.select %eq3A_90, %jit3A_91, %jit3A_88 : i32
      %rem3A_93 = arith.remsi %scan3A_57, %select_n3A_92 : i32
      %ne3A_94 = arith.constant 0 : i32
      %ne3A_95 = arith.cmpi ne, %rem3A_93, %ne3A_94 : i32
      %lt3A_96 = arith.constant 0 : i32
      %lt3A_97 = arith.cmpi slt, %rem3A_93, %lt3A_96 : i32
      %lt3A_98 = arith.constant 0 : i32
      %lt3A_99 = arith.cmpi slt, %select_n3A_92, %lt3A_98 : i32
      %ne3A_100 = arith.xori %lt3A_97, %lt3A_99 : i1
      %and3A_101 = arith.andi %ne3A_100, %ne3A_95 : i1
      %add3A_102 = arith.addi %rem3A_93, %select_n3A_92 : i32
      %select_n3A_103 = arith.select %and3A_101, %add3A_102, %rem3A_93 : i32
      %mul3A_104 = arith.constant 10000 : i32
      %mul3A_105 = arith.muli %add3A, %mul3A_104 : i32
      %mul3A_106 = arith.constant 80 : i32
      %mul3A_107 = arith.muli %scan3A_57, %mul3A_106 : i32
      %add3A_108 = arith.addi %mul3A_105, %mul3A_107 : i32
      %eq3A_109 = arith.constant 0 : i32
      %eq3A_110 = arith.cmpi eq, %select_n3A_87, %eq3A_109 : i32
      %convert_element_type3A = arith.extui %eq3A_110 : i1 to i32
      %cond3A = arith.constant 0 : i32
      %cond3A_111 = arith.cmpi ne, %convert_element_type3A, %cond3A : i32
      scf.if %cond3A_111 {
        "tpu.region"() ({
          %run_scoped3A_185 = tpu.sem_alloc : memref<!tpu.dma_semaphore, #tpu.memory_space<semaphore_mem>>
          %dma_start3A = arith.constant 0 : i32
          %dma_start3A_186 = arith.constant 0 : i32
          %dma_start3A_187 = arith.constant 0 : i32
          %dma_start3A_188 = tpu.memref_slice %arg4[%add3A, %select_n3A, %dma_start3A, %dma_start3A_186, %dma_start3A_187] : memref<32x5x25x2x80xi32, #tpu.memory_space<hbm>> -> memref<1x1x25x2x80xi32, #tpu.memory_space<hbm>>
          %dma_start3A_189 = tpu.memref_squeeze %dma_start3A_188 : memref<1x1x25x2x80xi32, #tpu.memory_space<hbm>> -> memref<25x2x80xi32, #tpu.memory_space<hbm>>
          %dma_start3A_190 = arith.constant 0 : i32
          %dma_start3A_191 = arith.constant 0 : i32
          %dma_start3A_192 = arith.constant 0 : i32
          %dma_start3A_193 = tpu.memref_slice %arg4[%add3A, %select_n3A, %dma_start3A_190, %dma_start3A_191, %dma_start3A_192] : memref<32x5x25x2x80xi32, #tpu.memory_space<hbm>> -> memref<1x1x25x2x80xi32, #tpu.memory_space<hbm>>
          %dma_start3A_194 = tpu.memref_squeeze %dma_start3A_193 : memref<1x1x25x2x80xi32, #tpu.memory_space<hbm>> -> memref<25x2x80xi32, #tpu.memory_space<hbm>>
          tpu.enqueue_dma source(%dma_start3A_194 : memref<25x2x80xi32, #tpu.memory_space<hbm>>) target(%arg6 : memref<25x2x80xi32, #tpu.memory_space<vmem>>) target_semaphore(%run_scoped3A_185 : memref<!tpu.dma_semaphore, #tpu.memory_space<semaphore_mem>>)
          %dma_wait3A = arith.constant 0 : i32
          %dma_wait3A_195 = arith.constant 0 : i32
          %dma_wait3A_196 = arith.constant 0 : i32
          %dma_wait3A_197 = tpu.memref_slice %arg4[%add3A, %select_n3A, %dma_wait3A, %dma_wait3A_195, %dma_wait3A_196] : memref<32x5x25x2x80xi32, #tpu.memory_space<hbm>> -> memref<1x1x25x2x80xi32, #tpu.memory_space<hbm>>
          %dma_wait3A_198 = tpu.memref_squeeze %dma_wait3A_197 : memref<1x1x25x2x80xi32, #tpu.memory_space<hbm>> -> memref<25x2x80xi32, #tpu.memory_space<hbm>>
          %dma_wait3A_199 = arith.constant 0 : i32
          %dma_wait3A_200 = arith.constant 0 : i32
          %dma_wait3A_201 = arith.constant 0 : i32
          %dma_wait3A_202 = tpu.memref_slice %arg4[%add3A, %select_n3A, %dma_wait3A_199, %dma_wait3A_200, %dma_wait3A_201] : memref<32x5x25x2x80xi32, #tpu.memory_space<hbm>> -> memref<1x1x25x2x80xi32, #tpu.memory_space<hbm>>
          %dma_wait3A_203 = tpu.memref_squeeze %dma_wait3A_202 : memref<1x1x25x2x80xi32, #tpu.memory_space<hbm>> -> memref<25x2x80xi32, #tpu.memory_space<hbm>>
          tpu.wait_dma2 semaphore(%run_scoped3A_185 : memref<!tpu.dma_semaphore, #tpu.memory_space<semaphore_mem>>) src(%dma_wait3A_203 : memref<25x2x80xi32, #tpu.memory_space<hbm>>) dst(%arg6 : memref<25x2x80xi32, #tpu.memory_space<vmem>>)
          tpu.yield
        }) : () -> ()
      } else {
      }
      %eq3A_112 = arith.constant 0 : i32
      %eq3A_113 = arith.cmpi eq, %select_n3A_87, %eq3A_112 : i32
      %eq3A_114 = arith.constant 0 : i32
      %eq3A_115 = arith.cmpi eq, %select_n3A_103, %eq3A_114 : i32
      %and3A_116 = arith.andi %eq3A_113, %eq3A_115 : i1
      %convert_element_type3A_117 = arith.extui %and3A_116 : i1 to i32
      %cond3A_118 = arith.constant 0 : i32
      %cond3A_119 = arith.cmpi ne, %convert_element_type3A_117, %cond3A_118 : i32
      scf.if %cond3A_119 {
        %dma_start3A = arith.constant 0 : i32
        %dma_start3A_185 = arith.constant 0 : i32
        %dma_start3A_186 = arith.constant 0 : i32
        %dma_start3A_187 = arith.constant 0 : i32
        %dma_start3A_188 = arith.constant 0 : i32
        %dma_start3A_189 = tpu.memref_slice %arg7[%dma_start3A_186, %dma_start3A_187, %dma_start3A_188] : memref<2x80x128xf32, #tpu.memory_space<vmem>> -> memref<1x80x128xf32, #tpu.memory_space<vmem>>
        %dma_start3A_190 = tpu.memref_squeeze %dma_start3A_189 : memref<1x80x128xf32, #tpu.memory_space<vmem>> -> memref<80x128xf32, #tpu.memory_space<vmem>>
        %dma_start3A_191 = arith.constant 0 : i32
        %dma_start3A_192 = tpu.memref_slice %arg6[%dma_start3A, %dma_start3A_185, %dma_start3A_191] : memref<25x2x80xi32, #tpu.memory_space<vmem>> -> memref<1x1x80xi32, #tpu.memory_space<vmem>>
        %dma_start3A_193 = tpu.memref_squeeze %dma_start3A_192 : memref<1x1x80xi32, #tpu.memory_space<vmem>> -> memref<80xi32, #tpu.memory_space<vmem>>
        %dma_start3A_194 = arith.constant 0 : i32
        %dma_start3A_195 = arith.constant 0 : i32
        %dma_start3A_196 = tpu.memref_slice %arg2[%dma_start3A_194, %dma_start3A_195] : memref<10000x128xf32, #tpu.memory_space<hbm>> -> memref<10000x128xf32, #tpu.memory_space<hbm>>
        tpu.enqueue_indirect_dma source(%dma_start3A_196 : memref<10000x128xf32, #tpu.memory_space<hbm>>) target(%dma_start3A_190 : memref<80x128xf32, #tpu.memory_space<vmem>>) offsets(%dma_start3A_193 : memref<80xi32, #tpu.memory_space<vmem>>) semaphore(%arg10 : memref<!tpu.dma_semaphore, #tpu.memory_space<semaphore_mem>>)
        %dma_start3A_197 = arith.constant 1 : i32
        %dma_start3A_198 = arith.constant 0 : i32
        %dma_start3A_199 = arith.constant 1 : i32
        %dma_start3A_200 = arith.constant 0 : i32
        %dma_start3A_201 = arith.constant 0 : i32
        %dma_start3A_202 = tpu.memref_slice %arg7[%dma_start3A_199, %dma_start3A_200, %dma_start3A_201] : memref<2x80x128xf32, #tpu.memory_space<vmem>> -> memref<1x80x128xf32, #tpu.memory_space<vmem>>
        %dma_start3A_203 = tpu.memref_squeeze %dma_start3A_202 : memref<1x80x128xf32, #tpu.memory_space<vmem>> -> memref<80x128xf32, #tpu.memory_space<vmem>>
        %dma_start3A_204 = arith.constant 0 : i32
        %dma_start3A_205 = tpu.memref_slice %arg6[%dma_start3A_197, %dma_start3A_198, %dma_start3A_204] : memref<25x2x80xi32, #tpu.memory_space<vmem>> -> memref<1x1x80xi32, #tpu.memory_space<vmem>>
        %dma_start3A_206 = tpu.memref_squeeze %dma_start3A_205 : memref<1x1x80xi32, #tpu.memory_space<vmem>> -> memref<80xi32, #tpu.memory_space<vmem>>
        %dma_start3A_207 = arith.constant 0 : i32
        %dma_start3A_208 = arith.constant 0 : i32
        %dma_start3A_209 = tpu.memref_slice %arg2[%dma_start3A_207, %dma_start3A_208] : memref<10000x128xf32, #tpu.memory_space<hbm>> -> memref<10000x128xf32, #tpu.memory_space<hbm>>
        tpu.enqueue_indirect_dma source(%dma_start3A_209 : memref<10000x128xf32, #tpu.memory_space<hbm>>) target(%dma_start3A_203 : memref<80x128xf32, #tpu.memory_space<vmem>>) offsets(%dma_start3A_206 : memref<80xi32, #tpu.memory_space<vmem>>) semaphore(%arg11 : memref<!tpu.dma_semaphore, #tpu.memory_space<semaphore_mem>>)
      } else {
      }
      %eq3A_120 = arith.constant 0 : i32
      %eq3A_121 = arith.cmpi eq, %select_n3A_87, %eq3A_120 : i32
      %eq3A_122 = arith.constant 1 : i32
      %eq3A_123 = arith.cmpi eq, %select_n3A_103, %eq3A_122 : i32
      %and3A_124 = arith.andi %eq3A_121, %eq3A_123 : i1
      %convert_element_type3A_125 = arith.extui %and3A_124 : i1 to i32
      %cond3A_126 = arith.constant 0 : i32
      %cond3A_127 = arith.cmpi ne, %convert_element_type3A_125, %cond3A_126 : i32
      scf.if %cond3A_127 {
        %dma_start3A = arith.constant 0 : i32
        %dma_start3A_185 = arith.constant 0 : i32
        %dma_start3A_186 = arith.constant 1 : i32
        %dma_start3A_187 = arith.constant 0 : i32
        %dma_start3A_188 = arith.constant 0 : i32
        %dma_start3A_189 = tpu.memref_slice %arg7[%dma_start3A_186, %dma_start3A_187, %dma_start3A_188] : memref<2x80x128xf32, #tpu.memory_space<vmem>> -> memref<1x80x128xf32, #tpu.memory_space<vmem>>
        %dma_start3A_190 = tpu.memref_squeeze %dma_start3A_189 : memref<1x80x128xf32, #tpu.memory_space<vmem>> -> memref<80x128xf32, #tpu.memory_space<vmem>>
        %dma_start3A_191 = arith.constant 0 : i32
        %dma_start3A_192 = tpu.memref_slice %arg6[%dma_start3A, %dma_start3A_185, %dma_start3A_191] : memref<25x2x80xi32, #tpu.memory_space<vmem>> -> memref<1x1x80xi32, #tpu.memory_space<vmem>>
        %dma_start3A_193 = tpu.memref_squeeze %dma_start3A_192 : memref<1x1x80xi32, #tpu.memory_space<vmem>> -> memref<80xi32, #tpu.memory_space<vmem>>
        %dma_start3A_194 = arith.constant 0 : i32
        %dma_start3A_195 = arith.constant 0 : i32
        %dma_start3A_196 = tpu.memref_slice %arg2[%dma_start3A_194, %dma_start3A_195] : memref<10000x128xf32, #tpu.memory_space<hbm>> -> memref<10000x128xf32, #tpu.memory_space<hbm>>
        tpu.enqueue_indirect_dma source(%dma_start3A_196 : memref<10000x128xf32, #tpu.memory_space<hbm>>) target(%dma_start3A_190 : memref<80x128xf32, #tpu.memory_space<vmem>>) offsets(%dma_start3A_193 : memref<80xi32, #tpu.memory_space<vmem>>) semaphore(%arg11 : memref<!tpu.dma_semaphore, #tpu.memory_space<semaphore_mem>>)
        %dma_start3A_197 = arith.constant 1 : i32
        %dma_start3A_198 = arith.constant 0 : i32
        %dma_start3A_199 = arith.constant 0 : i32
        %dma_start3A_200 = arith.constant 0 : i32
        %dma_start3A_201 = arith.constant 0 : i32
        %dma_start3A_202 = tpu.memref_slice %arg7[%dma_start3A_199, %dma_start3A_200, %dma_start3A_201] : memref<2x80x128xf32, #tpu.memory_space<vmem>> -> memref<1x80x128xf32, #tpu.memory_space<vmem>>
        %dma_start3A_203 = tpu.memref_squeeze %dma_start3A_202 : memref<1x80x128xf32, #tpu.memory_space<vmem>> -> memref<80x128xf32, #tpu.memory_space<vmem>>
        %dma_start3A_204 = arith.constant 0 : i32
        %dma_start3A_205 = tpu.memref_slice %arg6[%dma_start3A_197, %dma_start3A_198, %dma_start3A_204] : memref<25x2x80xi32, #tpu.memory_space<vmem>> -> memref<1x1x80xi32, #tpu.memory_space<vmem>>
        %dma_start3A_206 = tpu.memref_squeeze %dma_start3A_205 : memref<1x1x80xi32, #tpu.memory_space<vmem>> -> memref<80xi32, #tpu.memory_space<vmem>>
        %dma_start3A_207 = arith.constant 0 : i32
        %dma_start3A_208 = arith.constant 0 : i32
        %dma_start3A_209 = tpu.memref_slice %arg2[%dma_start3A_207, %dma_start3A_208] : memref<10000x128xf32, #tpu.memory_space<hbm>> -> memref<10000x128xf32, #tpu.memory_space<hbm>>
        tpu.enqueue_indirect_dma source(%dma_start3A_209 : memref<10000x128xf32, #tpu.memory_space<hbm>>) target(%dma_start3A_203 : memref<80x128xf32, #tpu.memory_space<vmem>>) offsets(%dma_start3A_206 : memref<80xi32, #tpu.memory_space<vmem>>) semaphore(%arg10 : memref<!tpu.dma_semaphore, #tpu.memory_space<semaphore_mem>>)
      } else {
      }
      %eq3A_128 = arith.constant 0 : i32
      %eq3A_129 = arith.cmpi eq, %scan3A_57, %eq3A_128 : i32
      %convert_element_type3A_130 = arith.extui %eq3A_129 : i1 to i32
      %cond3A_131 = arith.constant 0 : i32
      %cond3A_132 = arith.cmpi ne, %convert_element_type3A_130, %cond3A_131 : i32
      scf.if %cond3A_132 {
        %dma_start3A = arith.constant 0 : i32
        %dma_start3A_185 = arith.constant 0 : i32
        %dma_start3A_186 = arith.constant 0 : i32
        %dma_start3A_187 = tpu.memref_slice %arg8[%dma_start3A, %dma_start3A_185, %dma_start3A_186] : memref<2x80x64xi32, #tpu.memory_space<vmem>> -> memref<1x80x64xi32, #tpu.memory_space<vmem>>
        %dma_start3A_188 = tpu.memref_squeeze %dma_start3A_187 : memref<1x80x64xi32, #tpu.memory_space<vmem>> -> memref<80x64xi32, #tpu.memory_space<vmem>>
        %dma_start3A_189 = arith.constant 0 : i32
        %dma_start3A_190 = tpu.memref_slice %arg3[%add3A_108, %dma_start3A_189] : memref<320000x64xi32, #tpu.memory_space<hbm>> -> memref<80x64xi32, #tpu.memory_space<hbm>>
        %dma_start3A_191 = arith.constant 0 : i32
        %dma_start3A_192 = arith.constant 0 : i32
        %dma_start3A_193 = tpu.memref_slice %arg8[%dma_start3A, %dma_start3A_191, %dma_start3A_192] : memref<2x80x64xi32, #tpu.memory_space<vmem>> -> memref<1x80x64xi32, #tpu.memory_space<vmem>>
        %dma_start3A_194 = tpu.memref_squeeze %dma_start3A_193 : memref<1x80x64xi32, #tpu.memory_space<vmem>> -> memref<80x64xi32, #tpu.memory_space<vmem>>
        %dma_start3A_195 = arith.constant 0 : i32
        %dma_start3A_196 = tpu.memref_slice %arg3[%add3A_108, %dma_start3A_195] : memref<320000x64xi32, #tpu.memory_space<hbm>> -> memref<80x64xi32, #tpu.memory_space<hbm>>
        tpu.enqueue_dma source(%dma_start3A_196 : memref<80x64xi32, #tpu.memory_space<hbm>>) target(%dma_start3A_194 : memref<80x64xi32, #tpu.memory_space<vmem>>) target_semaphore(%arg12 : memref<!tpu.dma_semaphore, #tpu.memory_space<semaphore_mem>>)
      } else {
      }
      %add3A_133 = arith.constant 1 : i32
      %add3A_134 = arith.addi %scan3A_57, %add3A_133 : i32
      %lt3A_135 = arith.constant 125 : i32
      %lt3A_136 = arith.cmpi slt, %add3A_134, %lt3A_135 : i32
      %eq3A_137 = arith.constant 0 : i32
      %eq3A_138 = arith.cmpi eq, %select_n3A_103, %eq3A_137 : i32
      %and3A_139 = arith.andi %lt3A_136, %eq3A_138 : i1
      %convert_element_type3A_140 = arith.extui %and3A_139 : i1 to i32
      %cond3A_141 = arith.constant 0 : i32
      %cond3A_142 = arith.cmpi ne, %convert_element_type3A_140, %cond3A_141 : i32
      scf.if %cond3A_142 {
        %add3A_185 = arith.constant 80 : i32
        %add3A_186 = arith.addi %add3A_108, %add3A_185 : i32
        %dma_start3A = arith.constant 1 : i32
        %dma_start3A_187 = arith.constant 0 : i32
        %dma_start3A_188 = arith.constant 0 : i32
        %dma_start3A_189 = tpu.memref_slice %arg8[%dma_start3A, %dma_start3A_187, %dma_start3A_188] : memref<2x80x64xi32, #tpu.memory_space<vmem>> -> memref<1x80x64xi32, #tpu.memory_space<vmem>>
        %dma_start3A_190 = tpu.memref_squeeze %dma_start3A_189 : memref<1x80x64xi32, #tpu.memory_space<vmem>> -> memref<80x64xi32, #tpu.memory_space<vmem>>
        %dma_start3A_191 = arith.constant 0 : i32
        %dma_start3A_192 = tpu.memref_slice %arg3[%add3A_186, %dma_start3A_191] : memref<320000x64xi32, #tpu.memory_space<hbm>> -> memref<80x64xi32, #tpu.memory_space<hbm>>
        %dma_start3A_193 = arith.constant 0 : i32
        %dma_start3A_194 = arith.constant 0 : i32
        %dma_start3A_195 = tpu.memref_slice %arg8[%dma_start3A, %dma_start3A_193, %dma_start3A_194] : memref<2x80x64xi32, #tpu.memory_space<vmem>> -> memref<1x80x64xi32, #tpu.memory_space<vmem>>
        %dma_start3A_196 = tpu.memref_squeeze %dma_start3A_195 : memref<1x80x64xi32, #tpu.memory_space<vmem>> -> memref<80x64xi32, #tpu.memory_space<vmem>>
        %dma_start3A_197 = arith.constant 0 : i32
        %dma_start3A_198 = tpu.memref_slice %arg3[%add3A_186, %dma_start3A_197] : memref<320000x64xi32, #tpu.memory_space<hbm>> -> memref<80x64xi32, #tpu.memory_space<hbm>>
        tpu.enqueue_dma source(%dma_start3A_198 : memref<80x64xi32, #tpu.memory_space<hbm>>) target(%dma_start3A_196 : memref<80x64xi32, #tpu.memory_space<vmem>>) target_semaphore(%arg13 : memref<!tpu.dma_semaphore, #tpu.memory_space<semaphore_mem>>)
      } else {
      }
      %add3A_143 = arith.constant 1 : i32
      %add3A_144 = arith.addi %scan3A_57, %add3A_143 : i32
      %lt3A_145 = arith.constant 125 : i32
      %lt3A_146 = arith.cmpi slt, %add3A_144, %lt3A_145 : i32
      %eq3A_147 = arith.constant 1 : i32
      %eq3A_148 = arith.cmpi eq, %select_n3A_103, %eq3A_147 : i32
      %and3A_149 = arith.andi %lt3A_146, %eq3A_148 : i1
      %convert_element_type3A_150 = arith.extui %and3A_149 : i1 to i32
      %cond3A_151 = arith.constant 0 : i32
      %cond3A_152 = arith.cmpi ne, %convert_element_type3A_150, %cond3A_151 : i32
      scf.if %cond3A_152 {
        %add3A_185 = arith.constant 80 : i32
        %add3A_186 = arith.addi %add3A_108, %add3A_185 : i32
        %dma_start3A = arith.constant 0 : i32
        %dma_start3A_187 = arith.constant 0 : i32
        %dma_start3A_188 = arith.constant 0 : i32
        %dma_start3A_189 = tpu.memref_slice %arg8[%dma_start3A, %dma_start3A_187, %dma_start3A_188] : memref<2x80x64xi32, #tpu.memory_space<vmem>> -> memref<1x80x64xi32, #tpu.memory_space<vmem>>
        %dma_start3A_190 = tpu.memref_squeeze %dma_start3A_189 : memref<1x80x64xi32, #tpu.memory_space<vmem>> -> memref<80x64xi32, #tpu.memory_space<vmem>>
        %dma_start3A_191 = arith.constant 0 : i32
        %dma_start3A_192 = tpu.memref_slice %arg3[%add3A_186, %dma_start3A_191] : memref<320000x64xi32, #tpu.memory_space<hbm>> -> memref<80x64xi32, #tpu.memory_space<hbm>>
        %dma_start3A_193 = arith.constant 0 : i32
        %dma_start3A_194 = arith.constant 0 : i32
        %dma_start3A_195 = tpu.memref_slice %arg8[%dma_start3A, %dma_start3A_193, %dma_start3A_194] : memref<2x80x64xi32, #tpu.memory_space<vmem>> -> memref<1x80x64xi32, #tpu.memory_space<vmem>>
        %dma_start3A_196 = tpu.memref_squeeze %dma_start3A_195 : memref<1x80x64xi32, #tpu.memory_space<vmem>> -> memref<80x64xi32, #tpu.memory_space<vmem>>
        %dma_start3A_197 = arith.constant 0 : i32
        %dma_start3A_198 = tpu.memref_slice %arg3[%add3A_186, %dma_start3A_197] : memref<320000x64xi32, #tpu.memory_space<hbm>> -> memref<80x64xi32, #tpu.memory_space<hbm>>
        tpu.enqueue_dma source(%dma_start3A_198 : memref<80x64xi32, #tpu.memory_space<hbm>>) target(%dma_start3A_196 : memref<80x64xi32, #tpu.memory_space<vmem>>) target_semaphore(%arg12 : memref<!tpu.dma_semaphore, #tpu.memory_space<semaphore_mem>>)
      } else {
      }
      %eq3A_153 = arith.constant 0 : i32
      %eq3A_154 = arith.cmpi eq, %select_n3A_103, %eq3A_153 : i32
      %convert_element_type3A_155 = arith.extui %eq3A_154 : i1 to i32
      %cond3A_156 = arith.constant 0 : i32
      %cond3A_157 = arith.cmpi ne, %convert_element_type3A_155, %cond3A_156 : i32
      scf.if %cond3A_157 {
        %dma_wait3A = arith.constant 0 : i32
        %dma_wait3A_185 = arith.constant 0 : i32
        %dma_wait3A_186 = arith.constant 0 : i32
        %dma_wait3A_187 = tpu.memref_slice %arg8[%dma_wait3A, %dma_wait3A_185, %dma_wait3A_186] : memref<2x80x64xi32, #tpu.memory_space<vmem>> -> memref<1x80x64xi32, #tpu.memory_space<vmem>>
        %dma_wait3A_188 = tpu.memref_squeeze %dma_wait3A_187 : memref<1x80x64xi32, #tpu.memory_space<vmem>> -> memref<80x64xi32, #tpu.memory_space<vmem>>
        %dma_wait3A_189 = arith.constant 0 : i32
        %dma_wait3A_190 = tpu.memref_slice %arg3[%add3A_108, %dma_wait3A_189] : memref<320000x64xi32, #tpu.memory_space<hbm>> -> memref<80x64xi32, #tpu.memory_space<hbm>>
        %dma_wait3A_191 = arith.constant 0 : i32
        %dma_wait3A_192 = arith.constant 0 : i32
        %dma_wait3A_193 = tpu.memref_slice %arg8[%dma_wait3A, %dma_wait3A_191, %dma_wait3A_192] : memref<2x80x64xi32, #tpu.memory_space<vmem>> -> memref<1x80x64xi32, #tpu.memory_space<vmem>>
        %dma_wait3A_194 = tpu.memref_squeeze %dma_wait3A_193 : memref<1x80x64xi32, #tpu.memory_space<vmem>> -> memref<80x64xi32, #tpu.memory_space<vmem>>
        %dma_wait3A_195 = arith.constant 0 : i32
        %dma_wait3A_196 = tpu.memref_slice %arg3[%add3A_108, %dma_wait3A_195] : memref<320000x64xi32, #tpu.memory_space<hbm>> -> memref<80x64xi32, #tpu.memory_space<hbm>>
        tpu.wait_dma2 semaphore(%arg12 : memref<!tpu.dma_semaphore, #tpu.memory_space<semaphore_mem>>) src(%dma_wait3A_196 : memref<80x64xi32, #tpu.memory_space<hbm>>) dst(%dma_wait3A_194 : memref<80x64xi32, #tpu.memory_space<vmem>>)
        %dma_wait3A_197 = arith.constant 0 : i32
        %dma_wait3A_198 = arith.constant 0 : i32
        %dma_wait3A_199 = arith.constant 0 : i32
        %dma_wait3A_200 = arith.constant 0 : i32
        %dma_wait3A_201 = tpu.memref_slice %arg7[%dma_wait3A_198, %dma_wait3A_199, %dma_wait3A_200] : memref<2x80x128xf32, #tpu.memory_space<vmem>> -> memref<1x80x128xf32, #tpu.memory_space<vmem>>
        %dma_wait3A_202 = tpu.memref_squeeze %dma_wait3A_201 : memref<1x80x128xf32, #tpu.memory_space<vmem>> -> memref<80x128xf32, #tpu.memory_space<vmem>>
        %dma_wait3A_203 = arith.constant 0 : i32
        %dma_wait3A_204 = tpu.memref_slice %arg6[%select_n3A_87, %dma_wait3A_197, %dma_wait3A_203] : memref<25x2x80xi32, #tpu.memory_space<vmem>> -> memref<1x1x80xi32, #tpu.memory_space<vmem>>
        %dma_wait3A_205 = tpu.memref_squeeze %dma_wait3A_204 : memref<1x1x80xi32, #tpu.memory_space<vmem>> -> memref<80xi32, #tpu.memory_space<vmem>>
        %dma_wait3A_206 = arith.constant 0 : i32
        %dma_wait3A_207 = arith.constant 0 : i32
        %dma_wait3A_208 = tpu.memref_slice %arg2[%dma_wait3A_206, %dma_wait3A_207] : memref<10000x128xf32, #tpu.memory_space<hbm>> -> memref<10000x128xf32, #tpu.memory_space<hbm>>
        tpu.wait_indirect_dma semaphore(%arg10 : memref<!tpu.dma_semaphore, #tpu.memory_space<semaphore_mem>>) src(%dma_wait3A_208 : memref<10000x128xf32, #tpu.memory_space<hbm>>) dst(%dma_wait3A_202 : memref<80x128xf32, #tpu.memory_space<vmem>>)
      } else {
      }
      %eq3A_158 = arith.constant 1 : i32
      %eq3A_159 = arith.cmpi eq, %select_n3A_103, %eq3A_158 : i32
      %convert_element_type3A_160 = arith.extui %eq3A_159 : i1 to i32
      %cond3A_161 = arith.constant 0 : i32
      %cond3A_162 = arith.cmpi ne, %convert_element_type3A_160, %cond3A_161 : i32
      scf.if %cond3A_162 {
        %dma_wait3A = arith.constant 1 : i32
        %dma_wait3A_185 = arith.constant 0 : i32
        %dma_wait3A_186 = arith.constant 0 : i32
        %dma_wait3A_187 = tpu.memref_slice %arg8[%dma_wait3A, %dma_wait3A_185, %dma_wait3A_186] : memref<2x80x64xi32, #tpu.memory_space<vmem>> -> memref<1x80x64xi32, #tpu.memory_space<vmem>>
        %dma_wait3A_188 = tpu.memref_squeeze %dma_wait3A_187 : memref<1x80x64xi32, #tpu.memory_space<vmem>> -> memref<80x64xi32, #tpu.memory_space<vmem>>
        %dma_wait3A_189 = arith.constant 0 : i32
        %dma_wait3A_190 = tpu.memref_slice %arg3[%add3A_108, %dma_wait3A_189] : memref<320000x64xi32, #tpu.memory_space<hbm>> -> memref<80x64xi32, #tpu.memory_space<hbm>>
        %dma_wait3A_191 = arith.constant 0 : i32
        %dma_wait3A_192 = arith.constant 0 : i32
        %dma_wait3A_193 = tpu.memref_slice %arg8[%dma_wait3A, %dma_wait3A_191, %dma_wait3A_192] : memref<2x80x64xi32, #tpu.memory_space<vmem>> -> memref<1x80x64xi32, #tpu.memory_space<vmem>>
        %dma_wait3A_194 = tpu.memref_squeeze %dma_wait3A_193 : memref<1x80x64xi32, #tpu.memory_space<vmem>> -> memref<80x64xi32, #tpu.memory_space<vmem>>
        %dma_wait3A_195 = arith.constant 0 : i32
        %dma_wait3A_196 = tpu.memref_slice %arg3[%add3A_108, %dma_wait3A_195] : memref<320000x64xi32, #tpu.memory_space<hbm>> -> memref<80x64xi32, #tpu.memory_space<hbm>>
        tpu.wait_dma2 semaphore(%arg13 : memref<!tpu.dma_semaphore, #tpu.memory_space<semaphore_mem>>) src(%dma_wait3A_196 : memref<80x64xi32, #tpu.memory_space<hbm>>) dst(%dma_wait3A_194 : memref<80x64xi32, #tpu.memory_space<vmem>>)
        %dma_wait3A_197 = arith.constant 0 : i32
        %dma_wait3A_198 = arith.constant 1 : i32
        %dma_wait3A_199 = arith.constant 0 : i32
        %dma_wait3A_200 = arith.constant 0 : i32
        %dma_wait3A_201 = tpu.memref_slice %arg7[%dma_wait3A_198, %dma_wait3A_199, %dma_wait3A_200] : memref<2x80x128xf32, #tpu.memory_space<vmem>> -> memref<1x80x128xf32, #tpu.memory_space<vmem>>
        %dma_wait3A_202 = tpu.memref_squeeze %dma_wait3A_201 : memref<1x80x128xf32, #tpu.memory_space<vmem>> -> memref<80x128xf32, #tpu.memory_space<vmem>>
        %dma_wait3A_203 = arith.constant 0 : i32
        %dma_wait3A_204 = tpu.memref_slice %arg6[%select_n3A_87, %dma_wait3A_197, %dma_wait3A_203] : memref<25x2x80xi32, #tpu.memory_space<vmem>> -> memref<1x1x80xi32, #tpu.memory_space<vmem>>
        %dma_wait3A_205 = tpu.memref_squeeze %dma_wait3A_204 : memref<1x1x80xi32, #tpu.memory_space<vmem>> -> memref<80xi32, #tpu.memory_space<vmem>>
        %dma_wait3A_206 = arith.constant 0 : i32
        %dma_wait3A_207 = arith.constant 0 : i32
        %dma_wait3A_208 = tpu.memref_slice %arg2[%dma_wait3A_206, %dma_wait3A_207] : memref<10000x128xf32, #tpu.memory_space<hbm>> -> memref<10000x128xf32, #tpu.memory_space<hbm>>
        tpu.wait_indirect_dma semaphore(%arg11 : memref<!tpu.dma_semaphore, #tpu.memory_space<semaphore_mem>>) src(%dma_wait3A_208 : memref<10000x128xf32, #tpu.memory_space<hbm>>) dst(%dma_wait3A_202 : memref<80x128xf32, #tpu.memory_space<vmem>>)
      } else {
      }
      %broadcast_in_dim3A = arith.constant -65536 : i32
      %broadcast_in_dim3A_163 = vector.broadcast %broadcast_in_dim3A : i32 to vector<16xi32>
      %broadcast_in_dim3A_164 = arith.constant 16 : i32
      %broadcast_in_dim3A_165 = vector.broadcast %broadcast_in_dim3A_164 : i32 to vector<16xi32>
      %parallel_loop3A = arith.constant 0 : i32
      %parallel_loop3A_166 = arith.constant 80 : i32
      %parallel_loop3A_167 = arith.constant 1 : i32
      scf.for %parallel_loop3A_185 = %parallel_loop3A to %parallel_loop3A_166 step %parallel_loop3A_167  : i32 {
        %parallel_loop3A_186 = arith.index_cast %select_n3A_103 : i32 to index
        %parallel_loop3A_187 = arith.index_cast %parallel_loop3A_185 : i32 to index
        %parallel_loop3A_188 = arith.constant 0 : index
        %parallel_loop3A_189 = tpu.vector_load %arg8[%parallel_loop3A_186, %parallel_loop3A_187, %parallel_loop3A_188] {strides = array<i32>} : memref<2x80x64xi32, #tpu.memory_space<vmem>>, vector<1x1x16xi32>,
        %parallel_loop3A_190 = vector.shape_cast %parallel_loop3A_189 : vector<1x1x16xi32> to vector<16xi32>
        %parallel_loop3A_191 = arith.shli %parallel_loop3A_190, %broadcast_in_dim3A_165 : vector<16xi32>
        %parallel_loop3A_192 = tpu.bitcast %parallel_loop3A_191 : vector<16xi32> -> vector<16xf32>
        %parallel_loop3A_193 = arith.andi %parallel_loop3A_190, %broadcast_in_dim3A_163 : vector<16xi32>
        %parallel_loop3A_194 = tpu.bitcast %parallel_loop3A_193 : vector<16xi32> -> vector<16xf32>
        %parallel_loop3A_195 = arith.index_cast %select_n3A_103 : i32 to index
        %parallel_loop3A_196 = arith.index_cast %parallel_loop3A_185 : i32 to index
        %parallel_loop3A_197 = arith.constant 0 : index
        %parallel_loop3A_198 = tpu.vector_load %arg7[%parallel_loop3A_195, %parallel_loop3A_196, %parallel_loop3A_197] {strides = array<i32>} : memref<2x80x128xf32, #tpu.memory_space<vmem>>, vector<1x1x16xf32>,
        %parallel_loop3A_199 = vector.shape_cast %parallel_loop3A_198 : vector<1x1x16xf32> to vector<16xf32>
        %parallel_loop3A_200 = arith.mulf %parallel_loop3A_199, %parallel_loop3A_192 : vector<16xf32>
        %parallel_loop3A_201 = arith.index_cast %select_n3A_103 : i32 to index
        %parallel_loop3A_202 = arith.index_cast %parallel_loop3A_185 : i32 to index
        %parallel_loop3A_203 = arith.constant 0 : index
        %parallel_loop3A_204 = tpu.vector_load %arg7[%parallel_loop3A_201, %parallel_loop3A_202, %parallel_loop3A_203] {strides = array<i32>} : memref<2x80x128xf32, #tpu.memory_space<vmem>>, vector<1x1x16xf32>,
        %parallel_loop3A_205 = vector.shape_cast %parallel_loop3A_204 : vector<1x1x16xf32> to vector<16xf32>
        %parallel_loop3A_206 = vector.shape_cast %parallel_loop3A_200 : vector<16xf32> to vector<1x1x16xf32>
        tpu.vector_store %arg7[%parallel_loop3A_201, %parallel_loop3A_202, %parallel_loop3A_203], %parallel_loop3A_206 {strides = array<i32>} : memref<2x80x128xf32, #tpu.memory_space<vmem>>, vector<1x1x16xf32>,
        %parallel_loop3A_207 = arith.index_cast %select_n3A_103 : i32 to index
        %parallel_loop3A_208 = arith.index_cast %parallel_loop3A_185 : i32 to index
        %parallel_loop3A_209 = arith.constant 64 : index
        %parallel_loop3A_210 = tpu.vector_load %arg7[%parallel_loop3A_207, %parallel_loop3A_208, %parallel_loop3A_209] {strides = array<i32>} : memref<2x80x128xf32, #tpu.memory_space<vmem>>, vector<1x1x16xf32>,
        %parallel_loop3A_211 = vector.shape_cast %parallel_loop3A_210 : vector<1x1x16xf32> to vector<16xf32>
        %parallel_loop3A_212 = arith.mulf %parallel_loop3A_211, %parallel_loop3A_194 : vector<16xf32>
        %parallel_loop3A_213 = arith.index_cast %select_n3A_103 : i32 to index
        %parallel_loop3A_214 = arith.index_cast %parallel_loop3A_185 : i32 to index
        %parallel_loop3A_215 = arith.constant 64 : index
        %parallel_loop3A_216 = tpu.vector_load %arg7[%parallel_loop3A_213, %parallel_loop3A_214, %parallel_loop3A_215] {strides = array<i32>} : memref<2x80x128xf32, #tpu.memory_space<vmem>>, vector<1x1x16xf32>,
        %parallel_loop3A_217 = vector.shape_cast %parallel_loop3A_216 : vector<1x1x16xf32> to vector<16xf32>
        %parallel_loop3A_218 = vector.shape_cast %parallel_loop3A_212 : vector<16xf32> to vector<1x1x16xf32>
        tpu.vector_store %arg7[%parallel_loop3A_213, %parallel_loop3A_214, %parallel_loop3A_215], %parallel_loop3A_218 {strides = array<i32>} : memref<2x80x128xf32, #tpu.memory_space<vmem>>, vector<1x1x16xf32>,
        %parallel_loop3A_219 = arith.index_cast %select_n3A_103 : i32 to index
        %parallel_loop3A_220 = arith.index_cast %parallel_loop3A_185 : i32 to index
        %parallel_loop3A_221 = arith.constant 16 : index
        %parallel_loop3A_222 = tpu.vector_load %arg8[%parallel_loop3A_219, %parallel_loop3A_220, %parallel_loop3A_221] {strides = array<i32>} : memref<2x80x64xi32, #tpu.memory_space<vmem>>, vector<1x1x16xi32>,
        %parallel_loop3A_223 = vector.shape_cast %parallel_loop3A_222 : vector<1x1x16xi32> to vector<16xi32>
        %parallel_loop3A_224 = arith.shli %parallel_loop3A_223, %broadcast_in_dim3A_165 : vector<16xi32>
        %parallel_loop3A_225 = tpu.bitcast %parallel_loop3A_224 : vector<16xi32> -> vector<16xf32>
        %parallel_loop3A_226 = arith.andi %parallel_loop3A_223, %broadcast_in_dim3A_163 : vector<16xi32>
        %parallel_loop3A_227 = tpu.bitcast %parallel_loop3A_226 : vector<16xi32> -> vector<16xf32>
        %parallel_loop3A_228 = arith.index_cast %select_n3A_103 : i32 to index
        %parallel_loop3A_229 = arith.index_cast %parallel_loop3A_185 : i32 to index
        %parallel_loop3A_230 = arith.constant 16 : index
        %parallel_loop3A_231 = tpu.vector_load %arg7[%parallel_loop3A_228, %parallel_loop3A_229, %parallel_loop3A_230] {strides = array<i32>} : memref<2x80x128xf32, #tpu.memory_space<vmem>>, vector<1x1x16xf32>,
        %parallel_loop3A_232 = vector.shape_cast %parallel_loop3A_231 : vector<1x1x16xf32> to vector<16xf32>
        %parallel_loop3A_233 = arith.mulf %parallel_loop3A_232, %parallel_loop3A_225 : vector<16xf32>
        %parallel_loop3A_234 = arith.index_cast %select_n3A_103 : i32 to index
        %parallel_loop3A_235 = arith.index_cast %parallel_loop3A_185 : i32 to index
        %parallel_loop3A_236 = arith.constant 16 : index
        %parallel_loop3A_237 = tpu.vector_load %arg7[%parallel_loop3A_234, %parallel_loop3A_235, %parallel_loop3A_236] {strides = array<i32>} : memref<2x80x128xf32, #tpu.memory_space<vmem>>, vector<1x1x16xf32>,
        %parallel_loop3A_238 = vector.shape_cast %parallel_loop3A_237 : vector<1x1x16xf32> to vector<16xf32>
        %parallel_loop3A_239 = vector.shape_cast %parallel_loop3A_233 : vector<16xf32> to vector<1x1x16xf32>
        tpu.vector_store %arg7[%parallel_loop3A_234, %parallel_loop3A_235, %parallel_loop3A_236], %parallel_loop3A_239 {strides = array<i32>} : memref<2x80x128xf32, #tpu.memory_space<vmem>>, vector<1x1x16xf32>,
        %parallel_loop3A_240 = arith.index_cast %select_n3A_103 : i32 to index
        %parallel_loop3A_241 = arith.index_cast %parallel_loop3A_185 : i32 to index
        %parallel_loop3A_242 = arith.constant 80 : index
        %parallel_loop3A_243 = tpu.vector_load %arg7[%parallel_loop3A_240, %parallel_loop3A_241, %parallel_loop3A_242] {strides = array<i32>} : memref<2x80x128xf32, #tpu.memory_space<vmem>>, vector<1x1x16xf32>,
        %parallel_loop3A_244 = vector.shape_cast %parallel_loop3A_243 : vector<1x1x16xf32> to vector<16xf32>
        %parallel_loop3A_245 = arith.mulf %parallel_loop3A_244, %parallel_loop3A_227 : vector<16xf32>
        %parallel_loop3A_246 = arith.index_cast %select_n3A_103 : i32 to index
        %parallel_loop3A_247 = arith.index_cast %parallel_loop3A_185 : i32 to index
        %parallel_loop3A_248 = arith.constant 80 : index
        %parallel_loop3A_249 = tpu.vector_load %arg7[%parallel_loop3A_246, %parallel_loop3A_247, %parallel_loop3A_248] {strides = array<i32>} : memref<2x80x128xf32, #tpu.memory_space<vmem>>, vector<1x1x16xf32>,
        %parallel_loop3A_250 = vector.shape_cast %parallel_loop3A_249 : vector<1x1x16xf32> to vector<16xf32>
        %parallel_loop3A_251 = vector.shape_cast %parallel_loop3A_245 : vector<16xf32> to vector<1x1x16xf32>
        tpu.vector_store %arg7[%parallel_loop3A_246, %parallel_loop3A_247, %parallel_loop3A_248], %parallel_loop3A_251 {strides = array<i32>} : memref<2x80x128xf32, #tpu.memory_space<vmem>>, vector<1x1x16xf32>,
        %parallel_loop3A_252 = arith.index_cast %select_n3A_103 : i32 to index
        %parallel_loop3A_253 = arith.index_cast %parallel_loop3A_185 : i32 to index
        %parallel_loop3A_254 = arith.constant 32 : index
        %parallel_loop3A_255 = tpu.vector_load %arg8[%parallel_loop3A_252, %parallel_loop3A_253, %parallel_loop3A_254] {strides = array<i32>} : memref<2x80x64xi32, #tpu.memory_space<vmem>>, vector<1x1x16xi32>,
        %parallel_loop3A_256 = vector.shape_cast %parallel_loop3A_255 : vector<1x1x16xi32> to vector<16xi32>
        %parallel_loop3A_257 = arith.shli %parallel_loop3A_256, %broadcast_in_dim3A_165 : vector<16xi32>
        %parallel_loop3A_258 = tpu.bitcast %parallel_loop3A_257 : vector<16xi32> -> vector<16xf32>
        %parallel_loop3A_259 = arith.andi %parallel_loop3A_256, %broadcast_in_dim3A_163 : vector<16xi32>
        %parallel_loop3A_260 = tpu.bitcast %parallel_loop3A_259 : vector<16xi32> -> vector<16xf32>
        %parallel_loop3A_261 = arith.index_cast %select_n3A_103 : i32 to index
        %parallel_loop3A_262 = arith.index_cast %parallel_loop3A_185 : i32 to index
        %parallel_loop3A_263 = arith.constant 32 : index
        %parallel_loop3A_264 = tpu.vector_load %arg7[%parallel_loop3A_261, %parallel_loop3A_262, %parallel_loop3A_263] {strides = array<i32>} : memref<2x80x128xf32, #tpu.memory_space<vmem>>, vector<1x1x16xf32>,
        %parallel_loop3A_265 = vector.shape_cast %parallel_loop3A_264 : vector<1x1x16xf32> to vector<16xf32>
        %parallel_loop3A_266 = arith.mulf %parallel_loop3A_265, %parallel_loop3A_258 : vector<16xf32>
        %parallel_loop3A_267 = arith.index_cast %select_n3A_103 : i32 to index
        %parallel_loop3A_268 = arith.index_cast %parallel_loop3A_185 : i32 to index
        %parallel_loop3A_269 = arith.constant 32 : index
        %parallel_loop3A_270 = tpu.vector_load %arg7[%parallel_loop3A_267, %parallel_loop3A_268, %parallel_loop3A_269] {strides = array<i32>} : memref<2x80x128xf32, #tpu.memory_space<vmem>>, vector<1x1x16xf32>,
        %parallel_loop3A_271 = vector.shape_cast %parallel_loop3A_270 : vector<1x1x16xf32> to vector<16xf32>
        %parallel_loop3A_272 = vector.shape_cast %parallel_loop3A_266 : vector<16xf32> to vector<1x1x16xf32>
        tpu.vector_store %arg7[%parallel_loop3A_267, %parallel_loop3A_268, %parallel_loop3A_269], %parallel_loop3A_272 {strides = array<i32>} : memref<2x80x128xf32, #tpu.memory_space<vmem>>, vector<1x1x16xf32>,
        %parallel_loop3A_273 = arith.index_cast %select_n3A_103 : i32 to index
        %parallel_loop3A_274 = arith.index_cast %parallel_loop3A_185 : i32 to index
        %parallel_loop3A_275 = arith.constant 96 : index
        %parallel_loop3A_276 = tpu.vector_load %arg7[%parallel_loop3A_273, %parallel_loop3A_274, %parallel_loop3A_275] {strides = array<i32>} : memref<2x80x128xf32, #tpu.memory_space<vmem>>, vector<1x1x16xf32>,
        %parallel_loop3A_277 = vector.shape_cast %parallel_loop3A_276 : vector<1x1x16xf32> to vector<16xf32>
        %parallel_loop3A_278 = arith.mulf %parallel_loop3A_277, %parallel_loop3A_260 : vector<16xf32>
        %parallel_loop3A_279 = arith.index_cast %select_n3A_103 : i32 to index
        %parallel_loop3A_280 = arith.index_cast %parallel_loop3A_185 : i32 to index
        %parallel_loop3A_281 = arith.constant 96 : index
        %parallel_loop3A_282 = tpu.vector_load %arg7[%parallel_loop3A_279, %parallel_loop3A_280, %parallel_loop3A_281] {strides = array<i32>} : memref<2x80x128xf32, #tpu.memory_space<vmem>>, vector<1x1x16xf32>,
        %parallel_loop3A_283 = vector.shape_cast %parallel_loop3A_282 : vector<1x1x16xf32> to vector<16xf32>
        %parallel_loop3A_284 = vector.shape_cast %parallel_loop3A_278 : vector<16xf32> to vector<1x1x16xf32>
        tpu.vector_store %arg7[%parallel_loop3A_279, %parallel_loop3A_280, %parallel_loop3A_281], %parallel_loop3A_284 {strides = array<i32>} : memref<2x80x128xf32, #tpu.memory_space<vmem>>, vector<1x1x16xf32>,
        %parallel_loop3A_285 = arith.index_cast %select_n3A_103 : i32 to index
        %parallel_loop3A_286 = arith.index_cast %parallel_loop3A_185 : i32 to index
        %parallel_loop3A_287 = arith.constant 48 : index
        %parallel_loop3A_288 = tpu.vector_load %arg8[%parallel_loop3A_285, %parallel_loop3A_286, %parallel_loop3A_287] {strides = array<i32>} : memref<2x80x64xi32, #tpu.memory_space<vmem>>, vector<1x1x16xi32>,
        %parallel_loop3A_289 = vector.shape_cast %parallel_loop3A_288 : vector<1x1x16xi32> to vector<16xi32>
        %parallel_loop3A_290 = arith.shli %parallel_loop3A_289, %broadcast_in_dim3A_165 : vector<16xi32>
        %parallel_loop3A_291 = tpu.bitcast %parallel_loop3A_290 : vector<16xi32> -> vector<16xf32>
        %parallel_loop3A_292 = arith.andi %parallel_loop3A_289, %broadcast_in_dim3A_163 : vector<16xi32>
        %parallel_loop3A_293 = tpu.bitcast %parallel_loop3A_292 : vector<16xi32> -> vector<16xf32>
        %parallel_loop3A_294 = arith.index_cast %select_n3A_103 : i32 to index
        %parallel_loop3A_295 = arith.index_cast %parallel_loop3A_185 : i32 to index
        %parallel_loop3A_296 = arith.constant 48 : index
        %parallel_loop3A_297 = tpu.vector_load %arg7[%parallel_loop3A_294, %parallel_loop3A_295, %parallel_loop3A_296] {strides = array<i32>} : memref<2x80x128xf32, #tpu.memory_space<vmem>>, vector<1x1x16xf32>,
        %parallel_loop3A_298 = vector.shape_cast %parallel_loop3A_297 : vector<1x1x16xf32> to vector<16xf32>
        %parallel_loop3A_299 = arith.mulf %parallel_loop3A_298, %parallel_loop3A_291 : vector<16xf32>
        %parallel_loop3A_300 = arith.index_cast %select_n3A_103 : i32 to index
        %parallel_loop3A_301 = arith.index_cast %parallel_loop3A_185 : i32 to index
        %parallel_loop3A_302 = arith.constant 48 : index
        %parallel_loop3A_303 = tpu.vector_load %arg7[%parallel_loop3A_300, %parallel_loop3A_301, %parallel_loop3A_302] {strides = array<i32>} : memref<2x80x128xf32, #tpu.memory_space<vmem>>, vector<1x1x16xf32>,
        %parallel_loop3A_304 = vector.shape_cast %parallel_loop3A_303 : vector<1x1x16xf32> to vector<16xf32>
        %parallel_loop3A_305 = vector.shape_cast %parallel_loop3A_299 : vector<16xf32> to vector<1x1x16xf32>
        tpu.vector_store %arg7[%parallel_loop3A_300, %parallel_loop3A_301, %parallel_loop3A_302], %parallel_loop3A_305 {strides = array<i32>} : memref<2x80x128xf32, #tpu.memory_space<vmem>>, vector<1x1x16xf32>,
        %parallel_loop3A_306 = arith.index_cast %select_n3A_103 : i32 to index
        %parallel_loop3A_307 = arith.index_cast %parallel_loop3A_185 : i32 to index
        %parallel_loop3A_308 = arith.constant 112 : index
        %parallel_loop3A_309 = tpu.vector_load %arg7[%parallel_loop3A_306, %parallel_loop3A_307, %parallel_loop3A_308] {strides = array<i32>} : memref<2x80x128xf32, #tpu.memory_space<vmem>>, vector<1x1x16xf32>,
        %parallel_loop3A_310 = vector.shape_cast %parallel_loop3A_309 : vector<1x1x16xf32> to vector<16xf32>
        %parallel_loop3A_311 = arith.mulf %parallel_loop3A_310, %parallel_loop3A_293 : vector<16xf32>
        %parallel_loop3A_312 = arith.index_cast %select_n3A_103 : i32 to index
        %parallel_loop3A_313 = arith.index_cast %parallel_loop3A_185 : i32 to index
        %parallel_loop3A_314 = arith.constant 112 : index
        %parallel_loop3A_315 = tpu.vector_load %arg7[%parallel_loop3A_312, %parallel_loop3A_313, %parallel_loop3A_314] {strides = array<i32>} : memref<2x80x128xf32, #tpu.memory_space<vmem>>, vector<1x1x16xf32>,
        %parallel_loop3A_316 = vector.shape_cast %parallel_loop3A_315 : vector<1x1x16xf32> to vector<16xf32>
        %parallel_loop3A_317 = vector.shape_cast %parallel_loop3A_311 : vector<16xf32> to vector<1x1x16xf32>
        tpu.vector_store %arg7[%parallel_loop3A_312, %parallel_loop3A_313, %parallel_loop3A_314], %parallel_loop3A_317 {strides = array<i32>} : memref<2x80x128xf32, #tpu.memory_space<vmem>>, vector<1x1x16xf32>,
      } {sc.loop_unroll_factor = 4 : i64, sc.parallel_access}
      %run_scoped3A_168 = arith.constant 1 : i32
      "tpu.region"() ({
        %run_scoped3A_185 = tpu.sem_alloc : memref<!tpu.dma_semaphore, #tpu.memory_space<semaphore_mem>>
        %dma_start3A = arith.constant 0 : i32
        %dma_start3A_186 = arith.constant 0 : i32
        %dma_start3A_187 = tpu.memref_slice %arg7[%select_n3A_103, %dma_start3A, %dma_start3A_186] : memref<2x80x128xf32, #tpu.memory_space<vmem>> -> memref<1x80x128xf32, #tpu.memory_space<vmem>>
        %dma_start3A_188 = tpu.memref_squeeze %dma_start3A_187 : memref<1x80x128xf32, #tpu.memory_space<vmem>> -> memref<80x128xf32, #tpu.memory_space<vmem>>
        %dma_start3A_189 = arith.constant 0 : i32
        %dma_start3A_190 = tpu.memref_slice %arg6[%select_n3A_87, %run_scoped3A_168, %dma_start3A_189] : memref<25x2x80xi32, #tpu.memory_space<vmem>> -> memref<1x1x80xi32, #tpu.memory_space<vmem>>
        %dma_start3A_191 = tpu.memref_squeeze %dma_start3A_190 : memref<1x1x80xi32, #tpu.memory_space<vmem>> -> memref<80xi32, #tpu.memory_space<vmem>>
        %dma_start3A_192 = arith.constant 0 : i32
        %dma_start3A_193 = arith.constant 0 : i32
        %dma_start3A_194 = tpu.memref_slice %arg9[%dma_start3A_192, %dma_start3A_193] : memref<10240x128xf32, #tpu.memory_space<vmem_shared>> -> memref<10240x128xf32, #tpu.memory_space<vmem_shared>>
        tpu.enqueue_indirect_dma source(%dma_start3A_188 : memref<80x128xf32, #tpu.memory_space<vmem>>) target(%dma_start3A_194 : memref<10240x128xf32, #tpu.memory_space<vmem_shared>>) offsets(%dma_start3A_191 : memref<80xi32, #tpu.memory_space<vmem>>) semaphore(%run_scoped3A_185 : memref<!tpu.dma_semaphore, #tpu.memory_space<semaphore_mem>>) {add = true}
        %dma_wait3A = arith.constant 0 : i32
        %dma_wait3A_195 = arith.constant 0 : i32
        %dma_wait3A_196 = tpu.memref_slice %arg7[%select_n3A_103, %dma_wait3A, %dma_wait3A_195] : memref<2x80x128xf32, #tpu.memory_space<vmem>> -> memref<1x80x128xf32, #tpu.memory_space<vmem>>
        %dma_wait3A_197 = tpu.memref_squeeze %dma_wait3A_196 : memref<1x80x128xf32, #tpu.memory_space<vmem>> -> memref<80x128xf32, #tpu.memory_space<vmem>>
        %dma_wait3A_198 = arith.constant 0 : i32
        %dma_wait3A_199 = tpu.memref_slice %arg6[%select_n3A_87, %run_scoped3A_168, %dma_wait3A_198] : memref<25x2x80xi32, #tpu.memory_space<vmem>> -> memref<1x1x80xi32, #tpu.memory_space<vmem>>
        %dma_wait3A_200 = tpu.memref_squeeze %dma_wait3A_199 : memref<1x1x80xi32, #tpu.memory_space<vmem>> -> memref<80xi32, #tpu.memory_space<vmem>>
        %dma_wait3A_201 = arith.constant 0 : i32
        %dma_wait3A_202 = arith.constant 0 : i32
        %dma_wait3A_203 = tpu.memref_slice %arg9[%dma_wait3A_201, %dma_wait3A_202] : memref<10240x128xf32, #tpu.memory_space<vmem_shared>> -> memref<10240x128xf32, #tpu.memory_space<vmem_shared>>
        tpu.wait_indirect_dma semaphore(%run_scoped3A_185 : memref<!tpu.dma_semaphore, #tpu.memory_space<semaphore_mem>>) src(%dma_wait3A_197 : memref<80x128xf32, #tpu.memory_space<vmem>>) dst(%dma_wait3A_203 : memref<10240x128xf32, #tpu.memory_space<vmem_shared>>)
        tpu.yield
      }) : () -> ()
      %lt3A_169 = arith.constant 23 : i32
      %lt3A_170 = arith.cmpi slt, %select_n3A_87, %lt3A_169 : i32
      %eq3A_171 = arith.constant 0 : i32
      %eq3A_172 = arith.cmpi eq, %select_n3A_103, %eq3A_171 : i32
      %and3A_173 = arith.andi %lt3A_170, %eq3A_172 : i1
      %convert_element_type3A_174 = arith.extui %and3A_173 : i1 to i32
      %cond3A_175 = arith.constant 0 : i32
      %cond3A_176 = arith.cmpi ne, %convert_element_type3A_174, %cond3A_175 : i32
      scf.if %cond3A_176 {
        %add3A_185 = arith.constant 2 : i32
        %add3A_186 = arith.addi %select_n3A_87, %add3A_185 : i32
        %dma_start3A = arith.constant 0 : i32
        %dma_start3A_187 = arith.constant 0 : i32
        %dma_start3A_188 = arith.constant 0 : i32
        %dma_start3A_189 = arith.constant 0 : i32
        %dma_start3A_190 = tpu.memref_slice %arg7[%dma_start3A_187, %dma_start3A_188, %dma_start3A_189] : memref<2x80x128xf32, #tpu.memory_space<vmem>> -> memref<1x80x128xf32, #tpu.memory_space<vmem>>
        %dma_start3A_191 = tpu.memref_squeeze %dma_start3A_190 : memref<1x80x128xf32, #tpu.memory_space<vmem>> -> memref<80x128xf32, #tpu.memory_space<vmem>>
        %dma_start3A_192 = arith.constant 0 : i32
        %dma_start3A_193 = tpu.memref_slice %arg6[%add3A_186, %dma_start3A, %dma_start3A_192] : memref<25x2x80xi32, #tpu.memory_space<vmem>> -> memref<1x1x80xi32, #tpu.memory_space<vmem>>
        %dma_start3A_194 = tpu.memref_squeeze %dma_start3A_193 : memref<1x1x80xi32, #tpu.memory_space<vmem>> -> memref<80xi32, #tpu.memory_space<vmem>>
        %dma_start3A_195 = arith.constant 0 : i32
        %dma_start3A_196 = arith.constant 0 : i32
        %dma_start3A_197 = tpu.memref_slice %arg2[%dma_start3A_195, %dma_start3A_196] : memref<10000x128xf32, #tpu.memory_space<hbm>> -> memref<10000x128xf32, #tpu.memory_space<hbm>>
        tpu.enqueue_indirect_dma source(%dma_start3A_197 : memref<10000x128xf32, #tpu.memory_space<hbm>>) target(%dma_start3A_191 : memref<80x128xf32, #tpu.memory_space<vmem>>) offsets(%dma_start3A_194 : memref<80xi32, #tpu.memory_space<vmem>>) semaphore(%arg10 : memref<!tpu.dma_semaphore, #tpu.memory_space<semaphore_mem>>)
      } else {
      }
      %lt3A_177 = arith.constant 23 : i32
      %lt3A_178 = arith.cmpi slt, %select_n3A_87, %lt3A_177 : i32
      %eq3A_179 = arith.constant 1 : i32
      %eq3A_180 = arith.cmpi eq, %select_n3A_103, %eq3A_179 : i32
      %and3A_181 = arith.andi %lt3A_178, %eq3A_180 : i1
      %convert_element_type3A_182 = arith.extui %and3A_181 : i1 to i32
      %cond3A_183 = arith.constant 0 : i32
      %cond3A_184 = arith.cmpi ne, %convert_element_type3A_182, %cond3A_183 : i32
      scf.if %cond3A_184 {
        %add3A_185 = arith.constant 2 : i32
        %add3A_186 = arith.addi %select_n3A_87, %add3A_185 : i32
        %dma_start3A = arith.constant 0 : i32
        %dma_start3A_187 = arith.constant 1 : i32
        %dma_start3A_188 = arith.constant 0 : i32
        %dma_start3A_189 = arith.constant 0 : i32
        %dma_start3A_190 = tpu.memref_slice %arg7[%dma_start3A_187, %dma_start3A_188, %dma_start3A_189] : memref<2x80x128xf32, #tpu.memory_space<vmem>> -> memref<1x80x128xf32, #tpu.memory_space<vmem>>
        %dma_start3A_191 = tpu.memref_squeeze %dma_start3A_190 : memref<1x80x128xf32, #tpu.memory_space<vmem>> -> memref<80x128xf32, #tpu.memory_space<vmem>>
        %dma_start3A_192 = arith.constant 0 : i32
        %dma_start3A_193 = tpu.memref_slice %arg6[%add3A_186, %dma_start3A, %dma_start3A_192] : memref<25x2x80xi32, #tpu.memory_space<vmem>> -> memref<1x1x80xi32, #tpu.memory_space<vmem>>
        %dma_start3A_194 = tpu.memref_squeeze %dma_start3A_193 : memref<1x1x80xi32, #tpu.memory_space<vmem>> -> memref<80xi32, #tpu.memory_space<vmem>>
        %dma_start3A_195 = arith.constant 0 : i32
        %dma_start3A_196 = arith.constant 0 : i32
        %dma_start3A_197 = tpu.memref_slice %arg2[%dma_start3A_195, %dma_start3A_196] : memref<10000x128xf32, #tpu.memory_space<hbm>> -> memref<10000x128xf32, #tpu.memory_space<hbm>>
        tpu.enqueue_indirect_dma source(%dma_start3A_197 : memref<10000x128xf32, #tpu.memory_space<hbm>>) target(%dma_start3A_191 : memref<80x128xf32, #tpu.memory_space<vmem>>) offsets(%dma_start3A_194 : memref<80xi32, #tpu.memory_space<vmem>>) semaphore(%arg11 : memref<!tpu.dma_semaphore, #tpu.memory_space<semaphore_mem>>)
      } else {
      }
    }
    %scan3A_50 = arith.constant 125 : i32
    %barrier3A_51 = arith.constant 0 : index
    tpu.barrier barrier_id(%barrier3A_51)
    %mul3A_52 = arith.constant 640 : i32
    %mul3A_53 = arith.muli %arg1, %mul3A_52 : i32
    %mul3A_54 = arith.constant 16 : i32
    %mul3A_55 = arith.muli %arg0, %mul3A_54 : i32
    %add3A_56 = arith.addi %mul3A_55, %arg1 : i32
    "tpu.region"() ({
      %run_scoped3A_57 = tpu.sem_alloc : memref<!tpu.dma_semaphore, #tpu.memory_space<semaphore_mem>>
      %dma_start3A = arith.constant 0 : i32
      %dma_start3A_58 = arith.constant 0 : i32
      %dma_start3A_59 = tpu.memref_slice %arg5[%add3A_56, %dma_start3A, %dma_start3A_58] : memref<32x640x128xf32, #tpu.memory_space<hbm>> -> memref<1x640x128xf32, #tpu.memory_space<hbm>>
      %dma_start3A_60 = tpu.memref_squeeze %dma_start3A_59 : memref<1x640x128xf32, #tpu.memory_space<hbm>> -> memref<640x128xf32, #tpu.memory_space<hbm>>
      %dma_start3A_61 = arith.constant 0 : i32
      %dma_start3A_62 = tpu.memref_slice %arg9[%mul3A_53, %dma_start3A_61] : memref<10240x128xf32, #tpu.memory_space<vmem_shared>> -> memref<640x128xf32, #tpu.memory_space<vmem_shared>>
      tpu.enqueue_dma source(%dma_start3A_62 : memref<640x128xf32, #tpu.memory_space<vmem_shared>>) target(%dma_start3A_60 : memref<640x128xf32, #tpu.memory_space<hbm>>) target_semaphore(%run_scoped3A_57 : memref<!tpu.dma_semaphore, #tpu.memory_space<semaphore_mem>>)
      %dma_wait3A = arith.constant 0 : i32
      %dma_wait3A_63 = arith.constant 0 : i32
      %dma_wait3A_64 = tpu.memref_slice %arg5[%add3A_56, %dma_wait3A, %dma_wait3A_63] : memref<32x640x128xf32, #tpu.memory_space<hbm>> -> memref<1x640x128xf32, #tpu.memory_space<hbm>>
      %dma_wait3A_65 = tpu.memref_squeeze %dma_wait3A_64 : memref<1x640x128xf32, #tpu.memory_space<hbm>> -> memref<640x128xf32, #tpu.memory_space<hbm>>
      %dma_wait3A_66 = arith.constant 0 : i32
      %dma_wait3A_67 = tpu.memref_slice %arg9[%mul3A_53, %dma_wait3A_66] : memref<10240x128xf32, #tpu.memory_space<vmem_shared>> -> memref<640x128xf32, #tpu.memory_space<vmem_shared>>
      tpu.wait_dma2 semaphore(%run_scoped3A_57 : memref<!tpu.dma_semaphore, #tpu.memory_space<semaphore_mem>>) src(%dma_wait3A_67 : memref<640x128xf32, #tpu.memory_space<vmem_shared>>) dst(%dma_wait3A_65 : memref<640x128xf32, #tpu.memory_space<hbm>>)
      tpu.yield
    }) : () -> ()
    return
  }
}

#map = affine_map<(d0, d1) -> (0, 0)>
#map1 = affine_map<(d0, d1) -> (0, 0, 0, 0, 0)>
#map2 = affine_map<(d0, d1) -> (0, 0, 0)>
module attributes {stable_mosaic.version = 14 : i64} {
  func.func @_sc_body(%arg0: i32, %arg1: i32, %arg2: memref<10000x128xf32, #tpu.memory_space<hbm>>, %arg3: memref<320000x64xi32, #tpu.memory_space<hbm>>, %arg4: memref<32x5x25x2x80xi32, #tpu.memory_space<hbm>>, %arg5: memref<32x640x128xf32, #tpu.memory_space<hbm>>, %arg6: memref<25x2x80xi32, #tpu.memory_space<vmem>>, %arg7: memref<2x80x128xf32, #tpu.memory_space<vmem>>, %arg8: memref<2x80x64xi32, #tpu.memory_space<vmem>>, %arg9: memref<10240x128xf32, #tpu.memory_space<vmem_shared>>, %arg10: memref<!tpu.dma_semaphore, #tpu.memory_space<semaphore_mem>>, %arg11: memref<!tpu.dma_semaphore, #tpu.memory_space<semaphore_mem>>, %arg12: memref<!tpu.dma_semaphore, #tpu.memory_space<semaphore_mem>>, %arg13: memref<!tpu.dma_semaphore, #tpu.memory_space<semaphore_mem>>) attributes {dimension_semantics = [#tpu.dimension_semantics<core_parallel>, #tpu.dimension_semantics<subcore_parallel>], iteration_bounds = array<i64: 2, 16>, scalar_prefetch = 0 : i64, scratch_operands = 8 : i64, tpu.core_type = #tpu.core_type<sc_vector_subcore>, window_params = [{transform_indices = #map}, {transform_indices = #map}, {transform_indices = #map1}, {transform_indices = #map2}]} {
    %mul3A = arith.constant 2 : i32
    %mul3A_0 = arith.muli %arg1, %mul3A : i32
    %add3A = arith.addi %mul3A_0, %arg0 : i32
    %scan3A = arith.constant 0 : i32
    %scan3A_1 = arith.constant 0 : i32
    %scan3A_2 = arith.constant 80 : i32
    %scan3A_3 = arith.addi %scan3A_1, %scan3A_2 : i32
    %scan3A_4 = arith.constant 1 : i32
    scf.for %scan3A_57 = %scan3A_1 to %scan3A_3 step %scan3A_4  : i32 {
      %broadcast_in_dim3A = arith.constant 0.000000e+00 : f32
      %broadcast_in_dim3A_58 = vector.broadcast %broadcast_in_dim3A : f32 to vector<16xf32>
      %swap3A = arith.constant 0 : i32
      %swap3A_59 = arith.index_cast %swap3A : i32 to index
      %swap3A_60 = arith.index_cast %scan3A_57 : i32 to index
      %swap3A_61 = arith.constant 0 : index
      %swap3A_62 = tpu.vector_load %arg7[%swap3A_59, %swap3A_60, %swap3A_61] {strides = array<i32>} : memref<2x80x128xf32, #tpu.memory_space<vmem>>, vector<1x1x16xf32>,
      %swap3A_63 = vector.shape_cast %swap3A_62 : vector<1x1x16xf32> to vector<16xf32>
      %swap3A_64 = vector.shape_cast %broadcast_in_dim3A_58 : vector<16xf32> to vector<1x1x16xf32>
      tpu.vector_store %arg7[%swap3A_59, %swap3A_60, %swap3A_61], %swap3A_64 {strides = array<i32>} : memref<2x80x128xf32, #tpu.memory_space<vmem>>, vector<1x1x16xf32>,
      %broadcast_in_dim3A_65 = arith.constant 0.000000e+00 : f32
      %broadcast_in_dim3A_66 = vector.broadcast %broadcast_in_dim3A_65 : f32 to vector<16xf32>
      %swap3A_67 = arith.constant 0 : i32
      %swap3A_68 = arith.index_cast %swap3A_67 : i32 to index
      %swap3A_69 = arith.index_cast %scan3A_57 : i32 to index
      %swap3A_70 = arith.constant 16 : index
      %swap3A_71 = tpu.vector_load %arg7[%swap3A_68, %swap3A_69, %swap3A_70] {strides = array<i32>} : memref<2x80x128xf32, #tpu.memory_space<vmem>>, vector<1x1x16xf32>,
      %swap3A_72 = vector.shape_cast %swap3A_71 : vector<1x1x16xf32> to vector<16xf32>
      %swap3A_73 = vector.shape_cast %broadcast_in_dim3A_66 : vector<16xf32> to vector<1x1x16xf32>
      tpu.vector_store %arg7[%swap3A_68, %swap3A_69, %swap3A_70], %swap3A_73 {strides = array<i32>} : memref<2x80x128xf32, #tpu.memory_space<vmem>>, vector<1x1x16xf32>,
      %broadcast_in_dim3A_74 = arith.constant 0.000000e+00 : f32
      %broadcast_in_dim3A_75 = vector.broadcast %broadcast_in_dim3A_74 : f32 to vector<16xf32>
      %swap3A_76 = arith.constant 0 : i32
      %swap3A_77 = arith.index_cast %swap3A_76 : i32 to index
      %swap3A_78 = arith.index_cast %scan3A_57 : i32 to index
      %swap3A_79 = arith.constant 32 : index
      %swap3A_80 = tpu.vector_load %arg7[%swap3A_77, %swap3A_78, %swap3A_79] {strides = array<i32>} : memref<2x80x128xf32, #tpu.memory_space<vmem>>, vector<1x1x16xf32>,
      %swap3A_81 = vector.shape_cast %swap3A_80 : vector<1x1x16xf32> to vector<16xf32>
      %swap3A_82 = vector.shape_cast %broadcast_in_dim3A_75 : vector<16xf32> to vector<1x1x16xf32>
      tpu.vector_store %arg7[%swap3A_77, %swap3A_78, %swap3A_79], %swap3A_82 {strides = array<i32>} : memref<2x80x128xf32, #tpu.memory_space<vmem>>, vector<1x1x16xf32>,
      %broadcast_in_dim3A_83 = arith.constant 0.000000e+00 : f32
      %broadcast_in_dim3A_84 = vector.broadcast %broadcast_in_dim3A_83 : f32 to vector<16xf32>
      %swap3A_85 = arith.constant 0 : i32
      %swap3A_86 = arith.index_cast %swap3A_85 : i32 to index
      %swap3A_87 = arith.index_cast %scan3A_57 : i32 to index
      %swap3A_88 = arith.constant 48 : index
      %swap3A_89 = tpu.vector_load %arg7[%swap3A_86, %swap3A_87, %swap3A_88] {strides = array<i32>} : memref<2x80x128xf32, #tpu.memory_space<vmem>>, vector<1x1x16xf32>,
      %swap3A_90 = vector.shape_cast %swap3A_89 : vector<1x1x16xf32> to vector<16xf32>
      %swap3A_91 = vector.shape_cast %broadcast_in_dim3A_84 : vector<16xf32> to vector<1x1x16xf32>
      tpu.vector_store %arg7[%swap3A_86, %swap3A_87, %swap3A_88], %swap3A_91 {strides = array<i32>} : memref<2x80x128xf32, #tpu.memory_space<vmem>>, vector<1x1x16xf32>,
      %broadcast_in_dim3A_92 = arith.constant 0.000000e+00 : f32
      %broadcast_in_dim3A_93 = vector.broadcast %broadcast_in_dim3A_92 : f32 to vector<16xf32>
      %swap3A_94 = arith.constant 0 : i32
      %swap3A_95 = arith.index_cast %swap3A_94 : i32 to index
      %swap3A_96 = arith.index_cast %scan3A_57 : i32 to index
      %swap3A_97 = arith.constant 64 : index
      %swap3A_98 = tpu.vector_load %arg7[%swap3A_95, %swap3A_96, %swap3A_97] {strides = array<i32>} : memref<2x80x128xf32, #tpu.memory_space<vmem>>, vector<1x1x16xf32>,
      %swap3A_99 = vector.shape_cast %swap3A_98 : vector<1x1x16xf32> to vector<16xf32>
      %swap3A_100 = vector.shape_cast %broadcast_in_dim3A_93 : vector<16xf32> to vector<1x1x16xf32>
      tpu.vector_store %arg7[%swap3A_95, %swap3A_96, %swap3A_97], %swap3A_100 {strides = array<i32>} : memref<2x80x128xf32, #tpu.memory_space<vmem>>, vector<1x1x16xf32>,
      %broadcast_in_dim3A_101 = arith.constant 0.000000e+00 : f32
      %broadcast_in_dim3A_102 = vector.broadcast %broadcast_in_dim3A_101 : f32 to vector<16xf32>
      %swap3A_103 = arith.constant 0 : i32
      %swap3A_104 = arith.index_cast %swap3A_103 : i32 to index
      %swap3A_105 = arith.index_cast %scan3A_57 : i32 to index
      %swap3A_106 = arith.constant 80 : index
      %swap3A_107 = tpu.vector_load %arg7[%swap3A_104, %swap3A_105, %swap3A_106] {strides = array<i32>} : memref<2x80x128xf32, #tpu.memory_space<vmem>>, vector<1x1x16xf32>,
      %swap3A_108 = vector.shape_cast %swap3A_107 : vector<1x1x16xf32> to vector<16xf32>
      %swap3A_109 = vector.shape_cast %broadcast_in_dim3A_102 : vector<16xf32> to vector<1x1x16xf32>
      tpu.vector_store %arg7[%swap3A_104, %swap3A_105, %swap3A_106], %swap3A_109 {strides = array<i32>} : memref<2x80x128xf32, #tpu.memory_space<vmem>>, vector<1x1x16xf32>,
      %broadcast_in_dim3A_110 = arith.constant 0.000000e+00 : f32
      %broadcast_in_dim3A_111 = vector.broadcast %broadcast_in_dim3A_110 : f32 to vector<16xf32>
      %swap3A_112 = arith.constant 0 : i32
      %swap3A_113 = arith.index_cast %swap3A_112 : i32 to index
      %swap3A_114 = arith.index_cast %scan3A_57 : i32 to index
      %swap3A_115 = arith.constant 96 : index
      %swap3A_116 = tpu.vector_load %arg7[%swap3A_113, %swap3A_114, %swap3A_115] {strides = array<i32>} : memref<2x80x128xf32, #tpu.memory_space<vmem>>, vector<1x1x16xf32>,
      %swap3A_117 = vector.shape_cast %swap3A_116 : vector<1x1x16xf32> to vector<16xf32>
      %swap3A_118 = vector.shape_cast %broadcast_in_dim3A_111 : vector<16xf32> to vector<1x1x16xf32>
      tpu.vector_store %arg7[%swap3A_113, %swap3A_114, %swap3A_115], %swap3A_118 {strides = array<i32>} : memref<2x80x128xf32, #tpu.memory_space<vmem>>, vector<1x1x16xf32>,
      %broadcast_in_dim3A_119 = arith.constant 0.000000e+00 : f32
      %broadcast_in_dim3A_120 = vector.broadcast %broadcast_in_dim3A_119 : f32 to vector<16xf32>
      %swap3A_121 = arith.constant 0 : i32
      %swap3A_122 = arith.index_cast %swap3A_121 : i32 to index
      %swap3A_123 = arith.index_cast %scan3A_57 : i32 to index
      %swap3A_124 = arith.constant 112 : index
      %swap3A_125 = tpu.vector_load %arg7[%swap3A_122, %swap3A_123, %swap3A_124] {strides = array<i32>} : memref<2x80x128xf32, #tpu.memory_space<vmem>>, vector<1x1x16xf32>,
      %swap3A_126 = vector.shape_cast %swap3A_125 : vector<1x1x16xf32> to vector<16xf32>
      %swap3A_127 = vector.shape_cast %broadcast_in_dim3A_120 : vector<16xf32> to vector<1x1x16xf32>
      tpu.vector_store %arg7[%swap3A_122, %swap3A_123, %swap3A_124], %swap3A_127 {strides = array<i32>} : memref<2x80x128xf32, #tpu.memory_space<vmem>>, vector<1x1x16xf32>,
    }
    %scan3A_5 = arith.constant 80 : i32
    %mul3A_6 = arith.constant 640 : i32
    %mul3A_7 = arith.muli %arg1, %mul3A_6 : i32
    %add3A_8 = arith.constant 0 : i32
    %add3A_9 = arith.addi %mul3A_7, %add3A_8 : i32
    %run_scoped3A = arith.constant 0 : i32
    "tpu.region"() ({
      %run_scoped3A_57 = tpu.sem_alloc : memref<!tpu.dma_semaphore, #tpu.memory_space<semaphore_mem>>
      %dma_start3A = arith.constant 0 : i32
      %dma_start3A_58 = arith.constant 0 : i32
      %dma_start3A_59 = tpu.memref_slice %arg7[%run_scoped3A, %dma_start3A, %dma_start3A_58] : memref<2x80x128xf32, #tpu.memory_space<vmem>> -> memref<1x80x128xf32, #tpu.memory_space<vmem>>
      %dma_start3A_60 = tpu.memref_squeeze %dma_start3A_59 : memref<1x80x128xf32, #tpu.memory_space<vmem>> -> memref<80x128xf32, #tpu.memory_space<vmem>>
      %dma_start3A_61 = arith.constant 0 : i32
      %dma_start3A_62 = tpu.memref_slice %arg9[%add3A_9, %dma_start3A_61] : memref<10240x128xf32, #tpu.memory_space<vmem_shared>> -> memref<80x128xf32, #tpu.memory_space<vmem_shared>>
      %dma_start3A_63 = arith.constant 0 : i32
      %dma_start3A_64 = tpu.memref_slice %arg9[%add3A_9, %dma_start3A_63] : memref<10240x128xf32, #tpu.memory_space<vmem_shared>> -> memref<80x128xf32, #tpu.memory_space<vmem_shared>>
      %dma_start3A_65 = arith.constant 0 : i32
      %dma_start3A_66 = arith.constant 0 : i32
      %dma_start3A_67 = tpu.memref_slice %arg7[%run_scoped3A, %dma_start3A_65, %dma_start3A_66] : memref<2x80x128xf32, #tpu.memory_space<vmem>> -> memref<1x80x128xf32, #tpu.memory_space<vmem>>
      %dma_start3A_68 = tpu.memref_squeeze %dma_start3A_67 : memref<1x80x128xf32, #tpu.memory_space<vmem>> -> memref<80x128xf32, #tpu.memory_space<vmem>>
      tpu.enqueue_dma source(%dma_start3A_68 : memref<80x128xf32, #tpu.memory_space<vmem>>) target(%dma_start3A_64 : memref<80x128xf32, #tpu.memory_space<vmem_shared>>) target_semaphore(%run_scoped3A_57 : memref<!tpu.dma_semaphore, #tpu.memory_space<semaphore_mem>>)
      %dma_wait3A = arith.constant 0 : i32
      %dma_wait3A_69 = arith.constant 0 : i32
      %dma_wait3A_70 = tpu.memref_slice %arg7[%run_scoped3A, %dma_wait3A, %dma_wait3A_69] : memref<2x80x128xf32, #tpu.memory_space<vmem>> -> memref<1x80x128xf32, #tpu.memory_space<vmem>>
      %dma_wait3A_71 = tpu.memref_squeeze %dma_wait3A_70 : memref<1x80x128xf32, #tpu.memory_space<vmem>> -> memref<80x128xf32, #tpu.memory_space<vmem>>
      %dma_wait3A_72 = arith.constant 0 : i32
      %dma_wait3A_73 = tpu.memref_slice %arg9[%add3A_9, %dma_wait3A_72] : memref<10240x128xf32, #tpu.memory_space<vmem_shared>> -> memref<80x128xf32, #tpu.memory_space<vmem_shared>>
      %dma_wait3A_74 = arith.constant 0 : i32
      %dma_wait3A_75 = tpu.memref_slice %arg9[%add3A_9, %dma_wait3A_74] : memref<10240x128xf32, #tpu.memory_space<vmem_shared>> -> memref<80x128xf32, #tpu.memory_space<vmem_shared>>
      %dma_wait3A_76 = arith.constant 0 : i32
      %dma_wait3A_77 = arith.constant 0 : i32
      %dma_wait3A_78 = tpu.memref_slice %arg7[%run_scoped3A, %dma_wait3A_76, %dma_wait3A_77] : memref<2x80x128xf32, #tpu.memory_space<vmem>> -> memref<1x80x128xf32, #tpu.memory_space<vmem>>
      %dma_wait3A_79 = tpu.memref_squeeze %dma_wait3A_78 : memref<1x80x128xf32, #tpu.memory_space<vmem>> -> memref<80x128xf32, #tpu.memory_space<vmem>>
      tpu.wait_dma2 semaphore(%run_scoped3A_57 : memref<!tpu.dma_semaphore, #tpu.memory_space<semaphore_mem>>) src(%dma_wait3A_79 : memref<80x128xf32, #tpu.memory_space<vmem>>) dst(%dma_wait3A_75 : memref<80x128xf32, #tpu.memory_space<vmem_shared>>)
      tpu.yield
    }) : () -> ()
    %mul3A_10 = arith.constant 640 : i32
    %mul3A_11 = arith.muli %arg1, %mul3A_10 : i32
    %add3A_12 = arith.constant 80 : i32
    %add3A_13 = arith.addi %mul3A_11, %add3A_12 : i32
    %run_scoped3A_14 = arith.constant 0 : i32
    "tpu.region"() ({
      %run_scoped3A_57 = tpu.sem_alloc : memref<!tpu.dma_semaphore, #tpu.memory_space<semaphore_mem>>
      %dma_start3A = arith.constant 0 : i32
      %dma_start3A_58 = arith.constant 0 : i32
      %dma_start3A_59 = tpu.memref_slice %arg7[%run_scoped3A_14, %dma_start3A, %dma_start3A_58] : memref<2x80x128xf32, #tpu.memory_space<vmem>> -> memref<1x80x128xf32, #tpu.memory_space<vmem>>
      %dma_start3A_60 = tpu.memref_squeeze %dma_start3A_59 : memref<1x80x128xf32, #tpu.memory_space<vmem>> -> memref<80x128xf32, #tpu.memory_space<vmem>>
      %dma_start3A_61 = arith.constant 0 : i32
      %dma_start3A_62 = tpu.memref_slice %arg9[%add3A_13, %dma_start3A_61] : memref<10240x128xf32, #tpu.memory_space<vmem_shared>> -> memref<80x128xf32, #tpu.memory_space<vmem_shared>>
      %dma_start3A_63 = arith.constant 0 : i32
      %dma_start3A_64 = tpu.memref_slice %arg9[%add3A_13, %dma_start3A_63] : memref<10240x128xf32, #tpu.memory_space<vmem_shared>> -> memref<80x128xf32, #tpu.memory_space<vmem_shared>>
      %dma_start3A_65 = arith.constant 0 : i32
      %dma_start3A_66 = arith.constant 0 : i32
      %dma_start3A_67 = tpu.memref_slice %arg7[%run_scoped3A_14, %dma_start3A_65, %dma_start3A_66] : memref<2x80x128xf32, #tpu.memory_space<vmem>> -> memref<1x80x128xf32, #tpu.memory_space<vmem>>
      %dma_start3A_68 = tpu.memref_squeeze %dma_start3A_67 : memref<1x80x128xf32, #tpu.memory_space<vmem>> -> memref<80x128xf32, #tpu.memory_space<vmem>>
      tpu.enqueue_dma source(%dma_start3A_68 : memref<80x128xf32, #tpu.memory_space<vmem>>) target(%dma_start3A_64 : memref<80x128xf32, #tpu.memory_space<vmem_shared>>) target_semaphore(%run_scoped3A_57 : memref<!tpu.dma_semaphore, #tpu.memory_space<semaphore_mem>>)
      %dma_wait3A = arith.constant 0 : i32
      %dma_wait3A_69 = arith.constant 0 : i32
      %dma_wait3A_70 = tpu.memref_slice %arg7[%run_scoped3A_14, %dma_wait3A, %dma_wait3A_69] : memref<2x80x128xf32, #tpu.memory_space<vmem>> -> memref<1x80x128xf32, #tpu.memory_space<vmem>>
      %dma_wait3A_71 = tpu.memref_squeeze %dma_wait3A_70 : memref<1x80x128xf32, #tpu.memory_space<vmem>> -> memref<80x128xf32, #tpu.memory_space<vmem>>
      %dma_wait3A_72 = arith.constant 0 : i32
      %dma_wait3A_73 = tpu.memref_slice %arg9[%add3A_13, %dma_wait3A_72] : memref<10240x128xf32, #tpu.memory_space<vmem_shared>> -> memref<80x128xf32, #tpu.memory_space<vmem_shared>>
      %dma_wait3A_74 = arith.constant 0 : i32
      %dma_wait3A_75 = tpu.memref_slice %arg9[%add3A_13, %dma_wait3A_74] : memref<10240x128xf32, #tpu.memory_space<vmem_shared>> -> memref<80x128xf32, #tpu.memory_space<vmem_shared>>
      %dma_wait3A_76 = arith.constant 0 : i32
      %dma_wait3A_77 = arith.constant 0 : i32
      %dma_wait3A_78 = tpu.memref_slice %arg7[%run_scoped3A_14, %dma_wait3A_76, %dma_wait3A_77] : memref<2x80x128xf32, #tpu.memory_space<vmem>> -> memref<1x80x128xf32, #tpu.memory_space<vmem>>
      %dma_wait3A_79 = tpu.memref_squeeze %dma_wait3A_78 : memref<1x80x128xf32, #tpu.memory_space<vmem>> -> memref<80x128xf32, #tpu.memory_space<vmem>>
      tpu.wait_dma2 semaphore(%run_scoped3A_57 : memref<!tpu.dma_semaphore, #tpu.memory_space<semaphore_mem>>) src(%dma_wait3A_79 : memref<80x128xf32, #tpu.memory_space<vmem>>) dst(%dma_wait3A_75 : memref<80x128xf32, #tpu.memory_space<vmem_shared>>)
      tpu.yield
    }) : () -> ()
    %mul3A_15 = arith.constant 640 : i32
    %mul3A_16 = arith.muli %arg1, %mul3A_15 : i32
    %add3A_17 = arith.constant 160 : i32
    %add3A_18 = arith.addi %mul3A_16, %add3A_17 : i32
    %run_scoped3A_19 = arith.constant 0 : i32
    "tpu.region"() ({
      %run_scoped3A_57 = tpu.sem_alloc : memref<!tpu.dma_semaphore, #tpu.memory_space<semaphore_mem>>
      %dma_start3A = arith.constant 0 : i32
      %dma_start3A_58 = arith.constant 0 : i32
      %dma_start3A_59 = tpu.memref_slice %arg7[%run_scoped3A_19, %dma_start3A, %dma_start3A_58] : memref<2x80x128xf32, #tpu.memory_space<vmem>> -> memref<1x80x128xf32, #tpu.memory_space<vmem>>
      %dma_start3A_60 = tpu.memref_squeeze %dma_start3A_59 : memref<1x80x128xf32, #tpu.memory_space<vmem>> -> memref<80x128xf32, #tpu.memory_space<vmem>>
      %dma_start3A_61 = arith.constant 0 : i32
      %dma_start3A_62 = tpu.memref_slice %arg9[%add3A_18, %dma_start3A_61] : memref<10240x128xf32, #tpu.memory_space<vmem_shared>> -> memref<80x128xf32, #tpu.memory_space<vmem_shared>>
      %dma_start3A_63 = arith.constant 0 : i32
      %dma_start3A_64 = tpu.memref_slice %arg9[%add3A_18, %dma_start3A_63] : memref<10240x128xf32, #tpu.memory_space<vmem_shared>> -> memref<80x128xf32, #tpu.memory_space<vmem_shared>>
      %dma_start3A_65 = arith.constant 0 : i32
      %dma_start3A_66 = arith.constant 0 : i32
      %dma_start3A_67 = tpu.memref_slice %arg7[%run_scoped3A_19, %dma_start3A_65, %dma_start3A_66] : memref<2x80x128xf32, #tpu.memory_space<vmem>> -> memref<1x80x128xf32, #tpu.memory_space<vmem>>
      %dma_start3A_68 = tpu.memref_squeeze %dma_start3A_67 : memref<1x80x128xf32, #tpu.memory_space<vmem>> -> memref<80x128xf32, #tpu.memory_space<vmem>>
      tpu.enqueue_dma source(%dma_start3A_68 : memref<80x128xf32, #tpu.memory_space<vmem>>) target(%dma_start3A_64 : memref<80x128xf32, #tpu.memory_space<vmem_shared>>) target_semaphore(%run_scoped3A_57 : memref<!tpu.dma_semaphore, #tpu.memory_space<semaphore_mem>>)
      %dma_wait3A = arith.constant 0 : i32
      %dma_wait3A_69 = arith.constant 0 : i32
      %dma_wait3A_70 = tpu.memref_slice %arg7[%run_scoped3A_19, %dma_wait3A, %dma_wait3A_69] : memref<2x80x128xf32, #tpu.memory_space<vmem>> -> memref<1x80x128xf32, #tpu.memory_space<vmem>>
      %dma_wait3A_71 = tpu.memref_squeeze %dma_wait3A_70 : memref<1x80x128xf32, #tpu.memory_space<vmem>> -> memref<80x128xf32, #tpu.memory_space<vmem>>
      %dma_wait3A_72 = arith.constant 0 : i32
      %dma_wait3A_73 = tpu.memref_slice %arg9[%add3A_18, %dma_wait3A_72] : memref<10240x128xf32, #tpu.memory_space<vmem_shared>> -> memref<80x128xf32, #tpu.memory_space<vmem_shared>>
      %dma_wait3A_74 = arith.constant 0 : i32
      %dma_wait3A_75 = tpu.memref_slice %arg9[%add3A_18, %dma_wait3A_74] : memref<10240x128xf32, #tpu.memory_space<vmem_shared>> -> memref<80x128xf32, #tpu.memory_space<vmem_shared>>
      %dma_wait3A_76 = arith.constant 0 : i32
      %dma_wait3A_77 = arith.constant 0 : i32
      %dma_wait3A_78 = tpu.memref_slice %arg7[%run_scoped3A_19, %dma_wait3A_76, %dma_wait3A_77] : memref<2x80x128xf32, #tpu.memory_space<vmem>> -> memref<1x80x128xf32, #tpu.memory_space<vmem>>
      %dma_wait3A_79 = tpu.memref_squeeze %dma_wait3A_78 : memref<1x80x128xf32, #tpu.memory_space<vmem>> -> memref<80x128xf32, #tpu.memory_space<vmem>>
      tpu.wait_dma2 semaphore(%run_scoped3A_57 : memref<!tpu.dma_semaphore, #tpu.memory_space<semaphore_mem>>) src(%dma_wait3A_79 : memref<80x128xf32, #tpu.memory_space<vmem>>) dst(%dma_wait3A_75 : memref<80x128xf32, #tpu.memory_space<vmem_shared>>)
      tpu.yield
    }) : () -> ()
    %mul3A_20 = arith.constant 640 : i32
    %mul3A_21 = arith.muli %arg1, %mul3A_20 : i32
    %add3A_22 = arith.constant 240 : i32
    %add3A_23 = arith.addi %mul3A_21, %add3A_22 : i32
    %run_scoped3A_24 = arith.constant 0 : i32
    "tpu.region"() ({
      %run_scoped3A_57 = tpu.sem_alloc : memref<!tpu.dma_semaphore, #tpu.memory_space<semaphore_mem>>
      %dma_start3A = arith.constant 0 : i32
      %dma_start3A_58 = arith.constant 0 : i32
      %dma_start3A_59 = tpu.memref_slice %arg7[%run_scoped3A_24, %dma_start3A, %dma_start3A_58] : memref<2x80x128xf32, #tpu.memory_space<vmem>> -> memref<1x80x128xf32, #tpu.memory_space<vmem>>
      %dma_start3A_60 = tpu.memref_squeeze %dma_start3A_59 : memref<1x80x128xf32, #tpu.memory_space<vmem>> -> memref<80x128xf32, #tpu.memory_space<vmem>>
      %dma_start3A_61 = arith.constant 0 : i32
      %dma_start3A_62 = tpu.memref_slice %arg9[%add3A_23, %dma_start3A_61] : memref<10240x128xf32, #tpu.memory_space<vmem_shared>> -> memref<80x128xf32, #tpu.memory_space<vmem_shared>>
      %dma_start3A_63 = arith.constant 0 : i32
      %dma_start3A_64 = tpu.memref_slice %arg9[%add3A_23, %dma_start3A_63] : memref<10240x128xf32, #tpu.memory_space<vmem_shared>> -> memref<80x128xf32, #tpu.memory_space<vmem_shared>>
      %dma_start3A_65 = arith.constant 0 : i32
      %dma_start3A_66 = arith.constant 0 : i32
      %dma_start3A_67 = tpu.memref_slice %arg7[%run_scoped3A_24, %dma_start3A_65, %dma_start3A_66] : memref<2x80x128xf32, #tpu.memory_space<vmem>> -> memref<1x80x128xf32, #tpu.memory_space<vmem>>
      %dma_start3A_68 = tpu.memref_squeeze %dma_start3A_67 : memref<1x80x128xf32, #tpu.memory_space<vmem>> -> memref<80x128xf32, #tpu.memory_space<vmem>>
      tpu.enqueue_dma source(%dma_start3A_68 : memref<80x128xf32, #tpu.memory_space<vmem>>) target(%dma_start3A_64 : memref<80x128xf32, #tpu.memory_space<vmem_shared>>) target_semaphore(%run_scoped3A_57 : memref<!tpu.dma_semaphore, #tpu.memory_space<semaphore_mem>>)
      %dma_wait3A = arith.constant 0 : i32
      %dma_wait3A_69 = arith.constant 0 : i32
      %dma_wait3A_70 = tpu.memref_slice %arg7[%run_scoped3A_24, %dma_wait3A, %dma_wait3A_69] : memref<2x80x128xf32, #tpu.memory_space<vmem>> -> memref<1x80x128xf32, #tpu.memory_space<vmem>>
      %dma_wait3A_71 = tpu.memref_squeeze %dma_wait3A_70 : memref<1x80x128xf32, #tpu.memory_space<vmem>> -> memref<80x128xf32, #tpu.memory_space<vmem>>
      %dma_wait3A_72 = arith.constant 0 : i32
      %dma_wait3A_73 = tpu.memref_slice %arg9[%add3A_23, %dma_wait3A_72] : memref<10240x128xf32, #tpu.memory_space<vmem_shared>> -> memref<80x128xf32, #tpu.memory_space<vmem_shared>>
      %dma_wait3A_74 = arith.constant 0 : i32
      %dma_wait3A_75 = tpu.memref_slice %arg9[%add3A_23, %dma_wait3A_74] : memref<10240x128xf32, #tpu.memory_space<vmem_shared>> -> memref<80x128xf32, #tpu.memory_space<vmem_shared>>
      %dma_wait3A_76 = arith.constant 0 : i32
      %dma_wait3A_77 = arith.constant 0 : i32
      %dma_wait3A_78 = tpu.memref_slice %arg7[%run_scoped3A_24, %dma_wait3A_76, %dma_wait3A_77] : memref<2x80x128xf32, #tpu.memory_space<vmem>> -> memref<1x80x128xf32, #tpu.memory_space<vmem>>
      %dma_wait3A_79 = tpu.memref_squeeze %dma_wait3A_78 : memref<1x80x128xf32, #tpu.memory_space<vmem>> -> memref<80x128xf32, #tpu.memory_space<vmem>>
      tpu.wait_dma2 semaphore(%run_scoped3A_57 : memref<!tpu.dma_semaphore, #tpu.memory_space<semaphore_mem>>) src(%dma_wait3A_79 : memref<80x128xf32, #tpu.memory_space<vmem>>) dst(%dma_wait3A_75 : memref<80x128xf32, #tpu.memory_space<vmem_shared>>)
      tpu.yield
    }) : () -> ()
    %mul3A_25 = arith.constant 640 : i32
    %mul3A_26 = arith.muli %arg1, %mul3A_25 : i32
    %add3A_27 = arith.constant 320 : i32
    %add3A_28 = arith.addi %mul3A_26, %add3A_27 : i32
    %run_scoped3A_29 = arith.constant 0 : i32
    "tpu.region"() ({
      %run_scoped3A_57 = tpu.sem_alloc : memref<!tpu.dma_semaphore, #tpu.memory_space<semaphore_mem>>
      %dma_start3A = arith.constant 0 : i32
      %dma_start3A_58 = arith.constant 0 : i32
      %dma_start3A_59 = tpu.memref_slice %arg7[%run_scoped3A_29, %dma_start3A, %dma_start3A_58] : memref<2x80x128xf32, #tpu.memory_space<vmem>> -> memref<1x80x128xf32, #tpu.memory_space<vmem>>
      %dma_start3A_60 = tpu.memref_squeeze %dma_start3A_59 : memref<1x80x128xf32, #tpu.memory_space<vmem>> -> memref<80x128xf32, #tpu.memory_space<vmem>>
      %dma_start3A_61 = arith.constant 0 : i32
      %dma_start3A_62 = tpu.memref_slice %arg9[%add3A_28, %dma_start3A_61] : memref<10240x128xf32, #tpu.memory_space<vmem_shared>> -> memref<80x128xf32, #tpu.memory_space<vmem_shared>>
      %dma_start3A_63 = arith.constant 0 : i32
      %dma_start3A_64 = tpu.memref_slice %arg9[%add3A_28, %dma_start3A_63] : memref<10240x128xf32, #tpu.memory_space<vmem_shared>> -> memref<80x128xf32, #tpu.memory_space<vmem_shared>>
      %dma_start3A_65 = arith.constant 0 : i32
      %dma_start3A_66 = arith.constant 0 : i32
      %dma_start3A_67 = tpu.memref_slice %arg7[%run_scoped3A_29, %dma_start3A_65, %dma_start3A_66] : memref<2x80x128xf32, #tpu.memory_space<vmem>> -> memref<1x80x128xf32, #tpu.memory_space<vmem>>
      %dma_start3A_68 = tpu.memref_squeeze %dma_start3A_67 : memref<1x80x128xf32, #tpu.memory_space<vmem>> -> memref<80x128xf32, #tpu.memory_space<vmem>>
      tpu.enqueue_dma source(%dma_start3A_68 : memref<80x128xf32, #tpu.memory_space<vmem>>) target(%dma_start3A_64 : memref<80x128xf32, #tpu.memory_space<vmem_shared>>) target_semaphore(%run_scoped3A_57 : memref<!tpu.dma_semaphore, #tpu.memory_space<semaphore_mem>>)
      %dma_wait3A = arith.constant 0 : i32
      %dma_wait3A_69 = arith.constant 0 : i32
      %dma_wait3A_70 = tpu.memref_slice %arg7[%run_scoped3A_29, %dma_wait3A, %dma_wait3A_69] : memref<2x80x128xf32, #tpu.memory_space<vmem>> -> memref<1x80x128xf32, #tpu.memory_space<vmem>>
      %dma_wait3A_71 = tpu.memref_squeeze %dma_wait3A_70 : memref<1x80x128xf32, #tpu.memory_space<vmem>> -> memref<80x128xf32, #tpu.memory_space<vmem>>
      %dma_wait3A_72 = arith.constant 0 : i32
      %dma_wait3A_73 = tpu.memref_slice %arg9[%add3A_28, %dma_wait3A_72] : memref<10240x128xf32, #tpu.memory_space<vmem_shared>> -> memref<80x128xf32, #tpu.memory_space<vmem_shared>>
      %dma_wait3A_74 = arith.constant 0 : i32
      %dma_wait3A_75 = tpu.memref_slice %arg9[%add3A_28, %dma_wait3A_74] : memref<10240x128xf32, #tpu.memory_space<vmem_shared>> -> memref<80x128xf32, #tpu.memory_space<vmem_shared>>
      %dma_wait3A_76 = arith.constant 0 : i32
      %dma_wait3A_77 = arith.constant 0 : i32
      %dma_wait3A_78 = tpu.memref_slice %arg7[%run_scoped3A_29, %dma_wait3A_76, %dma_wait3A_77] : memref<2x80x128xf32, #tpu.memory_space<vmem>> -> memref<1x80x128xf32, #tpu.memory_space<vmem>>
      %dma_wait3A_79 = tpu.memref_squeeze %dma_wait3A_78 : memref<1x80x128xf32, #tpu.memory_space<vmem>> -> memref<80x128xf32, #tpu.memory_space<vmem>>
      tpu.wait_dma2 semaphore(%run_scoped3A_57 : memref<!tpu.dma_semaphore, #tpu.memory_space<semaphore_mem>>) src(%dma_wait3A_79 : memref<80x128xf32, #tpu.memory_space<vmem>>) dst(%dma_wait3A_75 : memref<80x128xf32, #tpu.memory_space<vmem_shared>>)
      tpu.yield
    }) : () -> ()
    %mul3A_30 = arith.constant 640 : i32
    %mul3A_31 = arith.muli %arg1, %mul3A_30 : i32
    %add3A_32 = arith.constant 400 : i32
    %add3A_33 = arith.addi %mul3A_31, %add3A_32 : i32
    %run_scoped3A_34 = arith.constant 0 : i32
    "tpu.region"() ({
      %run_scoped3A_57 = tpu.sem_alloc : memref<!tpu.dma_semaphore, #tpu.memory_space<semaphore_mem>>
      %dma_start3A = arith.constant 0 : i32
      %dma_start3A_58 = arith.constant 0 : i32
      %dma_start3A_59 = tpu.memref_slice %arg7[%run_scoped3A_34, %dma_start3A, %dma_start3A_58] : memref<2x80x128xf32, #tpu.memory_space<vmem>> -> memref<1x80x128xf32, #tpu.memory_space<vmem>>
      %dma_start3A_60 = tpu.memref_squeeze %dma_start3A_59 : memref<1x80x128xf32, #tpu.memory_space<vmem>> -> memref<80x128xf32, #tpu.memory_space<vmem>>
      %dma_start3A_61 = arith.constant 0 : i32
      %dma_start3A_62 = tpu.memref_slice %arg9[%add3A_33, %dma_start3A_61] : memref<10240x128xf32, #tpu.memory_space<vmem_shared>> -> memref<80x128xf32, #tpu.memory_space<vmem_shared>>
      %dma_start3A_63 = arith.constant 0 : i32
      %dma_start3A_64 = tpu.memref_slice %arg9[%add3A_33, %dma_start3A_63] : memref<10240x128xf32, #tpu.memory_space<vmem_shared>> -> memref<80x128xf32, #tpu.memory_space<vmem_shared>>
      %dma_start3A_65 = arith.constant 0 : i32
      %dma_start3A_66 = arith.constant 0 : i32
      %dma_start3A_67 = tpu.memref_slice %arg7[%run_scoped3A_34, %dma_start3A_65, %dma_start3A_66] : memref<2x80x128xf32, #tpu.memory_space<vmem>> -> memref<1x80x128xf32, #tpu.memory_space<vmem>>
      %dma_start3A_68 = tpu.memref_squeeze %dma_start3A_67 : memref<1x80x128xf32, #tpu.memory_space<vmem>> -> memref<80x128xf32, #tpu.memory_space<vmem>>
      tpu.enqueue_dma source(%dma_start3A_68 : memref<80x128xf32, #tpu.memory_space<vmem>>) target(%dma_start3A_64 : memref<80x128xf32, #tpu.memory_space<vmem_shared>>) target_semaphore(%run_scoped3A_57 : memref<!tpu.dma_semaphore, #tpu.memory_space<semaphore_mem>>)
      %dma_wait3A = arith.constant 0 : i32
      %dma_wait3A_69 = arith.constant 0 : i32
      %dma_wait3A_70 = tpu.memref_slice %arg7[%run_scoped3A_34, %dma_wait3A, %dma_wait3A_69] : memref<2x80x128xf32, #tpu.memory_space<vmem>> -> memref<1x80x128xf32, #tpu.memory_space<vmem>>
      %dma_wait3A_71 = tpu.memref_squeeze %dma_wait3A_70 : memref<1x80x128xf32, #tpu.memory_space<vmem>> -> memref<80x128xf32, #tpu.memory_space<vmem>>
      %dma_wait3A_72 = arith.constant 0 : i32
      %dma_wait3A_73 = tpu.memref_slice %arg9[%add3A_33, %dma_wait3A_72] : memref<10240x128xf32, #tpu.memory_space<vmem_shared>> -> memref<80x128xf32, #tpu.memory_space<vmem_shared>>
      %dma_wait3A_74 = arith.constant 0 : i32
      %dma_wait3A_75 = tpu.memref_slice %arg9[%add3A_33, %dma_wait3A_74] : memref<10240x128xf32, #tpu.memory_space<vmem_shared>> -> memref<80x128xf32, #tpu.memory_space<vmem_shared>>
      %dma_wait3A_76 = arith.constant 0 : i32
      %dma_wait3A_77 = arith.constant 0 : i32
      %dma_wait3A_78 = tpu.memref_slice %arg7[%run_scoped3A_34, %dma_wait3A_76, %dma_wait3A_77] : memref<2x80x128xf32, #tpu.memory_space<vmem>> -> memref<1x80x128xf32, #tpu.memory_space<vmem>>
      %dma_wait3A_79 = tpu.memref_squeeze %dma_wait3A_78 : memref<1x80x128xf32, #tpu.memory_space<vmem>> -> memref<80x128xf32, #tpu.memory_space<vmem>>
      tpu.wait_dma2 semaphore(%run_scoped3A_57 : memref<!tpu.dma_semaphore, #tpu.memory_space<semaphore_mem>>) src(%dma_wait3A_79 : memref<80x128xf32, #tpu.memory_space<vmem>>) dst(%dma_wait3A_75 : memref<80x128xf32, #tpu.memory_space<vmem_shared>>)
      tpu.yield
    }) : () -> ()
    %mul3A_35 = arith.constant 640 : i32
    %mul3A_36 = arith.muli %arg1, %mul3A_35 : i32
    %add3A_37 = arith.constant 480 : i32
    %add3A_38 = arith.addi %mul3A_36, %add3A_37 : i32
    %run_scoped3A_39 = arith.constant 0 : i32
    "tpu.region"() ({
      %run_scoped3A_57 = tpu.sem_alloc : memref<!tpu.dma_semaphore, #tpu.memory_space<semaphore_mem>>
      %dma_start3A = arith.constant 0 : i32
      %dma_start3A_58 = arith.constant 0 : i32
      %dma_start3A_59 = tpu.memref_slice %arg7[%run_scoped3A_39, %dma_start3A, %dma_start3A_58] : memref<2x80x128xf32, #tpu.memory_space<vmem>> -> memref<1x80x128xf32, #tpu.memory_space<vmem>>
      %dma_start3A_60 = tpu.memref_squeeze %dma_start3A_59 : memref<1x80x128xf32, #tpu.memory_space<vmem>> -> memref<80x128xf32, #tpu.memory_space<vmem>>
      %dma_start3A_61 = arith.constant 0 : i32
      %dma_start3A_62 = tpu.memref_slice %arg9[%add3A_38, %dma_start3A_61] : memref<10240x128xf32, #tpu.memory_space<vmem_shared>> -> memref<80x128xf32, #tpu.memory_space<vmem_shared>>
      %dma_start3A_63 = arith.constant 0 : i32
      %dma_start3A_64 = tpu.memref_slice %arg9[%add3A_38, %dma_start3A_63] : memref<10240x128xf32, #tpu.memory_space<vmem_shared>> -> memref<80x128xf32, #tpu.memory_space<vmem_shared>>
      %dma_start3A_65 = arith.constant 0 : i32
      %dma_start3A_66 = arith.constant 0 : i32
      %dma_start3A_67 = tpu.memref_slice %arg7[%run_scoped3A_39, %dma_start3A_65, %dma_start3A_66] : memref<2x80x128xf32, #tpu.memory_space<vmem>> -> memref<1x80x128xf32, #tpu.memory_space<vmem>>
      %dma_start3A_68 = tpu.memref_squeeze %dma_start3A_67 : memref<1x80x128xf32, #tpu.memory_space<vmem>> -> memref<80x128xf32, #tpu.memory_space<vmem>>
      tpu.enqueue_dma source(%dma_start3A_68 : memref<80x128xf32, #tpu.memory_space<vmem>>) target(%dma_start3A_64 : memref<80x128xf32, #tpu.memory_space<vmem_shared>>) target_semaphore(%run_scoped3A_57 : memref<!tpu.dma_semaphore, #tpu.memory_space<semaphore_mem>>)
      %dma_wait3A = arith.constant 0 : i32
      %dma_wait3A_69 = arith.constant 0 : i32
      %dma_wait3A_70 = tpu.memref_slice %arg7[%run_scoped3A_39, %dma_wait3A, %dma_wait3A_69] : memref<2x80x128xf32, #tpu.memory_space<vmem>> -> memref<1x80x128xf32, #tpu.memory_space<vmem>>
      %dma_wait3A_71 = tpu.memref_squeeze %dma_wait3A_70 : memref<1x80x128xf32, #tpu.memory_space<vmem>> -> memref<80x128xf32, #tpu.memory_space<vmem>>
      %dma_wait3A_72 = arith.constant 0 : i32
      %dma_wait3A_73 = tpu.memref_slice %arg9[%add3A_38, %dma_wait3A_72] : memref<10240x128xf32, #tpu.memory_space<vmem_shared>> -> memref<80x128xf32, #tpu.memory_space<vmem_shared>>
      %dma_wait3A_74 = arith.constant 0 : i32
      %dma_wait3A_75 = tpu.memref_slice %arg9[%add3A_38, %dma_wait3A_74] : memref<10240x128xf32, #tpu.memory_space<vmem_shared>> -> memref<80x128xf32, #tpu.memory_space<vmem_shared>>
      %dma_wait3A_76 = arith.constant 0 : i32
      %dma_wait3A_77 = arith.constant 0 : i32
      %dma_wait3A_78 = tpu.memref_slice %arg7[%run_scoped3A_39, %dma_wait3A_76, %dma_wait3A_77] : memref<2x80x128xf32, #tpu.memory_space<vmem>> -> memref<1x80x128xf32, #tpu.memory_space<vmem>>
      %dma_wait3A_79 = tpu.memref_squeeze %dma_wait3A_78 : memref<1x80x128xf32, #tpu.memory_space<vmem>> -> memref<80x128xf32, #tpu.memory_space<vmem>>
      tpu.wait_dma2 semaphore(%run_scoped3A_57 : memref<!tpu.dma_semaphore, #tpu.memory_space<semaphore_mem>>) src(%dma_wait3A_79 : memref<80x128xf32, #tpu.memory_space<vmem>>) dst(%dma_wait3A_75 : memref<80x128xf32, #tpu.memory_space<vmem_shared>>)
      tpu.yield
    }) : () -> ()
    %mul3A_40 = arith.constant 640 : i32
    %mul3A_41 = arith.muli %arg1, %mul3A_40 : i32
    %add3A_42 = arith.constant 560 : i32
    %add3A_43 = arith.addi %mul3A_41, %add3A_42 : i32
    %run_scoped3A_44 = arith.constant 0 : i32
    "tpu.region"() ({
      %run_scoped3A_57 = tpu.sem_alloc : memref<!tpu.dma_semaphore, #tpu.memory_space<semaphore_mem>>
      %dma_start3A = arith.constant 0 : i32
      %dma_start3A_58 = arith.constant 0 : i32
      %dma_start3A_59 = tpu.memref_slice %arg7[%run_scoped3A_44, %dma_start3A, %dma_start3A_58] : memref<2x80x128xf32, #tpu.memory_space<vmem>> -> memref<1x80x128xf32, #tpu.memory_space<vmem>>
      %dma_start3A_60 = tpu.memref_squeeze %dma_start3A_59 : memref<1x80x128xf32, #tpu.memory_space<vmem>> -> memref<80x128xf32, #tpu.memory_space<vmem>>
      %dma_start3A_61 = arith.constant 0 : i32
      %dma_start3A_62 = tpu.memref_slice %arg9[%add3A_43, %dma_start3A_61] : memref<10240x128xf32, #tpu.memory_space<vmem_shared>> -> memref<80x128xf32, #tpu.memory_space<vmem_shared>>
      %dma_start3A_63 = arith.constant 0 : i32
      %dma_start3A_64 = tpu.memref_slice %arg9[%add3A_43, %dma_start3A_63] : memref<10240x128xf32, #tpu.memory_space<vmem_shared>> -> memref<80x128xf32, #tpu.memory_space<vmem_shared>>
      %dma_start3A_65 = arith.constant 0 : i32
      %dma_start3A_66 = arith.constant 0 : i32
      %dma_start3A_67 = tpu.memref_slice %arg7[%run_scoped3A_44, %dma_start3A_65, %dma_start3A_66] : memref<2x80x128xf32, #tpu.memory_space<vmem>> -> memref<1x80x128xf32, #tpu.memory_space<vmem>>
      %dma_start3A_68 = tpu.memref_squeeze %dma_start3A_67 : memref<1x80x128xf32, #tpu.memory_space<vmem>> -> memref<80x128xf32, #tpu.memory_space<vmem>>
      tpu.enqueue_dma source(%dma_start3A_68 : memref<80x128xf32, #tpu.memory_space<vmem>>) target(%dma_start3A_64 : memref<80x128xf32, #tpu.memory_space<vmem_shared>>) target_semaphore(%run_scoped3A_57 : memref<!tpu.dma_semaphore, #tpu.memory_space<semaphore_mem>>)
      %dma_wait3A = arith.constant 0 : i32
      %dma_wait3A_69 = arith.constant 0 : i32
      %dma_wait3A_70 = tpu.memref_slice %arg7[%run_scoped3A_44, %dma_wait3A, %dma_wait3A_69] : memref<2x80x128xf32, #tpu.memory_space<vmem>> -> memref<1x80x128xf32, #tpu.memory_space<vmem>>
      %dma_wait3A_71 = tpu.memref_squeeze %dma_wait3A_70 : memref<1x80x128xf32, #tpu.memory_space<vmem>> -> memref<80x128xf32, #tpu.memory_space<vmem>>
      %dma_wait3A_72 = arith.constant 0 : i32
      %dma_wait3A_73 = tpu.memref_slice %arg9[%add3A_43, %dma_wait3A_72] : memref<10240x128xf32, #tpu.memory_space<vmem_shared>> -> memref<80x128xf32, #tpu.memory_space<vmem_shared>>
      %dma_wait3A_74 = arith.constant 0 : i32
      %dma_wait3A_75 = tpu.memref_slice %arg9[%add3A_43, %dma_wait3A_74] : memref<10240x128xf32, #tpu.memory_space<vmem_shared>> -> memref<80x128xf32, #tpu.memory_space<vmem_shared>>
      %dma_wait3A_76 = arith.constant 0 : i32
      %dma_wait3A_77 = arith.constant 0 : i32
      %dma_wait3A_78 = tpu.memref_slice %arg7[%run_scoped3A_44, %dma_wait3A_76, %dma_wait3A_77] : memref<2x80x128xf32, #tpu.memory_space<vmem>> -> memref<1x80x128xf32, #tpu.memory_space<vmem>>
      %dma_wait3A_79 = tpu.memref_squeeze %dma_wait3A_78 : memref<1x80x128xf32, #tpu.memory_space<vmem>> -> memref<80x128xf32, #tpu.memory_space<vmem>>
      tpu.wait_dma2 semaphore(%run_scoped3A_57 : memref<!tpu.dma_semaphore, #tpu.memory_space<semaphore_mem>>) src(%dma_wait3A_79 : memref<80x128xf32, #tpu.memory_space<vmem>>) dst(%dma_wait3A_75 : memref<80x128xf32, #tpu.memory_space<vmem_shared>>)
      tpu.yield
    }) : () -> ()
    %barrier3A = arith.constant 0 : index
    tpu.barrier barrier_id(%barrier3A)
    %scan3A_45 = arith.constant 0 : i32
    %scan3A_46 = arith.constant 0 : i32
    %scan3A_47 = arith.constant 125 : i32
    %scan3A_48 = arith.addi %scan3A_46, %scan3A_47 : i32
    %scan3A_49 = arith.constant 1 : i32
    scf.for %scan3A_57 = %scan3A_46 to %scan3A_48 step %scan3A_49  : i32 {
      %jit3A = arith.constant 25 : i32
      %div3A = arith.divsi %scan3A_57, %jit3A : i32
      %sign3A = arith.constant 0 : i32
      %sign3A_58 = arith.cmpi sgt, %scan3A_57, %sign3A : i32
      %sign3A_59 = arith.extui %sign3A_58 : i1 to i32
      %sign3A_60 = arith.constant 0 : i32
      %sign3A_61 = arith.cmpi slt, %scan3A_57, %sign3A_60 : i32
      %sign3A_62 = arith.extui %sign3A_61 : i1 to i32
      %sign3A_63 = arith.subi %sign3A_59, %sign3A_62 : i32
      %sign3A_64 = arith.constant 0 : i32
      %sign3A_65 = arith.cmpi sgt, %jit3A, %sign3A_64 : i32
      %sign3A_66 = arith.extui %sign3A_65 : i1 to i32
      %sign3A_67 = arith.constant 0 : i32
      %sign3A_68 = arith.cmpi slt, %jit3A, %sign3A_67 : i32
      %sign3A_69 = arith.extui %sign3A_68 : i1 to i32
      %sign3A_70 = arith.subi %sign3A_66, %sign3A_69 : i32
      %ne3A = arith.cmpi ne, %sign3A_63, %sign3A_70 : i32
      %rem3A = arith.remsi %scan3A_57, %jit3A : i32
      %ne3A_71 = arith.constant 0 : i32
      %ne3A_72 = arith.cmpi ne, %rem3A, %ne3A_71 : i32
      %and3A = arith.andi %ne3A, %ne3A_72 : i1
      %sub3A = arith.constant 1 : i32
      %sub3A_73 = arith.subi %div3A, %sub3A : i32
      %select_n3A = arith.select %and3A, %sub3A_73, %div3A : i32
      %jit3A_74 = arith.constant 25 : i32
      %eq3A = arith.constant 0 : i32
      %eq3A_75 = arith.cmpi eq, %jit3A_74, %eq3A : i32
      %jit3A_76 = arith.constant 1 : i32
      %select_n3A_77 = arith.select %eq3A_75, %jit3A_76, %jit3A_74 : i32
      %rem3A_78 = arith.remsi %scan3A_57, %select_n3A_77 : i32
      %ne3A_79 = arith.constant 0 : i32
      %ne3A_80 = arith.cmpi ne, %rem3A_78, %ne3A_79 : i32
      %lt3A = arith.constant 0 : i32
      %lt3A_81 = arith.cmpi slt, %rem3A_78, %lt3A : i32
      %lt3A_82 = arith.constant 0 : i32
      %lt3A_83 = arith.cmpi slt, %select_n3A_77, %lt3A_82 : i32
      %ne3A_84 = arith.xori %lt3A_81, %lt3A_83 : i1
      %and3A_85 = arith.andi %ne3A_84, %ne3A_80 : i1
      %add3A_86 = arith.addi %rem3A_78, %select_n3A_77 : i32
      %select_n3A_87 = arith.select %and3A_85, %add3A_86, %rem3A_78 : i32
      %jit3A_88 = arith.constant 2 : i32
      %eq3A_89 = arith.constant 0 : i32
      %eq3A_90 = arith.cmpi eq, %jit3A_88, %eq3A_89 : i32
      %jit3A_91 = arith.constant 1 : i32
      %select_n3A_92 = arith.select %eq3A_90, %jit3A_91, %jit3A_88 : i32
      %rem3A_93 = arith.remsi %scan3A_57, %select_n3A_92 : i32
      %ne3A_94 = arith.constant 0 : i32
      %ne3A_95 = arith.cmpi ne, %rem3A_93, %ne3A_94 : i32
      %lt3A_96 = arith.constant 0 : i32
      %lt3A_97 = arith.cmpi slt, %rem3A_93, %lt3A_96 : i32
      %lt3A_98 = arith.constant 0 : i32
      %lt3A_99 = arith.cmpi slt, %select_n3A_92, %lt3A_98 : i32
      %ne3A_100 = arith.xori %lt3A_97, %lt3A_99 : i1
      %and3A_101 = arith.andi %ne3A_100, %ne3A_95 : i1
      %add3A_102 = arith.addi %rem3A_93, %select_n3A_92 : i32
      %select_n3A_103 = arith.select %and3A_101, %add3A_102, %rem3A_93 : i32
      %mul3A_104 = arith.constant 10000 : i32
      %mul3A_105 = arith.muli %add3A, %mul3A_104 : i32
      %mul3A_106 = arith.constant 80 : i32
      %mul3A_107 = arith.muli %scan3A_57, %mul3A_106 : i32
      %add3A_108 = arith.addi %mul3A_105, %mul3A_107 : i32
      %eq3A_109 = arith.constant 0 : i32
      %eq3A_110 = arith.cmpi eq, %select_n3A_87, %eq3A_109 : i32
      %convert_element_type3A = arith.extui %eq3A_110 : i1 to i32
      %cond3A = arith.constant 0 : i32
      %cond3A_111 = arith.cmpi ne, %convert_element_type3A, %cond3A : i32
      scf.if %cond3A_111 {
        "tpu.region"() ({
          %run_scoped3A_185 = tpu.sem_alloc : memref<!tpu.dma_semaphore, #tpu.memory_space<semaphore_mem>>
          %dma_start3A = arith.constant 0 : i32
          %dma_start3A_186 = arith.constant 0 : i32
          %dma_start3A_187 = arith.constant 0 : i32
          %dma_start3A_188 = tpu.memref_slice %arg4[%add3A, %select_n3A, %dma_start3A, %dma_start3A_186, %dma_start3A_187] : memref<32x5x25x2x80xi32, #tpu.memory_space<hbm>> -> memref<1x1x25x2x80xi32, #tpu.memory_space<hbm>>
          %dma_start3A_189 = tpu.memref_squeeze %dma_start3A_188 : memref<1x1x25x2x80xi32, #tpu.memory_space<hbm>> -> memref<25x2x80xi32, #tpu.memory_space<hbm>>
          %dma_start3A_190 = arith.constant 0 : i32
          %dma_start3A_191 = arith.constant 0 : i32
          %dma_start3A_192 = arith.constant 0 : i32
          %dma_start3A_193 = tpu.memref_slice %arg4[%add3A, %select_n3A, %dma_start3A_190, %dma_start3A_191, %dma_start3A_192] : memref<32x5x25x2x80xi32, #tpu.memory_space<hbm>> -> memref<1x1x25x2x80xi32, #tpu.memory_space<hbm>>
          %dma_start3A_194 = tpu.memref_squeeze %dma_start3A_193 : memref<1x1x25x2x80xi32, #tpu.memory_space<hbm>> -> memref<25x2x80xi32, #tpu.memory_space<hbm>>
          tpu.enqueue_dma source(%dma_start3A_194 : memref<25x2x80xi32, #tpu.memory_space<hbm>>) target(%arg6 : memref<25x2x80xi32, #tpu.memory_space<vmem>>) target_semaphore(%run_scoped3A_185 : memref<!tpu.dma_semaphore, #tpu.memory_space<semaphore_mem>>)
          %dma_wait3A = arith.constant 0 : i32
          %dma_wait3A_195 = arith.constant 0 : i32
          %dma_wait3A_196 = arith.constant 0 : i32
          %dma_wait3A_197 = tpu.memref_slice %arg4[%add3A, %select_n3A, %dma_wait3A, %dma_wait3A_195, %dma_wait3A_196] : memref<32x5x25x2x80xi32, #tpu.memory_space<hbm>> -> memref<1x1x25x2x80xi32, #tpu.memory_space<hbm>>
          %dma_wait3A_198 = tpu.memref_squeeze %dma_wait3A_197 : memref<1x1x25x2x80xi32, #tpu.memory_space<hbm>> -> memref<25x2x80xi32, #tpu.memory_space<hbm>>
          %dma_wait3A_199 = arith.constant 0 : i32
          %dma_wait3A_200 = arith.constant 0 : i32
          %dma_wait3A_201 = arith.constant 0 : i32
          %dma_wait3A_202 = tpu.memref_slice %arg4[%add3A, %select_n3A, %dma_wait3A_199, %dma_wait3A_200, %dma_wait3A_201] : memref<32x5x25x2x80xi32, #tpu.memory_space<hbm>> -> memref<1x1x25x2x80xi32, #tpu.memory_space<hbm>>
          %dma_wait3A_203 = tpu.memref_squeeze %dma_wait3A_202 : memref<1x1x25x2x80xi32, #tpu.memory_space<hbm>> -> memref<25x2x80xi32, #tpu.memory_space<hbm>>
          tpu.wait_dma2 semaphore(%run_scoped3A_185 : memref<!tpu.dma_semaphore, #tpu.memory_space<semaphore_mem>>) src(%dma_wait3A_203 : memref<25x2x80xi32, #tpu.memory_space<hbm>>) dst(%arg6 : memref<25x2x80xi32, #tpu.memory_space<vmem>>)
          tpu.yield
        }) : () -> ()
      } else {
      }
      %eq3A_112 = arith.constant 0 : i32
      %eq3A_113 = arith.cmpi eq, %select_n3A_87, %eq3A_112 : i32
      %eq3A_114 = arith.constant 0 : i32
      %eq3A_115 = arith.cmpi eq, %select_n3A_103, %eq3A_114 : i32
      %and3A_116 = arith.andi %eq3A_113, %eq3A_115 : i1
      %convert_element_type3A_117 = arith.extui %and3A_116 : i1 to i32
      %cond3A_118 = arith.constant 0 : i32
      %cond3A_119 = arith.cmpi ne, %convert_element_type3A_117, %cond3A_118 : i32
      scf.if %cond3A_119 {
        %dma_start3A = arith.constant 0 : i32
        %dma_start3A_185 = arith.constant 0 : i32
        %dma_start3A_186 = arith.constant 0 : i32
        %dma_start3A_187 = arith.constant 0 : i32
        %dma_start3A_188 = arith.constant 0 : i32
        %dma_start3A_189 = tpu.memref_slice %arg7[%dma_start3A_186, %dma_start3A_187, %dma_start3A_188] : memref<2x80x128xf32, #tpu.memory_space<vmem>> -> memref<1x80x128xf32, #tpu.memory_space<vmem>>
        %dma_start3A_190 = tpu.memref_squeeze %dma_start3A_189 : memref<1x80x128xf32, #tpu.memory_space<vmem>> -> memref<80x128xf32, #tpu.memory_space<vmem>>
        %dma_start3A_191 = arith.constant 0 : i32
        %dma_start3A_192 = tpu.memref_slice %arg6[%dma_start3A, %dma_start3A_185, %dma_start3A_191] : memref<25x2x80xi32, #tpu.memory_space<vmem>> -> memref<1x1x80xi32, #tpu.memory_space<vmem>>
        %dma_start3A_193 = tpu.memref_squeeze %dma_start3A_192 : memref<1x1x80xi32, #tpu.memory_space<vmem>> -> memref<80xi32, #tpu.memory_space<vmem>>
        %dma_start3A_194 = arith.constant 0 : i32
        %dma_start3A_195 = arith.constant 0 : i32
        %dma_start3A_196 = tpu.memref_slice %arg2[%dma_start3A_194, %dma_start3A_195] : memref<10000x128xf32, #tpu.memory_space<hbm>> -> memref<10000x128xf32, #tpu.memory_space<hbm>>
        tpu.enqueue_indirect_dma source(%dma_start3A_196 : memref<10000x128xf32, #tpu.memory_space<hbm>>) target(%dma_start3A_190 : memref<80x128xf32, #tpu.memory_space<vmem>>) offsets(%dma_start3A_193 : memref<80xi32, #tpu.memory_space<vmem>>) semaphore(%arg10 : memref<!tpu.dma_semaphore, #tpu.memory_space<semaphore_mem>>)
        %dma_start3A_197 = arith.constant 1 : i32
        %dma_start3A_198 = arith.constant 0 : i32
        %dma_start3A_199 = arith.constant 1 : i32
        %dma_start3A_200 = arith.constant 0 : i32
        %dma_start3A_201 = arith.constant 0 : i32
        %dma_start3A_202 = tpu.memref_slice %arg7[%dma_start3A_199, %dma_start3A_200, %dma_start3A_201] : memref<2x80x128xf32, #tpu.memory_space<vmem>> -> memref<1x80x128xf32, #tpu.memory_space<vmem>>
        %dma_start3A_203 = tpu.memref_squeeze %dma_start3A_202 : memref<1x80x128xf32, #tpu.memory_space<vmem>> -> memref<80x128xf32, #tpu.memory_space<vmem>>
        %dma_start3A_204 = arith.constant 0 : i32
        %dma_start3A_205 = tpu.memref_slice %arg6[%dma_start3A_197, %dma_start3A_198, %dma_start3A_204] : memref<25x2x80xi32, #tpu.memory_space<vmem>> -> memref<1x1x80xi32, #tpu.memory_space<vmem>>
        %dma_start3A_206 = tpu.memref_squeeze %dma_start3A_205 : memref<1x1x80xi32, #tpu.memory_space<vmem>> -> memref<80xi32, #tpu.memory_space<vmem>>
        %dma_start3A_207 = arith.constant 0 : i32
        %dma_start3A_208 = arith.constant 0 : i32
        %dma_start3A_209 = tpu.memref_slice %arg2[%dma_start3A_207, %dma_start3A_208] : memref<10000x128xf32, #tpu.memory_space<hbm>> -> memref<10000x128xf32, #tpu.memory_space<hbm>>
        tpu.enqueue_indirect_dma source(%dma_start3A_209 : memref<10000x128xf32, #tpu.memory_space<hbm>>) target(%dma_start3A_203 : memref<80x128xf32, #tpu.memory_space<vmem>>) offsets(%dma_start3A_206 : memref<80xi32, #tpu.memory_space<vmem>>) semaphore(%arg11 : memref<!tpu.dma_semaphore, #tpu.memory_space<semaphore_mem>>)
      } else {
      }
      %eq3A_120 = arith.constant 0 : i32
      %eq3A_121 = arith.cmpi eq, %select_n3A_87, %eq3A_120 : i32
      %eq3A_122 = arith.constant 1 : i32
      %eq3A_123 = arith.cmpi eq, %select_n3A_103, %eq3A_122 : i32
      %and3A_124 = arith.andi %eq3A_121, %eq3A_123 : i1
      %convert_element_type3A_125 = arith.extui %and3A_124 : i1 to i32
      %cond3A_126 = arith.constant 0 : i32
      %cond3A_127 = arith.cmpi ne, %convert_element_type3A_125, %cond3A_126 : i32
      scf.if %cond3A_127 {
        %dma_start3A = arith.constant 0 : i32
        %dma_start3A_185 = arith.constant 0 : i32
        %dma_start3A_186 = arith.constant 1 : i32
        %dma_start3A_187 = arith.constant 0 : i32
        %dma_start3A_188 = arith.constant 0 : i32
        %dma_start3A_189 = tpu.memref_slice %arg7[%dma_start3A_186, %dma_start3A_187, %dma_start3A_188] : memref<2x80x128xf32, #tpu.memory_space<vmem>> -> memref<1x80x128xf32, #tpu.memory_space<vmem>>
        %dma_start3A_190 = tpu.memref_squeeze %dma_start3A_189 : memref<1x80x128xf32, #tpu.memory_space<vmem>> -> memref<80x128xf32, #tpu.memory_space<vmem>>
        %dma_start3A_191 = arith.constant 0 : i32
        %dma_start3A_192 = tpu.memref_slice %arg6[%dma_start3A, %dma_start3A_185, %dma_start3A_191] : memref<25x2x80xi32, #tpu.memory_space<vmem>> -> memref<1x1x80xi32, #tpu.memory_space<vmem>>
        %dma_start3A_193 = tpu.memref_squeeze %dma_start3A_192 : memref<1x1x80xi32, #tpu.memory_space<vmem>> -> memref<80xi32, #tpu.memory_space<vmem>>
        %dma_start3A_194 = arith.constant 0 : i32
        %dma_start3A_195 = arith.constant 0 : i32
        %dma_start3A_196 = tpu.memref_slice %arg2[%dma_start3A_194, %dma_start3A_195] : memref<10000x128xf32, #tpu.memory_space<hbm>> -> memref<10000x128xf32, #tpu.memory_space<hbm>>
        tpu.enqueue_indirect_dma source(%dma_start3A_196 : memref<10000x128xf32, #tpu.memory_space<hbm>>) target(%dma_start3A_190 : memref<80x128xf32, #tpu.memory_space<vmem>>) offsets(%dma_start3A_193 : memref<80xi32, #tpu.memory_space<vmem>>) semaphore(%arg11 : memref<!tpu.dma_semaphore, #tpu.memory_space<semaphore_mem>>)
        %dma_start3A_197 = arith.constant 1 : i32
        %dma_start3A_198 = arith.constant 0 : i32
        %dma_start3A_199 = arith.constant 0 : i32
        %dma_start3A_200 = arith.constant 0 : i32
        %dma_start3A_201 = arith.constant 0 : i32
        %dma_start3A_202 = tpu.memref_slice %arg7[%dma_start3A_199, %dma_start3A_200, %dma_start3A_201] : memref<2x80x128xf32, #tpu.memory_space<vmem>> -> memref<1x80x128xf32, #tpu.memory_space<vmem>>
        %dma_start3A_203 = tpu.memref_squeeze %dma_start3A_202 : memref<1x80x128xf32, #tpu.memory_space<vmem>> -> memref<80x128xf32, #tpu.memory_space<vmem>>
        %dma_start3A_204 = arith.constant 0 : i32
        %dma_start3A_205 = tpu.memref_slice %arg6[%dma_start3A_197, %dma_start3A_198, %dma_start3A_204] : memref<25x2x80xi32, #tpu.memory_space<vmem>> -> memref<1x1x80xi32, #tpu.memory_space<vmem>>
        %dma_start3A_206 = tpu.memref_squeeze %dma_start3A_205 : memref<1x1x80xi32, #tpu.memory_space<vmem>> -> memref<80xi32, #tpu.memory_space<vmem>>
        %dma_start3A_207 = arith.constant 0 : i32
        %dma_start3A_208 = arith.constant 0 : i32
        %dma_start3A_209 = tpu.memref_slice %arg2[%dma_start3A_207, %dma_start3A_208] : memref<10000x128xf32, #tpu.memory_space<hbm>> -> memref<10000x128xf32, #tpu.memory_space<hbm>>
        tpu.enqueue_indirect_dma source(%dma_start3A_209 : memref<10000x128xf32, #tpu.memory_space<hbm>>) target(%dma_start3A_203 : memref<80x128xf32, #tpu.memory_space<vmem>>) offsets(%dma_start3A_206 : memref<80xi32, #tpu.memory_space<vmem>>) semaphore(%arg10 : memref<!tpu.dma_semaphore, #tpu.memory_space<semaphore_mem>>)
      } else {
      }
      %eq3A_128 = arith.constant 0 : i32
      %eq3A_129 = arith.cmpi eq, %scan3A_57, %eq3A_128 : i32
      %convert_element_type3A_130 = arith.extui %eq3A_129 : i1 to i32
      %cond3A_131 = arith.constant 0 : i32
      %cond3A_132 = arith.cmpi ne, %convert_element_type3A_130, %cond3A_131 : i32
      scf.if %cond3A_132 {
        %dma_start3A = arith.constant 0 : i32
        %dma_start3A_185 = arith.constant 0 : i32
        %dma_start3A_186 = arith.constant 0 : i32
        %dma_start3A_187 = tpu.memref_slice %arg8[%dma_start3A, %dma_start3A_185, %dma_start3A_186] : memref<2x80x64xi32, #tpu.memory_space<vmem>> -> memref<1x80x64xi32, #tpu.memory_space<vmem>>
        %dma_start3A_188 = tpu.memref_squeeze %dma_start3A_187 : memref<1x80x64xi32, #tpu.memory_space<vmem>> -> memref<80x64xi32, #tpu.memory_space<vmem>>
        %dma_start3A_189 = arith.constant 0 : i32
        %dma_start3A_190 = tpu.memref_slice %arg3[%add3A_108, %dma_start3A_189] : memref<320000x64xi32, #tpu.memory_space<hbm>> -> memref<80x64xi32, #tpu.memory_space<hbm>>
        %dma_start3A_191 = arith.constant 0 : i32
        %dma_start3A_192 = arith.constant 0 : i32
        %dma_start3A_193 = tpu.memref_slice %arg8[%dma_start3A, %dma_start3A_191, %dma_start3A_192] : memref<2x80x64xi32, #tpu.memory_space<vmem>> -> memref<1x80x64xi32, #tpu.memory_space<vmem>>
        %dma_start3A_194 = tpu.memref_squeeze %dma_start3A_193 : memref<1x80x64xi32, #tpu.memory_space<vmem>> -> memref<80x64xi32, #tpu.memory_space<vmem>>
        %dma_start3A_195 = arith.constant 0 : i32
        %dma_start3A_196 = tpu.memref_slice %arg3[%add3A_108, %dma_start3A_195] : memref<320000x64xi32, #tpu.memory_space<hbm>> -> memref<80x64xi32, #tpu.memory_space<hbm>>
        tpu.enqueue_dma source(%dma_start3A_196 : memref<80x64xi32, #tpu.memory_space<hbm>>) target(%dma_start3A_194 : memref<80x64xi32, #tpu.memory_space<vmem>>) target_semaphore(%arg12 : memref<!tpu.dma_semaphore, #tpu.memory_space<semaphore_mem>>)
      } else {
      }
      %add3A_133 = arith.constant 1 : i32
      %add3A_134 = arith.addi %scan3A_57, %add3A_133 : i32
      %lt3A_135 = arith.constant 125 : i32
      %lt3A_136 = arith.cmpi slt, %add3A_134, %lt3A_135 : i32
      %eq3A_137 = arith.constant 0 : i32
      %eq3A_138 = arith.cmpi eq, %select_n3A_103, %eq3A_137 : i32
      %and3A_139 = arith.andi %lt3A_136, %eq3A_138 : i1
      %convert_element_type3A_140 = arith.extui %and3A_139 : i1 to i32
      %cond3A_141 = arith.constant 0 : i32
      %cond3A_142 = arith.cmpi ne, %convert_element_type3A_140, %cond3A_141 : i32
      scf.if %cond3A_142 {
        %add3A_185 = arith.constant 80 : i32
        %add3A_186 = arith.addi %add3A_108, %add3A_185 : i32
        %dma_start3A = arith.constant 1 : i32
        %dma_start3A_187 = arith.constant 0 : i32
        %dma_start3A_188 = arith.constant 0 : i32
        %dma_start3A_189 = tpu.memref_slice %arg8[%dma_start3A, %dma_start3A_187, %dma_start3A_188] : memref<2x80x64xi32, #tpu.memory_space<vmem>> -> memref<1x80x64xi32, #tpu.memory_space<vmem>>
        %dma_start3A_190 = tpu.memref_squeeze %dma_start3A_189 : memref<1x80x64xi32, #tpu.memory_space<vmem>> -> memref<80x64xi32, #tpu.memory_space<vmem>>
        %dma_start3A_191 = arith.constant 0 : i32
        %dma_start3A_192 = tpu.memref_slice %arg3[%add3A_186, %dma_start3A_191] : memref<320000x64xi32, #tpu.memory_space<hbm>> -> memref<80x64xi32, #tpu.memory_space<hbm>>
        %dma_start3A_193 = arith.constant 0 : i32
        %dma_start3A_194 = arith.constant 0 : i32
        %dma_start3A_195 = tpu.memref_slice %arg8[%dma_start3A, %dma_start3A_193, %dma_start3A_194] : memref<2x80x64xi32, #tpu.memory_space<vmem>> -> memref<1x80x64xi32, #tpu.memory_space<vmem>>
        %dma_start3A_196 = tpu.memref_squeeze %dma_start3A_195 : memref<1x80x64xi32, #tpu.memory_space<vmem>> -> memref<80x64xi32, #tpu.memory_space<vmem>>
        %dma_start3A_197 = arith.constant 0 : i32
        %dma_start3A_198 = tpu.memref_slice %arg3[%add3A_186, %dma_start3A_197] : memref<320000x64xi32, #tpu.memory_space<hbm>> -> memref<80x64xi32, #tpu.memory_space<hbm>>
        tpu.enqueue_dma source(%dma_start3A_198 : memref<80x64xi32, #tpu.memory_space<hbm>>) target(%dma_start3A_196 : memref<80x64xi32, #tpu.memory_space<vmem>>) target_semaphore(%arg13 : memref<!tpu.dma_semaphore, #tpu.memory_space<semaphore_mem>>)
      } else {
      }
      %add3A_143 = arith.constant 1 : i32
      %add3A_144 = arith.addi %scan3A_57, %add3A_143 : i32
      %lt3A_145 = arith.constant 125 : i32
      %lt3A_146 = arith.cmpi slt, %add3A_144, %lt3A_145 : i32
      %eq3A_147 = arith.constant 1 : i32
      %eq3A_148 = arith.cmpi eq, %select_n3A_103, %eq3A_147 : i32
      %and3A_149 = arith.andi %lt3A_146, %eq3A_148 : i1
      %convert_element_type3A_150 = arith.extui %and3A_149 : i1 to i32
      %cond3A_151 = arith.constant 0 : i32
      %cond3A_152 = arith.cmpi ne, %convert_element_type3A_150, %cond3A_151 : i32
      scf.if %cond3A_152 {
        %add3A_185 = arith.constant 80 : i32
        %add3A_186 = arith.addi %add3A_108, %add3A_185 : i32
        %dma_start3A = arith.constant 0 : i32
        %dma_start3A_187 = arith.constant 0 : i32
        %dma_start3A_188 = arith.constant 0 : i32
        %dma_start3A_189 = tpu.memref_slice %arg8[%dma_start3A, %dma_start3A_187, %dma_start3A_188] : memref<2x80x64xi32, #tpu.memory_space<vmem>> -> memref<1x80x64xi32, #tpu.memory_space<vmem>>
        %dma_start3A_190 = tpu.memref_squeeze %dma_start3A_189 : memref<1x80x64xi32, #tpu.memory_space<vmem>> -> memref<80x64xi32, #tpu.memory_space<vmem>>
        %dma_start3A_191 = arith.constant 0 : i32
        %dma_start3A_192 = tpu.memref_slice %arg3[%add3A_186, %dma_start3A_191] : memref<320000x64xi32, #tpu.memory_space<hbm>> -> memref<80x64xi32, #tpu.memory_space<hbm>>
        %dma_start3A_193 = arith.constant 0 : i32
        %dma_start3A_194 = arith.constant 0 : i32
        %dma_start3A_195 = tpu.memref_slice %arg8[%dma_start3A, %dma_start3A_193, %dma_start3A_194] : memref<2x80x64xi32, #tpu.memory_space<vmem>> -> memref<1x80x64xi32, #tpu.memory_space<vmem>>
        %dma_start3A_196 = tpu.memref_squeeze %dma_start3A_195 : memref<1x80x64xi32, #tpu.memory_space<vmem>> -> memref<80x64xi32, #tpu.memory_space<vmem>>
        %dma_start3A_197 = arith.constant 0 : i32
        %dma_start3A_198 = tpu.memref_slice %arg3[%add3A_186, %dma_start3A_197] : memref<320000x64xi32, #tpu.memory_space<hbm>> -> memref<80x64xi32, #tpu.memory_space<hbm>>
        tpu.enqueue_dma source(%dma_start3A_198 : memref<80x64xi32, #tpu.memory_space<hbm>>) target(%dma_start3A_196 : memref<80x64xi32, #tpu.memory_space<vmem>>) target_semaphore(%arg12 : memref<!tpu.dma_semaphore, #tpu.memory_space<semaphore_mem>>)
      } else {
      }
      %eq3A_153 = arith.constant 0 : i32
      %eq3A_154 = arith.cmpi eq, %select_n3A_103, %eq3A_153 : i32
      %convert_element_type3A_155 = arith.extui %eq3A_154 : i1 to i32
      %cond3A_156 = arith.constant 0 : i32
      %cond3A_157 = arith.cmpi ne, %convert_element_type3A_155, %cond3A_156 : i32
      scf.if %cond3A_157 {
        %dma_wait3A = arith.constant 0 : i32
        %dma_wait3A_185 = arith.constant 0 : i32
        %dma_wait3A_186 = arith.constant 0 : i32
        %dma_wait3A_187 = tpu.memref_slice %arg8[%dma_wait3A, %dma_wait3A_185, %dma_wait3A_186] : memref<2x80x64xi32, #tpu.memory_space<vmem>> -> memref<1x80x64xi32, #tpu.memory_space<vmem>>
        %dma_wait3A_188 = tpu.memref_squeeze %dma_wait3A_187 : memref<1x80x64xi32, #tpu.memory_space<vmem>> -> memref<80x64xi32, #tpu.memory_space<vmem>>
        %dma_wait3A_189 = arith.constant 0 : i32
        %dma_wait3A_190 = tpu.memref_slice %arg3[%add3A_108, %dma_wait3A_189] : memref<320000x64xi32, #tpu.memory_space<hbm>> -> memref<80x64xi32, #tpu.memory_space<hbm>>
        %dma_wait3A_191 = arith.constant 0 : i32
        %dma_wait3A_192 = arith.constant 0 : i32
        %dma_wait3A_193 = tpu.memref_slice %arg8[%dma_wait3A, %dma_wait3A_191, %dma_wait3A_192] : memref<2x80x64xi32, #tpu.memory_space<vmem>> -> memref<1x80x64xi32, #tpu.memory_space<vmem>>
        %dma_wait3A_194 = tpu.memref_squeeze %dma_wait3A_193 : memref<1x80x64xi32, #tpu.memory_space<vmem>> -> memref<80x64xi32, #tpu.memory_space<vmem>>
        %dma_wait3A_195 = arith.constant 0 : i32
        %dma_wait3A_196 = tpu.memref_slice %arg3[%add3A_108, %dma_wait3A_195] : memref<320000x64xi32, #tpu.memory_space<hbm>> -> memref<80x64xi32, #tpu.memory_space<hbm>>
        tpu.wait_dma2 semaphore(%arg12 : memref<!tpu.dma_semaphore, #tpu.memory_space<semaphore_mem>>) src(%dma_wait3A_196 : memref<80x64xi32, #tpu.memory_space<hbm>>) dst(%dma_wait3A_194 : memref<80x64xi32, #tpu.memory_space<vmem>>)
        %dma_wait3A_197 = arith.constant 0 : i32
        %dma_wait3A_198 = arith.constant 0 : i32
        %dma_wait3A_199 = arith.constant 0 : i32
        %dma_wait3A_200 = arith.constant 0 : i32
        %dma_wait3A_201 = tpu.memref_slice %arg7[%dma_wait3A_198, %dma_wait3A_199, %dma_wait3A_200] : memref<2x80x128xf32, #tpu.memory_space<vmem>> -> memref<1x80x128xf32, #tpu.memory_space<vmem>>
        %dma_wait3A_202 = tpu.memref_squeeze %dma_wait3A_201 : memref<1x80x128xf32, #tpu.memory_space<vmem>> -> memref<80x128xf32, #tpu.memory_space<vmem>>
        %dma_wait3A_203 = arith.constant 0 : i32
        %dma_wait3A_204 = tpu.memref_slice %arg6[%select_n3A_87, %dma_wait3A_197, %dma_wait3A_203] : memref<25x2x80xi32, #tpu.memory_space<vmem>> -> memref<1x1x80xi32, #tpu.memory_space<vmem>>
        %dma_wait3A_205 = tpu.memref_squeeze %dma_wait3A_204 : memref<1x1x80xi32, #tpu.memory_space<vmem>> -> memref<80xi32, #tpu.memory_space<vmem>>
        %dma_wait3A_206 = arith.constant 0 : i32
        %dma_wait3A_207 = arith.constant 0 : i32
        %dma_wait3A_208 = tpu.memref_slice %arg2[%dma_wait3A_206, %dma_wait3A_207] : memref<10000x128xf32, #tpu.memory_space<hbm>> -> memref<10000x128xf32, #tpu.memory_space<hbm>>
        tpu.wait_indirect_dma semaphore(%arg10 : memref<!tpu.dma_semaphore, #tpu.memory_space<semaphore_mem>>) src(%dma_wait3A_208 : memref<10000x128xf32, #tpu.memory_space<hbm>>) dst(%dma_wait3A_202 : memref<80x128xf32, #tpu.memory_space<vmem>>)
      } else {
      }
      %eq3A_158 = arith.constant 1 : i32
      %eq3A_159 = arith.cmpi eq, %select_n3A_103, %eq3A_158 : i32
      %convert_element_type3A_160 = arith.extui %eq3A_159 : i1 to i32
      %cond3A_161 = arith.constant 0 : i32
      %cond3A_162 = arith.cmpi ne, %convert_element_type3A_160, %cond3A_161 : i32
      scf.if %cond3A_162 {
        %dma_wait3A = arith.constant 1 : i32
        %dma_wait3A_185 = arith.constant 0 : i32
        %dma_wait3A_186 = arith.constant 0 : i32
        %dma_wait3A_187 = tpu.memref_slice %arg8[%dma_wait3A, %dma_wait3A_185, %dma_wait3A_186] : memref<2x80x64xi32, #tpu.memory_space<vmem>> -> memref<1x80x64xi32, #tpu.memory_space<vmem>>
        %dma_wait3A_188 = tpu.memref_squeeze %dma_wait3A_187 : memref<1x80x64xi32, #tpu.memory_space<vmem>> -> memref<80x64xi32, #tpu.memory_space<vmem>>
        %dma_wait3A_189 = arith.constant 0 : i32
        %dma_wait3A_190 = tpu.memref_slice %arg3[%add3A_108, %dma_wait3A_189] : memref<320000x64xi32, #tpu.memory_space<hbm>> -> memref<80x64xi32, #tpu.memory_space<hbm>>
        %dma_wait3A_191 = arith.constant 0 : i32
        %dma_wait3A_192 = arith.constant 0 : i32
        %dma_wait3A_193 = tpu.memref_slice %arg8[%dma_wait3A, %dma_wait3A_191, %dma_wait3A_192] : memref<2x80x64xi32, #tpu.memory_space<vmem>> -> memref<1x80x64xi32, #tpu.memory_space<vmem>>
        %dma_wait3A_194 = tpu.memref_squeeze %dma_wait3A_193 : memref<1x80x64xi32, #tpu.memory_space<vmem>> -> memref<80x64xi32, #tpu.memory_space<vmem>>
        %dma_wait3A_195 = arith.constant 0 : i32
        %dma_wait3A_196 = tpu.memref_slice %arg3[%add3A_108, %dma_wait3A_195] : memref<320000x64xi32, #tpu.memory_space<hbm>> -> memref<80x64xi32, #tpu.memory_space<hbm>>
        tpu.wait_dma2 semaphore(%arg13 : memref<!tpu.dma_semaphore, #tpu.memory_space<semaphore_mem>>) src(%dma_wait3A_196 : memref<80x64xi32, #tpu.memory_space<hbm>>) dst(%dma_wait3A_194 : memref<80x64xi32, #tpu.memory_space<vmem>>)
        %dma_wait3A_197 = arith.constant 0 : i32
        %dma_wait3A_198 = arith.constant 1 : i32
        %dma_wait3A_199 = arith.constant 0 : i32
        %dma_wait3A_200 = arith.constant 0 : i32
        %dma_wait3A_201 = tpu.memref_slice %arg7[%dma_wait3A_198, %dma_wait3A_199, %dma_wait3A_200] : memref<2x80x128xf32, #tpu.memory_space<vmem>> -> memref<1x80x128xf32, #tpu.memory_space<vmem>>
        %dma_wait3A_202 = tpu.memref_squeeze %dma_wait3A_201 : memref<1x80x128xf32, #tpu.memory_space<vmem>> -> memref<80x128xf32, #tpu.memory_space<vmem>>
        %dma_wait3A_203 = arith.constant 0 : i32
        %dma_wait3A_204 = tpu.memref_slice %arg6[%select_n3A_87, %dma_wait3A_197, %dma_wait3A_203] : memref<25x2x80xi32, #tpu.memory_space<vmem>> -> memref<1x1x80xi32, #tpu.memory_space<vmem>>
        %dma_wait3A_205 = tpu.memref_squeeze %dma_wait3A_204 : memref<1x1x80xi32, #tpu.memory_space<vmem>> -> memref<80xi32, #tpu.memory_space<vmem>>
        %dma_wait3A_206 = arith.constant 0 : i32
        %dma_wait3A_207 = arith.constant 0 : i32
        %dma_wait3A_208 = tpu.memref_slice %arg2[%dma_wait3A_206, %dma_wait3A_207] : memref<10000x128xf32, #tpu.memory_space<hbm>> -> memref<10000x128xf32, #tpu.memory_space<hbm>>
        tpu.wait_indirect_dma semaphore(%arg11 : memref<!tpu.dma_semaphore, #tpu.memory_space<semaphore_mem>>) src(%dma_wait3A_208 : memref<10000x128xf32, #tpu.memory_space<hbm>>) dst(%dma_wait3A_202 : memref<80x128xf32, #tpu.memory_space<vmem>>)
      } else {
      }
      %broadcast_in_dim3A = arith.constant -65536 : i32
      %broadcast_in_dim3A_163 = vector.broadcast %broadcast_in_dim3A : i32 to vector<16xi32>
      %broadcast_in_dim3A_164 = arith.constant 16 : i32
      %broadcast_in_dim3A_165 = vector.broadcast %broadcast_in_dim3A_164 : i32 to vector<16xi32>
      %parallel_loop3A = arith.constant 0 : i32
      %parallel_loop3A_166 = arith.constant 80 : i32
      %parallel_loop3A_167 = arith.constant 1 : i32
      scf.for %parallel_loop3A_185 = %parallel_loop3A to %parallel_loop3A_166 step %parallel_loop3A_167  : i32 {
        %parallel_loop3A_186 = arith.index_cast %select_n3A_103 : i32 to index
        %parallel_loop3A_187 = arith.index_cast %parallel_loop3A_185 : i32 to index
        %parallel_loop3A_188 = arith.constant 0 : index
        %parallel_loop3A_189 = tpu.vector_load %arg8[%parallel_loop3A_186, %parallel_loop3A_187, %parallel_loop3A_188] {strides = array<i32>} : memref<2x80x64xi32, #tpu.memory_space<vmem>>, vector<1x1x16xi32>,
        %parallel_loop3A_190 = vector.shape_cast %parallel_loop3A_189 : vector<1x1x16xi32> to vector<16xi32>
        %parallel_loop3A_191 = arith.shli %parallel_loop3A_190, %broadcast_in_dim3A_165 : vector<16xi32>
        %parallel_loop3A_192 = tpu.bitcast %parallel_loop3A_191 : vector<16xi32> -> vector<16xf32>
        %parallel_loop3A_193 = arith.andi %parallel_loop3A_190, %broadcast_in_dim3A_163 : vector<16xi32>
        %parallel_loop3A_194 = tpu.bitcast %parallel_loop3A_193 : vector<16xi32> -> vector<16xf32>
        %parallel_loop3A_195 = arith.index_cast %select_n3A_103 : i32 to index
        %parallel_loop3A_196 = arith.index_cast %parallel_loop3A_185 : i32 to index
        %parallel_loop3A_197 = arith.constant 0 : index
        %parallel_loop3A_198 = tpu.vector_load %arg7[%parallel_loop3A_195, %parallel_loop3A_196, %parallel_loop3A_197] {strides = array<i32>} : memref<2x80x128xf32, #tpu.memory_space<vmem>>, vector<1x1x16xf32>,
        %parallel_loop3A_199 = vector.shape_cast %parallel_loop3A_198 : vector<1x1x16xf32> to vector<16xf32>
        %parallel_loop3A_200 = arith.mulf %parallel_loop3A_199, %parallel_loop3A_192 : vector<16xf32>
        %parallel_loop3A_201 = arith.index_cast %select_n3A_103 : i32 to index
        %parallel_loop3A_202 = arith.index_cast %parallel_loop3A_185 : i32 to index
        %parallel_loop3A_203 = arith.constant 0 : index
        %parallel_loop3A_204 = tpu.vector_load %arg7[%parallel_loop3A_201, %parallel_loop3A_202, %parallel_loop3A_203] {strides = array<i32>} : memref<2x80x128xf32, #tpu.memory_space<vmem>>, vector<1x1x16xf32>,
        %parallel_loop3A_205 = vector.shape_cast %parallel_loop3A_204 : vector<1x1x16xf32> to vector<16xf32>
        %parallel_loop3A_206 = vector.shape_cast %parallel_loop3A_200 : vector<16xf32> to vector<1x1x16xf32>
        tpu.vector_store %arg7[%parallel_loop3A_201, %parallel_loop3A_202, %parallel_loop3A_203], %parallel_loop3A_206 {strides = array<i32>} : memref<2x80x128xf32, #tpu.memory_space<vmem>>, vector<1x1x16xf32>,
        %parallel_loop3A_207 = arith.index_cast %select_n3A_103 : i32 to index
        %parallel_loop3A_208 = arith.index_cast %parallel_loop3A_185 : i32 to index
        %parallel_loop3A_209 = arith.constant 64 : index
        %parallel_loop3A_210 = tpu.vector_load %arg7[%parallel_loop3A_207, %parallel_loop3A_208, %parallel_loop3A_209] {strides = array<i32>} : memref<2x80x128xf32, #tpu.memory_space<vmem>>, vector<1x1x16xf32>,
        %parallel_loop3A_211 = vector.shape_cast %parallel_loop3A_210 : vector<1x1x16xf32> to vector<16xf32>
        %parallel_loop3A_212 = arith.mulf %parallel_loop3A_211, %parallel_loop3A_194 : vector<16xf32>
        %parallel_loop3A_213 = arith.index_cast %select_n3A_103 : i32 to index
        %parallel_loop3A_214 = arith.index_cast %parallel_loop3A_185 : i32 to index
        %parallel_loop3A_215 = arith.constant 64 : index
        %parallel_loop3A_216 = tpu.vector_load %arg7[%parallel_loop3A_213, %parallel_loop3A_214, %parallel_loop3A_215] {strides = array<i32>} : memref<2x80x128xf32, #tpu.memory_space<vmem>>, vector<1x1x16xf32>,
        %parallel_loop3A_217 = vector.shape_cast %parallel_loop3A_216 : vector<1x1x16xf32> to vector<16xf32>
        %parallel_loop3A_218 = vector.shape_cast %parallel_loop3A_212 : vector<16xf32> to vector<1x1x16xf32>
        tpu.vector_store %arg7[%parallel_loop3A_213, %parallel_loop3A_214, %parallel_loop3A_215], %parallel_loop3A_218 {strides = array<i32>} : memref<2x80x128xf32, #tpu.memory_space<vmem>>, vector<1x1x16xf32>,
        %parallel_loop3A_219 = arith.index_cast %select_n3A_103 : i32 to index
        %parallel_loop3A_220 = arith.index_cast %parallel_loop3A_185 : i32 to index
        %parallel_loop3A_221 = arith.constant 16 : index
        %parallel_loop3A_222 = tpu.vector_load %arg8[%parallel_loop3A_219, %parallel_loop3A_220, %parallel_loop3A_221] {strides = array<i32>} : memref<2x80x64xi32, #tpu.memory_space<vmem>>, vector<1x1x16xi32>,
        %parallel_loop3A_223 = vector.shape_cast %parallel_loop3A_222 : vector<1x1x16xi32> to vector<16xi32>
        %parallel_loop3A_224 = arith.shli %parallel_loop3A_223, %broadcast_in_dim3A_165 : vector<16xi32>
        %parallel_loop3A_225 = tpu.bitcast %parallel_loop3A_224 : vector<16xi32> -> vector<16xf32>
        %parallel_loop3A_226 = arith.andi %parallel_loop3A_223, %broadcast_in_dim3A_163 : vector<16xi32>
        %parallel_loop3A_227 = tpu.bitcast %parallel_loop3A_226 : vector<16xi32> -> vector<16xf32>
        %parallel_loop3A_228 = arith.index_cast %select_n3A_103 : i32 to index
        %parallel_loop3A_229 = arith.index_cast %parallel_loop3A_185 : i32 to index
        %parallel_loop3A_230 = arith.constant 16 : index
        %parallel_loop3A_231 = tpu.vector_load %arg7[%parallel_loop3A_228, %parallel_loop3A_229, %parallel_loop3A_230] {strides = array<i32>} : memref<2x80x128xf32, #tpu.memory_space<vmem>>, vector<1x1x16xf32>,
        %parallel_loop3A_232 = vector.shape_cast %parallel_loop3A_231 : vector<1x1x16xf32> to vector<16xf32>
        %parallel_loop3A_233 = arith.mulf %parallel_loop3A_232, %parallel_loop3A_225 : vector<16xf32>
        %parallel_loop3A_234 = arith.index_cast %select_n3A_103 : i32 to index
        %parallel_loop3A_235 = arith.index_cast %parallel_loop3A_185 : i32 to index
        %parallel_loop3A_236 = arith.constant 16 : index
        %parallel_loop3A_237 = tpu.vector_load %arg7[%parallel_loop3A_234, %parallel_loop3A_235, %parallel_loop3A_236] {strides = array<i32>} : memref<2x80x128xf32, #tpu.memory_space<vmem>>, vector<1x1x16xf32>,
        %parallel_loop3A_238 = vector.shape_cast %parallel_loop3A_237 : vector<1x1x16xf32> to vector<16xf32>
        %parallel_loop3A_239 = vector.shape_cast %parallel_loop3A_233 : vector<16xf32> to vector<1x1x16xf32>
        tpu.vector_store %arg7[%parallel_loop3A_234, %parallel_loop3A_235, %parallel_loop3A_236], %parallel_loop3A_239 {strides = array<i32>} : memref<2x80x128xf32, #tpu.memory_space<vmem>>, vector<1x1x16xf32>,
        %parallel_loop3A_240 = arith.index_cast %select_n3A_103 : i32 to index
        %parallel_loop3A_241 = arith.index_cast %parallel_loop3A_185 : i32 to index
        %parallel_loop3A_242 = arith.constant 80 : index
        %parallel_loop3A_243 = tpu.vector_load %arg7[%parallel_loop3A_240, %parallel_loop3A_241, %parallel_loop3A_242] {strides = array<i32>} : memref<2x80x128xf32, #tpu.memory_space<vmem>>, vector<1x1x16xf32>,
        %parallel_loop3A_244 = vector.shape_cast %parallel_loop3A_243 : vector<1x1x16xf32> to vector<16xf32>
        %parallel_loop3A_245 = arith.mulf %parallel_loop3A_244, %parallel_loop3A_227 : vector<16xf32>
        %parallel_loop3A_246 = arith.index_cast %select_n3A_103 : i32 to index
        %parallel_loop3A_247 = arith.index_cast %parallel_loop3A_185 : i32 to index
        %parallel_loop3A_248 = arith.constant 80 : index
        %parallel_loop3A_249 = tpu.vector_load %arg7[%parallel_loop3A_246, %parallel_loop3A_247, %parallel_loop3A_248] {strides = array<i32>} : memref<2x80x128xf32, #tpu.memory_space<vmem>>, vector<1x1x16xf32>,
        %parallel_loop3A_250 = vector.shape_cast %parallel_loop3A_249 : vector<1x1x16xf32> to vector<16xf32>
        %parallel_loop3A_251 = vector.shape_cast %parallel_loop3A_245 : vector<16xf32> to vector<1x1x16xf32>
        tpu.vector_store %arg7[%parallel_loop3A_246, %parallel_loop3A_247, %parallel_loop3A_248], %parallel_loop3A_251 {strides = array<i32>} : memref<2x80x128xf32, #tpu.memory_space<vmem>>, vector<1x1x16xf32>,
        %parallel_loop3A_252 = arith.index_cast %select_n3A_103 : i32 to index
        %parallel_loop3A_253 = arith.index_cast %parallel_loop3A_185 : i32 to index
        %parallel_loop3A_254 = arith.constant 32 : index
        %parallel_loop3A_255 = tpu.vector_load %arg8[%parallel_loop3A_252, %parallel_loop3A_253, %parallel_loop3A_254] {strides = array<i32>} : memref<2x80x64xi32, #tpu.memory_space<vmem>>, vector<1x1x16xi32>,
        %parallel_loop3A_256 = vector.shape_cast %parallel_loop3A_255 : vector<1x1x16xi32> to vector<16xi32>
        %parallel_loop3A_257 = arith.shli %parallel_loop3A_256, %broadcast_in_dim3A_165 : vector<16xi32>
        %parallel_loop3A_258 = tpu.bitcast %parallel_loop3A_257 : vector<16xi32> -> vector<16xf32>
        %parallel_loop3A_259 = arith.andi %parallel_loop3A_256, %broadcast_in_dim3A_163 : vector<16xi32>
        %parallel_loop3A_260 = tpu.bitcast %parallel_loop3A_259 : vector<16xi32> -> vector<16xf32>
        %parallel_loop3A_261 = arith.index_cast %select_n3A_103 : i32 to index
        %parallel_loop3A_262 = arith.index_cast %parallel_loop3A_185 : i32 to index
        %parallel_loop3A_263 = arith.constant 32 : index
        %parallel_loop3A_264 = tpu.vector_load %arg7[%parallel_loop3A_261, %parallel_loop3A_262, %parallel_loop3A_263] {strides = array<i32>} : memref<2x80x128xf32, #tpu.memory_space<vmem>>, vector<1x1x16xf32>,
        %parallel_loop3A_265 = vector.shape_cast %parallel_loop3A_264 : vector<1x1x16xf32> to vector<16xf32>
        %parallel_loop3A_266 = arith.mulf %parallel_loop3A_265, %parallel_loop3A_258 : vector<16xf32>
        %parallel_loop3A_267 = arith.index_cast %select_n3A_103 : i32 to index
        %parallel_loop3A_268 = arith.index_cast %parallel_loop3A_185 : i32 to index
        %parallel_loop3A_269 = arith.constant 32 : index
        %parallel_loop3A_270 = tpu.vector_load %arg7[%parallel_loop3A_267, %parallel_loop3A_268, %parallel_loop3A_269] {strides = array<i32>} : memref<2x80x128xf32, #tpu.memory_space<vmem>>, vector<1x1x16xf32>,
        %parallel_loop3A_271 = vector.shape_cast %parallel_loop3A_270 : vector<1x1x16xf32> to vector<16xf32>
        %parallel_loop3A_272 = vector.shape_cast %parallel_loop3A_266 : vector<16xf32> to vector<1x1x16xf32>
        tpu.vector_store %arg7[%parallel_loop3A_267, %parallel_loop3A_268, %parallel_loop3A_269], %parallel_loop3A_272 {strides = array<i32>} : memref<2x80x128xf32, #tpu.memory_space<vmem>>, vector<1x1x16xf32>,
        %parallel_loop3A_273 = arith.index_cast %select_n3A_103 : i32 to index
        %parallel_loop3A_274 = arith.index_cast %parallel_loop3A_185 : i32 to index
        %parallel_loop3A_275 = arith.constant 96 : index
        %parallel_loop3A_276 = tpu.vector_load %arg7[%parallel_loop3A_273, %parallel_loop3A_274, %parallel_loop3A_275] {strides = array<i32>} : memref<2x80x128xf32, #tpu.memory_space<vmem>>, vector<1x1x16xf32>,
        %parallel_loop3A_277 = vector.shape_cast %parallel_loop3A_276 : vector<1x1x16xf32> to vector<16xf32>
        %parallel_loop3A_278 = arith.mulf %parallel_loop3A_277, %parallel_loop3A_260 : vector<16xf32>
        %parallel_loop3A_279 = arith.index_cast %select_n3A_103 : i32 to index
        %parallel_loop3A_280 = arith.index_cast %parallel_loop3A_185 : i32 to index
        %parallel_loop3A_281 = arith.constant 96 : index
        %parallel_loop3A_282 = tpu.vector_load %arg7[%parallel_loop3A_279, %parallel_loop3A_280, %parallel_loop3A_281] {strides = array<i32>} : memref<2x80x128xf32, #tpu.memory_space<vmem>>, vector<1x1x16xf32>,
        %parallel_loop3A_283 = vector.shape_cast %parallel_loop3A_282 : vector<1x1x16xf32> to vector<16xf32>
        %parallel_loop3A_284 = vector.shape_cast %parallel_loop3A_278 : vector<16xf32> to vector<1x1x16xf32>
        tpu.vector_store %arg7[%parallel_loop3A_279, %parallel_loop3A_280, %parallel_loop3A_281], %parallel_loop3A_284 {strides = array<i32>} : memref<2x80x128xf32, #tpu.memory_space<vmem>>, vector<1x1x16xf32>,
        %parallel_loop3A_285 = arith.index_cast %select_n3A_103 : i32 to index
        %parallel_loop3A_286 = arith.index_cast %parallel_loop3A_185 : i32 to index
        %parallel_loop3A_287 = arith.constant 48 : index
        %parallel_loop3A_288 = tpu.vector_load %arg8[%parallel_loop3A_285, %parallel_loop3A_286, %parallel_loop3A_287] {strides = array<i32>} : memref<2x80x64xi32, #tpu.memory_space<vmem>>, vector<1x1x16xi32>,
        %parallel_loop3A_289 = vector.shape_cast %parallel_loop3A_288 : vector<1x1x16xi32> to vector<16xi32>
        %parallel_loop3A_290 = arith.shli %parallel_loop3A_289, %broadcast_in_dim3A_165 : vector<16xi32>
        %parallel_loop3A_291 = tpu.bitcast %parallel_loop3A_290 : vector<16xi32> -> vector<16xf32>
        %parallel_loop3A_292 = arith.andi %parallel_loop3A_289, %broadcast_in_dim3A_163 : vector<16xi32>
        %parallel_loop3A_293 = tpu.bitcast %parallel_loop3A_292 : vector<16xi32> -> vector<16xf32>
        %parallel_loop3A_294 = arith.index_cast %select_n3A_103 : i32 to index
        %parallel_loop3A_295 = arith.index_cast %parallel_loop3A_185 : i32 to index
        %parallel_loop3A_296 = arith.constant 48 : index
        %parallel_loop3A_297 = tpu.vector_load %arg7[%parallel_loop3A_294, %parallel_loop3A_295, %parallel_loop3A_296] {strides = array<i32>} : memref<2x80x128xf32, #tpu.memory_space<vmem>>, vector<1x1x16xf32>,
        %parallel_loop3A_298 = vector.shape_cast %parallel_loop3A_297 : vector<1x1x16xf32> to vector<16xf32>
        %parallel_loop3A_299 = arith.mulf %parallel_loop3A_298, %parallel_loop3A_291 : vector<16xf32>
        %parallel_loop3A_300 = arith.index_cast %select_n3A_103 : i32 to index
        %parallel_loop3A_301 = arith.index_cast %parallel_loop3A_185 : i32 to index
        %parallel_loop3A_302 = arith.constant 48 : index
        %parallel_loop3A_303 = tpu.vector_load %arg7[%parallel_loop3A_300, %parallel_loop3A_301, %parallel_loop3A_302] {strides = array<i32>} : memref<2x80x128xf32, #tpu.memory_space<vmem>>, vector<1x1x16xf32>,
        %parallel_loop3A_304 = vector.shape_cast %parallel_loop3A_303 : vector<1x1x16xf32> to vector<16xf32>
        %parallel_loop3A_305 = vector.shape_cast %parallel_loop3A_299 : vector<16xf32> to vector<1x1x16xf32>
        tpu.vector_store %arg7[%parallel_loop3A_300, %parallel_loop3A_301, %parallel_loop3A_302], %parallel_loop3A_305 {strides = array<i32>} : memref<2x80x128xf32, #tpu.memory_space<vmem>>, vector<1x1x16xf32>,
        %parallel_loop3A_306 = arith.index_cast %select_n3A_103 : i32 to index
        %parallel_loop3A_307 = arith.index_cast %parallel_loop3A_185 : i32 to index
        %parallel_loop3A_308 = arith.constant 112 : index
        %parallel_loop3A_309 = tpu.vector_load %arg7[%parallel_loop3A_306, %parallel_loop3A_307, %parallel_loop3A_308] {strides = array<i32>} : memref<2x80x128xf32, #tpu.memory_space<vmem>>, vector<1x1x16xf32>,
        %parallel_loop3A_310 = vector.shape_cast %parallel_loop3A_309 : vector<1x1x16xf32> to vector<16xf32>
        %parallel_loop3A_311 = arith.mulf %parallel_loop3A_310, %parallel_loop3A_293 : vector<16xf32>
        %parallel_loop3A_312 = arith.index_cast %select_n3A_103 : i32 to index
        %parallel_loop3A_313 = arith.index_cast %parallel_loop3A_185 : i32 to index
        %parallel_loop3A_314 = arith.constant 112 : index
        %parallel_loop3A_315 = tpu.vector_load %arg7[%parallel_loop3A_312, %parallel_loop3A_313, %parallel_loop3A_314] {strides = array<i32>} : memref<2x80x128xf32, #tpu.memory_space<vmem>>, vector<1x1x16xf32>,
        %parallel_loop3A_316 = vector.shape_cast %parallel_loop3A_315 : vector<1x1x16xf32> to vector<16xf32>
        %parallel_loop3A_317 = vector.shape_cast %parallel_loop3A_311 : vector<16xf32> to vector<1x1x16xf32>
        tpu.vector_store %arg7[%parallel_loop3A_312, %parallel_loop3A_313, %parallel_loop3A_314], %parallel_loop3A_317 {strides = array<i32>} : memref<2x80x128xf32, #tpu.memory_space<vmem>>, vector<1x1x16xf32>,
      } {sc.loop_unroll_factor = 4 : i64, sc.parallel_access}
      %run_scoped3A_168 = arith.constant 1 : i32
      "tpu.region"() ({
        %run_scoped3A_185 = tpu.sem_alloc : memref<!tpu.dma_semaphore, #tpu.memory_space<semaphore_mem>>
        %dma_start3A = arith.constant 0 : i32
        %dma_start3A_186 = arith.constant 0 : i32
        %dma_start3A_187 = tpu.memref_slice %arg7[%select_n3A_103, %dma_start3A, %dma_start3A_186] : memref<2x80x128xf32, #tpu.memory_space<vmem>> -> memref<1x80x128xf32, #tpu.memory_space<vmem>>
        %dma_start3A_188 = tpu.memref_squeeze %dma_start3A_187 : memref<1x80x128xf32, #tpu.memory_space<vmem>> -> memref<80x128xf32, #tpu.memory_space<vmem>>
        %dma_start3A_189 = arith.constant 0 : i32
        %dma_start3A_190 = tpu.memref_slice %arg6[%select_n3A_87, %run_scoped3A_168, %dma_start3A_189] : memref<25x2x80xi32, #tpu.memory_space<vmem>> -> memref<1x1x80xi32, #tpu.memory_space<vmem>>
        %dma_start3A_191 = tpu.memref_squeeze %dma_start3A_190 : memref<1x1x80xi32, #tpu.memory_space<vmem>> -> memref<80xi32, #tpu.memory_space<vmem>>
        %dma_start3A_192 = arith.constant 0 : i32
        %dma_start3A_193 = arith.constant 0 : i32
        %dma_start3A_194 = tpu.memref_slice %arg9[%dma_start3A_192, %dma_start3A_193] : memref<10240x128xf32, #tpu.memory_space<vmem_shared>> -> memref<10240x128xf32, #tpu.memory_space<vmem_shared>>
        tpu.enqueue_indirect_dma source(%dma_start3A_188 : memref<80x128xf32, #tpu.memory_space<vmem>>) target(%dma_start3A_194 : memref<10240x128xf32, #tpu.memory_space<vmem_shared>>) offsets(%dma_start3A_191 : memref<80xi32, #tpu.memory_space<vmem>>) semaphore(%run_scoped3A_185 : memref<!tpu.dma_semaphore, #tpu.memory_space<semaphore_mem>>) {add = true}
        %dma_wait3A = arith.constant 0 : i32
        %dma_wait3A_195 = arith.constant 0 : i32
        %dma_wait3A_196 = tpu.memref_slice %arg7[%select_n3A_103, %dma_wait3A, %dma_wait3A_195] : memref<2x80x128xf32, #tpu.memory_space<vmem>> -> memref<1x80x128xf32, #tpu.memory_space<vmem>>
        %dma_wait3A_197 = tpu.memref_squeeze %dma_wait3A_196 : memref<1x80x128xf32, #tpu.memory_space<vmem>> -> memref<80x128xf32, #tpu.memory_space<vmem>>
        %dma_wait3A_198 = arith.constant 0 : i32
        %dma_wait3A_199 = tpu.memref_slice %arg6[%select_n3A_87, %run_scoped3A_168, %dma_wait3A_198] : memref<25x2x80xi32, #tpu.memory_space<vmem>> -> memref<1x1x80xi32, #tpu.memory_space<vmem>>
        %dma_wait3A_200 = tpu.memref_squeeze %dma_wait3A_199 : memref<1x1x80xi32, #tpu.memory_space<vmem>> -> memref<80xi32, #tpu.memory_space<vmem>>
        %dma_wait3A_201 = arith.constant 0 : i32
        %dma_wait3A_202 = arith.constant 0 : i32
        %dma_wait3A_203 = tpu.memref_slice %arg9[%dma_wait3A_201, %dma_wait3A_202] : memref<10240x128xf32, #tpu.memory_space<vmem_shared>> -> memref<10240x128xf32, #tpu.memory_space<vmem_shared>>
        tpu.wait_indirect_dma semaphore(%run_scoped3A_185 : memref<!tpu.dma_semaphore, #tpu.memory_space<semaphore_mem>>) src(%dma_wait3A_197 : memref<80x128xf32, #tpu.memory_space<vmem>>) dst(%dma_wait3A_203 : memref<10240x128xf32, #tpu.memory_space<vmem_shared>>)
        tpu.yield
      }) : () -> ()
      %lt3A_169 = arith.constant 23 : i32
      %lt3A_170 = arith.cmpi slt, %select_n3A_87, %lt3A_169 : i32
      %eq3A_171 = arith.constant 0 : i32
      %eq3A_172 = arith.cmpi eq, %select_n3A_103, %eq3A_171 : i32
      %and3A_173 = arith.andi %lt3A_170, %eq3A_172 : i1
      %convert_element_type3A_174 = arith.extui %and3A_173 : i1 to i32
      %cond3A_175 = arith.constant 0 : i32
      %cond3A_176 = arith.cmpi ne, %convert_element_type3A_174, %cond3A_175 : i32
      scf.if %cond3A_176 {
        %add3A_185 = arith.constant 2 : i32
        %add3A_186 = arith.addi %select_n3A_87, %add3A_185 : i32
        %dma_start3A = arith.constant 0 : i32
        %dma_start3A_187 = arith.constant 0 : i32
        %dma_start3A_188 = arith.constant 0 : i32
        %dma_start3A_189 = arith.constant 0 : i32
        %dma_start3A_190 = tpu.memref_slice %arg7[%dma_start3A_187, %dma_start3A_188, %dma_start3A_189] : memref<2x80x128xf32, #tpu.memory_space<vmem>> -> memref<1x80x128xf32, #tpu.memory_space<vmem>>
        %dma_start3A_191 = tpu.memref_squeeze %dma_start3A_190 : memref<1x80x128xf32, #tpu.memory_space<vmem>> -> memref<80x128xf32, #tpu.memory_space<vmem>>
        %dma_start3A_192 = arith.constant 0 : i32
        %dma_start3A_193 = tpu.memref_slice %arg6[%add3A_186, %dma_start3A, %dma_start3A_192] : memref<25x2x80xi32, #tpu.memory_space<vmem>> -> memref<1x1x80xi32, #tpu.memory_space<vmem>>
        %dma_start3A_194 = tpu.memref_squeeze %dma_start3A_193 : memref<1x1x80xi32, #tpu.memory_space<vmem>> -> memref<80xi32, #tpu.memory_space<vmem>>
        %dma_start3A_195 = arith.constant 0 : i32
        %dma_start3A_196 = arith.constant 0 : i32
        %dma_start3A_197 = tpu.memref_slice %arg2[%dma_start3A_195, %dma_start3A_196] : memref<10000x128xf32, #tpu.memory_space<hbm>> -> memref<10000x128xf32, #tpu.memory_space<hbm>>
        tpu.enqueue_indirect_dma source(%dma_start3A_197 : memref<10000x128xf32, #tpu.memory_space<hbm>>) target(%dma_start3A_191 : memref<80x128xf32, #tpu.memory_space<vmem>>) offsets(%dma_start3A_194 : memref<80xi32, #tpu.memory_space<vmem>>) semaphore(%arg10 : memref<!tpu.dma_semaphore, #tpu.memory_space<semaphore_mem>>)
      } else {
      }
      %lt3A_177 = arith.constant 23 : i32
      %lt3A_178 = arith.cmpi slt, %select_n3A_87, %lt3A_177 : i32
      %eq3A_179 = arith.constant 1 : i32
      %eq3A_180 = arith.cmpi eq, %select_n3A_103, %eq3A_179 : i32
      %and3A_181 = arith.andi %lt3A_178, %eq3A_180 : i1
      %convert_element_type3A_182 = arith.extui %and3A_181 : i1 to i32
      %cond3A_183 = arith.constant 0 : i32
      %cond3A_184 = arith.cmpi ne, %convert_element_type3A_182, %cond3A_183 : i32
      scf.if %cond3A_184 {
        %add3A_185 = arith.constant 2 : i32
        %add3A_186 = arith.addi %select_n3A_87, %add3A_185 : i32
        %dma_start3A = arith.constant 0 : i32
        %dma_start3A_187 = arith.constant 1 : i32
        %dma_start3A_188 = arith.constant 0 : i32
        %dma_start3A_189 = arith.constant 0 : i32
        %dma_start3A_190 = tpu.memref_slice %arg7[%dma_start3A_187, %dma_start3A_188, %dma_start3A_189] : memref<2x80x128xf32, #tpu.memory_space<vmem>> -> memref<1x80x128xf32, #tpu.memory_space<vmem>>
        %dma_start3A_191 = tpu.memref_squeeze %dma_start3A_190 : memref<1x80x128xf32, #tpu.memory_space<vmem>> -> memref<80x128xf32, #tpu.memory_space<vmem>>
        %dma_start3A_192 = arith.constant 0 : i32
        %dma_start3A_193 = tpu.memref_slice %arg6[%add3A_186, %dma_start3A, %dma_start3A_192] : memref<25x2x80xi32, #tpu.memory_space<vmem>> -> memref<1x1x80xi32, #tpu.memory_space<vmem>>
        %dma_start3A_194 = tpu.memref_squeeze %dma_start3A_193 : memref<1x1x80xi32, #tpu.memory_space<vmem>> -> memref<80xi32, #tpu.memory_space<vmem>>
        %dma_start3A_195 = arith.constant 0 : i32
        %dma_start3A_196 = arith.constant 0 : i32
        %dma_start3A_197 = tpu.memref_slice %arg2[%dma_start3A_195, %dma_start3A_196] : memref<10000x128xf32, #tpu.memory_space<hbm>> -> memref<10000x128xf32, #tpu.memory_space<hbm>>
        tpu.enqueue_indirect_dma source(%dma_start3A_197 : memref<10000x128xf32, #tpu.memory_space<hbm>>) target(%dma_start3A_191 : memref<80x128xf32, #tpu.memory_space<vmem>>) offsets(%dma_start3A_194 : memref<80xi32, #tpu.memory_space<vmem>>) semaphore(%arg11 : memref<!tpu.dma_semaphore, #tpu.memory_space<semaphore_mem>>)
      } else {
      }
    }
    %scan3A_50 = arith.constant 125 : i32
    %barrier3A_51 = arith.constant 0 : index
    tpu.barrier barrier_id(%barrier3A_51)
    %mul3A_52 = arith.constant 640 : i32
    %mul3A_53 = arith.muli %arg1, %mul3A_52 : i32
    %mul3A_54 = arith.constant 16 : i32
    %mul3A_55 = arith.muli %arg0, %mul3A_54 : i32
    %add3A_56 = arith.addi %mul3A_55, %arg1 : i32
    "tpu.region"() ({
      %run_scoped3A_57 = tpu.sem_alloc : memref<!tpu.dma_semaphore, #tpu.memory_space<semaphore_mem>>
      %dma_start3A = arith.constant 0 : i32
      %dma_start3A_58 = arith.constant 0 : i32
      %dma_start3A_59 = tpu.memref_slice %arg5[%add3A_56, %dma_start3A, %dma_start3A_58] : memref<32x640x128xf32, #tpu.memory_space<hbm>> -> memref<1x640x128xf32, #tpu.memory_space<hbm>>
      %dma_start3A_60 = tpu.memref_squeeze %dma_start3A_59 : memref<1x640x128xf32, #tpu.memory_space<hbm>> -> memref<640x128xf32, #tpu.memory_space<hbm>>
      %dma_start3A_61 = arith.constant 0 : i32
      %dma_start3A_62 = tpu.memref_slice %arg9[%mul3A_53, %dma_start3A_61] : memref<10240x128xf32, #tpu.memory_space<vmem_shared>> -> memref<640x128xf32, #tpu.memory_space<vmem_shared>>
      tpu.enqueue_dma source(%dma_start3A_62 : memref<640x128xf32, #tpu.memory_space<vmem_shared>>) target(%dma_start3A_60 : memref<640x128xf32, #tpu.memory_space<hbm>>) target_semaphore(%run_scoped3A_57 : memref<!tpu.dma_semaphore, #tpu.memory_space<semaphore_mem>>)
      %dma_wait3A = arith.constant 0 : i32
      %dma_wait3A_63 = arith.constant 0 : i32
      %dma_wait3A_64 = tpu.memref_slice %arg5[%add3A_56, %dma_wait3A, %dma_wait3A_63] : memref<32x640x128xf32, #tpu.memory_space<hbm>> -> memref<1x640x128xf32, #tpu.memory_space<hbm>>
      %dma_wait3A_65 = tpu.memref_squeeze %dma_wait3A_64 : memref<1x640x128xf32, #tpu.memory_space<hbm>> -> memref<640x128xf32, #tpu.memory_space<hbm>>
      %dma_wait3A_66 = arith.constant 0 : i32
      %dma_wait3A_67 = tpu.memref_slice %arg9[%mul3A_53, %dma_wait3A_66] : memref<10240x128xf32, #tpu.memory_space<vmem_shared>> -> memref<640x128xf32, #tpu.memory_space<vmem_shared>>
      tpu.wait_dma2 semaphore(%run_scoped3A_57 : memref<!tpu.dma_semaphore, #tpu.memory_space<semaphore_mem>>) src(%dma_wait3A_67 : memref<640x128xf32, #tpu.memory_space<vmem_shared>>) dst(%dma_wait3A_65 : memref<640x128xf32, #tpu.memory_space<hbm>>)
      tpu.yield
    }) : () -> ()
    return
  }
}

module attributes {stable_mosaic.version = 14 : i64} {
  func.func @_mm_body(%arg0: i32, %arg1: memref<1000x128xf32, #tpu.memory_space<vmem>>, %arg2: memref<128x128xf32, #tpu.memory_space<vmem>>, %arg3: memref<1000x128xf32, #tpu.memory_space<vmem>>) attributes {dimension_semantics = [#tpu.dimension_semantics<arbitrary>], iteration_bounds = array<i64: 10>, scalar_prefetch = 0 : i64, scratch_operands = 0 : i64, tpu.core_type = #tpu.core_type<tc>, window_params = [{transform_indices = @transform_0, window_bounds = array<i64: 1000, 128>}, {pipeline_mode = #tpu.pipeline_mode<synchronous>, transform_indices = @transform_1, window_bounds = array<i64: 128, 128>}, {transform_indices = @transform_2, window_bounds = array<i64: 1000, 128>}]} {
    %get3A = arith.constant 0 : index
    %get3A_0 = arith.constant 0 : index
    %get3A_1 = vector.load %arg1[%get3A, %get3A_0] : memref<1000x128xf32, #tpu.memory_space<vmem>>, vector<1000x128xf32>
    %get3A_2 = arith.constant 0 : index
    %get3A_3 = arith.constant 0 : index
    %get3A_4 = vector.load %arg2[%get3A_2, %get3A_3] : memref<128x128xf32, #tpu.memory_space<vmem>>, vector<128x128xf32>
    %dot_general3A = arith.constant dense<0.000000e+00> : vector<1000x128xf32>
    %dot_general3A_5 = tpu.matmul %get3A_1, %get3A_4, %dot_general3A {dimension_numbers = #tpu.dot_dimension_numbers<[1], [0], [0], [1], [0, 0, 1, 1], [], []>, transpose_lhs_hint = false} : vector<1000x128xf32>, vector<128x128xf32>, vector<1000x128xf32> -> vector<1000x128xf32>
    %swap3A = arith.constant 0 : index
    %swap3A_6 = arith.constant 0 : index
    %swap3A_7 = vector.load %arg3[%swap3A, %swap3A_6] : memref<1000x128xf32, #tpu.memory_space<vmem>>, vector<1000x128xf32>
    tpu.vector_store %arg3[%swap3A, %swap3A_6], %dot_general3A_5 {strides = array<i32>} : memref<1000x128xf32, #tpu.memory_space<vmem>>, vector<1000x128xf32>,
    return
  }
  func.func @transform_0(%arg0: i32) -> (i32, i32) {
    %c0_i32 = arith.constant 0 : i32
    %c0_i32_0 = arith.constant 0 : i32
    return %arg0, %c0_i32 : i32, i32
  }
  func.func @transform_1(%arg0: i32) -> (i32, i32) {
    %c0_i32 = arith.constant 0 : i32
    %c0_i32_0 = arith.constant 0 : i32
    %c0_i32_1 = arith.constant 0 : i32
    return %c0_i32, %c0_i32_0 : i32, i32
  }
  func.func @transform_2(%arg0: i32) -> (i32, i32) {
    %c0_i32 = arith.constant 0 : i32
    %c0_i32_0 = arith.constant 0 : i32
    return %arg0, %c0_i32 : i32, i32
  }
}

module attributes {stable_mosaic.version = 14 : i64} {
  func.func @_filt_body(%arg0: i32, %arg1: memref<1x4x128xf32, #tpu.memory_space<vmem>>, %arg2: memref<128x128xf32, #tpu.memory_space<vmem>>, %arg3: memref<128x1xf32, #tpu.memory_space<vmem>>, %arg4: memref<128x128xf32, #tpu.memory_space<vmem>>, %arg5: memref<1x128xf32, #tpu.memory_space<vmem>>, %arg6: memref<512x64xi32, #tpu.memory_space<vmem>>) attributes {dimension_semantics = [#tpu.dimension_semantics<arbitrary>], iteration_bounds = array<i64: 625>, scalar_prefetch = 0 : i64, scratch_operands = 0 : i64, tpu.core_type = #tpu.core_type<tc>, window_params = [{transform_indices = @transform_0, window_bounds = array<i64: 1, 4, 128>}, {pipeline_mode = #tpu.pipeline_mode<synchronous>, transform_indices = @transform_1, window_bounds = array<i64: 128, 128>}, {pipeline_mode = #tpu.pipeline_mode<synchronous>, transform_indices = @transform_2, window_bounds = array<i64: 128, 1>}, {pipeline_mode = #tpu.pipeline_mode<synchronous>, transform_indices = @transform_3, window_bounds = array<i64: 128, 128>}, {pipeline_mode = #tpu.pipeline_mode<synchronous>, transform_indices = @transform_4, window_bounds = array<i64: 1, 128>}, {transform_indices = @transform_5, window_bounds = array<i64: 512, 64>}]} {
    %get3A = arith.constant 0 : index
    %get3A_0 = arith.constant 0 : index
    %get3A_1 = vector.load %arg2[%get3A, %get3A_0] : memref<128x128xf32, #tpu.memory_space<vmem>>, vector<128x128xf32>
    %get3A_2 = arith.constant 0 : index
    %get3A_3 = arith.constant 0 : index
    %get3A_4 = vector.load %arg4[%get3A_2, %get3A_3] : memref<128x128xf32, #tpu.memory_space<vmem>>, vector<128x128xf32>
    %get3A_5 = arith.constant 0 : index
    %get3A_6 = arith.constant 0 : index
    %get3A_7 = vector.load %arg3[%get3A_5, %get3A_6] : memref<128x1xf32, #tpu.memory_space<vmem>>, vector<128x1xf32>
    %get3A_8 = arith.constant 0 : index
    %get3A_9 = arith.constant 0 : index
    %get3A_10 = vector.load %arg5[%get3A_8, %get3A_9] : memref<1x128xf32, #tpu.memory_space<vmem>>, vector<1x128xf32>
    %iota3A = tpu.iota {dimensions = array<i32: 0>} : vector<128x1xi32>
    %convert_element_type3A = arith.sitofp %iota3A : vector<128x1xi32> to vector<128x1xf32>
    %mul3A = arith.constant 0.00787401571 : f32
    %mul3A_11 = vector.broadcast %mul3A : f32 to vector<128x1xf32>
    %mul3A_12 = arith.mulf %convert_element_type3A, %mul3A_11 : vector<128x1xf32>
    %get3A_13 = arith.constant 0 : index
    %get3A_14 = arith.constant 0 : index
    %get3A_15 = arith.constant 0 : index
    %get3A_16 = vector.load %arg1[%get3A_13, %get3A_14, %get3A_15] : memref<1x4x128xf32, #tpu.memory_space<vmem>>, vector<1x1x128xf32>
    %get3A_17 = vector.shape_cast %get3A_16 : vector<1x1x128xf32> to vector<1x128xf32>
    %jit3A = arith.constant 0.000000e+00 : f32
    %jit3A_18 = arith.constant 1.000000e+00 : f32
    %max3A = vector.broadcast %jit3A : f32 to vector<1x128xf32>
    %max3A_19 = arith.maximumf %max3A, %get3A_17 : vector<1x128xf32>
    %min3A = vector.broadcast %jit3A_18 : f32 to vector<1x128xf32>
    %min3A_20 = arith.minimumf %min3A, %max3A_19 : vector<1x128xf32>
    %mul3A_21 = arith.constant 3.14159274 : f32
    %mul3A_22 = vector.broadcast %mul3A_21 : f32 to vector<1x128xf32>
    %mul3A_23 = arith.mulf %mul3A_22, %min3A_20 : vector<1x128xf32>
    %cos3A = math.cos %mul3A_23 : vector<1x128xf32>
    %add3A = arith.constant 1.000000e+00 : f32
    %add3A_24 = vector.broadcast %add3A : f32 to vector<1x128xf32>
    %add3A_25 = arith.addf %cos3A, %add3A_24 : vector<1x128xf32>
    %mul3A_26 = arith.constant 5.000000e-01 : f32
    %mul3A_27 = vector.broadcast %mul3A_26 : f32 to vector<1x128xf32>
    %mul3A_28 = arith.mulf %mul3A_27, %add3A_25 : vector<1x128xf32>
    %sub3A = vector.broadcast %get3A_17 : vector<1x128xf32> to vector<128x128xf32>
    %sub3A_29 = vector.broadcast %mul3A_12 : vector<128x1xf32> to vector<128x128xf32>
    %sub3A_30 = arith.subf %sub3A, %sub3A_29 : vector<128x128xf32>
    %mul3A_31 = arith.constant -1.000000e+01 : f32
    %mul3A_32 = vector.broadcast %mul3A_31 : f32 to vector<128x128xf32>
    %mul3A_33 = arith.mulf %mul3A_32, %sub3A_30 : vector<128x128xf32>
    %mul3A_34 = arith.mulf %mul3A_33, %sub3A_30 : vector<128x128xf32>
    %exp3A = math.exp %mul3A_34 : vector<128x128xf32>
    %mul3A_35 = vector.broadcast %mul3A_28 : vector<1x128xf32> to vector<128x128xf32>
    %mul3A_36 = arith.mulf %exp3A, %mul3A_35 : vector<128x128xf32>
    %dot_general3A = arith.constant dense<0.000000e+00> : vector<128x128xf32>
    %dot_general3A_37 = tpu.matmul %get3A_1, %mul3A_36, %dot_general3A {dimension_numbers = #tpu.dot_dimension_numbers<[1], [0], [0], [1], [0, 0, 1, 1], [], []>, transpose_lhs_hint = false} : vector<128x128xf32>, vector<128x128xf32>, vector<128x128xf32> -> vector<128x128xf32>
    %add3A_38 = vector.broadcast %get3A_7 : vector<128x1xf32> to vector<128x128xf32>
    %add3A_39 = arith.addf %dot_general3A_37, %add3A_38 : vector<128x128xf32>
    %max3A_40 = arith.constant 0.000000e+00 : f32
    %max3A_41 = vector.broadcast %max3A_40 : f32 to vector<128x128xf32>
    %max3A_42 = arith.maximumf %add3A_39, %max3A_41 : vector<128x128xf32>
    %abs3A = math.absf %add3A_39 : vector<128x128xf32>
    %neg3A = arith.constant 0.000000e+00 : f32
    %neg3A_43 = vector.broadcast %neg3A : f32 to vector<128x128xf32>
    %neg3A_44 = arith.subf %neg3A_43, %abs3A : vector<128x128xf32>
    %exp3A_45 = math.exp %neg3A_44 : vector<128x128xf32>
    %add3A_46 = arith.constant 1.000000e+00 : f32
    %add3A_47 = vector.broadcast %add3A_46 : f32 to vector<128x128xf32>
    %add3A_48 = arith.addf %add3A_47, %exp3A_45 : vector<128x128xf32>
    %log3A = math.log %add3A_48 : vector<128x128xf32>
    %add3A_49 = arith.addf %max3A_42, %log3A : vector<128x128xf32>
    %log3A_50 = arith.constant 2.000000e+00 : f32
    %log3A_51 = math.log %log3A_50 : f32
    %sub3A_52 = vector.broadcast %log3A_51 : f32 to vector<128x128xf32>
    %sub3A_53 = arith.subf %add3A_49, %sub3A_52 : vector<128x128xf32>
    %dot_general3A_54 = arith.constant dense<0.000000e+00> : vector<128x128xf32>
    %dot_general3A_55 = tpu.matmul %sub3A_53, %get3A_4, %dot_general3A_54 {dimension_numbers = #tpu.dot_dimension_numbers<[0], [0], [1], [1], [0, 1, 1, 1], [], []>, transpose_lhs_hint = false} : vector<128x128xf32>, vector<128x128xf32>, vector<128x128xf32> -> vector<128x128xf32>
    %add3A_56 = vector.broadcast %get3A_10 : vector<1x128xf32> to vector<128x128xf32>
    %add3A_57 = arith.addf %dot_general3A_55, %add3A_56 : vector<128x128xf32>
    %slice3A = vector.extract_strided_slice %add3A_57 {offsets = [0, 0], sizes = [128, 64], strides = [1, 1]} : vector<128x128xf32> to vector<128x64xf32>
    %bitcast_convert_type3A = tpu.bitcast %slice3A : vector<128x64xf32> -> vector<128x64xi32>
    %add3A_58 = arith.constant 32767 : i32
    %add3A_59 = vector.broadcast %add3A_58 : i32 to vector<128x64xi32>
    %add3A_60 = arith.addi %bitcast_convert_type3A, %add3A_59 : vector<128x64xi32>
    %shift_right_logical3A = arith.constant 16 : i32
    %shift_right_logical3A_61 = vector.broadcast %shift_right_logical3A : i32 to vector<128x64xi32>
    %shift_right_logical3A_62 = arith.shrui %bitcast_convert_type3A, %shift_right_logical3A_61 : vector<128x64xi32>
    %and3A = arith.constant 1 : i32
    %and3A_63 = vector.broadcast %and3A : i32 to vector<128x64xi32>
    %and3A_64 = arith.andi %shift_right_logical3A_62, %and3A_63 : vector<128x64xi32>
    %add3A_65 = arith.addi %add3A_60, %and3A_64 : vector<128x64xi32>
    %shift_right_logical3A_66 = arith.constant 16 : i32
    %shift_right_logical3A_67 = vector.broadcast %shift_right_logical3A_66 : i32 to vector<128x64xi32>
    %shift_right_logical3A_68 = arith.shrui %add3A_65, %shift_right_logical3A_67 : vector<128x64xi32>
    %slice3A_69 = vector.extract_strided_slice %add3A_57 {offsets = [0, 64], sizes = [128, 64], strides = [1, 1]} : vector<128x128xf32> to vector<128x64xf32>
    %bitcast_convert_type3A_70 = tpu.bitcast %slice3A_69 : vector<128x64xf32> -> vector<128x64xi32>
    %add3A_71 = arith.constant 32767 : i32
    %add3A_72 = vector.broadcast %add3A_71 : i32 to vector<128x64xi32>
    %add3A_73 = arith.addi %bitcast_convert_type3A_70, %add3A_72 : vector<128x64xi32>
    %shift_right_logical3A_74 = arith.constant 16 : i32
    %shift_right_logical3A_75 = vector.broadcast %shift_right_logical3A_74 : i32 to vector<128x64xi32>
    %shift_right_logical3A_76 = arith.shrui %bitcast_convert_type3A_70, %shift_right_logical3A_75 : vector<128x64xi32>
    %and3A_77 = arith.constant 1 : i32
    %and3A_78 = vector.broadcast %and3A_77 : i32 to vector<128x64xi32>
    %and3A_79 = arith.andi %shift_right_logical3A_76, %and3A_78 : vector<128x64xi32>
    %add3A_80 = arith.addi %add3A_73, %and3A_79 : vector<128x64xi32>
    %and3A_81 = arith.constant -65536 : i32
    %and3A_82 = vector.broadcast %and3A_81 : i32 to vector<128x64xi32>
    %and3A_83 = arith.andi %add3A_80, %and3A_82 : vector<128x64xi32>
    %or3A = arith.ori %shift_right_logical3A_68, %and3A_83 : vector<128x64xi32>
    %bitcast_convert_type3A_84 = tpu.bitcast %or3A : vector<128x64xi32> -> vector<128x64xi32>
    %swap3A = arith.constant 0 : index
    %swap3A_85 = arith.constant 0 : index
    %swap3A_86 = vector.load %arg6[%swap3A, %swap3A_85] : memref<512x64xi32, #tpu.memory_space<vmem>>, vector<128x64xi32>
    tpu.vector_store %arg6[%swap3A, %swap3A_85], %bitcast_convert_type3A_84 {strides = array<i32>} : memref<512x64xi32, #tpu.memory_space<vmem>>, vector<128x64xi32>,
    %get3A_87 = arith.constant 0 : index
    %get3A_88 = arith.constant 1 : index
    %get3A_89 = arith.constant 0 : index
    %get3A_90 = vector.load %arg1[%get3A_87, %get3A_88, %get3A_89] : memref<1x4x128xf32, #tpu.memory_space<vmem>>, vector<1x1x128xf32>
    %get3A_91 = vector.shape_cast %get3A_90 : vector<1x1x128xf32> to vector<1x128xf32>
    %jit3A_92 = arith.constant 0.000000e+00 : f32
    %jit3A_93 = arith.constant 1.000000e+00 : f32
    %max3A_94 = vector.broadcast %jit3A_92 : f32 to vector<1x128xf32>
    %max3A_95 = arith.maximumf %max3A_94, %get3A_91 : vector<1x128xf32>
    %min3A_96 = vector.broadcast %jit3A_93 : f32 to vector<1x128xf32>
    %min3A_97 = arith.minimumf %min3A_96, %max3A_95 : vector<1x128xf32>
    %mul3A_98 = arith.constant 3.14159274 : f32
    %mul3A_99 = vector.broadcast %mul3A_98 : f32 to vector<1x128xf32>
    %mul3A_100 = arith.mulf %mul3A_99, %min3A_97 : vector<1x128xf32>
    %cos3A_101 = math.cos %mul3A_100 : vector<1x128xf32>
    %add3A_102 = arith.constant 1.000000e+00 : f32
    %add3A_103 = vector.broadcast %add3A_102 : f32 to vector<1x128xf32>
    %add3A_104 = arith.addf %cos3A_101, %add3A_103 : vector<1x128xf32>
    %mul3A_105 = arith.constant 5.000000e-01 : f32
    %mul3A_106 = vector.broadcast %mul3A_105 : f32 to vector<1x128xf32>
    %mul3A_107 = arith.mulf %mul3A_106, %add3A_104 : vector<1x128xf32>
    %sub3A_108 = vector.broadcast %get3A_91 : vector<1x128xf32> to vector<128x128xf32>
    %sub3A_109 = vector.broadcast %mul3A_12 : vector<128x1xf32> to vector<128x128xf32>
    %sub3A_110 = arith.subf %sub3A_108, %sub3A_109 : vector<128x128xf32>
    %mul3A_111 = arith.constant -1.000000e+01 : f32
    %mul3A_112 = vector.broadcast %mul3A_111 : f32 to vector<128x128xf32>
    %mul3A_113 = arith.mulf %mul3A_112, %sub3A_110 : vector<128x128xf32>
    %mul3A_114 = arith.mulf %mul3A_113, %sub3A_110 : vector<128x128xf32>
    %exp3A_115 = math.exp %mul3A_114 : vector<128x128xf32>
    %mul3A_116 = vector.broadcast %mul3A_107 : vector<1x128xf32> to vector<128x128xf32>
    %mul3A_117 = arith.mulf %exp3A_115, %mul3A_116 : vector<128x128xf32>
    %dot_general3A_118 = arith.constant dense<0.000000e+00> : vector<128x128xf32>
    %dot_general3A_119 = tpu.matmul %get3A_1, %mul3A_117, %dot_general3A_118 {dimension_numbers = #tpu.dot_dimension_numbers<[1], [0], [0], [1], [0, 0, 1, 1], [], []>, transpose_lhs_hint = false} : vector<128x128xf32>, vector<128x128xf32>, vector<128x128xf32> -> vector<128x128xf32>
    %add3A_120 = vector.broadcast %get3A_7 : vector<128x1xf32> to vector<128x128xf32>
    %add3A_121 = arith.addf %dot_general3A_119, %add3A_120 : vector<128x128xf32>
    %max3A_122 = arith.constant 0.000000e+00 : f32
    %max3A_123 = vector.broadcast %max3A_122 : f32 to vector<128x128xf32>
    %max3A_124 = arith.maximumf %add3A_121, %max3A_123 : vector<128x128xf32>
    %abs3A_125 = math.absf %add3A_121 : vector<128x128xf32>
    %neg3A_126 = arith.constant 0.000000e+00 : f32
    %neg3A_127 = vector.broadcast %neg3A_126 : f32 to vector<128x128xf32>
    %neg3A_128 = arith.subf %neg3A_127, %abs3A_125 : vector<128x128xf32>
    %exp3A_129 = math.exp %neg3A_128 : vector<128x128xf32>
    %add3A_130 = arith.constant 1.000000e+00 : f32
    %add3A_131 = vector.broadcast %add3A_130 : f32 to vector<128x128xf32>
    %add3A_132 = arith.addf %add3A_131, %exp3A_129 : vector<128x128xf32>
    %log3A_133 = math.log %add3A_132 : vector<128x128xf32>
    %add3A_134 = arith.addf %max3A_124, %log3A_133 : vector<128x128xf32>
    %log3A_135 = arith.constant 2.000000e+00 : f32
    %log3A_136 = math.log %log3A_135 : f32
    %sub3A_137 = vector.broadcast %log3A_136 : f32 to vector<128x128xf32>
    %sub3A_138 = arith.subf %add3A_134, %sub3A_137 : vector<128x128xf32>
    %dot_general3A_139 = arith.constant dense<0.000000e+00> : vector<128x128xf32>
    %dot_general3A_140 = tpu.matmul %sub3A_138, %get3A_4, %dot_general3A_139 {dimension_numbers = #tpu.dot_dimension_numbers<[0], [0], [1], [1], [0, 1, 1, 1], [], []>, transpose_lhs_hint = false} : vector<128x128xf32>, vector<128x128xf32>, vector<128x128xf32> -> vector<128x128xf32>
    %add3A_141 = vector.broadcast %get3A_10 : vector<1x128xf32> to vector<128x128xf32>
    %add3A_142 = arith.addf %dot_general3A_140, %add3A_141 : vector<128x128xf32>
    %slice3A_143 = vector.extract_strided_slice %add3A_142 {offsets = [0, 0], sizes = [128, 64], strides = [1, 1]} : vector<128x128xf32> to vector<128x64xf32>
    %bitcast_convert_type3A_144 = tpu.bitcast %slice3A_143 : vector<128x64xf32> -> vector<128x64xi32>
    %add3A_145 = arith.constant 32767 : i32
    %add3A_146 = vector.broadcast %add3A_145 : i32 to vector<128x64xi32>
    %add3A_147 = arith.addi %bitcast_convert_type3A_144, %add3A_146 : vector<128x64xi32>
    %shift_right_logical3A_148 = arith.constant 16 : i32
    %shift_right_logical3A_149 = vector.broadcast %shift_right_logical3A_148 : i32 to vector<128x64xi32>
    %shift_right_logical3A_150 = arith.shrui %bitcast_convert_type3A_144, %shift_right_logical3A_149 : vector<128x64xi32>
    %and3A_151 = arith.constant 1 : i32
    %and3A_152 = vector.broadcast %and3A_151 : i32 to vector<128x64xi32>
    %and3A_153 = arith.andi %shift_right_logical3A_150, %and3A_152 : vector<128x64xi32>
    %add3A_154 = arith.addi %add3A_147, %and3A_153 : vector<128x64xi32>
    %shift_right_logical3A_155 = arith.constant 16 : i32
    %shift_right_logical3A_156 = vector.broadcast %shift_right_logical3A_155 : i32 to vector<128x64xi32>
    %shift_right_logical3A_157 = arith.shrui %add3A_154, %shift_right_logical3A_156 : vector<128x64xi32>
    %slice3A_158 = vector.extract_strided_slice %add3A_142 {offsets = [0, 64], sizes = [128, 64], strides = [1, 1]} : vector<128x128xf32> to vector<128x64xf32>
    %bitcast_convert_type3A_159 = tpu.bitcast %slice3A_158 : vector<128x64xf32> -> vector<128x64xi32>
    %add3A_160 = arith.constant 32767 : i32
    %add3A_161 = vector.broadcast %add3A_160 : i32 to vector<128x64xi32>
    %add3A_162 = arith.addi %bitcast_convert_type3A_159, %add3A_161 : vector<128x64xi32>
    %shift_right_logical3A_163 = arith.constant 16 : i32
    %shift_right_logical3A_164 = vector.broadcast %shift_right_logical3A_163 : i32 to vector<128x64xi32>
    %shift_right_logical3A_165 = arith.shrui %bitcast_convert_type3A_159, %shift_right_logical3A_164 : vector<128x64xi32>
    %and3A_166 = arith.constant 1 : i32
    %and3A_167 = vector.broadcast %and3A_166 : i32 to vector<128x64xi32>
    %and3A_168 = arith.andi %shift_right_logical3A_165, %and3A_167 : vector<128x64xi32>
    %add3A_169 = arith.addi %add3A_162, %and3A_168 : vector<128x64xi32>
    %and3A_170 = arith.constant -65536 : i32
    %and3A_171 = vector.broadcast %and3A_170 : i32 to vector<128x64xi32>
    %and3A_172 = arith.andi %add3A_169, %and3A_171 : vector<128x64xi32>
    %or3A_173 = arith.ori %shift_right_logical3A_157, %and3A_172 : vector<128x64xi32>
    %bitcast_convert_type3A_174 = tpu.bitcast %or3A_173 : vector<128x64xi32> -> vector<128x64xi32>
    %swap3A_175 = arith.constant 128 : index
    %swap3A_176 = arith.constant 0 : index
    %swap3A_177 = vector.load %arg6[%swap3A_175, %swap3A_176] : memref<512x64xi32, #tpu.memory_space<vmem>>, vector<128x64xi32>
    tpu.vector_store %arg6[%swap3A_175, %swap3A_176], %bitcast_convert_type3A_174 {strides = array<i32>} : memref<512x64xi32, #tpu.memory_space<vmem>>, vector<128x64xi32>,
    %get3A_178 = arith.constant 0 : index
    %get3A_179 = arith.constant 2 : index
    %get3A_180 = arith.constant 0 : index
    %get3A_181 = vector.load %arg1[%get3A_178, %get3A_179, %get3A_180] : memref<1x4x128xf32, #tpu.memory_space<vmem>>, vector<1x1x128xf32>
    %get3A_182 = vector.shape_cast %get3A_181 : vector<1x1x128xf32> to vector<1x128xf32>
    %jit3A_183 = arith.constant 0.000000e+00 : f32
    %jit3A_184 = arith.constant 1.000000e+00 : f32
    %max3A_185 = vector.broadcast %jit3A_183 : f32 to vector<1x128xf32>
    %max3A_186 = arith.maximumf %max3A_185, %get3A_182 : vector<1x128xf32>
    %min3A_187 = vector.broadcast %jit3A_184 : f32 to vector<1x128xf32>
    %min3A_188 = arith.minimumf %min3A_187, %max3A_186 : vector<1x128xf32>
    %mul3A_189 = arith.constant 3.14159274 : f32
    %mul3A_190 = vector.broadcast %mul3A_189 : f32 to vector<1x128xf32>
    %mul3A_191 = arith.mulf %mul3A_190, %min3A_188 : vector<1x128xf32>
    %cos3A_192 = math.cos %mul3A_191 : vector<1x128xf32>
    %add3A_193 = arith.constant 1.000000e+00 : f32
    %add3A_194 = vector.broadcast %add3A_193 : f32 to vector<1x128xf32>
    %add3A_195 = arith.addf %cos3A_192, %add3A_194 : vector<1x128xf32>
    %mul3A_196 = arith.constant 5.000000e-01 : f32
    %mul3A_197 = vector.broadcast %mul3A_196 : f32 to vector<1x128xf32>
    %mul3A_198 = arith.mulf %mul3A_197, %add3A_195 : vector<1x128xf32>
    %sub3A_199 = vector.broadcast %get3A_182 : vector<1x128xf32> to vector<128x128xf32>
    %sub3A_200 = vector.broadcast %mul3A_12 : vector<128x1xf32> to vector<128x128xf32>
    %sub3A_201 = arith.subf %sub3A_199, %sub3A_200 : vector<128x128xf32>
    %mul3A_202 = arith.constant -1.000000e+01 : f32
    %mul3A_203 = vector.broadcast %mul3A_202 : f32 to vector<128x128xf32>
    %mul3A_204 = arith.mulf %mul3A_203, %sub3A_201 : vector<128x128xf32>
    %mul3A_205 = arith.mulf %mul3A_204, %sub3A_201 : vector<128x128xf32>
    %exp3A_206 = math.exp %mul3A_205 : vector<128x128xf32>
    %mul3A_207 = vector.broadcast %mul3A_198 : vector<1x128xf32> to vector<128x128xf32>
    %mul3A_208 = arith.mulf %exp3A_206, %mul3A_207 : vector<128x128xf32>
    %dot_general3A_209 = arith.constant dense<0.000000e+00> : vector<128x128xf32>
    %dot_general3A_210 = tpu.matmul %get3A_1, %mul3A_208, %dot_general3A_209 {dimension_numbers = #tpu.dot_dimension_numbers<[1], [0], [0], [1], [0, 0, 1, 1], [], []>, transpose_lhs_hint = false} : vector<128x128xf32>, vector<128x128xf32>, vector<128x128xf32> -> vector<128x128xf32>
    %add3A_211 = vector.broadcast %get3A_7 : vector<128x1xf32> to vector<128x128xf32>
    %add3A_212 = arith.addf %dot_general3A_210, %add3A_211 : vector<128x128xf32>
    %max3A_213 = arith.constant 0.000000e+00 : f32
    %max3A_214 = vector.broadcast %max3A_213 : f32 to vector<128x128xf32>
    %max3A_215 = arith.maximumf %add3A_212, %max3A_214 : vector<128x128xf32>
    %abs3A_216 = math.absf %add3A_212 : vector<128x128xf32>
    %neg3A_217 = arith.constant 0.000000e+00 : f32
    %neg3A_218 = vector.broadcast %neg3A_217 : f32 to vector<128x128xf32>
    %neg3A_219 = arith.subf %neg3A_218, %abs3A_216 : vector<128x128xf32>
    %exp3A_220 = math.exp %neg3A_219 : vector<128x128xf32>
    %add3A_221 = arith.constant 1.000000e+00 : f32
    %add3A_222 = vector.broadcast %add3A_221 : f32 to vector<128x128xf32>
    %add3A_223 = arith.addf %add3A_222, %exp3A_220 : vector<128x128xf32>
    %log3A_224 = math.log %add3A_223 : vector<128x128xf32>
    %add3A_225 = arith.addf %max3A_215, %log3A_224 : vector<128x128xf32>
    %log3A_226 = arith.constant 2.000000e+00 : f32
    %log3A_227 = math.log %log3A_226 : f32
    %sub3A_228 = vector.broadcast %log3A_227 : f32 to vector<128x128xf32>
    %sub3A_229 = arith.subf %add3A_225, %sub3A_228 : vector<128x128xf32>
    %dot_general3A_230 = arith.constant dense<0.000000e+00> : vector<128x128xf32>
    %dot_general3A_231 = tpu.matmul %sub3A_229, %get3A_4, %dot_general3A_230 {dimension_numbers = #tpu.dot_dimension_numbers<[0], [0], [1], [1], [0, 1, 1, 1], [], []>, transpose_lhs_hint = false} : vector<128x128xf32>, vector<128x128xf32>, vector<128x128xf32> -> vector<128x128xf32>
    %add3A_232 = vector.broadcast %get3A_10 : vector<1x128xf32> to vector<128x128xf32>
    %add3A_233 = arith.addf %dot_general3A_231, %add3A_232 : vector<128x128xf32>
    %slice3A_234 = vector.extract_strided_slice %add3A_233 {offsets = [0, 0], sizes = [128, 64], strides = [1, 1]} : vector<128x128xf32> to vector<128x64xf32>
    %bitcast_convert_type3A_235 = tpu.bitcast %slice3A_234 : vector<128x64xf32> -> vector<128x64xi32>
    %add3A_236 = arith.constant 32767 : i32
    %add3A_237 = vector.broadcast %add3A_236 : i32 to vector<128x64xi32>
    %add3A_238 = arith.addi %bitcast_convert_type3A_235, %add3A_237 : vector<128x64xi32>
    %shift_right_logical3A_239 = arith.constant 16 : i32
    %shift_right_logical3A_240 = vector.broadcast %shift_right_logical3A_239 : i32 to vector<128x64xi32>
    %shift_right_logical3A_241 = arith.shrui %bitcast_convert_type3A_235, %shift_right_logical3A_240 : vector<128x64xi32>
    %and3A_242 = arith.constant 1 : i32
    %and3A_243 = vector.broadcast %and3A_242 : i32 to vector<128x64xi32>
    %and3A_244 = arith.andi %shift_right_logical3A_241, %and3A_243 : vector<128x64xi32>
    %add3A_245 = arith.addi %add3A_238, %and3A_244 : vector<128x64xi32>
    %shift_right_logical3A_246 = arith.constant 16 : i32
    %shift_right_logical3A_247 = vector.broadcast %shift_right_logical3A_246 : i32 to vector<128x64xi32>
    %shift_right_logical3A_248 = arith.shrui %add3A_245, %shift_right_logical3A_247 : vector<128x64xi32>
    %slice3A_249 = vector.extract_strided_slice %add3A_233 {offsets = [0, 64], sizes = [128, 64], strides = [1, 1]} : vector<128x128xf32> to vector<128x64xf32>
    %bitcast_convert_type3A_250 = tpu.bitcast %slice3A_249 : vector<128x64xf32> -> vector<128x64xi32>
    %add3A_251 = arith.constant 32767 : i32
    %add3A_252 = vector.broadcast %add3A_251 : i32 to vector<128x64xi32>
    %add3A_253 = arith.addi %bitcast_convert_type3A_250, %add3A_252 : vector<128x64xi32>
    %shift_right_logical3A_254 = arith.constant 16 : i32
    %shift_right_logical3A_255 = vector.broadcast %shift_right_logical3A_254 : i32 to vector<128x64xi32>
    %shift_right_logical3A_256 = arith.shrui %bitcast_convert_type3A_250, %shift_right_logical3A_255 : vector<128x64xi32>
    %and3A_257 = arith.constant 1 : i32
    %and3A_258 = vector.broadcast %and3A_257 : i32 to vector<128x64xi32>
    %and3A_259 = arith.andi %shift_right_logical3A_256, %and3A_258 : vector<128x64xi32>
    %add3A_260 = arith.addi %add3A_253, %and3A_259 : vector<128x64xi32>
    %and3A_261 = arith.constant -65536 : i32
    %and3A_262 = vector.broadcast %and3A_261 : i32 to vector<128x64xi32>
    %and3A_263 = arith.andi %add3A_260, %and3A_262 : vector<128x64xi32>
    %or3A_264 = arith.ori %shift_right_logical3A_248, %and3A_263 : vector<128x64xi32>
    %bitcast_convert_type3A_265 = tpu.bitcast %or3A_264 : vector<128x64xi32> -> vector<128x64xi32>
    %swap3A_266 = arith.constant 256 : index
    %swap3A_267 = arith.constant 0 : index
    %swap3A_268 = vector.load %arg6[%swap3A_266, %swap3A_267] : memref<512x64xi32, #tpu.memory_space<vmem>>, vector<128x64xi32>
    tpu.vector_store %arg6[%swap3A_266, %swap3A_267], %bitcast_convert_type3A_265 {strides = array<i32>} : memref<512x64xi32, #tpu.memory_space<vmem>>, vector<128x64xi32>,
    %get3A_269 = arith.constant 0 : index
    %get3A_270 = arith.constant 3 : index
    %get3A_271 = arith.constant 0 : index
    %get3A_272 = vector.load %arg1[%get3A_269, %get3A_270, %get3A_271] : memref<1x4x128xf32, #tpu.memory_space<vmem>>, vector<1x1x128xf32>
    %get3A_273 = vector.shape_cast %get3A_272 : vector<1x1x128xf32> to vector<1x128xf32>
    %jit3A_274 = arith.constant 0.000000e+00 : f32
    %jit3A_275 = arith.constant 1.000000e+00 : f32
    %max3A_276 = vector.broadcast %jit3A_274 : f32 to vector<1x128xf32>
    %max3A_277 = arith.maximumf %max3A_276, %get3A_273 : vector<1x128xf32>
    %min3A_278 = vector.broadcast %jit3A_275 : f32 to vector<1x128xf32>
    %min3A_279 = arith.minimumf %min3A_278, %max3A_277 : vector<1x128xf32>
    %mul3A_280 = arith.constant 3.14159274 : f32
    %mul3A_281 = vector.broadcast %mul3A_280 : f32 to vector<1x128xf32>
    %mul3A_282 = arith.mulf %mul3A_281, %min3A_279 : vector<1x128xf32>
    %cos3A_283 = math.cos %mul3A_282 : vector<1x128xf32>
    %add3A_284 = arith.constant 1.000000e+00 : f32
    %add3A_285 = vector.broadcast %add3A_284 : f32 to vector<1x128xf32>
    %add3A_286 = arith.addf %cos3A_283, %add3A_285 : vector<1x128xf32>
    %mul3A_287 = arith.constant 5.000000e-01 : f32
    %mul3A_288 = vector.broadcast %mul3A_287 : f32 to vector<1x128xf32>
    %mul3A_289 = arith.mulf %mul3A_288, %add3A_286 : vector<1x128xf32>
    %sub3A_290 = vector.broadcast %get3A_273 : vector<1x128xf32> to vector<128x128xf32>
    %sub3A_291 = vector.broadcast %mul3A_12 : vector<128x1xf32> to vector<128x128xf32>
    %sub3A_292 = arith.subf %sub3A_290, %sub3A_291 : vector<128x128xf32>
    %mul3A_293 = arith.constant -1.000000e+01 : f32
    %mul3A_294 = vector.broadcast %mul3A_293 : f32 to vector<128x128xf32>
    %mul3A_295 = arith.mulf %mul3A_294, %sub3A_292 : vector<128x128xf32>
    %mul3A_296 = arith.mulf %mul3A_295, %sub3A_292 : vector<128x128xf32>
    %exp3A_297 = math.exp %mul3A_296 : vector<128x128xf32>
    %mul3A_298 = vector.broadcast %mul3A_289 : vector<1x128xf32> to vector<128x128xf32>
    %mul3A_299 = arith.mulf %exp3A_297, %mul3A_298 : vector<128x128xf32>
    %dot_general3A_300 = arith.constant dense<0.000000e+00> : vector<128x128xf32>
    %dot_general3A_301 = tpu.matmul %get3A_1, %mul3A_299, %dot_general3A_300 {dimension_numbers = #tpu.dot_dimension_numbers<[1], [0], [0], [1], [0, 0, 1, 1], [], []>, transpose_lhs_hint = false} : vector<128x128xf32>, vector<128x128xf32>, vector<128x128xf32> -> vector<128x128xf32>
    %add3A_302 = vector.broadcast %get3A_7 : vector<128x1xf32> to vector<128x128xf32>
    %add3A_303 = arith.addf %dot_general3A_301, %add3A_302 : vector<128x128xf32>
    %max3A_304 = arith.constant 0.000000e+00 : f32
    %max3A_305 = vector.broadcast %max3A_304 : f32 to vector<128x128xf32>
    %max3A_306 = arith.maximumf %add3A_303, %max3A_305 : vector<128x128xf32>
    %abs3A_307 = math.absf %add3A_303 : vector<128x128xf32>
    %neg3A_308 = arith.constant 0.000000e+00 : f32
    %neg3A_309 = vector.broadcast %neg3A_308 : f32 to vector<128x128xf32>
    %neg3A_310 = arith.subf %neg3A_309, %abs3A_307 : vector<128x128xf32>
    %exp3A_311 = math.exp %neg3A_310 : vector<128x128xf32>
    %add3A_312 = arith.constant 1.000000e+00 : f32
    %add3A_313 = vector.broadcast %add3A_312 : f32 to vector<128x128xf32>
    %add3A_314 = arith.addf %add3A_313, %exp3A_311 : vector<128x128xf32>
    %log3A_315 = math.log %add3A_314 : vector<128x128xf32>
    %add3A_316 = arith.addf %max3A_306, %log3A_315 : vector<128x128xf32>
    %log3A_317 = arith.constant 2.000000e+00 : f32
    %log3A_318 = math.log %log3A_317 : f32
    %sub3A_319 = vector.broadcast %log3A_318 : f32 to vector<128x128xf32>
    %sub3A_320 = arith.subf %add3A_316, %sub3A_319 : vector<128x128xf32>
    %dot_general3A_321 = arith.constant dense<0.000000e+00> : vector<128x128xf32>
    %dot_general3A_322 = tpu.matmul %sub3A_320, %get3A_4, %dot_general3A_321 {dimension_numbers = #tpu.dot_dimension_numbers<[0], [0], [1], [1], [0, 1, 1, 1], [], []>, transpose_lhs_hint = false} : vector<128x128xf32>, vector<128x128xf32>, vector<128x128xf32> -> vector<128x128xf32>
    %add3A_323 = vector.broadcast %get3A_10 : vector<1x128xf32> to vector<128x128xf32>
    %add3A_324 = arith.addf %dot_general3A_322, %add3A_323 : vector<128x128xf32>
    %slice3A_325 = vector.extract_strided_slice %add3A_324 {offsets = [0, 0], sizes = [128, 64], strides = [1, 1]} : vector<128x128xf32> to vector<128x64xf32>
    %bitcast_convert_type3A_326 = tpu.bitcast %slice3A_325 : vector<128x64xf32> -> vector<128x64xi32>
    %add3A_327 = arith.constant 32767 : i32
    %add3A_328 = vector.broadcast %add3A_327 : i32 to vector<128x64xi32>
    %add3A_329 = arith.addi %bitcast_convert_type3A_326, %add3A_328 : vector<128x64xi32>
    %shift_right_logical3A_330 = arith.constant 16 : i32
    %shift_right_logical3A_331 = vector.broadcast %shift_right_logical3A_330 : i32 to vector<128x64xi32>
    %shift_right_logical3A_332 = arith.shrui %bitcast_convert_type3A_326, %shift_right_logical3A_331 : vector<128x64xi32>
    %and3A_333 = arith.constant 1 : i32
    %and3A_334 = vector.broadcast %and3A_333 : i32 to vector<128x64xi32>
    %and3A_335 = arith.andi %shift_right_logical3A_332, %and3A_334 : vector<128x64xi32>
    %add3A_336 = arith.addi %add3A_329, %and3A_335 : vector<128x64xi32>
    %shift_right_logical3A_337 = arith.constant 16 : i32
    %shift_right_logical3A_338 = vector.broadcast %shift_right_logical3A_337 : i32 to vector<128x64xi32>
    %shift_right_logical3A_339 = arith.shrui %add3A_336, %shift_right_logical3A_338 : vector<128x64xi32>
    %slice3A_340 = vector.extract_strided_slice %add3A_324 {offsets = [0, 64], sizes = [128, 64], strides = [1, 1]} : vector<128x128xf32> to vector<128x64xf32>
    %bitcast_convert_type3A_341 = tpu.bitcast %slice3A_340 : vector<128x64xf32> -> vector<128x64xi32>
    %add3A_342 = arith.constant 32767 : i32
    %add3A_343 = vector.broadcast %add3A_342 : i32 to vector<128x64xi32>
    %add3A_344 = arith.addi %bitcast_convert_type3A_341, %add3A_343 : vector<128x64xi32>
    %shift_right_logical3A_345 = arith.constant 16 : i32
    %shift_right_logical3A_346 = vector.broadcast %shift_right_logical3A_345 : i32 to vector<128x64xi32>
    %shift_right_logical3A_347 = arith.shrui %bitcast_convert_type3A_341, %shift_right_logical3A_346 : vector<128x64xi32>
    %and3A_348 = arith.constant 1 : i32
    %and3A_349 = vector.broadcast %and3A_348 : i32 to vector<128x64xi32>
    %and3A_350 = arith.andi %shift_right_logical3A_347, %and3A_349 : vector<128x64xi32>
    %add3A_351 = arith.addi %add3A_344, %and3A_350 : vector<128x64xi32>
    %and3A_352 = arith.constant -65536 : i32
    %and3A_353 = vector.broadcast %and3A_352 : i32 to vector<128x64xi32>
    %and3A_354 = arith.andi %add3A_351, %and3A_353 : vector<128x64xi32>
    %or3A_355 = arith.ori %shift_right_logical3A_339, %and3A_354 : vector<128x64xi32>
    %bitcast_convert_type3A_356 = tpu.bitcast %or3A_355 : vector<128x64xi32> -> vector<128x64xi32>
    %swap3A_357 = arith.constant 384 : index
    %swap3A_358 = arith.constant 0 : index
    %swap3A_359 = vector.load %arg6[%swap3A_357, %swap3A_358] : memref<512x64xi32, #tpu.memory_space<vmem>>, vector<128x64xi32>
    tpu.vector_store %arg6[%swap3A_357, %swap3A_358], %bitcast_convert_type3A_356 {strides = array<i32>} : memref<512x64xi32, #tpu.memory_space<vmem>>, vector<128x64xi32>,
    return
  }
  func.func @transform_0(%arg0: i32) -> (i32, i32, i32) {
    %c0_i32 = arith.constant 0 : i32
    %c0_i32_0 = arith.constant 0 : i32
    %c0_i32_1 = arith.constant 0 : i32
    return %arg0, %c0_i32, %c0_i32_0 : i32, i32, i32
  }
  func.func @transform_1(%arg0: i32) -> (i32, i32) {
    %c0_i32 = arith.constant 0 : i32
    %c0_i32_0 = arith.constant 0 : i32
    %c0_i32_1 = arith.constant 0 : i32
    return %c0_i32, %c0_i32_0 : i32, i32
  }
  func.func @transform_2(%arg0: i32) -> (i32, i32) {
    %c0_i32 = arith.constant 0 : i32
    %c0_i32_0 = arith.constant 0 : i32
    %c0_i32_1 = arith.constant 0 : i32
    return %c0_i32, %c0_i32_0 : i32, i32
  }
  func.func @transform_3(%arg0: i32) -> (i32, i32) {
    %c0_i32 = arith.constant 0 : i32
    %c0_i32_0 = arith.constant 0 : i32
    %c0_i32_1 = arith.constant 0 : i32
    return %c0_i32, %c0_i32_0 : i32, i32
  }
  func.func @transform_4(%arg0: i32) -> (i32, i32) {
    %c0_i32 = arith.constant 0 : i32
    %c0_i32_0 = arith.constant 0 : i32
    %c0_i32_1 = arith.constant 0 : i32
    return %c0_i32, %c0_i32_0 : i32, i32
  }
  func.func @transform_5(%arg0: i32) -> (i32, i32) {
    %c0_i32 = arith.constant 0 : i32
    %c0_i32_0 = arith.constant 0 : i32
    return %arg0, %c0_i32 : i32, i32
  }
}

module attributes {stable_mosaic.version = 14 : i64} {
  func.func @_postmm_body(%arg0: i32, %arg1: memref<1000x128xf32, #tpu.memory_space<vmem>>, %arg2: memref<1000x128xf32, #tpu.memory_space<vmem>>, %arg3: memref<128x128xf32, #tpu.memory_space<vmem>>, %arg4: memref<128x128xf32, #tpu.memory_space<vmem>>, %arg5: memref<1000x128xf32, #tpu.memory_space<vmem>>) attributes {dimension_semantics = [#tpu.dimension_semantics<arbitrary>], iteration_bounds = array<i64: 10>, scalar_prefetch = 0 : i64, scratch_operands = 0 : i64, tpu.core_type = #tpu.core_type<tc>, window_params = [{transform_indices = @transform_0, window_bounds = array<i64: 1000, 128>}, {transform_indices = @transform_1, window_bounds = array<i64: 1000, 128>}, {pipeline_mode = #tpu.pipeline_mode<synchronous>, transform_indices = @transform_2, window_bounds = array<i64: 128, 128>}, {pipeline_mode = #tpu.pipeline_mode<synchronous>, transform_indices = @transform_3, window_bounds = array<i64: 128, 128>}, {transform_indices = @transform_4, window_bounds = array<i64: 1000, 128>}]} {
    %get3A = arith.constant 0 : index
    %get3A_0 = arith.constant 0 : index
    %get3A_1 = vector.load %arg1[%get3A, %get3A_0] : memref<1000x128xf32, #tpu.memory_space<vmem>>, vector<1000x128xf32>
    %get3A_2 = arith.constant 0 : index
    %get3A_3 = arith.constant 0 : index
    %get3A_4 = vector.load %arg2[%get3A_2, %get3A_3] : memref<1000x128xf32, #tpu.memory_space<vmem>>, vector<1000x128xf32>
    %add3A = arith.addf %get3A_1, %get3A_4 : vector<1000x128xf32>
    %get3A_5 = arith.constant 0 : index
    %get3A_6 = arith.constant 0 : index
    %get3A_7 = vector.load %arg3[%get3A_5, %get3A_6] : memref<128x128xf32, #tpu.memory_space<vmem>>, vector<128x128xf32>
    %dot_general3A = arith.constant dense<0.000000e+00> : vector<1000x128xf32>
    %dot_general3A_8 = tpu.matmul %add3A, %get3A_7, %dot_general3A {dimension_numbers = #tpu.dot_dimension_numbers<[1], [0], [0], [1], [0, 0, 1, 1], [], []>, transpose_lhs_hint = false} : vector<1000x128xf32>, vector<128x128xf32>, vector<1000x128xf32> -> vector<1000x128xf32>
    %max3A = arith.constant 0.000000e+00 : f32
    %max3A_9 = vector.broadcast %max3A : f32 to vector<1000x128xf32>
    %max3A_10 = arith.maximumf %dot_general3A_8, %max3A_9 : vector<1000x128xf32>
    %get3A_11 = arith.constant 0 : index
    %get3A_12 = arith.constant 0 : index
    %get3A_13 = vector.load %arg4[%get3A_11, %get3A_12] : memref<128x128xf32, #tpu.memory_space<vmem>>, vector<128x128xf32>
    %dot_general3A_14 = arith.constant dense<0.000000e+00> : vector<1000x128xf32>
    %dot_general3A_15 = tpu.matmul %max3A_10, %get3A_13, %dot_general3A_14 {dimension_numbers = #tpu.dot_dimension_numbers<[1], [0], [0], [1], [0, 0, 1, 1], [], []>, transpose_lhs_hint = false} : vector<1000x128xf32>, vector<128x128xf32>, vector<1000x128xf32> -> vector<1000x128xf32>
    %swap3A = arith.constant 0 : index
    %swap3A_16 = arith.constant 0 : index
    %swap3A_17 = vector.load %arg5[%swap3A, %swap3A_16] : memref<1000x128xf32, #tpu.memory_space<vmem>>, vector<1000x128xf32>
    tpu.vector_store %arg5[%swap3A, %swap3A_16], %dot_general3A_15 {strides = array<i32>} : memref<1000x128xf32, #tpu.memory_space<vmem>>, vector<1000x128xf32>,
    return
  }
  func.func @transform_0(%arg0: i32) -> (i32, i32) {
    %c0_i32 = arith.constant 0 : i32
    %c0_i32_0 = arith.constant 0 : i32
    return %arg0, %c0_i32 : i32, i32
  }
  func.func @transform_1(%arg0: i32) -> (i32, i32) {
    %c0_i32 = arith.constant 0 : i32
    %c0_i32_0 = arith.constant 0 : i32
    return %arg0, %c0_i32 : i32, i32
  }
  func.func @transform_2(%arg0: i32) -> (i32, i32) {
    %c0_i32 = arith.constant 0 : i32
    %c0_i32_0 = arith.constant 0 : i32
    %c0_i32_1 = arith.constant 0 : i32
    return %c0_i32, %c0_i32_0 : i32, i32
  }
  func.func @transform_3(%arg0: i32) -> (i32, i32) {
    %c0_i32 = arith.constant 0 : i32
    %c0_i32_0 = arith.constant 0 : i32
    %c0_i32_1 = arith.constant 0 : i32
    return %c0_i32, %c0_i32_0 : i32, i32
  }
  func.func @transform_4(%arg0: i32) -> (i32, i32) {
    %c0_i32 = arith.constant 0 : i32
    %c0_i32_0 = arith.constant 0 : i32
    return %arg0, %c0_i32 : i32, i32
  }
}

module attributes {stable_mosaic.version = 14 : i64} {
  func.func @_posthead_body(%arg0: i32, %arg1: memref<1000x128xf32, #tpu.memory_space<vmem>>, %arg2: memref<1000x128xf32, #tpu.memory_space<vmem>>, %arg3: memref<128x128xf32, #tpu.memory_space<vmem>>, %arg4: memref<128x128xf32, #tpu.memory_space<vmem>>, %arg5: memref<1x128xf32, #tpu.memory_space<vmem>>, %arg6: memref<1x128xf32, #tpu.memory_space<vmem>>, %arg7: memref<1x128xf32, #tpu.memory_space<vmem>>) attributes {dimension_semantics = [#tpu.dimension_semantics<arbitrary>], iteration_bounds = array<i64: 10>, scalar_prefetch = 0 : i64, scratch_operands = 1 : i64, tpu.core_type = #tpu.core_type<tc>, window_params = [{transform_indices = @transform_0, window_bounds = array<i64: 1000, 128>}, {transform_indices = @transform_1, window_bounds = array<i64: 1000, 128>}, {pipeline_mode = #tpu.pipeline_mode<synchronous>, transform_indices = @transform_2, window_bounds = array<i64: 128, 128>}, {pipeline_mode = #tpu.pipeline_mode<synchronous>, transform_indices = @transform_3, window_bounds = array<i64: 128, 128>}, {pipeline_mode = #tpu.pipeline_mode<synchronous>, transform_indices = @transform_4, window_bounds = array<i64: 1, 128>}, {pipeline_mode = #tpu.pipeline_mode<synchronous>, transform_indices = @transform_5, window_bounds = array<i64: 1, 128>}]} {
    %get3A = arith.constant 0 : index
    %get3A_0 = arith.constant 0 : index
    %get3A_1 = vector.load %arg1[%get3A, %get3A_0] : memref<1000x128xf32, #tpu.memory_space<vmem>>, vector<1000x128xf32>
    %get3A_2 = arith.constant 0 : index
    %get3A_3 = arith.constant 0 : index
    %get3A_4 = vector.load %arg2[%get3A_2, %get3A_3] : memref<1000x128xf32, #tpu.memory_space<vmem>>, vector<1000x128xf32>
    %add3A = arith.addf %get3A_1, %get3A_4 : vector<1000x128xf32>
    %get3A_5 = arith.constant 0 : index
    %get3A_6 = arith.constant 0 : index
    %get3A_7 = vector.load %arg3[%get3A_5, %get3A_6] : memref<128x128xf32, #tpu.memory_space<vmem>>, vector<128x128xf32>
    %dot_general3A = arith.constant dense<0.000000e+00> : vector<1000x128xf32>
    %dot_general3A_8 = tpu.matmul %add3A, %get3A_7, %dot_general3A {dimension_numbers = #tpu.dot_dimension_numbers<[1], [0], [0], [1], [0, 0, 1, 1], [], []>, transpose_lhs_hint = false} : vector<1000x128xf32>, vector<128x128xf32>, vector<1000x128xf32> -> vector<1000x128xf32>
    %max3A = arith.constant 0.000000e+00 : f32
    %max3A_9 = vector.broadcast %max3A : f32 to vector<1000x128xf32>
    %max3A_10 = arith.maximumf %dot_general3A_8, %max3A_9 : vector<1000x128xf32>
    %eq3A = arith.constant 0 : i32
    %eq3A_11 = arith.cmpi eq, %arg0, %eq3A : i32
    %convert_element_type3A = arith.extui %eq3A_11 : i1 to i32
    %cond3A = arith.constant 0 : i32
    %cond3A_12 = arith.cmpi ne, %convert_element_type3A, %cond3A : i32
    scf.if %cond3A_12 {
      %broadcast_in_dim3A_25 = arith.constant 0.000000e+00 : f32
      %broadcast_in_dim3A_26 = vector.broadcast %broadcast_in_dim3A_25 : f32 to vector<1x128xf32>
      %swap3A_27 = arith.constant 0 : index
      %swap3A_28 = arith.constant 0 : index
      %swap3A_29 = vector.load %arg7[%swap3A_27, %swap3A_28] : memref<1x128xf32, #tpu.memory_space<vmem>>, vector<1x128xf32>
      tpu.vector_store %arg7[%swap3A_27, %swap3A_28], %broadcast_in_dim3A_26 {strides = array<i32>} : memref<1x128xf32, #tpu.memory_space<vmem>>, vector<1x128xf32>,
    } else {
    }
    %get3A_13 = arith.constant 0 : index
    %get3A_14 = arith.constant 0 : index
    %get3A_15 = vector.load %arg7[%get3A_13, %get3A_14] : memref<1x128xf32, #tpu.memory_space<vmem>>, vector<1x128xf32>
    %reduce_sum3A = arith.constant dense<0.000000e+00> : vector<128xf32>
    %reduce_sum3A_16 = vector.multi_reduction <add>, %max3A_10, %reduce_sum3A [0] : vector<1000x128xf32> to vector<128xf32>
    %broadcast_in_dim3A = vector.shape_cast %reduce_sum3A_16 : vector<128xf32> to vector<1x128xf32>
    %add3A_17 = arith.addf %get3A_15, %broadcast_in_dim3A : vector<1x128xf32>
    %swap3A = arith.constant 0 : index
    %swap3A_18 = arith.constant 0 : index
    %swap3A_19 = vector.load %arg7[%swap3A, %swap3A_18] : memref<1x128xf32, #tpu.memory_space<vmem>>, vector<1x128xf32>
    tpu.vector_store %arg7[%swap3A, %swap3A_18], %add3A_17 {strides = array<i32>} : memref<1x128xf32, #tpu.memory_space<vmem>>, vector<1x128xf32>,
    %eq3A_20 = arith.constant 9 : i32
    %eq3A_21 = arith.cmpi eq, %arg0, %eq3A_20 : i32
    %convert_element_type3A_22 = arith.extui %eq3A_21 : i1 to i32
    %cond3A_23 = arith.constant 0 : i32
    %cond3A_24 = arith.cmpi ne, %convert_element_type3A_22, %cond3A_23 : i32
    scf.if %cond3A_24 {
      %get3A_25 = arith.constant 0 : index
      %get3A_26 = arith.constant 0 : index
      %get3A_27 = vector.load %arg7[%get3A_25, %get3A_26] : memref<1x128xf32, #tpu.memory_space<vmem>>, vector<1x128xf32>
      %mul3A = arith.constant 9.99999974E-5 : f32
      %mul3A_28 = vector.broadcast %mul3A : f32 to vector<1x128xf32>
      %mul3A_29 = arith.mulf %get3A_27, %mul3A_28 : vector<1x128xf32>
      %get3A_30 = arith.constant 0 : index
      %get3A_31 = arith.constant 0 : index
      %get3A_32 = vector.load %arg4[%get3A_30, %get3A_31] : memref<128x128xf32, #tpu.memory_space<vmem>>, vector<128x128xf32>
      %dot_general3A_33 = arith.constant dense<0.000000e+00> : vector<1x128xf32>
      %dot_general3A_34 = tpu.matmul %mul3A_29, %get3A_32, %dot_general3A_33 {dimension_numbers = #tpu.dot_dimension_numbers<[1], [0], [0], [1], [0, 0, 1, 1], [], []>, transpose_lhs_hint = false} : vector<1x128xf32>, vector<128x128xf32>, vector<1x128xf32> -> vector<1x128xf32>
      %get3A_35 = arith.constant 0 : index
      %get3A_36 = arith.constant 0 : index
      %get3A_37 = vector.load %arg5[%get3A_35, %get3A_36] : memref<1x128xf32, #tpu.memory_space<vmem>>, vector<1x128xf32>
      %add3A_38 = arith.addf %dot_general3A_34, %get3A_37 : vector<1x128xf32>
      %iota3A = tpu.iota {dimensions = array<i32: 1>} : vector<1x128xi32>
      %lt3A = arith.constant 10 : i32
      %lt3A_39 = vector.broadcast %lt3A : i32 to vector<1x128xi32>
      %lt3A_40 = arith.cmpi slt, %iota3A, %lt3A_39 : vector<1x128xi32>
      %jit3A = arith.constant -1.000000e+30 : f32
      %broadcast_in_dim3A_41 = vector.broadcast %jit3A : f32 to vector<1x128xf32>
      %select_n3A = arith.select %lt3A_40, %add3A_38, %broadcast_in_dim3A_41 : vector<1x128xi1>, vector<1x128xf32>
      %reduce_max3A = arith.constant dense<0xFF800000> : vector<1xf32>
      %reduce_max3A_42 = vector.multi_reduction <maximumf>, %select_n3A, %reduce_max3A [1] : vector<1x128xf32> to vector<1xf32>
      %broadcast_in_dim3A_43 = vector.shape_cast %reduce_max3A_42 : vector<1xf32> to vector<1x1xf32>
      %sub3A = vector.broadcast %broadcast_in_dim3A_43 : vector<1x1xf32> to vector<1x128xf32>
      %sub3A_44 = arith.subf %select_n3A, %sub3A : vector<1x128xf32>
      %exp3A = math.exp %sub3A_44 : vector<1x128xf32>
      %jit3A_45 = arith.constant 0.000000e+00 : f32
      %broadcast_in_dim3A_46 = vector.broadcast %jit3A_45 : f32 to vector<1x128xf32>
      %select_n3A_47 = arith.select %lt3A_40, %exp3A, %broadcast_in_dim3A_46 : vector<1x128xi1>, vector<1x128xf32>
      %reduce_sum3A_48 = arith.constant dense<0.000000e+00> : vector<1xf32>
      %reduce_sum3A_49 = vector.multi_reduction <add>, %select_n3A_47, %reduce_sum3A_48 [1] : vector<1x128xf32> to vector<1xf32>
      %broadcast_in_dim3A_50 = vector.shape_cast %reduce_sum3A_49 : vector<1xf32> to vector<1x1xf32>
      %log3A = math.log %broadcast_in_dim3A_50 : vector<1x1xf32>
      %add3A_51 = arith.addf %broadcast_in_dim3A_43, %log3A : vector<1x1xf32>
      %sub3A_52 = vector.broadcast %add3A_51 : vector<1x1xf32> to vector<1x128xf32>
      %sub3A_53 = arith.subf %add3A_38, %sub3A_52 : vector<1x128xf32>
      %swap3A_54 = arith.constant 0 : index
      %swap3A_55 = arith.constant 0 : index
      %swap3A_56 = vector.load %arg6[%swap3A_54, %swap3A_55] : memref<1x128xf32, #tpu.memory_space<vmem>>, vector<1x128xf32>
      tpu.vector_store %arg6[%swap3A_54, %swap3A_55], %sub3A_53 {strides = array<i32>} : memref<1x128xf32, #tpu.memory_space<vmem>>, vector<1x128xf32>,
    } else {
    }
    return
  }
  func.func @transform_0(%arg0: i32) -> (i32, i32) {
    %c0_i32 = arith.constant 0 : i32
    %c0_i32_0 = arith.constant 0 : i32
    return %arg0, %c0_i32 : i32, i32
  }
  func.func @transform_1(%arg0: i32) -> (i32, i32) {
    %c0_i32 = arith.constant 0 : i32
    %c0_i32_0 = arith.constant 0 : i32
    return %arg0, %c0_i32 : i32, i32
  }
  func.func @transform_2(%arg0: i32) -> (i32, i32) {
    %c0_i32 = arith.constant 0 : i32
    %c0_i32_0 = arith.constant 0 : i32
    %c0_i32_1 = arith.constant 0 : i32
    return %c0_i32, %c0_i32_0 : i32, i32
  }
  func.func @transform_3(%arg0: i32) -> (i32, i32) {
    %c0_i32 = arith.constant 0 : i32
    %c0_i32_0 = arith.constant 0 : i32
    %c0_i32_1 = arith.constant 0 : i32
    return %c0_i32, %c0_i32_0 : i32, i32
  }
  func.func @transform_4(%arg0: i32) -> (i32, i32) {
    %c0_i32 = arith.constant 0 : i32
    %c0_i32_0 = arith.constant 0 : i32
    %c0_i32_1 = arith.constant 0 : i32
    return %c0_i32, %c0_i32_0 : i32, i32
  }
  func.func @transform_5(%arg0: i32) -> (i32, i32) {
    %c0_i32 = arith.constant 0 : i32
    %c0_i32_0 = arith.constant 0 : i32
    %c0_i32_1 = arith.constant 0 : i32
    return %c0_i32, %c0_i32_0 : i32, i32
  }
}

</mosaic_0001>

<sc_bundles>
// kernel: kernel.10.cloned.1.call-start
scs
__scs_entry_jumppad:
0x0: {  	(pc) =	sbr.rel $0x88, $3  }
0x1: {  	(tag) =	ssettag $0x0;
	lr =	simm.s32 $0x1  }
0x2: {  	[smem:$0x3F96] =	sst lr;
	_ =	strace $0xD0000000  }
0x3: {  	_ = 	snop  }
0x4: {  	_ = 	snop  }
0x5: {  	_ = 	snop  }
0x6: {  	_ = 	snop  }
0x7: {  	_ = 	snop  }
__scs_overlays_trampoline_lowered:
0x8: {  	[smem:$0x3FA5] =	sst s0  }
0x9: {  	[smem:$0x3FA6] =	sst s1  }
0xa: {  	[smem:$0x3FA7] =	sst s2  }
0xb: {  	[smem:$0x3FA8] =	sst s3  }
0xc: {  	[smem:$0x3FA9] =	sst s4  }
0xd: {  	[smem:$0x3FAA] =	sst s5  }
0xe: {  	[smem:$0x3FAB] =	sst s6  }
0xf: {  	[smem:$0x3FAC] =	sst s7  }
0x10: {  	[smem:$0x3FAD] =	sst s8  }
0x11: {  	[smem:$0x3FAE] =	sst s9;
	s0 =	simm.s32 @!p0 $0x0  }
0x12: {  	s1 =	sld [smem:$0x3F94];
	s0 =	simm.s32 @p0 $0x1  }
0x13: {  	[smem:$0x3FAF] =	sst s0;
	s0 =	simm.s32 @!p1 $0x0  }
0x14: {  	s2 =	sld [smem:$0x3F93];
	s0 =	simm.s32 @p1 $0x1  }
0x15: {  	[smem:$0x3FB0] =	sst s0;
	s0 =	simm.s32 @!p2 $0x0  }
0x16: {  	s3 =	sld [smem:$0x3FDB];
	s0 =	simm.s32 @p2 $0x1  }
0x17: {  	s4 =	simm.s32 $0x1BF5;
	[smem:$0x3FB2] =	sst s0  }
0x18: {  	s0 =	sld [smem:$0x3F95];
	_ =	swait.ge [sflag:s4], $0x0  }
0x19: {  	s7 =	sld [smem:$0x3F96]  }
0x1a: {  	s8 =	sadd.s32 $0xFFFFE003, lr  }
0x1b: {  	s9 =	sadd.s32 $0xFFFFFEF7, lr;
	s5 =	simm.s32 $0xFFFFFFFF;
	p2 =	slt.u32 s8, $0xFFFFF086  }
0x1c: {  	p1 =	slt.u32 s9, $0xF7A;
	s5 =	simm.s32 @!p2 $0x0  }
0x1d: {  	s5 =	simm.s32 @p1 $0x1;
	p0 =	seq.s32 s7, s2  }
0x1e: {  	s7 =	smul.u32 @!p0 $0xF7A, s2;
	p2 =	seq.s32 @!p0 s5, $0x0  }
0x1f: {  	s9 =	smul.u32 $0xF7A, s1;
	s8 =	simm.s32 @!p0 $0x1BF5;
	p2 =	por !p2, p0  }
0x20: {  	[sflag:s8] =	ssyncset.s32 @!p0 $0xFFFFF086;
	s6 =	sadd.s32 @!p0 s3, s7;
	s7 =	simm.s32 @!p0 $0x108  }
0x21: {  	s3 =	sadd.s32 s3, s9;
	s6 =	sadd.s32 @!p0 $0x88, s6;
	s7 =	simm.s32 @p2 $0x1082  }
0x22: {  	[simem:s7], [sflag:s8] =	dma.local @!p0 [hbm:s6], $0xF7A  }
0x23: {  	s9 =	sor.u32 $0xD0000000, s2;
	s6 =	simm.s32 $0x108;
	_ =	swait.ge @!p0 [sflag:s8], $0x0  }
0x24: {  	s3 =	sadd.s32 $0x88, s3;
	s6 =	simm.s32 @!p1 $0x1082;
	[sflag:s4] =	ssyncset.s32 $0xFFFFF086  }
0x25: {  	[simem:s6], [sflag:s4] =	dma.local [hbm:s3], $0xF7A  }
0x26: {  	[smem:$0x3F96] =	sst s1;
	(tag) =	ssettag s2;
	_ =	strace s9  }
0x27: {  	s1 =	sld [smem:$0x3FA6]  }
0x28: {  	s2 =	sld [smem:$0x3FA7]  }
0x29: {  	s4 =	sld [smem:$0x3FA9]  }
0x2a: {  	p0 =	seq.s32 s5, $0x0;
	s5 =	sld [smem:$0x3FAA]  }
0x2b: {  	s6 =	sld [smem:$0x3FAB]  }
0x2c: {  	s7 =	sld [smem:$0x3FAC]  }
0x2d: {  	s3 =	simm.s32 $0x108;
	s8 =	sld [smem:$0x3FAD]  }
0x2e: {  	s3 =	simm.s32 @!p0 $0x1082;
	s9 =	sld [smem:$0x3FAE]  }
0x2f: {  	lr =	sadd.s32 s0, s3;
	s0 =	sld [smem:$0x3FA5]  }
0x30: {  	s3 =	sld [smem:$0x3FA8]  }
0x31: {  	[smem:$0x3FB1] =	sst s10  }
0x32: {  	s10 =	sld [smem:$0x3FAF];
	_ =	sdelay $0x3  }
0x33: {  	p0 =	seq.s32 s10, $0x1;
	s10 =	sld [smem:$0x3FB1];
	_ =	sdelay $0x3  }
0x34: {  	[smem:$0x3FB1] =	sst s10  }
0x35: {  	s10 =	sld [smem:$0x3FB0];
	_ =	sdelay $0x3  }
0x36: {  	p1 =	seq.s32 s10, $0x1;
	s10 =	sld [smem:$0x3FB1];
	_ =	sdelay $0x3  }
0x37: {  	[smem:$0x3FB1] =	sst s10  }
0x38: {  	s10 =	sld [smem:$0x3FB2]  }
0x39: {  	_ = 	snop;
	(pc) =	sbr.ind lr, $3  }
0x3a: {  	_ = 	snop  }
0x3b: {  	_ = 	snop  }
0x3c: {  	p2 =	seq.s32 s10, $0x1;
	s10 =	sld [smem:$0x3FB1]  }
0x3d: {  	_ =	shalt  }
0x3e: {  	_ =	shalt  }
0x3f: {  	_ =	shalt  }
0x40: {  	_ =	shalt  }
0x41: {  	_ =	shalt  }
0x42: {  	_ =	shalt  }
0x43: {  	_ =	shalt  }
0x44: {  	_ =	shalt  }
0x45: {  	_ =	shalt  }
0x46: {  	_ =	shalt  }
0x47: {  	_ =	shalt  }
0x48: {  	_ =	shalt  }
0x49: {  	_ =	shalt  }
0x4a: {  	_ =	shalt  }
0x4b: {  	_ =	shalt  }
0x4c: {  	_ =	shalt  }
0x4d: {  	_ =	shalt  }
0x4e: {  	_ =	shalt  }
0x4f: {  	_ =	shalt  }
0x50: {  	_ =	shalt  }
0x51: {  	_ =	shalt  }
0x52: {  	_ =	shalt  }
0x53: {  	_ =	shalt  }
0x54: {  	_ =	shalt  }
0x55: {  	_ =	shalt  }
0x56: {  	_ =	shalt  }
0x57: {  	_ =	shalt  }
0x58: {  	_ =	shalt  }
0x59: {  	_ =	shalt  }
0x5a: {  	_ =	shalt  }
0x5b: {  	_ =	shalt  }
0x5c: {  	_ =	shalt  }
0x5d: {  	_ =	shalt  }
0x5e: {  	_ =	shalt  }
0x5f: {  	_ =	shalt  }
0x60: {  	_ =	shalt  }
0x61: {  	_ =	shalt  }
0x62: {  	_ =	shalt  }
0x63: {  	_ =	shalt  }
0x64: {  	_ =	shalt  }
0x65: {  	_ =	shalt  }
0x66: {  	_ =	shalt  }
0x67: {  	_ =	shalt  }
0x68: {  	_ =	shalt  }
0x69: {  	_ =	shalt  }
0x6a: {  	_ =	shalt  }
0x6b: {  	_ =	shalt  }
0x6c: {  	_ =	shalt  }
0x6d: {  	_ =	shalt  }
0x6e: {  	_ =	shalt  }
0x6f: {  	_ =	shalt  }
0x70: {  	_ =	shalt  }
0x71: {  	_ =	shalt  }
0x72: {  	_ =	shalt  }
0x73: {  	_ =	shalt  }
0x74: {  	_ =	shalt  }
0x75: {  	_ =	shalt  }
0x76: {  	_ =	shalt  }
0x77: {  	_ =	shalt  }
0x78: {  	_ =	shalt  }
0x79: {  	_ =	shalt  }
0x7a: {  	_ =	shalt  }
0x7b: {  	_ =	shalt  }
0x7c: {  	_ =	shalt  }
0x7d: {  	_ =	shalt  }
0x7e: {  	_ =	shalt  }
0x7f: {  	_ =	shalt  }
0x80: {  	_ =	shalt  }
0x81: {  	_ =	shalt  }
0x82: {  	_ =	shalt  }
0x83: {  	_ =	shalt  }
0x84: {  	_ =	shalt  }
0x85: {  	_ =	shalt  }
0x86: {  	_ =	shalt  }
0x87: {  	_ =	shalt  }
.Lfunc_end0:
.L_simem_size_0:
called_computation_lowered:
.L_overlay_start_0:
0x88: {  	s2 =	sld [smem:$0x3FD9]  }
0x89: {  	s3 =	sld [smem:$0x3FFE];
	_ =	sdelay $0x1  }
0x8a: {  	s1 =	srdreg.scid  }
0x8b: {  	s0 =	sand.u32 $0x1, s1  }
0x8c: {  	s16 =	sshll.u32 s0, $0xA;
	s2 =	sadd.s32 s3, s2  }
0x8d: {  	s2 =	sadd.s32 s2, s16  }
0x8e: {  	[smem:$0x3FBD] =	sst s2  }
0x8f: {  	_ = 	snop  }
0x90: {  	(tm) =	ssettm $0x1  }
0x91: {  	s17 =	sld [smem:$0x3FFB];
	_ =	sdelay $0x3  }
0x92: {  	_ =	strace s17  }
0x93: {  	s2 =	sld [smem:$0x3FFC];
	_ =	sdelay $0x3  }
0x94: {  	_ =	strace s2  }
0x95: {  	s2 =	sld [smem:$0x3FFD];
	_ =	sdelay $0x3  }
0x96: {  	_ =	strace s2  }
0x97: {  	_ =	strace $0x8FFFFFFF  }
0x98: {  	s18 =	sld [smem:$0x3FDB];
	_ =	sdelay $0x1  }
0x99: {  	s19 =	simm.s32 $_scs_section_size  }
0x9a: {  	s4 =	simm.s32 $_size__tile_overlayer_lowered;
	s5 =	simm.s32 $_tile_overlayer_lowered  }
0x9b: {  	s22 =	simm.s32 $0x1BFF;
	s21 =	sshll.u32 s5, $0x1;
	s2 =	sadd.s32 s19, s18  }
0x9c: {  	s6 =	simm.s32 $0x0;
	s20 =	sshll.u32 s4, $0x1;
	s4 =	sadd.s32 s21, s2  }
0x9d: {  	[timem:s6], [sflag:s22] =	dma.local [hbm:s4], s20  }
0x9e: {  	_ =	swait.ge [sflag:s22], s20  }
0x9f: {  	s3 =	ssub.s32 $0x0, s20;
	[sflag:s22] =	ssyncset.done $0x0  }
0xa0: {  	[sflag:s22] =	ssyncadd.s32 s3;
	_ =	sdelay $0x1  }
0xa1: {  	s23 =	simm.s32 $0x1B8B  }
0xa2: {  	_ =	swait.ge [sflag:s23], $0x1  }
0xa3: {  	[sflag:s23] =	ssyncset.done $0x0  }
0xa4: {  	s25 =	simm.s32 $0x1B8E;
	s24 =	sld [smem:$0x3FFE];
	[sflag:s23] =	ssyncadd.s32 $0xFFFFFFFF  }
0xa5: {  	s26 =	simm.s32 $execute0_lowered;
	[smem:$0x3FD2] =	sst s25  }
0xa6: {  	s4 =	sshll.u32 s26, $0x1;
	_ =	strace $0x80000046;
	[dreg:$0x1] =	wrdreg $0xFFFFFFFF  }
0xa7: {  	s28 =	simm.s32 $_size_execute0_lowered;
	s2 =	sadd.s32 s2, s4;
	[dreg:$0x0] =	wrdreg $0x0  }
0xa8: {  	s4 =	sshll.u32 s28, $0x1;
	[dreg:$0x2] =	wrdreg s2  }
0xa9: {  	[dreg:$0x3] =	wrdreg s4  }
0xaa: {  	[dreg:$0x4] =	wrdreg $0xC0  }
0xab: {  	_ =	task [dreg:s6], $0x5FFFF  }
0xac: {  	[dreg:$0x1] =	wrdreg $0xFFFFFFFF  }
0xad: {  	[dreg:$0x0] =	wrdreg $0x60  }
0xae: {  	[dreg:$0x2] =	wrdreg s24  }
0xaf: {  	[dreg:$0x3] =	wrdreg $0xB9000  }
0xb0: {  	[dreg:$0x4] =	wrdreg $0x9  }
0xb1: {  	_ =	task.clear_ibuf [dreg:s6], $0x5FFFF;
	_ =	strace $0x90000046  }
0xb2: {  	s29 =	simm.s32 $0x9;
	_ =	strace $0x80000048  }
0xb3: {  	_ =	swait.ge [sflag:s29], $0x1  }
0xb4: {  	[sflag:s29] =	ssyncadd.s32 $0xFFFFFFFF  }
0xb5: {  	_ =	strace $0x90000048  }
0xb6: {  	_ =	sfence  }
0xb7: {  	s30 =	sld [smem:$0x0];
	_ =	sdelay $0x2  }
0xb8: {  	s31 =	sshll.u32 s1, $0xD;
	s1 =	sshrl.u32 s1, $0x2  }
0xb9: {  	s3 =	sand.u32 $0x4000, s31;
	s1 =	sadd.s32 s1, s30  }
0xba: {  	s0 =	sor.u32 s3, s0;
	s1 =	sshll.u32 s1, $0x11  }
0xbb: {  	s0 =	sor.u32 s1, s0  }
0xbc: {  	s0 =	sadd.s32 $0x8F2B, s0  }
0xbd: {  	[sflag:s0] =	ssyncadd.remote.s32 $0x1  }
0xbe: {  	_ =	sfence.sel $0xFFFF  }
0xbf: {  	[dreg:$0x0] =	wrdreg $0xFFFFFFFF;
	(pc) =	sbr.abs _section_cstart, $3  }
0xc0: {  	[dreg:$0x1] =	wrdreg $0xFFFFFFFF  }
0xc1: {  	_ =	task.clear_ibuf [dreg:s6], $0x2FFFF;
	_ =	strace $0x9FFFFFFF  }
0xc2: {  	(tm) =	ssettm $0x7FFFFFFF  }
0xc3: {  	_ =	shalt  }
tec
execute0_lowered:
.L_overlay_start_1:
0x0: {  	(tag) =	ssettag $0x1  }
0x1: {  	s0 =	rddreg [dreg:$0x0];
	s1 =	srdreg.scid  }
0x2: {  	s9 =	stileid.u32;
	s2 =	rddreg [dreg:$0x1];
	s3 =	simm.s32 $0x0  }
0x3: {  	s20 =	simm.s32 $0x1900;
	s21 =	simm.s32 $0x5;
	s22 =	simm.s32 $0x50  }
0x4: {  	s23 =	simm.s32 $0x4100;
	s24 =	simm.s32 $0x100;
	s25 =	simm.s32 $0x0  }
0x5: {  	s1 =	sand.u32 $0x1, s1;
	s4 =	sshll.u32 s9, $0x1;
	[smem:$0x7FF] =	sst s3  }
0x6: {  	s8 =	smul.u32 $0x50000, s9;
	s17 =	sadd.s32 $0x4C300, s0;
	s7 =	sor.u32 s1, s4  }
0x7: {  	_ =	strace $0x80000047;
	s6 =	sshll.u32 s1, $0x4;
	s5 =	smul.u32 $0x27100, s7  }
0x8: {  	s4 =	sadd.s32 $0x5800, s0;
	s1 =	ssub.s32 $0x2, s1;
	s13 =	smul.u32 $0x2710, s7  }
0x9: {  	s28 =	sor.u32 s9, s6;
	s29 =	sshrl.u32 s8, $0x2;
	s15 =	smul.u32 $0x7D00, s7  }
0xa: {  	s30 =	sshrl.u32 s1, $0x1;
	s9 =	smul.u32 $0x2800, s28;
	s6 =	sadd.s32 s29, s2  }
0xb: {  	s1 =	ssub.s32 s1, s30;
	s16 =	sadd.s32 s5, s0;
	s5 =	sadd.s32 $0x2CA00, s0  }
0xc: {  	s31 =	sadd.s32 $0x2800, s6;
	s8 =	sadd.s32 $0x5000, s6;
	s10 =	sadd.s32 $0xA000, s6  }
0xd: {  	s11 =	sadd.s32 $0xC800, s6;
	s12 =	sadd.s32 $0xF000, s6;
	s14 =	sadd.s32 $0x11800, s6  }
0xe: {  	s19 =	smax.u32 s1, $0x1;
	s18 =	sadd.s32 s9, s0;
	[dreg:$0x3] =	wrdreg s31  }
0xf: {  	v0 =	vimm.f32 $0.0e+00;
	s9 =	sadd.s32 $0x7800, s6;
	s16 =	sadd.s32 $0x4BE00, s16;
	s18 =	sadd.s32 $0x52DE00, s18  }
.LBB2_1:
0x10: {  	s0 =	simm.s32 $0x0;
	s1 =	simm.s32 $0x200  }
.LBB2_2:
0x11: {  	p0 =	sne.s32 s1, $0x9E00;
	[tilespmem:s0+$0x1970] =	vst v0  }
0x12: {  	[tilespmem:s0+$0x1900] =	vst v0  }
0x13: {  	[tilespmem:s0+$0x1910] =	vst v0  }
.Ltmp0:
0x14: {  	[tilespmem:s0+$0x1920] =	vst v0;
	(pc) =	sbr.rel @p0 .LBB2_2-.Ltmp0, $4  }
0x15: {  	[tilespmem:s0+$0x1930] =	vst v0  }
0x16: {  	[tilespmem:s0+$0x1940] =	vst v0  }
0x17: {  	[tilespmem:s0+$0x1950] =	vst v0  }
0x18: {  	[tilespmem:s0+$0x1960] =	vst v0;
	s0 =	sshra.s32 s1, $0x2;
	s1 =	sadd.s32 $0x200, s1  }
0x19: {  	[tilespmem:s0+$0x1970] =	vst v0  }
0x1a: {  	[tilespmem:s0+$0x1900] =	vst v0  }
0x1b: {  	[tilespmem:s0+$0x1910] =	vst v0  }
0x1c: {  	[tilespmem:s0+$0x1920] =	vst v0  }
0x1d: {  	[tilespmem:s0+$0x1930] =	vst v0  }
0x1e: {  	[tilespmem:s0+$0x1940] =	vst v0  }
0x1f: {  	[tilespmem:s0+$0x1950] =	vst v0  }
0x20: {  	[tilespmem:s0+$0x1960] =	vst v0  }
0x21: {  	[spmem:s6] =	stream.linear.scatter [tilespmem:s20], [sflag:$0x5], $0x2800, $0x38;
	[tilespmem:$0x1F900] =	vst v63  }
0x22: {  	_ =	swait.ge [sflag:s21], $0x2800  }
0x23: {  	[sflag:s21] =	ssyncset.done $0x0  }
0x24: {  	s30 =	rddreg [dreg:$0x3];
	[sflag:s21] =	ssyncadd.s32 $0xFFFFD800  }
0x25: {  	[spmem:s30] =	stream.linear.scatter [tilespmem:s20], [sflag:$0x5], $0x2800, $0x38;
	[tilespmem:$0x1F900] =	vst v63  }
0x26: {  	_ =	swait.ge [sflag:s21], $0x2800  }
0x27: {  	[sflag:s21] =	ssyncset.done $0x0  }
0x28: {  	[sflag:s21] =	ssyncadd.s32 $0xFFFFD800  }
0x29: {  	[spmem:s8] =	stream.linear.scatter [tilespmem:s20], [sflag:$0x5], $0x2800, $0x38;
	[tilespmem:$0x1F900] =	vst v63  }
0x2a: {  	_ =	swait.ge [sflag:s21], $0x2800  }
0x2b: {  	[sflag:s21] =	ssyncset.done $0x0  }
0x2c: {  	[sflag:s21] =	ssyncadd.s32 $0xFFFFD800  }
0x2d: {  	[spmem:s9] =	stream.linear.scatter [tilespmem:s20], [sflag:$0x5], $0x2800, $0x38;
	[tilespmem:$0x1F900] =	vst v63  }
0x2e: {  	_ =	swait.ge [sflag:s21], $0x2800  }
0x2f: {  	[sflag:s21] =	ssyncset.done $0x0  }
0x30: {  	[sflag:s21] =	ssyncadd.s32 $0xFFFFD800  }
0x31: {  	[spmem:s10] =	stream.linear.scatter [tilespmem:s20], [sflag:$0x5], $0x2800, $0x38;
	[tilespmem:$0x1F900] =	vst v63  }
0x32: {  	_ =	swait.ge [sflag:s21], $0x2800  }
0x33: {  	[sflag:s21] =	ssyncset.done $0x0  }
0x34: {  	[sflag:s21] =	ssyncadd.s32 $0xFFFFD800  }
0x35: {  	[spmem:s11] =	stream.linear.scatter [tilespmem:s20], [sflag:$0x5], $0x2800, $0x38;
	[tilespmem:$0x1F900] =	vst v63  }
0x36: {  	_ =	swait.ge [sflag:s21], $0x2800  }
0x37: {  	[sflag:s21] =	ssyncset.done $0x0  }
0x38: {  	[sflag:s21] =	ssyncadd.s32 $0xFFFFD800  }
0x39: {  	[spmem:s12] =	stream.linear.scatter [tilespmem:s20], [sflag:$0x5], $0x2800, $0x38;
	[tilespmem:$0x1F900] =	vst v63  }
0x3a: {  	_ =	swait.ge [sflag:s21], $0x2800  }
0x3b: {  	[sflag:s21] =	ssyncset.done $0x0  }
0x3c: {  	[sflag:s21] =	ssyncadd.s32 $0xFFFFD800  }
0x3d: {  	[spmem:s14] =	stream.linear.scatter [tilespmem:s20], [sflag:$0x5], $0x2800, $0x38;
	[tilespmem:$0x1F900] =	vst v63  }
0x3e: {  	_ =	swait.ge [sflag:s21], $0x2800  }
0x3f: {  	[sflag:s21] =	ssyncset.done $0x0  }
0x40: {  	[sflag:s21] =	ssyncadd.s32 $0xFFFFD800  }
0x41: {  	s31 =	simm.s32 $0x0;
	p0 =	por $0x0, $0x0;
	[bflag:$0x0] =	sbarrier.arrive $0xFFFF  }
.LBB2_4:
0x42: {  	s0 =	smul.u32 $0x29, s31;
	_ =	sdelay $0x1  }
0x43: {  	s0 =	sshrl.u32 s0, $0xA  }
0x44: {  	s0 =	sand.u32 $0x3F, s0  }
0x45: {  	s0 =	smul.u32 $0x19, s0;
	_ =	sdelay $0x1  }
0x46: {  	s28 =	ssub.s32 s31, s0  }
0x47: {  	s26 =	sand.u32 $0xFF, s28  }
0x48: {  	p2 =	sne.s32 s26, $0x0  }
0x49: {  	s0 =	smul.u32 @!p2 $0x29, s31;
	_ =	sdelay $0x1  }
0x4a: {  	s0 =	sshrl.u32 @!p2 s0, $0xA  }
0x4b: {  	s0 =	sand.u32 @!p2 $0x3F, s0  }
0x4c: {  	s0 =	smul.u32 @!p2 $0x1900, s0;
	_ =	sdelay $0x1  }
0x4d: {  	s0 =	sadd.s32 @!p2 s15, s0  }
0x4e: {  	s0 =	sshrl.u32 @!p2 s0, $0x3  }
0x4f: {  	s29 =	sand.u32 $0x1, s31;
	s1 =	simm.s32 @!p2 $0x0;
	s0 =	sadd.s32 @!p2 s5, s0  }
0x50: {  	[tilespmem:s1], [sflag:$0x5] =	stream.linear.gather @!p2 [hbm4b:s0+s1], $0x1900, $0x38;
	[tilespmem:$0x1F900] =	vst v63  }
0x51: {  	s30 =	sor.u32 s26, s29;
	s0 =	simm.s32 @!p2 $0x5  }
0x52: {  	p1 =	sne.s32 s30, $0x0;
	_ =	swait.ge @!p2 [sflag:s0], $0x1900  }
0x53: {  	s7 =	simm.s32 @!p1 $0x1900;
	[sflag:s0] =	ssyncset.done @!p2 $0x0  }
0x54: {  	s1 =	simm.s32 @!p1 $0x0;
	[sflag:s0] =	ssyncadd.s32 @!p2 $0xFFFFE700;
	s0 =	simm.s32 @!p1 $0x50  }
0x55: {  	[tilespmem:s7], [sflag:$0x1] =	stream.indirect.gather @!p1 [hbm4b:s4+s0], $0x80, s1, s0, $0xb8;
	[tilespmem:$0x1F900] =	vst v63  }
0x56: {  	s1 =	simm.s32 @!p1 $0x100;
	s7 =	simm.s32 @!p1 $0x4100  }
0x57: {  	[tilespmem:s7], [sflag:$0x2] =	stream.indirect.gather @!p1 [hbm4b:s4+s0], $0x80, s1, s0, $0xb8;
	[tilespmem:$0x1F900] =	vst v63  }
0x58: {  	p1 =	seq.s32 s29, $0x1  }
0x59: {  	p2 =	por p2, !p1  }
.Ltmp1:
0x5a: {  	_ = 	snop;
	(pc) =	sbr.rel @p2 .LBB2_6-.Ltmp1, $1  }
0x5b: {  	_ =	sdelay $0x3  }
.Ltmp2:
0x5c: {  	(pc) =	sbr.rel .LBB2_7-.Ltmp2, $4  }
0x5d: {  	_ = 	snop  }
0x5e: {  	[tilespmem:s23], [sflag:$0x2] =	stream.indirect.gather [hbm4b:s4+s22], $0x80, s3, s22, $0xb8;
	[tilespmem:$0x1F900] =	vst v63  }
0x5f: {  	_ = 	snop  }
0x60: {  	[tilespmem:s20], [sflag:$0x1] =	stream.indirect.gather [hbm4b:s4+s22], $0x80, s24, s22, $0xb8;
	[tilespmem:$0x1F900] =	vst v63  }
.LBB2_6:
0x61: {  	p2 =	sne.s32 s31, $0x0  }
0x62: {  	s0 =	simm.s32 @!p2 $0x0;
	s1 =	simm.s32 @!p2 $0x6900  }
0x63: {  	[tilespmem:s1], [sflag:$0x3] =	stream.linear.gather @!p2 [hbm4b:s16+s0], $0x2800, $0x38;
	[tilespmem:$0x1F900] =	vst v63  }
.LBB2_7:
0x64: {  	s0 =	smul.u32 $0x50, s31;
	p2 =	seq.s32 s31, $0x7C  }
0x65: {  	p3 =	sne.s32 @!p2 s29, $0x0  }
0x66: {  	s0 =	sadd.s32 s13, s0;
	p2 =	por p3, p2  }
0x67: {  	s1 =	sshll.u32 @!p2 s0, $0x4;
	s7 =	simm.s32 @!p2 $0x0;
	s0 =	sshll.u32 @p1 s0, $0x4  }
0x68: {  	s30 =	simm.s32 @!p2 $0x9100;
	s1 =	sadd.s32 @!p2 s1, s17;
	s0 =	sadd.s32 @p1 s0, s17  }
0x69: {  	[tilespmem:s30], [sflag:$0x4] =	stream.linear.gather @!p2 [hbm4b:s1+s7], $0x2800, $0x38;
	[tilespmem:$0x1F900] =	vst v63  }
0x6a: {  	s1 =	simm.s32 @p1 $0x0;
	s7 =	simm.s32 @p1 $0x6900;
	p2 =	sne.s32 s29, $0x0  }
0x6b: {  	[tilespmem:s7], [sflag:$0x3] =	stream.linear.gather @p1 [hbm4b:s0+s1], $0x2800, $0x38;
	[tilespmem:$0x1F900] =	vst v63  }
0x6c: {  	s0 =	simm.s32 @!p2 $0x3  }
0x6d: {  	_ =	swait.ge @!p2 [sflag:s0], $0x2800  }
0x6e: {  	[sflag:s0] =	ssyncset.done @!p2 $0x0  }
0x6f: {  	[sflag:s0] =	ssyncadd.s32 @!p2 $0xFFFFD800;
	s0 =	simm.s32 @!p2 $0x1  }
0x70: {  	_ =	swait.ge @!p2 [sflag:s0], $0x2800  }
0x71: {  	[sflag:s0] =	ssyncset.done @!p2 $0x0  }
0x72: {  	[sflag:s0] =	ssyncadd.s32 @!p2 $0xFFFFD800;
	s0 =	simm.s32 @p1 $0x4  }
0x73: {  	s1 =	simm.s32 $0x1;
	_ =	swait.ge @p1 [sflag:s0], $0x2800  }
0x74: {  	s1 =	simm.s32 @!p0 $0x0;
	[sflag:s0] =	ssyncset.done @p1 $0x0  }
0x75: {  	s1 =	smul.u32 $0xA000, s1;
	[sflag:s0] =	ssyncadd.s32 @p1 $0xFFFFD800;
	s0 =	simm.s32 @p1 $0x2  }
0x76: {  	_ =	swait.ge @p1 [sflag:s0], $0x2800  }
0x77: {  	s7 =	sshrl.u32 s1, $0x2;
	[sflag:s0] =	ssyncset.done @p1 $0x0  }
0x78: {  	s1 =	sadd.s32 $0x6A00, s7;
	[sflag:s0] =	ssyncadd.s32 @p1 $0xFFFFD800  }
0x79: {  	s30 =	sadd.s32 $0x1A00, s7;
	v1 =	vld [tilespmem:s1+$0x80]  }
0x7a: {  	v2 =	vld [tilespmem:s30+$0x80]  }
0x7b: {  	v3 =	vld [tilespmem:s30+$0xC0]  }
0x7c: {  	v4 =	vld [tilespmem:s1+$0xFFFFFF80]  }
0x7d: {  	v5 =	vld [tilespmem:s1+$0x0]  }
0x7e: {  	v6 =	vld [tilespmem:s1+$0xFFFFFF00];
	v7 =	vshll.u32 v1, $0x10  }
0x7f: {  	v8 =	vld [tilespmem:s30+$0xFFFFFF00];
	v1 =	vand.u32 $0xFFFF0000, v1;
	v2 =	vmul.f32 v7, v2  }
0x80: {  	v7 =	vld [tilespmem:s30+$0xFFFFFF40];
	v1 =	vmul.f32 v1, v3  }
0x81: {  	v3 =	vld [tilespmem:s30+$0xFFFFFF80];
	[tilespmem:s30+$0x80] =	vst v2  }
0x82: {  	v2 =	vld [tilespmem:s30+$0xFFFFFFC0];
	[tilespmem:s30+$0xC0] =	vst v1  }
0x83: {  	v1 =	vshll.u32 v6, $0x10;
	v9 =	vld [tilespmem:s1+$0x90]  }
0x84: {  	v6 =	vand.u32 $0xFFFF0000, v6;
	v1 =	vmul.f32 v1, v8;
	v8 =	vld [tilespmem:s30+$0x90]  }
0x85: {  	v10 =	vshll.u32 v4, $0x10;
	v6 =	vmul.f32 v6, v7;
	v7 =	vld [tilespmem:s30+$0xD0]  }
0x86: {  	v4 =	vand.u32 $0xFFFF0000, v4;
	[tilespmem:s30+$0xFFFFFF00] =	vst v1;
	v1 =	vmul.f32 v10, v3;
	v3 =	vld [tilespmem:s30+$0x0]  }
0x87: {  	v10 =	vld [tilespmem:s30+$0xFFFFFF10];
	[tilespmem:s30+$0xFFFFFF40] =	vst v6;
	v2 =	vmul.f32 v4, v2  }
0x88: {  	v4 =	vld [tilespmem:s30+$0x40];
	[tilespmem:s30+$0xFFFFFF80] =	vst v1;
	v1 =	vshll.u32 v9, $0x10  }
0x89: {  	v6 =	vld [tilespmem:s1+$0xFFFFFF10];
	[tilespmem:s30+$0xFFFFFFC0] =	vst v2;
	v2 =	vand.u32 $0xFFFF0000, v9;
	v1 =	vmul.f32 v1, v8  }
0x8a: {  	v9 =	vld [tilespmem:s30+$0xFFFFFF50];
	v2 =	vmul.f32 v2, v7  }
0x8b: {  	v8 =	vld [tilespmem:s1+$0xFFFFFF90];
	v7 =	vshll.u32 v5, $0x10;
	[tilespmem:s30+$0x90] =	vst v1  }
0x8c: {  	v1 =	vand.u32 $0xFFFF0000, v5;
	v3 =	vmul.f32 v7, v3;
	v5 =	vld [tilespmem:s30+$0xFFFFFF90];
	[tilespmem:s30+$0xD0] =	vst v2  }
0x8d: {  	v1 =	vmul.f32 v1, v4;
	v2 =	vld [tilespmem:s1+$0xA0]  }
0x8e: {  	[tilespmem:s30+$0x0] =	vst v3;
	v3 =	vld [tilespmem:s30+$0xA0]  }
0x8f: {  	v4 =	vshll.u32 v6, $0x10;
	v6 =	vand.u32 $0xFFFF0000, v6;
	[tilespmem:s30+$0x40] =	vst v1;
	v1 =	vld [tilespmem:s30+$0xE0]  }
0x90: {  	v4 =	vmul.f32 v4, v10;
	v6 =	vmul.f32 v6, v9;
	v9 =	vld [tilespmem:s30+$0xFFFFFFD0]  }
0x91: {  	v7 =	vld [tilespmem:s1+$0x10]  }
0x92: {  	[tilespmem:s30+$0xFFFFFF10] =	vst v4;
	v4 =	vld [tilespmem:s30+$0x10];
	v10 =	vshll.u32 v2, $0x10  }
0x93: {  	[tilespmem:s30+$0xFFFFFF50] =	vst v6;
	v6 =	vld [tilespmem:s30+$0x50];
	v2 =	vand.u32 $0xFFFF0000, v2;
	v3 =	vmul.f32 v10, v3  }
0x94: {  	v11 =	vld [tilespmem:s1+$0xFFFFFF20];
	v10 =	vshll.u32 v8, $0x10;
	v1 =	vmul.f32 v2, v1  }
0x95: {  	v2 =	vand.u32 $0xFFFF0000, v8;
	v8 =	vld [tilespmem:s30+$0xFFFFFF20];
	v5 =	vmul.f32 v10, v5;
	[tilespmem:s30+$0xA0] =	vst v3  }
0x96: {  	v10 =	vld [tilespmem:s30+$0xFFFFFF60];
	v2 =	vmul.f32 v2, v9;
	[tilespmem:s30+$0xE0] =	vst v1  }
0x97: {  	v3 =	vshll.u32 v7, $0x10;
	v1 =	vand.u32 $0xFFFF0000, v7;
	v7 =	vld [tilespmem:s30+$0xFFFFFFE0];
	[tilespmem:s30+$0xFFFFFF90] =	vst v5  }
0x98: {  	v3 =	vmul.f32 v3, v4;
	v9 =	vld [tilespmem:s1+$0xB0];
	[tilespmem:s30+$0xFFFFFFD0] =	vst v2  }
0x99: {  	v1 =	vmul.f32 v1, v6;
	v2 =	vld [tilespmem:s1+$0xFFFFFFA0]  }
0x9a: {  	v5 =	vld [tilespmem:s30+$0xFFFFFFA0];
	[tilespmem:s30+$0x10] =	vst v3;
	v3 =	vshll.u32 v11, $0x10  }
0x9b: {  	v4 =	vld [tilespmem:s30+$0xF0];
	[tilespmem:s30+$0x50] =	vst v1;
	v1 =	vand.u32 $0xFFFF0000, v11;
	v3 =	vmul.f32 v3, v8  }
0x9c: {  	v6 =	vld [tilespmem:s1+$0x20];
	v1 =	vmul.f32 v1, v10  }
0x9d: {  	v8 =	vld [tilespmem:s30+$0x60];
	[tilespmem:s30+$0xFFFFFF20] =	vst v3  }
0x9e: {  	v3 =	vld [tilespmem:s30+$0x20];
	[tilespmem:s30+$0xFFFFFF60] =	vst v1;
	v1 =	vshll.u32 v2, $0x10  }
0x9f: {  	v10 =	vld [tilespmem:s1+$0xFFFFFF30];
	v1 =	vmul.f32 v1, v5  }
0xa0: {  	v2 =	vand.u32 $0xFFFF0000, v2;
	v5 =	vld [tilespmem:s30+$0xFFFFFF30]  }
0xa1: {  	v7 =	vmul.f32 v2, v7;
	v11 =	vshll.u32 v6, $0x10;
	v6 =	vand.u32 $0xFFFF0000, v6;
	[tilespmem:s30+$0xFFFFFFA0] =	vst v1;
	v1 =	vld [tilespmem:s30+$0xFFFFFF70]  }
0xa2: {  	v2 =	vld [tilespmem:s30+$0xFFFFFFB0];
	v6 =	vmul.f32 v6, v8  }
0xa3: {  	[tilespmem:s30+$0xFFFFFFE0] =	vst v7;
	v7 =	vand.u32 $0xFFFF0000, v9;
	v11 =	vmul.f32 v11, v3;
	v3 =	vld [tilespmem:s30+$0xFFFFFFF0]  }
0xa4: {  	v8 =	vmul.f32 v7, v4;
	v7 =	vld [tilespmem:s1+$0xFFFFFFB0];
	v4 =	vshll.u32 v10, $0x10;
	[tilespmem:s30+$0x60] =	vst v6  }
0xa5: {  	v6 =	vand.u32 $0xFFFF0000, v10;
	[tilespmem:s30+$0x20] =	vst v11;
	v5 =	vmul.f32 v4, v5;
	v4 =	vld [tilespmem:s30+$0x30]  }
0xa6: {  	[tilespmem:s30+$0xF0] =	vst v8;
	v8 =	vld [tilespmem:s1+$0x30];
	v6 =	vmul.f32 v6, v1  }
0xa7: {  	s31 =	sadd.s32 $0x1, s31;
	[tilespmem:s30+$0xFFFFFF30] =	vst v5;
	v5 =	vld [tilespmem:s30+$0x70]  }
0xa8: {  	s7 =	sadd.s32 $0x200, s1;
	s0 =	simm.s32 $0x0;
	s1 =	smov.u32 s30;
	v1 =	vshll.u32 v9, $0x10;
	[tilespmem:s30+$0xFFFFFF70] =	vst v6;
	v6 =	vld [tilespmem:s30+$0xB0]  }
.LBB2_8:
0xa9: {  	v9 =	vld [tilespmem:s7+$0x80];
	v10 =	vshll.u32 v7, $0x10;
	v7 =	vand.u32 $0xFFFF0000, v7;
	s30 =	sadd.s32 $0x200, s30  }
0xaa: {  	v11 =	vld [tilespmem:s30+$0x80];
	v2 =	vmul.f32 v10, v2;
	v3 =	vmul.f32 v7, v3  }
0xab: {  	v7 =	vld [tilespmem:s30+$0xC0];
	v10 =	vshll.u32 v8, $0x10;
	v8 =	vand.u32 $0xFFFF0000, v8  }
0xac: {  	s0 =	sadd.s32 $0x4, s0;
	v12 =	vld [tilespmem:s7+$0xFFFFFF80];
	[tilespmem:s1+$0xFFFFFFB0] =	vst v2;
	v2 =	vmul.f32 v10, v4;
	v4 =	vmul.f32 v8, v5  }
0xad: {  	p3 =	slt.u32 s0, $0x4C;
	v5 =	vld [tilespmem:s7+$0x0];
	[tilespmem:s1+$0xFFFFFFF0] =	vst v3;
	v1 =	vmul.f32 v1, v6  }
0xae: {  	v3 =	vld [tilespmem:s7+$0xFFFFFF00];
	v6 =	vshll.u32 v9, $0x10;
	[tilespmem:s1+$0x30] =	vst v2  }
0xaf: {  	v8 =	vand.u32 $0xFFFF0000, v9;
	v2 =	vld [tilespmem:s30+$0xFFFFFF00];
	v6 =	vmul.f32 v6, v11;
	[tilespmem:s1+$0x70] =	vst v4  }
0xb0: {  	v4 =	vld [tilespmem:s30+$0xFFFFFF40];
	v7 =	vmul.f32 v8, v7;
	[tilespmem:s1+$0xB0] =	vst v1;
	s1 =	smov.u32 s30  }
0xb1: {  	v1 =	vshll.u32 v12, $0x10;
	v8 =	vand.u32 $0xFFFF0000, v12;
	v9 =	vld [tilespmem:s30+$0xFFFFFF80];
	[tilespmem:s30+$0x80] =	vst v6  }
0xb2: {  	v6 =	vld [tilespmem:s30+$0xFFFFFFC0];
	v10 =	vshll.u32 v5, $0x10;
	v5 =	vand.u32 $0xFFFF0000, v5;
	[tilespmem:s30+$0xC0] =	vst v7  }
0xb3: {  	v7 =	vshll.u32 v3, $0x10;
	v3 =	vand.u32 $0xFFFF0000, v3;
	v11 =	vld [tilespmem:s7+$0x90]  }
0xb4: {  	v2 =	vmul.f32 v7, v2;
	v7 =	vld [tilespmem:s30+$0x90]  }
0xb5: {  	v3 =	vmul.f32 v3, v4;
	v4 =	vld [tilespmem:s30+$0xD0]  }
0xb6: {  	[tilespmem:s30+$0xFFFFFF00] =	vst v2;
	v1 =	vmul.f32 v1, v9;
	v2 =	vld [tilespmem:s30+$0x0]  }
0xb7: {  	[tilespmem:s30+$0xFFFFFF40] =	vst v3;
	v3 =	vmul.f32 v8, v6;
	v6 =	vld [tilespmem:s30+$0x40]  }
0xb8: {  	v8 =	vld [tilespmem:s7+$0xFFFFFF10];
	[tilespmem:s30+$0xFFFFFF80] =	vst v1;
	v1 =	vshll.u32 v11, $0x10  }
0xb9: {  	v9 =	vld [tilespmem:s30+$0xFFFFFF10];
	[tilespmem:s30+$0xFFFFFFC0] =	vst v3;
	v3 =	vand.u32 $0xFFFF0000, v11;
	v1 =	vmul.f32 v1, v7  }
0xba: {  	v7 =	vld [tilespmem:s7+$0xFFFFFF90];
	v3 =	vmul.f32 v3, v4  }
0xbb: {  	v4 =	vld [tilespmem:s30+$0xFFFFFF50];
	v2 =	vmul.f32 v10, v2;
	[tilespmem:s30+$0x90] =	vst v1  }
0xbc: {  	v1 =	vld [tilespmem:s30+$0xFFFFFF90];
	v5 =	vmul.f32 v5, v6;
	[tilespmem:s30+$0xD0] =	vst v3  }
0xbd: {  	v3 =	vshll.u32 v8, $0x10;
	v6 =	vand.u32 $0xFFFF0000, v8;
	[tilespmem:s30+$0x0] =	vst v2;
	v2 =	vld [tilespmem:s7+$0xA0]  }
0xbe: {  	v3 =	vmul.f32 v3, v9;
	[tilespmem:s30+$0x40] =	vst v5;
	v5 =	vld [tilespmem:s30+$0xA0]  }
0xbf: {  	v8 =	vshll.u32 v7, $0x10;
	v7 =	vand.u32 $0xFFFF0000, v7;
	v9 =	vld [tilespmem:s30+$0xE0]  }
0xc0: {  	[tilespmem:s30+$0xFFFFFF10] =	vst v3;
	v3 =	vmul.f32 v6, v4;
	v4 =	vld [tilespmem:s7+$0x10]  }
0xc1: {  	v1 =	vmul.f32 v8, v1;
	v6 =	vld [tilespmem:s30+$0xFFFFFFD0]  }
0xc2: {  	[tilespmem:s30+$0xFFFFFF50] =	vst v3;
	v3 =	vld [tilespmem:s30+$0x10];
	v8 =	vshll.u32 v2, $0x10  }
0xc3: {  	v2 =	vand.u32 $0xFFFF0000, v2;
	[tilespmem:s30+$0xFFFFFF90] =	vst v1;
	v1 =	vld [tilespmem:s30+$0x50];
	v5 =	vmul.f32 v8, v5  }
0xc4: {  	v8 =	vld [tilespmem:s7+$0xFFFFFF20];
	v2 =	vmul.f32 v2, v9  }
0xc5: {  	v9 =	vld [tilespmem:s30+$0xFFFFFF20];
	v10 =	vshll.u32 v4, $0x10;
	v4 =	vand.u32 $0xFFFF0000, v4;
	[tilespmem:s30+$0xA0] =	vst v5  }
0xc6: {  	v5 =	vld [tilespmem:s30+$0xFFFFFF60];
	v6 =	vmul.f32 v7, v6;
	[tilespmem:s30+$0xE0] =	vst v2  }
0xc7: {  	v2 =	vmul.f32 v10, v3;
	v3 =	vld [tilespmem:s7+$0xB0]  }
0xc8: {  	[tilespmem:s30+$0xFFFFFFD0] =	vst v6;
	v1 =	vmul.f32 v4, v1;
	v4 =	vld [tilespmem:s30+$0xF0]  }
0xc9: {  	v6 =	vshll.u32 v8, $0x10;
	v7 =	vand.u32 $0xFFFF0000, v8;
	v8 =	vld [tilespmem:s7+$0xFFFFFFA0];
	[tilespmem:s30+$0x10] =	vst v2  }
0xca: {  	v2 =	vmul.f32 v6, v9;
	v6 =	vld [tilespmem:s30+$0xFFFFFFA0];
	[tilespmem:s30+$0x50] =	vst v1  }
0xcb: {  	v5 =	vmul.f32 v7, v5;
	v7 =	vld [tilespmem:s7+$0x20]  }
0xcc: {  	[tilespmem:s30+$0xFFFFFF20] =	vst v2;
	v2 =	vld [tilespmem:s30+$0xFFFFFFE0];
	v1 =	vshll.u32 v3, $0x10;
	v3 =	vand.u32 $0xFFFF0000, v3  }
0xcd: {  	[tilespmem:s30+$0xFFFFFF60] =	vst v5;
	v5 =	vld [tilespmem:s30+$0x20];
	v3 =	vmul.f32 v3, v4  }
0xce: {  	v4 =	vshll.u32 v8, $0x10;
	v8 =	vand.u32 $0xFFFF0000, v8;
	v9 =	vld [tilespmem:s30+$0x60]  }
0xcf: {  	v10 =	vld [tilespmem:s7+$0xFFFFFF30];
	v4 =	vmul.f32 v4, v6;
	[tilespmem:s30+$0xF0] =	vst v3  }
0xd0: {  	v6 =	vld [tilespmem:s30+$0xFFFFFF30];
	v3 =	vshll.u32 v7, $0x10;
	v7 =	vand.u32 $0xFFFF0000, v7  }
0xd1: {  	v11 =	vld [tilespmem:s30+$0xFFFFFF70];
	[tilespmem:s30+$0xFFFFFFA0] =	vst v4;
	v4 =	vmul.f32 v8, v2  }
0xd2: {  	v2 =	vld [tilespmem:s30+$0xFFFFFFB0];
	v5 =	vmul.f32 v3, v5  }
0xd3: {  	[tilespmem:s30+$0xFFFFFFE0] =	vst v4;
	v3 =	vld [tilespmem:s30+$0xFFFFFFF0];
	v4 =	vmul.f32 v7, v9  }
.Ltmp3:
0xd4: {  	v8 =	vshll.u32 v10, $0x10;
	v9 =	vand.u32 $0xFFFF0000, v10;
	v7 =	vld [tilespmem:s7+$0xFFFFFFB0];
	[tilespmem:s30+$0x20] =	vst v5;
	(pc) =	sbr.rel @p3 .LBB2_8-.Ltmp3, $4  }
0xd5: {  	v5 =	vmul.f32 v8, v6;
	[tilespmem:s30+$0x60] =	vst v4;
	v4 =	vld [tilespmem:s30+$0x30]  }
0xd6: {  	v6 =	vmul.f32 v9, v11;
	v8 =	vld [tilespmem:s7+$0x30]  }
0xd7: {  	[tilespmem:s30+$0xFFFFFF30] =	vst v5;
	v5 =	vld [tilespmem:s30+$0x70]  }
0xd8: {  	s7 =	sadd.s32 $0x200, s7;
	[tilespmem:s30+$0xFFFFFF70] =	vst v6;
	v6 =	vld [tilespmem:s30+$0xB0]  }
0xd9: {  	v9 =	vshll.u32 v7, $0x10  }
0xda: {  	v60 =	vand.u32 $0xFFFF0000, v7;
	v2 =	vmul.f32 v9, v2  }
0xdb: {  	v3 =	vmul.f32 v60, v3;
	v61 =	vshll.u32 v8, $0x10  }
0xdc: {  	v62 =	vand.u32 $0xFFFF0000, v8;
	[tilespmem:s1+$0xFFFFFFB0] =	vst v2;
	v2 =	vmul.f32 v61, v4  }
0xdd: {  	s0 =	smul.u32 $0xA000, s29;
	v63 =	vmul.f32 v62, v5;
	[tilespmem:s1+$0xFFFFFFF0] =	vst v3  }
0xde: {  	v1 =	vmul.f32 v1, v6;
	[tilespmem:s1+$0x30] =	vst v2  }
0xdf: {  	s7 =	sshll.u32 s26, $0x8;
	s0 =	sshrl.u32 s0, $0x2;
	[tilespmem:s1+$0x70] =	vst v63  }
0xe0: {  	s30 =	sor.u32 $0x80, s7;
	s0 =	sadd.s32 $0x1900, s0;
	[tilespmem:s1+$0xB0] =	vst v1  }
0xe1: {  	[spmem:s2] =	stream.indirect.scatter.add.f32 [tilespmem:s0], [sflag:$0x5], $0x80, s30, s22, $0xb8;
	[tilespmem:$0x1F900] =	vst v63  }
0xe2: {  	p6 =	sgt.u32 s26, $0x16;
	s0 =	sand.u32 @!p2 $0xFF, s28;
	_ =	swait.ge [sflag:s21], $0x2800  }
0xe3: {  	p1 =	por !p1, !p1;
	p3 =	sgt.u32 @!p2 s0, $0x16;
	[sflag:s21] =	ssyncset.done $0x0  }
0xe4: {  	p1 =	por p6, p1;
	p2 =	por p3, p2;
	[sflag:s21] =	ssyncadd.s32 $0xFFFFD800  }
0xe5: {  	s0 =	sadd.s32 @!p2 $0x200, s7;
	s1 =	simm.s32 @!p2 $0x50;
	s28 =	simm.s32 @!p2 $0x1900  }
0xe6: {  	[tilespmem:s28], [sflag:$0x1] =	stream.indirect.gather @!p2 [hbm4b:s4+s1], $0x80, s0, s1, $0xb8;
	[tilespmem:$0x1F900] =	vst v63  }
0xe7: {  	s0 =	sadd.s32 @!p1 $0x200, s7;
	s1 =	simm.s32 @!p1 $0x50;
	s7 =	simm.s32 @!p1 $0x4100  }
0xe8: {  	[tilespmem:s7], [sflag:$0x2] =	stream.indirect.gather @!p1 [hbm4b:s4+s1], $0x80, s0, s1, $0xb8;
	[tilespmem:$0x1F900] =	vst v63  }
0xe9: {  	p1 =	sne.s32 s31, $0x7D  }
.Ltmp4:
0xea: {  	_ = 	snop;
	(pc) =	sbr.rel @p1 .LBB2_4-.Ltmp4, $2  }
0xeb: {  	_ =	sdelay $0x2  }
0xec: {  	p0 =	por !p0, !p0  }
0xed: {  	s0 =	stileid.u32;
	s25 =	sadd.s32 $0x1, s25  }
0xee: {  	[bflag:$0x0] =	sbarrier.arrive $0xFFFF;
	s0 =	sshll.u32 s0, $0x6;
	p0 =	sne.s32 s25, s19  }
.Ltmp5:
0xef: {  	s1 =	sshrl.u32 s6, $0x3;
	s0 =	sor.u32 $0x1C05, s0;
	(pc) =	sbr.rel @p0 .LBB2_1-.Ltmp5, $4  }
0xf0: {  	[hbm:s18], [sflag:s0] =	dma.local [spmem:s1], $0x2800  }
0xf1: {  	_ =	swait.ge [sflag:s21], $0x2800  }
0xf2: {  	[sflag:s21] =	ssyncset.done $0x0  }
0xf3: {  	[sflag:s21] =	ssyncadd.s32 $0xFFFFD800  }
0xf4: {  	_ =	sfence.sel $0x180000  }
0xf5: {  	[bflag:$0x0] =	sbarrier.arrive $0xFFFF  }
0xf6: {  	_ =	strace $0x90000047  }
0xf7: {  	s0 =	stileid.u32;
	[bflag:$0x2] =	sbarrier.arrive $0xFFFF  }
0xf8: {  	p0 =	sne.s32 s0, $0x0;
	s0 =	rddreg [dreg:$0x2]  }
0xf9: {  	s0 =	sadd.s32 @!p0 $0x100000, s0  }
0xfa: {  	[sflag:s0] =	ssyncadd.tile.s32 @!p0 $0x1;
	_ =	shalt  }
.Lfunc_end2:
_tile_overlayer_lowered:
.L_overlay_start_2:
0xfb: {  	(tag) =	ssettag $0x2  }
0xfc: {  	s0 =	rddreg [dreg:$0x0];
	s2 =	stileid.u32  }
0xfd: {  	s1 =	rddreg [dreg:$0x1];
	p0 =	sne.s32 s2, $0x0  }
0xfe: {  	s3 =	rddreg [dreg:$0x2];
	[bflag:$0x3] =	sbarrier.arrive $0xFFFF;
	s2 =	simm.s32 @!p0 $0x1C05  }
0xff: {  	[timem:s3], [sflag:s2] =	dma.local @!p0 [hbm:s0], s1  }
0x100: {  	s0 =	simm.s32 @!p0 $0x5  }
0x101: {  	_ =	swait.ge @!p0 [sflag:s0], s1  }
0x102: {  	s1 =	ssub.s32 @!p0 $0x0, s1;
	[sflag:s0] =	ssyncset.done @!p0 $0x0  }
0x103: {  	[sflag:s0] =	ssyncadd.s32 @!p0 s1  }
0x104: {  	[bflag:$0x3] =	sbarrier.arrive $0xFFFF  }
0x105: {  	_ =	shalt  }

// kernel: kernel.13.cloned.1.call-start
scs
__scs_entry_jumppad:
0x0: {  	(pc) =	sbr.rel $0x88, $3  }
0x1: {  	(tag) =	ssettag $0x0;
	lr =	simm.s32 $0x1  }
0x2: {  	[smem:$0x3F96] =	sst lr;
	_ =	strace $0xD0000000  }
0x3: {  	_ = 	snop  }
0x4: {  	_ = 	snop  }
0x5: {  	_ = 	snop  }
0x6: {  	_ = 	snop  }
0x7: {  	_ = 	snop  }
__scs_overlays_trampoline_lowered:
0x8: {  	[smem:$0x3FA5] =	sst s0  }
0x9: {  	[smem:$0x3FA6] =	sst s1  }
0xa: {  	[smem:$0x3FA7] =	sst s2  }
0xb: {  	[smem:$0x3FA8] =	sst s3  }
0xc: {  	[smem:$0x3FA9] =	sst s4  }
0xd: {  	[smem:$0x3FAA] =	sst s5  }
0xe: {  	[smem:$0x3FAB] =	sst s6  }
0xf: {  	[smem:$0x3FAC] =	sst s7  }
0x10: {  	[smem:$0x3FAD] =	sst s8  }
0x11: {  	[smem:$0x3FAE] =	sst s9;
	s0 =	simm.s32 @!p0 $0x0  }
0x12: {  	s1 =	sld [smem:$0x3F94];
	s0 =	simm.s32 @p0 $0x1  }
0x13: {  	[smem:$0x3FAF] =	sst s0;
	s0 =	simm.s32 @!p1 $0x0  }
0x14: {  	s2 =	sld [smem:$0x3F93];
	s0 =	simm.s32 @p1 $0x1  }
0x15: {  	[smem:$0x3FB0] =	sst s0;
	s0 =	simm.s32 @!p2 $0x0  }
0x16: {  	s3 =	sld [smem:$0x3FDB];
	s0 =	simm.s32 @p2 $0x1  }
0x17: {  	s4 =	simm.s32 $0x1BF5;
	[smem:$0x3FB2] =	sst s0  }
0x18: {  	s0 =	sld [smem:$0x3F95];
	_ =	swait.ge [sflag:s4], $0x0  }
0x19: {  	s7 =	sld [smem:$0x3F96]  }
0x1a: {  	s8 =	sadd.s32 $0xFFFFE003, lr  }
0x1b: {  	s9 =	sadd.s32 $0xFFFFFEF7, lr;
	s5 =	simm.s32 $0xFFFFFFFF;
	p2 =	slt.u32 s8, $0xFFFFF086  }
0x1c: {  	p1 =	slt.u32 s9, $0xF7A;
	s5 =	simm.s32 @!p2 $0x0  }
0x1d: {  	s5 =	simm.s32 @p1 $0x1;
	p0 =	seq.s32 s7, s2  }
0x1e: {  	s7 =	smul.u32 @!p0 $0xF7A, s2;
	p2 =	seq.s32 @!p0 s5, $0x0  }
0x1f: {  	s9 =	smul.u32 $0xF7A, s1;
	s8 =	simm.s32 @!p0 $0x1BF5;
	p2 =	por !p2, p0  }
0x20: {  	[sflag:s8] =	ssyncset.s32 @!p0 $0xFFFFF086;
	s6 =	sadd.s32 @!p0 s3, s7;
	s7 =	simm.s32 @!p0 $0x108  }
0x21: {  	s3 =	sadd.s32 s3, s9;
	s6 =	sadd.s32 @!p0 $0x88, s6;
	s7 =	simm.s32 @p2 $0x1082  }
0x22: {  	[simem:s7], [sflag:s8] =	dma.local @!p0 [hbm:s6], $0xF7A  }
0x23: {  	s9 =	sor.u32 $0xD0000000, s2;
	s6 =	simm.s32 $0x108;
	_ =	swait.ge @!p0 [sflag:s8], $0x0  }
0x24: {  	s3 =	sadd.s32 $0x88, s3;
	s6 =	simm.s32 @!p1 $0x1082;
	[sflag:s4] =	ssyncset.s32 $0xFFFFF086  }
0x25: {  	[simem:s6], [sflag:s4] =	dma.local [hbm:s3], $0xF7A  }
0x26: {  	[smem:$0x3F96] =	sst s1;
	(tag) =	ssettag s2;
	_ =	strace s9  }
0x27: {  	s1 =	sld [smem:$0x3FA6]  }
0x28: {  	s2 =	sld [smem:$0x3FA7]  }
0x29: {  	s4 =	sld [smem:$0x3FA9]  }
0x2a: {  	p0 =	seq.s32 s5, $0x0;
	s5 =	sld [smem:$0x3FAA]  }
0x2b: {  	s6 =	sld [smem:$0x3FAB]  }
0x2c: {  	s7 =	sld [smem:$0x3FAC]  }
0x2d: {  	s3 =	simm.s32 $0x108;
	s8 =	sld [smem:$0x3FAD]  }
0x2e: {  	s3 =	simm.s32 @!p0 $0x1082;
	s9 =	sld [smem:$0x3FAE]  }
0x2f: {  	lr =	sadd.s32 s0, s3;
	s0 =	sld [smem:$0x3FA5]  }
0x30: {  	s3 =	sld [smem:$0x3FA8]  }
0x31: {  	[smem:$0x3FB1] =	sst s10  }
0x32: {  	s10 =	sld [smem:$0x3FAF];
	_ =	sdelay $0x3  }
0x33: {  	p0 =	seq.s32 s10, $0x1;
	s10 =	sld [smem:$0x3FB1];
	_ =	sdelay $0x3  }
0x34: {  	[smem:$0x3FB1] =	sst s10  }
0x35: {  	s10 =	sld [smem:$0x3FB0];
	_ =	sdelay $0x3  }
0x36: {  	p1 =	seq.s32 s10, $0x1;
	s10 =	sld [smem:$0x3FB1];
	_ =	sdelay $0x3  }
0x37: {  	[smem:$0x3FB1] =	sst s10  }
0x38: {  	s10 =	sld [smem:$0x3FB2]  }
0x39: {  	_ = 	snop;
	(pc) =	sbr.ind lr, $3  }
0x3a: {  	_ = 	snop  }
0x3b: {  	_ = 	snop  }
0x3c: {  	p2 =	seq.s32 s10, $0x1;
	s10 =	sld [smem:$0x3FB1]  }
0x3d: {  	_ =	shalt  }
0x3e: {  	_ =	shalt  }
0x3f: {  	_ =	shalt  }
0x40: {  	_ =	shalt  }
0x41: {  	_ =	shalt  }
0x42: {  	_ =	shalt  }
0x43: {  	_ =	shalt  }
0x44: {  	_ =	shalt  }
0x45: {  	_ =	shalt  }
0x46: {  	_ =	shalt  }
0x47: {  	_ =	shalt  }
0x48: {  	_ =	shalt  }
0x49: {  	_ =	shalt  }
0x4a: {  	_ =	shalt  }
0x4b: {  	_ =	shalt  }
0x4c: {  	_ =	shalt  }
0x4d: {  	_ =	shalt  }
0x4e: {  	_ =	shalt  }
0x4f: {  	_ =	shalt  }
0x50: {  	_ =	shalt  }
0x51: {  	_ =	shalt  }
0x52: {  	_ =	shalt  }
0x53: {  	_ =	shalt  }
0x54: {  	_ =	shalt  }
0x55: {  	_ =	shalt  }
0x56: {  	_ =	shalt  }
0x57: {  	_ =	shalt  }
0x58: {  	_ =	shalt  }
0x59: {  	_ =	shalt  }
0x5a: {  	_ =	shalt  }
0x5b: {  	_ =	shalt  }
0x5c: {  	_ =	shalt  }
0x5d: {  	_ =	shalt  }
0x5e: {  	_ =	shalt  }
0x5f: {  	_ =	shalt  }
0x60: {  	_ =	shalt  }
0x61: {  	_ =	shalt  }
0x62: {  	_ =	shalt  }
0x63: {  	_ =	shalt  }
0x64: {  	_ =	shalt  }
0x65: {  	_ =	shalt  }
0x66: {  	_ =	shalt  }
0x67: {  	_ =	shalt  }
0x68: {  	_ =	shalt  }
0x69: {  	_ =	shalt  }
0x6a: {  	_ =	shalt  }
0x6b: {  	_ =	shalt  }
0x6c: {  	_ =	shalt  }
0x6d: {  	_ =	shalt  }
0x6e: {  	_ =	shalt  }
0x6f: {  	_ =	shalt  }
0x70: {  	_ =	shalt  }
0x71: {  	_ =	shalt  }
0x72: {  	_ =	shalt  }
0x73: {  	_ =	shalt  }
0x74: {  	_ =	shalt  }
0x75: {  	_ =	shalt  }
0x76: {  	_ =	shalt  }
0x77: {  	_ =	shalt  }
0x78: {  	_ =	shalt  }
0x79: {  	_ =	shalt  }
0x7a: {  	_ =	shalt  }
0x7b: {  	_ =	shalt  }
0x7c: {  	_ =	shalt  }
0x7d: {  	_ =	shalt  }
0x7e: {  	_ =	shalt  }
0x7f: {  	_ =	shalt  }
0x80: {  	_ =	shalt  }
0x81: {  	_ =	shalt  }
0x82: {  	_ =	shalt  }
0x83: {  	_ =	shalt  }
0x84: {  	_ =	shalt  }
0x85: {  	_ =	shalt  }
0x86: {  	_ =	shalt  }
0x87: {  	_ =	shalt  }
.Lfunc_end0:
.L_simem_size_0:
called_computation.1_lowered:
.L_overlay_start_0:
0x88: {  	s2 =	sld [smem:$0x3FD9]  }
0x89: {  	s3 =	sld [smem:$0x3FFE];
	_ =	sdelay $0x1  }
0x8a: {  	s1 =	srdreg.scid  }
0x8b: {  	s0 =	sand.u32 $0x1, s1  }
0x8c: {  	s16 =	sshll.u32 s0, $0xA;
	s2 =	sadd.s32 s3, s2  }
0x8d: {  	s2 =	sadd.s32 s2, s16  }
0x8e: {  	[smem:$0x3FBD] =	sst s2  }
0x8f: {  	_ = 	snop  }
0x90: {  	(tm) =	ssettm $0x1  }
0x91: {  	s17 =	sld [smem:$0x3FFB];
	_ =	sdelay $0x3  }
0x92: {  	_ =	strace s17  }
0x93: {  	s2 =	sld [smem:$0x3FFC];
	_ =	sdelay $0x3  }
0x94: {  	_ =	strace s2  }
0x95: {  	s2 =	sld [smem:$0x3FFD];
	_ =	sdelay $0x3  }
0x96: {  	_ =	strace s2  }
0x97: {  	_ =	strace $0x8FFFFFFF  }
0x98: {  	s18 =	sld [smem:$0x3FDB];
	_ =	sdelay $0x1  }
0x99: {  	s19 =	simm.s32 $_scs_section_size  }
0x9a: {  	s4 =	simm.s32 $_size__tile_overlayer_lowered;
	s5 =	simm.s32 $_tile_overlayer_lowered  }
0x9b: {  	s22 =	simm.s32 $0x1BFF;
	s21 =	sshll.u32 s5, $0x1;
	s2 =	sadd.s32 s19, s18  }
0x9c: {  	s6 =	simm.s32 $0x0;
	s20 =	sshll.u32 s4, $0x1;
	s4 =	sadd.s32 s21, s2  }
0x9d: {  	[timem:s6], [sflag:s22] =	dma.local [hbm:s4], s20  }
0x9e: {  	_ =	swait.ge [sflag:s22], s20  }
0x9f: {  	s3 =	ssub.s32 $0x0, s20;
	[sflag:s22] =	ssyncset.done $0x0  }
0xa0: {  	[sflag:s22] =	ssyncadd.s32 s3;
	_ =	sdelay $0x1  }
0xa1: {  	s23 =	simm.s32 $0x1B8B  }
0xa2: {  	_ =	swait.ge [sflag:s23], $0x1  }
0xa3: {  	[sflag:s23] =	ssyncset.done $0x0  }
0xa4: {  	s25 =	simm.s32 $0x1B8E;
	s24 =	sld [smem:$0x3FFE];
	[sflag:s23] =	ssyncadd.s32 $0xFFFFFFFF  }
0xa5: {  	s26 =	simm.s32 $execute0_lowered;
	[smem:$0x3FD2] =	sst s25  }
0xa6: {  	s4 =	sshll.u32 s26, $0x1;
	_ =	strace $0x80000049;
	[dreg:$0x1] =	wrdreg $0xFFFFFFFF  }
0xa7: {  	s28 =	simm.s32 $_size_execute0_lowered;
	s2 =	sadd.s32 s2, s4;
	[dreg:$0x0] =	wrdreg $0x0  }
0xa8: {  	s4 =	sshll.u32 s28, $0x1;
	[dreg:$0x2] =	wrdreg s2  }
0xa9: {  	[dreg:$0x3] =	wrdreg s4  }
0xaa: {  	[dreg:$0x4] =	wrdreg $0xC0  }
0xab: {  	_ =	task [dreg:s6], $0x5FFFF  }
0xac: {  	[dreg:$0x1] =	wrdreg $0xFFFFFFFF  }
0xad: {  	[dreg:$0x0] =	wrdreg $0x60  }
0xae: {  	[dreg:$0x2] =	wrdreg s24  }
0xaf: {  	[dreg:$0x3] =	wrdreg $0xB9000  }
0xb0: {  	[dreg:$0x4] =	wrdreg $0x9  }
0xb1: {  	_ =	task.clear_ibuf [dreg:s6], $0x5FFFF;
	_ =	strace $0x90000049  }
0xb2: {  	s29 =	simm.s32 $0x9;
	_ =	strace $0x8000004B  }
0xb3: {  	_ =	swait.ge [sflag:s29], $0x1  }
0xb4: {  	[sflag:s29] =	ssyncadd.s32 $0xFFFFFFFF  }
0xb5: {  	_ =	strace $0x9000004B  }
0xb6: {  	_ =	sfence  }
0xb7: {  	s30 =	sld [smem:$0x0];
	_ =	sdelay $0x2  }
0xb8: {  	s31 =	sshll.u32 s1, $0xD;
	s1 =	sshrl.u32 s1, $0x2  }
0xb9: {  	s3 =	sand.u32 $0x4000, s31;
	s1 =	sadd.s32 s1, s30  }
0xba: {  	s0 =	sor.u32 s3, s0;
	s1 =	sshll.u32 s1, $0x11  }
0xbb: {  	s0 =	sor.u32 s1, s0  }
0xbc: {  	s0 =	sadd.s32 $0x8F2B, s0  }
0xbd: {  	[sflag:s0] =	ssyncadd.remote.s32 $0x1  }
0xbe: {  	_ =	sfence.sel $0xFFFF  }
0xbf: {  	[dreg:$0x0] =	wrdreg $0xFFFFFFFF;
	(pc) =	sbr.abs _section_cstart, $3  }
0xc0: {  	[dreg:$0x1] =	wrdreg $0xFFFFFFFF  }
0xc1: {  	_ =	task.clear_ibuf [dreg:s6], $0x2FFFF;
	_ =	strace $0x9FFFFFFF  }
0xc2: {  	(tm) =	ssettm $0x7FFFFFFF  }
0xc3: {  	_ =	shalt  }
tec
execute0_lowered:
.L_overlay_start_1:
0x0: {  	(tag) =	ssettag $0x1  }
0x1: {  	s0 =	rddreg [dreg:$0x0];
	s1 =	srdreg.scid  }
0x2: {  	s9 =	stileid.u32;
	s2 =	rddreg [dreg:$0x1];
	s3 =	simm.s32 $0x0  }
0x3: {  	s20 =	simm.s32 $0x1900;
	s21 =	simm.s32 $0x5;
	s22 =	simm.s32 $0x50  }
0x4: {  	s23 =	simm.s32 $0x4100;
	s24 =	simm.s32 $0x100;
	s25 =	simm.s32 $0x0  }
0x5: {  	s1 =	sand.u32 $0x1, s1;
	s4 =	sshll.u32 s9, $0x1;
	[smem:$0x7FF] =	sst s3  }
0x6: {  	s8 =	smul.u32 $0x50000, s9;
	s17 =	sadd.s32 $0x4C300, s0;
	s7 =	sor.u32 s1, s4  }
0x7: {  	_ =	strace $0x8000004A;
	s6 =	sshll.u32 s1, $0x4;
	s5 =	smul.u32 $0x27100, s7  }
0x8: {  	s4 =	sadd.s32 $0x5800, s0;
	s1 =	ssub.s32 $0x2, s1;
	s13 =	smul.u32 $0x2710, s7  }
0x9: {  	s28 =	sor.u32 s9, s6;
	s29 =	sshrl.u32 s8, $0x2;
	s15 =	smul.u32 $0x7D00, s7  }
0xa: {  	s30 =	sshrl.u32 s1, $0x1;
	s9 =	smul.u32 $0x2800, s28;
	s6 =	sadd.s32 s29, s2  }
0xb: {  	s1 =	ssub.s32 s1, s30;
	s16 =	sadd.s32 s5, s0;
	s5 =	sadd.s32 $0x2CA00, s0  }
0xc: {  	s31 =	sadd.s32 $0x2800, s6;
	s8 =	sadd.s32 $0x5000, s6;
	s10 =	sadd.s32 $0xA000, s6  }
0xd: {  	s11 =	sadd.s32 $0xC800, s6;
	s12 =	sadd.s32 $0xF000, s6;
	s14 =	sadd.s32 $0x11800, s6  }
0xe: {  	s19 =	smax.u32 s1, $0x1;
	s18 =	sadd.s32 s9, s0;
	[dreg:$0x3] =	wrdreg s31  }
0xf: {  	v0 =	vimm.f32 $0.0e+00;
	s9 =	sadd.s32 $0x7800, s6;
	s16 =	sadd.s32 $0x4BE00, s16;
	s18 =	sadd.s32 $0x52DE00, s18  }
.LBB2_1:
0x10: {  	s0 =	simm.s32 $0x0;
	s1 =	simm.s32 $0x200  }
.LBB2_2:
0x11: {  	p0 =	sne.s32 s1, $0x9E00;
	[tilespmem:s0+$0x1970] =	vst v0  }
0x12: {  	[tilespmem:s0+$0x1900] =	vst v0  }
0x13: {  	[tilespmem:s0+$0x1910] =	vst v0  }
.Ltmp0:
0x14: {  	[tilespmem:s0+$0x1920] =	vst v0;
	(pc) =	sbr.rel @p0 .LBB2_2-.Ltmp0, $4  }
0x15: {  	[tilespmem:s0+$0x1930] =	vst v0  }
0x16: {  	[tilespmem:s0+$0x1940] =	vst v0  }
0x17: {  	[tilespmem:s0+$0x1950] =	vst v0  }
0x18: {  	[tilespmem:s0+$0x1960] =	vst v0;
	s0 =	sshra.s32 s1, $0x2;
	s1 =	sadd.s32 $0x200, s1  }
0x19: {  	[tilespmem:s0+$0x1970] =	vst v0  }
0x1a: {  	[tilespmem:s0+$0x1900] =	vst v0  }
0x1b: {  	[tilespmem:s0+$0x1910] =	vst v0  }
0x1c: {  	[tilespmem:s0+$0x1920] =	vst v0  }
0x1d: {  	[tilespmem:s0+$0x1930] =	vst v0  }
0x1e: {  	[tilespmem:s0+$0x1940] =	vst v0  }
0x1f: {  	[tilespmem:s0+$0x1950] =	vst v0  }
0x20: {  	[tilespmem:s0+$0x1960] =	vst v0  }
0x21: {  	[spmem:s6] =	stream.linear.scatter [tilespmem:s20], [sflag:$0x5], $0x2800, $0x38;
	[tilespmem:$0x1F900] =	vst v63  }
0x22: {  	_ =	swait.ge [sflag:s21], $0x2800  }
0x23: {  	[sflag:s21] =	ssyncset.done $0x0  }
0x24: {  	s30 =	rddreg [dreg:$0x3];
	[sflag:s21] =	ssyncadd.s32 $0xFFFFD800  }
0x25: {  	[spmem:s30] =	stream.linear.scatter [tilespmem:s20], [sflag:$0x5], $0x2800, $0x38;
	[tilespmem:$0x1F900] =	vst v63  }
0x26: {  	_ =	swait.ge [sflag:s21], $0x2800  }
0x27: {  	[sflag:s21] =	ssyncset.done $0x0  }
0x28: {  	[sflag:s21] =	ssyncadd.s32 $0xFFFFD800  }
0x29: {  	[spmem:s8] =	stream.linear.scatter [tilespmem:s20], [sflag:$0x5], $0x2800, $0x38;
	[tilespmem:$0x1F900] =	vst v63  }
0x2a: {  	_ =	swait.ge [sflag:s21], $0x2800  }
0x2b: {  	[sflag:s21] =	ssyncset.done $0x0  }
0x2c: {  	[sflag:s21] =	ssyncadd.s32 $0xFFFFD800  }
0x2d: {  	[spmem:s9] =	stream.linear.scatter [tilespmem:s20], [sflag:$0x5], $0x2800, $0x38;
	[tilespmem:$0x1F900] =	vst v63  }
0x2e: {  	_ =	swait.ge [sflag:s21], $0x2800  }
0x2f: {  	[sflag:s21] =	ssyncset.done $0x0  }
0x30: {  	[sflag:s21] =	ssyncadd.s32 $0xFFFFD800  }
0x31: {  	[spmem:s10] =	stream.linear.scatter [tilespmem:s20], [sflag:$0x5], $0x2800, $0x38;
	[tilespmem:$0x1F900] =	vst v63  }
0x32: {  	_ =	swait.ge [sflag:s21], $0x2800  }
0x33: {  	[sflag:s21] =	ssyncset.done $0x0  }
0x34: {  	[sflag:s21] =	ssyncadd.s32 $0xFFFFD800  }
0x35: {  	[spmem:s11] =	stream.linear.scatter [tilespmem:s20], [sflag:$0x5], $0x2800, $0x38;
	[tilespmem:$0x1F900] =	vst v63  }
0x36: {  	_ =	swait.ge [sflag:s21], $0x2800  }
0x37: {  	[sflag:s21] =	ssyncset.done $0x0  }
0x38: {  	[sflag:s21] =	ssyncadd.s32 $0xFFFFD800  }
0x39: {  	[spmem:s12] =	stream.linear.scatter [tilespmem:s20], [sflag:$0x5], $0x2800, $0x38;
	[tilespmem:$0x1F900] =	vst v63  }
0x3a: {  	_ =	swait.ge [sflag:s21], $0x2800  }
0x3b: {  	[sflag:s21] =	ssyncset.done $0x0  }
0x3c: {  	[sflag:s21] =	ssyncadd.s32 $0xFFFFD800  }
0x3d: {  	[spmem:s14] =	stream.linear.scatter [tilespmem:s20], [sflag:$0x5], $0x2800, $0x38;
	[tilespmem:$0x1F900] =	vst v63  }
0x3e: {  	_ =	swait.ge [sflag:s21], $0x2800  }
0x3f: {  	[sflag:s21] =	ssyncset.done $0x0  }
0x40: {  	[sflag:s21] =	ssyncadd.s32 $0xFFFFD800  }
0x41: {  	s31 =	simm.s32 $0x0;
	p0 =	por $0x0, $0x0;
	[bflag:$0x0] =	sbarrier.arrive $0xFFFF  }
.LBB2_4:
0x42: {  	s0 =	smul.u32 $0x29, s31;
	_ =	sdelay $0x1  }
0x43: {  	s0 =	sshrl.u32 s0, $0xA  }
0x44: {  	s0 =	sand.u32 $0x3F, s0  }
0x45: {  	s0 =	smul.u32 $0x19, s0;
	_ =	sdelay $0x1  }
0x46: {  	s28 =	ssub.s32 s31, s0  }
0x47: {  	s26 =	sand.u32 $0xFF, s28  }
0x48: {  	p2 =	sne.s32 s26, $0x0  }
0x49: {  	s0 =	smul.u32 @!p2 $0x29, s31;
	_ =	sdelay $0x1  }
0x4a: {  	s0 =	sshrl.u32 @!p2 s0, $0xA  }
0x4b: {  	s0 =	sand.u32 @!p2 $0x3F, s0  }
0x4c: {  	s0 =	smul.u32 @!p2 $0x1900, s0;
	_ =	sdelay $0x1  }
0x4d: {  	s0 =	sadd.s32 @!p2 s15, s0  }
0x4e: {  	s0 =	sshrl.u32 @!p2 s0, $0x3  }
0x4f: {  	s29 =	sand.u32 $0x1, s31;
	s1 =	simm.s32 @!p2 $0x0;
	s0 =	sadd.s32 @!p2 s5, s0  }
0x50: {  	[tilespmem:s1], [sflag:$0x5] =	stream.linear.gather @!p2 [hbm4b:s0+s1], $0x1900, $0x38;
	[tilespmem:$0x1F900] =	vst v63  }
0x51: {  	s30 =	sor.u32 s26, s29;
	s0 =	simm.s32 @!p2 $0x5  }
0x52: {  	p1 =	sne.s32 s30, $0x0;
	_ =	swait.ge @!p2 [sflag:s0], $0x1900  }
0x53: {  	s7 =	simm.s32 @!p1 $0x1900;
	[sflag:s0] =	ssyncset.done @!p2 $0x0  }
0x54: {  	s1 =	simm.s32 @!p1 $0x0;
	[sflag:s0] =	ssyncadd.s32 @!p2 $0xFFFFE700;
	s0 =	simm.s32 @!p1 $0x50  }
0x55: {  	[tilespmem:s7], [sflag:$0x1] =	stream.indirect.gather @!p1 [hbm4b:s4+s0], $0x80, s1, s0, $0xb8;
	[tilespmem:$0x1F900] =	vst v63  }
0x56: {  	s1 =	simm.s32 @!p1 $0x100;
	s7 =	simm.s32 @!p1 $0x4100  }
0x57: {  	[tilespmem:s7], [sflag:$0x2] =	stream.indirect.gather @!p1 [hbm4b:s4+s0], $0x80, s1, s0, $0xb8;
	[tilespmem:$0x1F900] =	vst v63  }
0x58: {  	p1 =	seq.s32 s29, $0x1  }
0x59: {  	p2 =	por p2, !p1  }
.Ltmp1:
0x5a: {  	_ = 	snop;
	(pc) =	sbr.rel @p2 .LBB2_6-.Ltmp1, $1  }
0x5b: {  	_ =	sdelay $0x3  }
.Ltmp2:
0x5c: {  	(pc) =	sbr.rel .LBB2_7-.Ltmp2, $4  }
0x5d: {  	_ = 	snop  }
0x5e: {  	[tilespmem:s23], [sflag:$0x2] =	stream.indirect.gather [hbm4b:s4+s22], $0x80, s3, s22, $0xb8;
	[tilespmem:$0x1F900] =	vst v63  }
0x5f: {  	_ = 	snop  }
0x60: {  	[tilespmem:s20], [sflag:$0x1] =	stream.indirect.gather [hbm4b:s4+s22], $0x80, s24, s22, $0xb8;
	[tilespmem:$0x1F900] =	vst v63  }
.LBB2_6:
0x61: {  	p2 =	sne.s32 s31, $0x0  }
0x62: {  	s0 =	simm.s32 @!p2 $0x0;
	s1 =	simm.s32 @!p2 $0x6900  }
0x63: {  	[tilespmem:s1], [sflag:$0x3] =	stream.linear.gather @!p2 [hbm4b:s16+s0], $0x2800, $0x38;
	[tilespmem:$0x1F900] =	vst v63  }
.LBB2_7:
0x64: {  	s0 =	smul.u32 $0x50, s31;
	p2 =	seq.s32 s31, $0x7C  }
0x65: {  	p3 =	sne.s32 @!p2 s29, $0x0  }
0x66: {  	s0 =	sadd.s32 s13, s0;
	p2 =	por p3, p2  }
0x67: {  	s1 =	sshll.u32 @!p2 s0, $0x4;
	s7 =	simm.s32 @!p2 $0x0;
	s0 =	sshll.u32 @p1 s0, $0x4  }
0x68: {  	s30 =	simm.s32 @!p2 $0x9100;
	s1 =	sadd.s32 @!p2 s1, s17;
	s0 =	sadd.s32 @p1 s0, s17  }
0x69: {  	[tilespmem:s30], [sflag:$0x4] =	stream.linear.gather @!p2 [hbm4b:s1+s7], $0x2800, $0x38;
	[tilespmem:$0x1F900] =	vst v63  }
0x6a: {  	s1 =	simm.s32 @p1 $0x0;
	s7 =	simm.s32 @p1 $0x6900;
	p2 =	sne.s32 s29, $0x0  }
0x6b: {  	[tilespmem:s7], [sflag:$0x3] =	stream.linear.gather @p1 [hbm4b:s0+s1], $0x2800, $0x38;
	[tilespmem:$0x1F900] =	vst v63  }
0x6c: {  	s0 =	simm.s32 @!p2 $0x3  }
0x6d: {  	_ =	swait.ge @!p2 [sflag:s0], $0x2800  }
0x6e: {  	[sflag:s0] =	ssyncset.done @!p2 $0x0  }
0x6f: {  	[sflag:s0] =	ssyncadd.s32 @!p2 $0xFFFFD800;
	s0 =	simm.s32 @!p2 $0x1  }
0x70: {  	_ =	swait.ge @!p2 [sflag:s0], $0x2800  }
0x71: {  	[sflag:s0] =	ssyncset.done @!p2 $0x0  }
0x72: {  	[sflag:s0] =	ssyncadd.s32 @!p2 $0xFFFFD800;
	s0 =	simm.s32 @p1 $0x4  }
0x73: {  	s1 =	simm.s32 $0x1;
	_ =	swait.ge @p1 [sflag:s0], $0x2800  }
0x74: {  	s1 =	simm.s32 @!p0 $0x0;
	[sflag:s0] =	ssyncset.done @p1 $0x0  }
0x75: {  	s1 =	smul.u32 $0xA000, s1;
	[sflag:s0] =	ssyncadd.s32 @p1 $0xFFFFD800;
	s0 =	simm.s32 @p1 $0x2  }
0x76: {  	_ =	swait.ge @p1 [sflag:s0], $0x2800  }
0x77: {  	s7 =	sshrl.u32 s1, $0x2;
	[sflag:s0] =	ssyncset.done @p1 $0x0  }
0x78: {  	s1 =	sadd.s32 $0x6A00, s7;
	[sflag:s0] =	ssyncadd.s32 @p1 $0xFFFFD800  }
0x79: {  	s30 =	sadd.s32 $0x1A00, s7;
	v1 =	vld [tilespmem:s1+$0x80]  }
0x7a: {  	v2 =	vld [tilespmem:s30+$0x80]  }
0x7b: {  	v3 =	vld [tilespmem:s30+$0xC0]  }
0x7c: {  	v4 =	vld [tilespmem:s1+$0xFFFFFF80]  }
0x7d: {  	v5 =	vld [tilespmem:s1+$0x0]  }
0x7e: {  	v6 =	vld [tilespmem:s1+$0xFFFFFF00];
	v7 =	vshll.u32 v1, $0x10  }
0x7f: {  	v8 =	vld [tilespmem:s30+$0xFFFFFF00];
	v1 =	vand.u32 $0xFFFF0000, v1;
	v2 =	vmul.f32 v7, v2  }
0x80: {  	v7 =	vld [tilespmem:s30+$0xFFFFFF40];
	v1 =	vmul.f32 v1, v3  }
0x81: {  	v3 =	vld [tilespmem:s30+$0xFFFFFF80];
	[tilespmem:s30+$0x80] =	vst v2  }
0x82: {  	v2 =	vld [tilespmem:s30+$0xFFFFFFC0];
	[tilespmem:s30+$0xC0] =	vst v1  }
0x83: {  	v1 =	vshll.u32 v6, $0x10;
	v9 =	vld [tilespmem:s1+$0x90]  }
0x84: {  	v6 =	vand.u32 $0xFFFF0000, v6;
	v1 =	vmul.f32 v1, v8;
	v8 =	vld [tilespmem:s30+$0x90]  }
0x85: {  	v10 =	vshll.u32 v4, $0x10;
	v6 =	vmul.f32 v6, v7;
	v7 =	vld [tilespmem:s30+$0xD0]  }
0x86: {  	v4 =	vand.u32 $0xFFFF0000, v4;
	[tilespmem:s30+$0xFFFFFF00] =	vst v1;
	v1 =	vmul.f32 v10, v3;
	v3 =	vld [tilespmem:s30+$0x0]  }
0x87: {  	v10 =	vld [tilespmem:s30+$0xFFFFFF10];
	[tilespmem:s30+$0xFFFFFF40] =	vst v6;
	v2 =	vmul.f32 v4, v2  }
0x88: {  	v4 =	vld [tilespmem:s30+$0x40];
	[tilespmem:s30+$0xFFFFFF80] =	vst v1;
	v1 =	vshll.u32 v9, $0x10  }
0x89: {  	v6 =	vld [tilespmem:s1+$0xFFFFFF10];
	[tilespmem:s30+$0xFFFFFFC0] =	vst v2;
	v2 =	vand.u32 $0xFFFF0000, v9;
	v1 =	vmul.f32 v1, v8  }
0x8a: {  	v9 =	vld [tilespmem:s30+$0xFFFFFF50];
	v2 =	vmul.f32 v2, v7  }
0x8b: {  	v8 =	vld [tilespmem:s1+$0xFFFFFF90];
	v7 =	vshll.u32 v5, $0x10;
	[tilespmem:s30+$0x90] =	vst v1  }
0x8c: {  	v1 =	vand.u32 $0xFFFF0000, v5;
	v3 =	vmul.f32 v7, v3;
	v5 =	vld [tilespmem:s30+$0xFFFFFF90];
	[tilespmem:s30+$0xD0] =	vst v2  }
0x8d: {  	v1 =	vmul.f32 v1, v4;
	v2 =	vld [tilespmem:s1+$0xA0]  }
0x8e: {  	[tilespmem:s30+$0x0] =	vst v3;
	v3 =	vld [tilespmem:s30+$0xA0]  }
0x8f: {  	v4 =	vshll.u32 v6, $0x10;
	v6 =	vand.u32 $0xFFFF0000, v6;
	[tilespmem:s30+$0x40] =	vst v1;
	v1 =	vld [tilespmem:s30+$0xE0]  }
0x90: {  	v4 =	vmul.f32 v4, v10;
	v6 =	vmul.f32 v6, v9;
	v9 =	vld [tilespmem:s30+$0xFFFFFFD0]  }
0x91: {  	v7 =	vld [tilespmem:s1+$0x10]  }
0x92: {  	[tilespmem:s30+$0xFFFFFF10] =	vst v4;
	v4 =	vld [tilespmem:s30+$0x10];
	v10 =	vshll.u32 v2, $0x10  }
0x93: {  	[tilespmem:s30+$0xFFFFFF50] =	vst v6;
	v6 =	vld [tilespmem:s30+$0x50];
	v2 =	vand.u32 $0xFFFF0000, v2;
	v3 =	vmul.f32 v10, v3  }
0x94: {  	v11 =	vld [tilespmem:s1+$0xFFFFFF20];
	v10 =	vshll.u32 v8, $0x10;
	v1 =	vmul.f32 v2, v1  }
0x95: {  	v2 =	vand.u32 $0xFFFF0000, v8;
	v8 =	vld [tilespmem:s30+$0xFFFFFF20];
	v5 =	vmul.f32 v10, v5;
	[tilespmem:s30+$0xA0] =	vst v3  }
0x96: {  	v10 =	vld [tilespmem:s30+$0xFFFFFF60];
	v2 =	vmul.f32 v2, v9;
	[tilespmem:s30+$0xE0] =	vst v1  }
0x97: {  	v3 =	vshll.u32 v7, $0x10;
	v1 =	vand.u32 $0xFFFF0000, v7;
	v7 =	vld [tilespmem:s30+$0xFFFFFFE0];
	[tilespmem:s30+$0xFFFFFF90] =	vst v5  }
0x98: {  	v3 =	vmul.f32 v3, v4;
	v9 =	vld [tilespmem:s1+$0xB0];
	[tilespmem:s30+$0xFFFFFFD0] =	vst v2  }
0x99: {  	v1 =	vmul.f32 v1, v6;
	v2 =	vld [tilespmem:s1+$0xFFFFFFA0]  }
0x9a: {  	v5 =	vld [tilespmem:s30+$0xFFFFFFA0];
	[tilespmem:s30+$0x10] =	vst v3;
	v3 =	vshll.u32 v11, $0x10  }
0x9b: {  	v4 =	vld [tilespmem:s30+$0xF0];
	[tilespmem:s30+$0x50] =	vst v1;
	v1 =	vand.u32 $0xFFFF0000, v11;
	v3 =	vmul.f32 v3, v8  }
0x9c: {  	v6 =	vld [tilespmem:s1+$0x20];
	v1 =	vmul.f32 v1, v10  }
0x9d: {  	v8 =	vld [tilespmem:s30+$0x60];
	[tilespmem:s30+$0xFFFFFF20] =	vst v3  }
0x9e: {  	v3 =	vld [tilespmem:s30+$0x20];
	[tilespmem:s30+$0xFFFFFF60] =	vst v1;
	v1 =	vshll.u32 v2, $0x10  }
0x9f: {  	v10 =	vld [tilespmem:s1+$0xFFFFFF30];
	v1 =	vmul.f32 v1, v5  }
0xa0: {  	v2 =	vand.u32 $0xFFFF0000, v2;
	v5 =	vld [tilespmem:s30+$0xFFFFFF30]  }
0xa1: {  	v7 =	vmul.f32 v2, v7;
	v11 =	vshll.u32 v6, $0x10;
	v6 =	vand.u32 $0xFFFF0000, v6;
	[tilespmem:s30+$0xFFFFFFA0] =	vst v1;
	v1 =	vld [tilespmem:s30+$0xFFFFFF70]  }
0xa2: {  	v2 =	vld [tilespmem:s30+$0xFFFFFFB0];
	v6 =	vmul.f32 v6, v8  }
0xa3: {  	[tilespmem:s30+$0xFFFFFFE0] =	vst v7;
	v7 =	vand.u32 $0xFFFF0000, v9;
	v11 =	vmul.f32 v11, v3;
	v3 =	vld [tilespmem:s30+$0xFFFFFFF0]  }
0xa4: {  	v8 =	vmul.f32 v7, v4;
	v7 =	vld [tilespmem:s1+$0xFFFFFFB0];
	v4 =	vshll.u32 v10, $0x10;
	[tilespmem:s30+$0x60] =	vst v6  }
0xa5: {  	v6 =	vand.u32 $0xFFFF0000, v10;
	[tilespmem:s30+$0x20] =	vst v11;
	v5 =	vmul.f32 v4, v5;
	v4 =	vld [tilespmem:s30+$0x30]  }
0xa6: {  	[tilespmem:s30+$0xF0] =	vst v8;
	v8 =	vld [tilespmem:s1+$0x30];
	v6 =	vmul.f32 v6, v1  }
0xa7: {  	s31 =	sadd.s32 $0x1, s31;
	[tilespmem:s30+$0xFFFFFF30] =	vst v5;
	v5 =	vld [tilespmem:s30+$0x70]  }
0xa8: {  	s7 =	sadd.s32 $0x200, s1;
	s0 =	simm.s32 $0x0;
	s1 =	smov.u32 s30;
	v1 =	vshll.u32 v9, $0x10;
	[tilespmem:s30+$0xFFFFFF70] =	vst v6;
	v6 =	vld [tilespmem:s30+$0xB0]  }
.LBB2_8:
0xa9: {  	v9 =	vld [tilespmem:s7+$0x80];
	v10 =	vshll.u32 v7, $0x10;
	v7 =	vand.u32 $0xFFFF0000, v7;
	s30 =	sadd.s32 $0x200, s30  }
0xaa: {  	v11 =	vld [tilespmem:s30+$0x80];
	v2 =	vmul.f32 v10, v2;
	v3 =	vmul.f32 v7, v3  }
0xab: {  	v7 =	vld [tilespmem:s30+$0xC0];
	v10 =	vshll.u32 v8, $0x10;
	v8 =	vand.u32 $0xFFFF0000, v8  }
0xac: {  	s0 =	sadd.s32 $0x4, s0;
	v12 =	vld [tilespmem:s7+$0xFFFFFF80];
	[tilespmem:s1+$0xFFFFFFB0] =	vst v2;
	v2 =	vmul.f32 v10, v4;
	v4 =	vmul.f32 v8, v5  }
0xad: {  	p3 =	slt.u32 s0, $0x4C;
	v5 =	vld [tilespmem:s7+$0x0];
	[tilespmem:s1+$0xFFFFFFF0] =	vst v3;
	v1 =	vmul.f32 v1, v6  }
0xae: {  	v3 =	vld [tilespmem:s7+$0xFFFFFF00];
	v6 =	vshll.u32 v9, $0x10;
	[tilespmem:s1+$0x30] =	vst v2  }
0xaf: {  	v8 =	vand.u32 $0xFFFF0000, v9;
	v2 =	vld [tilespmem:s30+$0xFFFFFF00];
	v6 =	vmul.f32 v6, v11;
	[tilespmem:s1+$0x70] =	vst v4  }
0xb0: {  	v4 =	vld [tilespmem:s30+$0xFFFFFF40];
	v7 =	vmul.f32 v8, v7;
	[tilespmem:s1+$0xB0] =	vst v1;
	s1 =	smov.u32 s30  }
0xb1: {  	v1 =	vshll.u32 v12, $0x10;
	v8 =	vand.u32 $0xFFFF0000, v12;
	v9 =	vld [tilespmem:s30+$0xFFFFFF80];
	[tilespmem:s30+$0x80] =	vst v6  }
0xb2: {  	v6 =	vld [tilespmem:s30+$0xFFFFFFC0];
	v10 =	vshll.u32 v5, $0x10;
	v5 =	vand.u32 $0xFFFF0000, v5;
	[tilespmem:s30+$0xC0] =	vst v7  }
0xb3: {  	v7 =	vshll.u32 v3, $0x10;
	v3 =	vand.u32 $0xFFFF0000, v3;
	v11 =	vld [tilespmem:s7+$0x90]  }
0xb4: {  	v2 =	vmul.f32 v7, v2;
	v7 =	vld [tilespmem:s30+$0x90]  }
0xb5: {  	v3 =	vmul.f32 v3, v4;
	v4 =	vld [tilespmem:s30+$0xD0]  }
0xb6: {  	[tilespmem:s30+$0xFFFFFF00] =	vst v2;
	v1 =	vmul.f32 v1, v9;
	v2 =	vld [tilespmem:s30+$0x0]  }
0xb7: {  	[tilespmem:s30+$0xFFFFFF40] =	vst v3;
	v3 =	vmul.f32 v8, v6;
	v6 =	vld [tilespmem:s30+$0x40]  }
0xb8: {  	v8 =	vld [tilespmem:s7+$0xFFFFFF10];
	[tilespmem:s30+$0xFFFFFF80] =	vst v1;
	v1 =	vshll.u32 v11, $0x10  }
0xb9: {  	v9 =	vld [tilespmem:s30+$0xFFFFFF10];
	[tilespmem:s30+$0xFFFFFFC0] =	vst v3;
	v3 =	vand.u32 $0xFFFF0000, v11;
	v1 =	vmul.f32 v1, v7  }
0xba: {  	v7 =	vld [tilespmem:s7+$0xFFFFFF90];
	v3 =	vmul.f32 v3, v4  }
0xbb: {  	v4 =	vld [tilespmem:s30+$0xFFFFFF50];
	v2 =	vmul.f32 v10, v2;
	[tilespmem:s30+$0x90] =	vst v1  }
0xbc: {  	v1 =	vld [tilespmem:s30+$0xFFFFFF90];
	v5 =	vmul.f32 v5, v6;
	[tilespmem:s30+$0xD0] =	vst v3  }
0xbd: {  	v3 =	vshll.u32 v8, $0x10;
	v6 =	vand.u32 $0xFFFF0000, v8;
	[tilespmem:s30+$0x0] =	vst v2;
	v2 =	vld [tilespmem:s7+$0xA0]  }
0xbe: {  	v3 =	vmul.f32 v3, v9;
	[tilespmem:s30+$0x40] =	vst v5;
	v5 =	vld [tilespmem:s30+$0xA0]  }
0xbf: {  	v8 =	vshll.u32 v7, $0x10;
	v7 =	vand.u32 $0xFFFF0000, v7;
	v9 =	vld [tilespmem:s30+$0xE0]  }
0xc0: {  	[tilespmem:s30+$0xFFFFFF10] =	vst v3;
	v3 =	vmul.f32 v6, v4;
	v4 =	vld [tilespmem:s7+$0x10]  }
0xc1: {  	v1 =	vmul.f32 v8, v1;
	v6 =	vld [tilespmem:s30+$0xFFFFFFD0]  }
0xc2: {  	[tilespmem:s30+$0xFFFFFF50] =	vst v3;
	v3 =	vld [tilespmem:s30+$0x10];
	v8 =	vshll.u32 v2, $0x10  }
0xc3: {  	v2 =	vand.u32 $0xFFFF0000, v2;
	[tilespmem:s30+$0xFFFFFF90] =	vst v1;
	v1 =	vld [tilespmem:s30+$0x50];
	v5 =	vmul.f32 v8, v5  }
0xc4: {  	v8 =	vld [tilespmem:s7+$0xFFFFFF20];
	v2 =	vmul.f32 v2, v9  }
0xc5: {  	v9 =	vld [tilespmem:s30+$0xFFFFFF20];
	v10 =	vshll.u32 v4, $0x10;
	v4 =	vand.u32 $0xFFFF0000, v4;
	[tilespmem:s30+$0xA0] =	vst v5  }
0xc6: {  	v5 =	vld [tilespmem:s30+$0xFFFFFF60];
	v6 =	vmul.f32 v7, v6;
	[tilespmem:s30+$0xE0] =	vst v2  }
0xc7: {  	v2 =	vmul.f32 v10, v3;
	v3 =	vld [tilespmem:s7+$0xB0]  }
0xc8: {  	[tilespmem:s30+$0xFFFFFFD0] =	vst v6;
	v1 =	vmul.f32 v4, v1;
	v4 =	vld [tilespmem:s30+$0xF0]  }
0xc9: {  	v6 =	vshll.u32 v8, $0x10;
	v7 =	vand.u32 $0xFFFF0000, v8;
	v8 =	vld [tilespmem:s7+$0xFFFFFFA0];
	[tilespmem:s30+$0x10] =	vst v2  }
0xca: {  	v2 =	vmul.f32 v6, v9;
	v6 =	vld [tilespmem:s30+$0xFFFFFFA0];
	[tilespmem:s30+$0x50] =	vst v1  }
0xcb: {  	v5 =	vmul.f32 v7, v5;
	v7 =	vld [tilespmem:s7+$0x20]  }
0xcc: {  	[tilespmem:s30+$0xFFFFFF20] =	vst v2;
	v2 =	vld [tilespmem:s30+$0xFFFFFFE0];
	v1 =	vshll.u32 v3, $0x10;
	v3 =	vand.u32 $0xFFFF0000, v3  }
0xcd: {  	[tilespmem:s30+$0xFFFFFF60] =	vst v5;
	v5 =	vld [tilespmem:s30+$0x20];
	v3 =	vmul.f32 v3, v4  }
0xce: {  	v4 =	vshll.u32 v8, $0x10;
	v8 =	vand.u32 $0xFFFF0000, v8;
	v9 =	vld [tilespmem:s30+$0x60]  }
0xcf: {  	v10 =	vld [tilespmem:s7+$0xFFFFFF30];
	v4 =	vmul.f32 v4, v6;
	[tilespmem:s30+$0xF0] =	vst v3  }
0xd0: {  	v6 =	vld [tilespmem:s30+$0xFFFFFF30];
	v3 =	vshll.u32 v7, $0x10;
	v7 =	vand.u32 $0xFFFF0000, v7  }
0xd1: {  	v11 =	vld [tilespmem:s30+$0xFFFFFF70];
	[tilespmem:s30+$0xFFFFFFA0] =	vst v4;
	v4 =	vmul.f32 v8, v2  }
0xd2: {  	v2 =	vld [tilespmem:s30+$0xFFFFFFB0];
	v5 =	vmul.f32 v3, v5  }
0xd3: {  	[tilespmem:s30+$0xFFFFFFE0] =	vst v4;
	v3 =	vld [tilespmem:s30+$0xFFFFFFF0];
	v4 =	vmul.f32 v7, v9  }
.Ltmp3:
0xd4: {  	v8 =	vshll.u32 v10, $0x10;
	v9 =	vand.u32 $0xFFFF0000, v10;
	v7 =	vld [tilespmem:s7+$0xFFFFFFB0];
	[tilespmem:s30+$0x20] =	vst v5;
	(pc) =	sbr.rel @p3 .LBB2_8-.Ltmp3, $4  }
0xd5: {  	v5 =	vmul.f32 v8, v6;
	[tilespmem:s30+$0x60] =	vst v4;
	v4 =	vld [tilespmem:s30+$0x30]  }
0xd6: {  	v6 =	vmul.f32 v9, v11;
	v8 =	vld [tilespmem:s7+$0x30]  }
0xd7: {  	[tilespmem:s30+$0xFFFFFF30] =	vst v5;
	v5 =	vld [tilespmem:s30+$0x70]  }
0xd8: {  	s7 =	sadd.s32 $0x200, s7;
	[tilespmem:s30+$0xFFFFFF70] =	vst v6;
	v6 =	vld [tilespmem:s30+$0xB0]  }
0xd9: {  	v9 =	vshll.u32 v7, $0x10  }
0xda: {  	v60 =	vand.u32 $0xFFFF0000, v7;
	v2 =	vmul.f32 v9, v2  }
0xdb: {  	v3 =	vmul.f32 v60, v3;
	v61 =	vshll.u32 v8, $0x10  }
0xdc: {  	v62 =	vand.u32 $0xFFFF0000, v8;
	[tilespmem:s1+$0xFFFFFFB0] =	vst v2;
	v2 =	vmul.f32 v61, v4  }
0xdd: {  	s0 =	smul.u32 $0xA000, s29;
	v63 =	vmul.f32 v62, v5;
	[tilespmem:s1+$0xFFFFFFF0] =	vst v3  }
0xde: {  	v1 =	vmul.f32 v1, v6;
	[tilespmem:s1+$0x30] =	vst v2  }
0xdf: {  	s7 =	sshll.u32 s26, $0x8;
	s0 =	sshrl.u32 s0, $0x2;
	[tilespmem:s1+$0x70] =	vst v63  }
0xe0: {  	s30 =	sor.u32 $0x80, s7;
	s0 =	sadd.s32 $0x1900, s0;
	[tilespmem:s1+$0xB0] =	vst v1  }
0xe1: {  	[spmem:s2] =	stream.indirect.scatter.add.f32 [tilespmem:s0], [sflag:$0x5], $0x80, s30, s22, $0xb8;
	[tilespmem:$0x1F900] =	vst v63  }
0xe2: {  	p6 =	sgt.u32 s26, $0x16;
	s0 =	sand.u32 @!p2 $0xFF, s28;
	_ =	swait.ge [sflag:s21], $0x2800  }
0xe3: {  	p1 =	por !p1, !p1;
	p3 =	sgt.u32 @!p2 s0, $0x16;
	[sflag:s21] =	ssyncset.done $0x0  }
0xe4: {  	p1 =	por p6, p1;
	p2 =	por p3, p2;
	[sflag:s21] =	ssyncadd.s32 $0xFFFFD800  }
0xe5: {  	s0 =	sadd.s32 @!p2 $0x200, s7;
	s1 =	simm.s32 @!p2 $0x50;
	s28 =	simm.s32 @!p2 $0x1900  }
0xe6: {  	[tilespmem:s28], [sflag:$0x1] =	stream.indirect.gather @!p2 [hbm4b:s4+s1], $0x80, s0, s1, $0xb8;
	[tilespmem:$0x1F900] =	vst v63  }
0xe7: {  	s0 =	sadd.s32 @!p1 $0x200, s7;
	s1 =	simm.s32 @!p1 $0x50;
	s7 =	simm.s32 @!p1 $0x4100  }
0xe8: {  	[tilespmem:s7], [sflag:$0x2] =	stream.indirect.gather @!p1 [hbm4b:s4+s1], $0x80, s0, s1, $0xb8;
	[tilespmem:$0x1F900] =	vst v63  }
0xe9: {  	p1 =	sne.s32 s31, $0x7D  }
.Ltmp4:
0xea: {  	_ = 	snop;
	(pc) =	sbr.rel @p1 .LBB2_4-.Ltmp4, $2  }
0xeb: {  	_ =	sdelay $0x2  }
0xec: {  	p0 =	por !p0, !p0  }
0xed: {  	s0 =	stileid.u32;
	s25 =	sadd.s32 $0x1, s25  }
0xee: {  	[bflag:$0x0] =	sbarrier.arrive $0xFFFF;
	s0 =	sshll.u32 s0, $0x6;
	p0 =	sne.s32 s25, s19  }
.Ltmp5:
0xef: {  	s1 =	sshrl.u32 s6, $0x3;
	s0 =	sor.u32 $0x1C05, s0;
	(pc) =	sbr.rel @p0 .LBB2_1-.Ltmp5, $4  }
0xf0: {  	[hbm:s18], [sflag:s0] =	dma.local [spmem:s1], $0x2800  }
0xf1: {  	_ =	swait.ge [sflag:s21], $0x2800  }
0xf2: {  	[sflag:s21] =	ssyncset.done $0x0  }
0xf3: {  	[sflag:s21] =	ssyncadd.s32 $0xFFFFD800  }
0xf4: {  	_ =	sfence.sel $0x180000  }
0xf5: {  	[bflag:$0x0] =	sbarrier.arrive $0xFFFF  }
0xf6: {  	_ =	strace $0x9000004A  }
0xf7: {  	s0 =	stileid.u32;
	[bflag:$0x2] =	sbarrier.arrive $0xFFFF  }
0xf8: {  	p0 =	sne.s32 s0, $0x0;
	s0 =	rddreg [dreg:$0x2]  }
0xf9: {  	s0 =	sadd.s32 @!p0 $0x100000, s0  }
0xfa: {  	[sflag:s0] =	ssyncadd.tile.s32 @!p0 $0x1;
	_ =	shalt  }
.Lfunc_end2:
_tile_overlayer_lowered:
.L_overlay_start_2:
0xfb: {  	(tag) =	ssettag $0x2  }
0xfc: {  	s0 =	rddreg [dreg:$0x0];
	s2 =	stileid.u32  }
0xfd: {  	s1 =	rddreg [dreg:$0x1];
	p0 =	sne.s32 s2, $0x0  }
0xfe: {  	s3 =	rddreg [dreg:$0x2];
	[bflag:$0x3] =	sbarrier.arrive $0xFFFF;
	s2 =	simm.s32 @!p0 $0x1C05  }
0xff: {  	[timem:s3], [sflag:s2] =	dma.local @!p0 [hbm:s0], s1  }
0x100: {  	s0 =	simm.s32 @!p0 $0x5  }
0x101: {  	_ =	swait.ge @!p0 [sflag:s0], s1  }
0x102: {  	s1 =	ssub.s32 @!p0 $0x0, s1;
	[sflag:s0] =	ssyncset.done @!p0 $0x0  }
0x103: {  	[sflag:s0] =	ssyncadd.s32 @!p0 s1  }
0x104: {  	[bflag:$0x3] =	sbarrier.arrive $0xFFFF  }
0x105: {  	_ =	shalt  }

// kernel: kernel.16.cloned.1.call-start
scs
__scs_entry_jumppad:
0x0: {  	(pc) =	sbr.rel $0x88, $3  }
0x1: {  	(tag) =	ssettag $0x0;
	lr =	simm.s32 $0x1  }
0x2: {  	[smem:$0x3F96] =	sst lr;
	_ =	strace $0xD0000000  }
0x3: {  	_ = 	snop  }
0x4: {  	_ = 	snop  }
0x5: {  	_ = 	snop  }
0x6: {  	_ = 	snop  }
0x7: {  	_ = 	snop  }
__scs_overlays_trampoline_lowered:
0x8: {  	[smem:$0x3FA5] =	sst s0  }
0x9: {  	[smem:$0x3FA6] =	sst s1  }
0xa: {  	[smem:$0x3FA7] =	sst s2  }
0xb: {  	[smem:$0x3FA8] =	sst s3  }
0xc: {  	[smem:$0x3FA9] =	sst s4  }
0xd: {  	[smem:$0x3FAA] =	sst s5  }
0xe: {  	[smem:$0x3FAB] =	sst s6  }
0xf: {  	[smem:$0x3FAC] =	sst s7  }
0x10: {  	[smem:$0x3FAD] =	sst s8  }
0x11: {  	[smem:$0x3FAE] =	sst s9;
	s0 =	simm.s32 @!p0 $0x0  }
0x12: {  	s1 =	sld [smem:$0x3F94];
	s0 =	simm.s32 @p0 $0x1  }
0x13: {  	[smem:$0x3FAF] =	sst s0;
	s0 =	simm.s32 @!p1 $0x0  }
0x14: {  	s2 =	sld [smem:$0x3F93];
	s0 =	simm.s32 @p1 $0x1  }
0x15: {  	[smem:$0x3FB0] =	sst s0;
	s0 =	simm.s32 @!p2 $0x0  }
0x16: {  	s3 =	sld [smem:$0x3FDB];
	s0 =	simm.s32 @p2 $0x1  }
0x17: {  	s4 =	simm.s32 $0x1BF5;
	[smem:$0x3FB2] =	sst s0  }
0x18: {  	s0 =	sld [smem:$0x3F95];
	_ =	swait.ge [sflag:s4], $0x0  }
0x19: {  	s7 =	sld [smem:$0x3F96]  }
0x1a: {  	s8 =	sadd.s32 $0xFFFFE003, lr  }
0x1b: {  	s9 =	sadd.s32 $0xFFFFFEF7, lr;
	s5 =	simm.s32 $0xFFFFFFFF;
	p2 =	slt.u32 s8, $0xFFFFF086  }
0x1c: {  	p1 =	slt.u32 s9, $0xF7A;
	s5 =	simm.s32 @!p2 $0x0  }
0x1d: {  	s5 =	simm.s32 @p1 $0x1;
	p0 =	seq.s32 s7, s2  }
0x1e: {  	s7 =	smul.u32 @!p0 $0xF7A, s2;
	p2 =	seq.s32 @!p0 s5, $0x0  }
0x1f: {  	s9 =	smul.u32 $0xF7A, s1;
	s8 =	simm.s32 @!p0 $0x1BF5;
	p2 =	por !p2, p0  }
0x20: {  	[sflag:s8] =	ssyncset.s32 @!p0 $0xFFFFF086;
	s6 =	sadd.s32 @!p0 s3, s7;
	s7 =	simm.s32 @!p0 $0x108  }
0x21: {  	s3 =	sadd.s32 s3, s9;
	s6 =	sadd.s32 @!p0 $0x88, s6;
	s7 =	simm.s32 @p2 $0x1082  }
0x22: {  	[simem:s7], [sflag:s8] =	dma.local @!p0 [hbm:s6], $0xF7A  }
0x23: {  	s9 =	sor.u32 $0xD0000000, s2;
	s6 =	simm.s32 $0x108;
	_ =	swait.ge @!p0 [sflag:s8], $0x0  }
0x24: {  	s3 =	sadd.s32 $0x88, s3;
	s6 =	simm.s32 @!p1 $0x1082;
	[sflag:s4] =	ssyncset.s32 $0xFFFFF086  }
0x25: {  	[simem:s6], [sflag:s4] =	dma.local [hbm:s3], $0xF7A  }
0x26: {  	[smem:$0x3F96] =	sst s1;
	(tag) =	ssettag s2;
	_ =	strace s9  }
0x27: {  	s1 =	sld [smem:$0x3FA6]  }
0x28: {  	s2 =	sld [smem:$0x3FA7]  }
0x29: {  	s4 =	sld [smem:$0x3FA9]  }
0x2a: {  	p0 =	seq.s32 s5, $0x0;
	s5 =	sld [smem:$0x3FAA]  }
0x2b: {  	s6 =	sld [smem:$0x3FAB]  }
0x2c: {  	s7 =	sld [smem:$0x3FAC]  }
0x2d: {  	s3 =	simm.s32 $0x108;
	s8 =	sld [smem:$0x3FAD]  }
0x2e: {  	s3 =	simm.s32 @!p0 $0x1082;
	s9 =	sld [smem:$0x3FAE]  }
0x2f: {  	lr =	sadd.s32 s0, s3;
	s0 =	sld [smem:$0x3FA5]  }
0x30: {  	s3 =	sld [smem:$0x3FA8]  }
0x31: {  	[smem:$0x3FB1] =	sst s10  }
0x32: {  	s10 =	sld [smem:$0x3FAF];
	_ =	sdelay $0x3  }
0x33: {  	p0 =	seq.s32 s10, $0x1;
	s10 =	sld [smem:$0x3FB1];
	_ =	sdelay $0x3  }
0x34: {  	[smem:$0x3FB1] =	sst s10  }
0x35: {  	s10 =	sld [smem:$0x3FB0];
	_ =	sdelay $0x3  }
0x36: {  	p1 =	seq.s32 s10, $0x1;
	s10 =	sld [smem:$0x3FB1];
	_ =	sdelay $0x3  }
0x37: {  	[smem:$0x3FB1] =	sst s10  }
0x38: {  	s10 =	sld [smem:$0x3FB2]  }
0x39: {  	_ = 	snop;
	(pc) =	sbr.ind lr, $3  }
0x3a: {  	_ = 	snop  }
0x3b: {  	_ = 	snop  }
0x3c: {  	p2 =	seq.s32 s10, $0x1;
	s10 =	sld [smem:$0x3FB1]  }
0x3d: {  	_ =	shalt  }
0x3e: {  	_ =	shalt  }
0x3f: {  	_ =	shalt  }
0x40: {  	_ =	shalt  }
0x41: {  	_ =	shalt  }
0x42: {  	_ =	shalt  }
0x43: {  	_ =	shalt  }
0x44: {  	_ =	shalt  }
0x45: {  	_ =	shalt  }
0x46: {  	_ =	shalt  }
0x47: {  	_ =	shalt  }
0x48: {  	_ =	shalt  }
0x49: {  	_ =	shalt  }
0x4a: {  	_ =	shalt  }
0x4b: {  	_ =	shalt  }
0x4c: {  	_ =	shalt  }
0x4d: {  	_ =	shalt  }
0x4e: {  	_ =	shalt  }
0x4f: {  	_ =	shalt  }
0x50: {  	_ =	shalt  }
0x51: {  	_ =	shalt  }
0x52: {  	_ =	shalt  }
0x53: {  	_ =	shalt  }
0x54: {  	_ =	shalt  }
0x55: {  	_ =	shalt  }
0x56: {  	_ =	shalt  }
0x57: {  	_ =	shalt  }
0x58: {  	_ =	shalt  }
0x59: {  	_ =	shalt  }
0x5a: {  	_ =	shalt  }
0x5b: {  	_ =	shalt  }
0x5c: {  	_ =	shalt  }
0x5d: {  	_ =	shalt  }
0x5e: {  	_ =	shalt  }
0x5f: {  	_ =	shalt  }
0x60: {  	_ =	shalt  }
0x61: {  	_ =	shalt  }
0x62: {  	_ =	shalt  }
0x63: {  	_ =	shalt  }
0x64: {  	_ =	shalt  }
0x65: {  	_ =	shalt  }
0x66: {  	_ =	shalt  }
0x67: {  	_ =	shalt  }
0x68: {  	_ =	shalt  }
0x69: {  	_ =	shalt  }
0x6a: {  	_ =	shalt  }
0x6b: {  	_ =	shalt  }
0x6c: {  	_ =	shalt  }
0x6d: {  	_ =	shalt  }
0x6e: {  	_ =	shalt  }
0x6f: {  	_ =	shalt  }
0x70: {  	_ =	shalt  }
0x71: {  	_ =	shalt  }
0x72: {  	_ =	shalt  }
0x73: {  	_ =	shalt  }
0x74: {  	_ =	shalt  }
0x75: {  	_ =	shalt  }
0x76: {  	_ =	shalt  }
0x77: {  	_ =	shalt  }
0x78: {  	_ =	shalt  }
0x79: {  	_ =	shalt  }
0x7a: {  	_ =	shalt  }
0x7b: {  	_ =	shalt  }
0x7c: {  	_ =	shalt  }
0x7d: {  	_ =	shalt  }
0x7e: {  	_ =	shalt  }
0x7f: {  	_ =	shalt  }
0x80: {  	_ =	shalt  }
0x81: {  	_ =	shalt  }
0x82: {  	_ =	shalt  }
0x83: {  	_ =	shalt  }
0x84: {  	_ =	shalt  }
0x85: {  	_ =	shalt  }
0x86: {  	_ =	shalt  }
0x87: {  	_ =	shalt  }
.Lfunc_end0:
.L_simem_size_0:
called_computation.2_lowered:
.L_overlay_start_0:
0x88: {  	s2 =	sld [smem:$0x3FD9]  }
0x89: {  	s3 =	sld [smem:$0x3FFE];
	_ =	sdelay $0x1  }
0x8a: {  	s1 =	srdreg.scid  }
0x8b: {  	s0 =	sand.u32 $0x1, s1  }
0x8c: {  	s16 =	sshll.u32 s0, $0xA;
	s2 =	sadd.s32 s3, s2  }
0x8d: {  	s2 =	sadd.s32 s2, s16  }
0x8e: {  	[smem:$0x3FBD] =	sst s2  }
0x8f: {  	_ = 	snop  }
0x90: {  	(tm) =	ssettm $0x1  }
0x91: {  	s17 =	sld [smem:$0x3FFB];
	_ =	sdelay $0x3  }
0x92: {  	_ =	strace s17  }
0x93: {  	s2 =	sld [smem:$0x3FFC];
	_ =	sdelay $0x3  }
0x94: {  	_ =	strace s2  }
0x95: {  	s2 =	sld [smem:$0x3FFD];
	_ =	sdelay $0x3  }
0x96: {  	_ =	strace s2  }
0x97: {  	_ =	strace $0x8FFFFFFF  }
0x98: {  	s18 =	sld [smem:$0x3FDB];
	_ =	sdelay $0x1  }
0x99: {  	s19 =	simm.s32 $_scs_section_size  }
0x9a: {  	s4 =	simm.s32 $_size__tile_overlayer_lowered;
	s5 =	simm.s32 $_tile_overlayer_lowered  }
0x9b: {  	s22 =	simm.s32 $0x1BFF;
	s21 =	sshll.u32 s5, $0x1;
	s2 =	sadd.s32 s19, s18  }
0x9c: {  	s6 =	simm.s32 $0x0;
	s20 =	sshll.u32 s4, $0x1;
	s4 =	sadd.s32 s21, s2  }
0x9d: {  	[timem:s6], [sflag:s22] =	dma.local [hbm:s4], s20  }
0x9e: {  	_ =	swait.ge [sflag:s22], s20  }
0x9f: {  	s3 =	ssub.s32 $0x0, s20;
	[sflag:s22] =	ssyncset.done $0x0  }
0xa0: {  	[sflag:s22] =	ssyncadd.s32 s3;
	_ =	sdelay $0x1  }
0xa1: {  	s23 =	simm.s32 $0x1B8B  }
0xa2: {  	_ =	swait.ge [sflag:s23], $0x1  }
0xa3: {  	[sflag:s23] =	ssyncset.done $0x0  }
0xa4: {  	s25 =	simm.s32 $0x1B8E;
	s24 =	sld [smem:$0x3FFE];
	[sflag:s23] =	ssyncadd.s32 $0xFFFFFFFF  }
0xa5: {  	s26 =	simm.s32 $execute0_lowered;
	[smem:$0x3FD2] =	sst s25  }
0xa6: {  	s4 =	sshll.u32 s26, $0x1;
	_ =	strace $0x8000004C;
	[dreg:$0x1] =	wrdreg $0xFFFFFFFF  }
0xa7: {  	s28 =	simm.s32 $_size_execute0_lowered;
	s2 =	sadd.s32 s2, s4;
	[dreg:$0x0] =	wrdreg $0x0  }
0xa8: {  	s4 =	sshll.u32 s28, $0x1;
	[dreg:$0x2] =	wrdreg s2  }
0xa9: {  	[dreg:$0x3] =	wrdreg s4  }
0xaa: {  	[dreg:$0x4] =	wrdreg $0xC0  }
0xab: {  	_ =	task [dreg:s6], $0x5FFFF  }
0xac: {  	[dreg:$0x1] =	wrdreg $0xFFFFFFFF  }
0xad: {  	[dreg:$0x0] =	wrdreg $0x60  }
0xae: {  	[dreg:$0x2] =	wrdreg s24  }
0xaf: {  	[dreg:$0x3] =	wrdreg $0xB9000  }
0xb0: {  	[dreg:$0x4] =	wrdreg $0x9  }
0xb1: {  	_ =	task.clear_ibuf [dreg:s6], $0x5FFFF;
	_ =	strace $0x9000004C  }
0xb2: {  	s29 =	simm.s32 $0x9;
	_ =	strace $0x8000004E  }
0xb3: {  	_ =	swait.ge [sflag:s29], $0x1  }
0xb4: {  	[sflag:s29] =	ssyncadd.s32 $0xFFFFFFFF  }
0xb5: {  	_ =	strace $0x9000004E  }
0xb6: {  	_ =	sfence  }
0xb7: {  	s30 =	sld [smem:$0x0];
	_ =	sdelay $0x2  }
0xb8: {  	s31 =	sshll.u32 s1, $0xD;
	s1 =	sshrl.u32 s1, $0x2  }
0xb9: {  	s3 =	sand.u32 $0x4000, s31;
	s1 =	sadd.s32 s1, s30  }
0xba: {  	s0 =	sor.u32 s3, s0;
	s1 =	sshll.u32 s1, $0x11  }
0xbb: {  	s0 =	sor.u32 s1, s0  }
0xbc: {  	s0 =	sadd.s32 $0x8F2B, s0  }
0xbd: {  	[sflag:s0] =	ssyncadd.remote.s32 $0x1  }
0xbe: {  	_ =	sfence.sel $0xFFFF  }
0xbf: {  	[dreg:$0x0] =	wrdreg $0xFFFFFFFF;
	(pc) =	sbr.abs _section_cstart, $3  }
0xc0: {  	[dreg:$0x1] =	wrdreg $0xFFFFFFFF  }
0xc1: {  	_ =	task.clear_ibuf [dreg:s6], $0x2FFFF;
	_ =	strace $0x9FFFFFFF  }
0xc2: {  	(tm) =	ssettm $0x7FFFFFFF  }
0xc3: {  	_ =	shalt  }
tec
execute0_lowered:
.L_overlay_start_1:
0x0: {  	(tag) =	ssettag $0x1  }
0x1: {  	s0 =	rddreg [dreg:$0x0];
	s1 =	srdreg.scid  }
0x2: {  	s9 =	stileid.u32;
	s2 =	rddreg [dreg:$0x1];
	s3 =	simm.s32 $0x0  }
0x3: {  	s20 =	simm.s32 $0x1900;
	s21 =	simm.s32 $0x5;
	s22 =	simm.s32 $0x50  }
0x4: {  	s23 =	simm.s32 $0x4100;
	s24 =	simm.s32 $0x100;
	s25 =	simm.s32 $0x0  }
0x5: {  	s1 =	sand.u32 $0x1, s1;
	s4 =	sshll.u32 s9, $0x1;
	[smem:$0x7FF] =	sst s3  }
0x6: {  	s8 =	smul.u32 $0x50000, s9;
	s17 =	sadd.s32 $0x4C300, s0;
	s7 =	sor.u32 s1, s4  }
0x7: {  	_ =	strace $0x8000004D;
	s6 =	sshll.u32 s1, $0x4;
	s5 =	smul.u32 $0x27100, s7  }
0x8: {  	s4 =	sadd.s32 $0x5800, s0;
	s1 =	ssub.s32 $0x2, s1;
	s13 =	smul.u32 $0x2710, s7  }
0x9: {  	s28 =	sor.u32 s9, s6;
	s29 =	sshrl.u32 s8, $0x2;
	s15 =	smul.u32 $0x7D00, s7  }
0xa: {  	s30 =	sshrl.u32 s1, $0x1;
	s9 =	smul.u32 $0x2800, s28;
	s6 =	sadd.s32 s29, s2  }
0xb: {  	s1 =	ssub.s32 s1, s30;
	s16 =	sadd.s32 s5, s0;
	s5 =	sadd.s32 $0x2CA00, s0  }
0xc: {  	s31 =	sadd.s32 $0x2800, s6;
	s8 =	sadd.s32 $0x5000, s6;
	s10 =	sadd.s32 $0xA000, s6  }
0xd: {  	s11 =	sadd.s32 $0xC800, s6;
	s12 =	sadd.s32 $0xF000, s6;
	s14 =	sadd.s32 $0x11800, s6  }
0xe: {  	s19 =	smax.u32 s1, $0x1;
	s18 =	sadd.s32 s9, s0;
	[dreg:$0x3] =	wrdreg s31  }
0xf: {  	v0 =	vimm.f32 $0.0e+00;
	s9 =	sadd.s32 $0x7800, s6;
	s16 =	sadd.s32 $0x4BE00, s16;
	s18 =	sadd.s32 $0x52DE00, s18  }
.LBB2_1:
0x10: {  	s0 =	simm.s32 $0x0;
	s1 =	simm.s32 $0x200  }
.LBB2_2:
0x11: {  	p0 =	sne.s32 s1, $0x9E00;
	[tilespmem:s0+$0x1970] =	vst v0  }
0x12: {  	[tilespmem:s0+$0x1900] =	vst v0  }
0x13: {  	[tilespmem:s0+$0x1910] =	vst v0  }
.Ltmp0:
0x14: {  	[tilespmem:s0+$0x1920] =	vst v0;
	(pc) =	sbr.rel @p0 .LBB2_2-.Ltmp0, $4  }
0x15: {  	[tilespmem:s0+$0x1930] =	vst v0  }
0x16: {  	[tilespmem:s0+$0x1940] =	vst v0  }
0x17: {  	[tilespmem:s0+$0x1950] =	vst v0  }
0x18: {  	[tilespmem:s0+$0x1960] =	vst v0;
	s0 =	sshra.s32 s1, $0x2;
	s1 =	sadd.s32 $0x200, s1  }
0x19: {  	[tilespmem:s0+$0x1970] =	vst v0  }
0x1a: {  	[tilespmem:s0+$0x1900] =	vst v0  }
0x1b: {  	[tilespmem:s0+$0x1910] =	vst v0  }
0x1c: {  	[tilespmem:s0+$0x1920] =	vst v0  }
0x1d: {  	[tilespmem:s0+$0x1930] =	vst v0  }
0x1e: {  	[tilespmem:s0+$0x1940] =	vst v0  }
0x1f: {  	[tilespmem:s0+$0x1950] =	vst v0  }
0x20: {  	[tilespmem:s0+$0x1960] =	vst v0  }
0x21: {  	[spmem:s6] =	stream.linear.scatter [tilespmem:s20], [sflag:$0x5], $0x2800, $0x38;
	[tilespmem:$0x1F900] =	vst v63  }
0x22: {  	_ =	swait.ge [sflag:s21], $0x2800  }
0x23: {  	[sflag:s21] =	ssyncset.done $0x0  }
0x24: {  	s30 =	rddreg [dreg:$0x3];
	[sflag:s21] =	ssyncadd.s32 $0xFFFFD800  }
0x25: {  	[spmem:s30] =	stream.linear.scatter [tilespmem:s20], [sflag:$0x5], $0x2800, $0x38;
	[tilespmem:$0x1F900] =	vst v63  }
0x26: {  	_ =	swait.ge [sflag:s21], $0x2800  }
0x27: {  	[sflag:s21] =	ssyncset.done $0x0  }
0x28: {  	[sflag:s21] =	ssyncadd.s32 $0xFFFFD800  }
0x29: {  	[spmem:s8] =	stream.linear.scatter [tilespmem:s20], [sflag:$0x5], $0x2800, $0x38;
	[tilespmem:$0x1F900] =	vst v63  }
0x2a: {  	_ =	swait.ge [sflag:s21], $0x2800  }
0x2b: {  	[sflag:s21] =	ssyncset.done $0x0  }
0x2c: {  	[sflag:s21] =	ssyncadd.s32 $0xFFFFD800  }
0x2d: {  	[spmem:s9] =	stream.linear.scatter [tilespmem:s20], [sflag:$0x5], $0x2800, $0x38;
	[tilespmem:$0x1F900] =	vst v63  }
0x2e: {  	_ =	swait.ge [sflag:s21], $0x2800  }
0x2f: {  	[sflag:s21] =	ssyncset.done $0x0  }
0x30: {  	[sflag:s21] =	ssyncadd.s32 $0xFFFFD800  }
0x31: {  	[spmem:s10] =	stream.linear.scatter [tilespmem:s20], [sflag:$0x5], $0x2800, $0x38;
	[tilespmem:$0x1F900] =	vst v63  }
0x32: {  	_ =	swait.ge [sflag:s21], $0x2800  }
0x33: {  	[sflag:s21] =	ssyncset.done $0x0  }
0x34: {  	[sflag:s21] =	ssyncadd.s32 $0xFFFFD800  }
0x35: {  	[spmem:s11] =	stream.linear.scatter [tilespmem:s20], [sflag:$0x5], $0x2800, $0x38;
	[tilespmem:$0x1F900] =	vst v63  }
0x36: {  	_ =	swait.ge [sflag:s21], $0x2800  }
0x37: {  	[sflag:s21] =	ssyncset.done $0x0  }
0x38: {  	[sflag:s21] =	ssyncadd.s32 $0xFFFFD800  }
0x39: {  	[spmem:s12] =	stream.linear.scatter [tilespmem:s20], [sflag:$0x5], $0x2800, $0x38;
	[tilespmem:$0x1F900] =	vst v63  }
0x3a: {  	_ =	swait.ge [sflag:s21], $0x2800  }
0x3b: {  	[sflag:s21] =	ssyncset.done $0x0  }
0x3c: {  	[sflag:s21] =	ssyncadd.s32 $0xFFFFD800  }
0x3d: {  	[spmem:s14] =	stream.linear.scatter [tilespmem:s20], [sflag:$0x5], $0x2800, $0x38;
	[tilespmem:$0x1F900] =	vst v63  }
0x3e: {  	_ =	swait.ge [sflag:s21], $0x2800  }
0x3f: {  	[sflag:s21] =	ssyncset.done $0x0  }
0x40: {  	[sflag:s21] =	ssyncadd.s32 $0xFFFFD800  }
0x41: {  	s31 =	simm.s32 $0x0;
	p0 =	por $0x0, $0x0;
	[bflag:$0x0] =	sbarrier.arrive $0xFFFF  }
.LBB2_4:
0x42: {  	s0 =	smul.u32 $0x29, s31;
	_ =	sdelay $0x1  }
0x43: {  	s0 =	sshrl.u32 s0, $0xA  }
0x44: {  	s0 =	sand.u32 $0x3F, s0  }
0x45: {  	s0 =	smul.u32 $0x19, s0;
	_ =	sdelay $0x1  }
0x46: {  	s28 =	ssub.s32 s31, s0  }
0x47: {  	s26 =	sand.u32 $0xFF, s28  }
0x48: {  	p2 =	sne.s32 s26, $0x0  }
0x49: {  	s0 =	smul.u32 @!p2 $0x29, s31;
	_ =	sdelay $0x1  }
0x4a: {  	s0 =	sshrl.u32 @!p2 s0, $0xA  }
0x4b: {  	s0 =	sand.u32 @!p2 $0x3F, s0  }
0x4c: {  	s0 =	smul.u32 @!p2 $0x1900, s0;
	_ =	sdelay $0x1  }
0x4d: {  	s0 =	sadd.s32 @!p2 s15, s0  }
0x4e: {  	s0 =	sshrl.u32 @!p2 s0, $0x3  }
0x4f: {  	s29 =	sand.u32 $0x1, s31;
	s1 =	simm.s32 @!p2 $0x0;
	s0 =	sadd.s32 @!p2 s5, s0  }
0x50: {  	[tilespmem:s1], [sflag:$0x5] =	stream.linear.gather @!p2 [hbm4b:s0+s1], $0x1900, $0x38;
	[tilespmem:$0x1F900] =	vst v63  }
0x51: {  	s30 =	sor.u32 s26, s29;
	s0 =	simm.s32 @!p2 $0x5  }
0x52: {  	p1 =	sne.s32 s30, $0x0;
	_ =	swait.ge @!p2 [sflag:s0], $0x1900  }
0x53: {  	s7 =	simm.s32 @!p1 $0x1900;
	[sflag:s0] =	ssyncset.done @!p2 $0x0  }
0x54: {  	s1 =	simm.s32 @!p1 $0x0;
	[sflag:s0] =	ssyncadd.s32 @!p2 $0xFFFFE700;
	s0 =	simm.s32 @!p1 $0x50  }
0x55: {  	[tilespmem:s7], [sflag:$0x1] =	stream.indirect.gather @!p1 [hbm4b:s4+s0], $0x80, s1, s0, $0xb8;
	[tilespmem:$0x1F900] =	vst v63  }
0x56: {  	s1 =	simm.s32 @!p1 $0x100;
	s7 =	simm.s32 @!p1 $0x4100  }
0x57: {  	[tilespmem:s7], [sflag:$0x2] =	stream.indirect.gather @!p1 [hbm4b:s4+s0], $0x80, s1, s0, $0xb8;
	[tilespmem:$0x1F900] =	vst v63  }
0x58: {  	p1 =	seq.s32 s29, $0x1  }
0x59: {  	p2 =	por p2, !p1  }
.Ltmp1:
0x5a: {  	_ = 	snop;
	(pc) =	sbr.rel @p2 .LBB2_6-.Ltmp1, $1  }
0x5b: {  	_ =	sdelay $0x3  }
.Ltmp2:
0x5c: {  	(pc) =	sbr.rel .LBB2_7-.Ltmp2, $4  }
0x5d: {  	_ = 	snop  }
0x5e: {  	[tilespmem:s23], [sflag:$0x2] =	stream.indirect.gather [hbm4b:s4+s22], $0x80, s3, s22, $0xb8;
	[tilespmem:$0x1F900] =	vst v63  }
0x5f: {  	_ = 	snop  }
0x60: {  	[tilespmem:s20], [sflag:$0x1] =	stream.indirect.gather [hbm4b:s4+s22], $0x80, s24, s22, $0xb8;
	[tilespmem:$0x1F900] =	vst v63  }
.LBB2_6:
0x61: {  	p2 =	sne.s32 s31, $0x0  }
0x62: {  	s0 =	simm.s32 @!p2 $0x0;
	s1 =	simm.s32 @!p2 $0x6900  }
0x63: {  	[tilespmem:s1], [sflag:$0x3] =	stream.linear.gather @!p2 [hbm4b:s16+s0], $0x2800, $0x38;
	[tilespmem:$0x1F900] =	vst v63  }
.LBB2_7:
0x64: {  	s0 =	smul.u32 $0x50, s31;
	p2 =	seq.s32 s31, $0x7C  }
0x65: {  	p3 =	sne.s32 @!p2 s29, $0x0  }
0x66: {  	s0 =	sadd.s32 s13, s0;
	p2 =	por p3, p2  }
0x67: {  	s1 =	sshll.u32 @!p2 s0, $0x4;
	s7 =	simm.s32 @!p2 $0x0;
	s0 =	sshll.u32 @p1 s0, $0x4  }
0x68: {  	s30 =	simm.s32 @!p2 $0x9100;
	s1 =	sadd.s32 @!p2 s1, s17;
	s0 =	sadd.s32 @p1 s0, s17  }
0x69: {  	[tilespmem:s30], [sflag:$0x4] =	stream.linear.gather @!p2 [hbm4b:s1+s7], $0x2800, $0x38;
	[tilespmem:$0x1F900] =	vst v63  }
0x6a: {  	s1 =	simm.s32 @p1 $0x0;
	s7 =	simm.s32 @p1 $0x6900;
	p2 =	sne.s32 s29, $0x0  }
0x6b: {  	[tilespmem:s7], [sflag:$0x3] =	stream.linear.gather @p1 [hbm4b:s0+s1], $0x2800, $0x38;
	[tilespmem:$0x1F900] =	vst v63  }
0x6c: {  	s0 =	simm.s32 @!p2 $0x3  }
0x6d: {  	_ =	swait.ge @!p2 [sflag:s0], $0x2800  }
0x6e: {  	[sflag:s0] =	ssyncset.done @!p2 $0x0  }
0x6f: {  	[sflag:s0] =	ssyncadd.s32 @!p2 $0xFFFFD800;
	s0 =	simm.s32 @!p2 $0x1  }
0x70: {  	_ =	swait.ge @!p2 [sflag:s0], $0x2800  }
0x71: {  	[sflag:s0] =	ssyncset.done @!p2 $0x0  }
0x72: {  	[sflag:s0] =	ssyncadd.s32 @!p2 $0xFFFFD800;
	s0 =	simm.s32 @p1 $0x4  }
0x73: {  	s1 =	simm.s32 $0x1;
	_ =	swait.ge @p1 [sflag:s0], $0x2800  }
0x74: {  	s1 =	simm.s32 @!p0 $0x0;
	[sflag:s0] =	ssyncset.done @p1 $0x0  }
0x75: {  	s1 =	smul.u32 $0xA000, s1;
	[sflag:s0] =	ssyncadd.s32 @p1 $0xFFFFD800;
	s0 =	simm.s32 @p1 $0x2  }
0x76: {  	_ =	swait.ge @p1 [sflag:s0], $0x2800  }
0x77: {  	s7 =	sshrl.u32 s1, $0x2;
	[sflag:s0] =	ssyncset.done @p1 $0x0  }
0x78: {  	s1 =	sadd.s32 $0x6A00, s7;
	[sflag:s0] =	ssyncadd.s32 @p1 $0xFFFFD800  }
0x79: {  	s30 =	sadd.s32 $0x1A00, s7;
	v1 =	vld [tilespmem:s1+$0x80]  }
0x7a: {  	v2 =	vld [tilespmem:s30+$0x80]  }
0x7b: {  	v3 =	vld [tilespmem:s30+$0xC0]  }
0x7c: {  	v4 =	vld [tilespmem:s1+$0xFFFFFF80]  }
0x7d: {  	v5 =	vld [tilespmem:s1+$0x0]  }
0x7e: {  	v6 =	vld [tilespmem:s1+$0xFFFFFF00];
	v7 =	vshll.u32 v1, $0x10  }
0x7f: {  	v8 =	vld [tilespmem:s30+$0xFFFFFF00];
	v1 =	vand.u32 $0xFFFF0000, v1;
	v2 =	vmul.f32 v7, v2  }
0x80: {  	v7 =	vld [tilespmem:s30+$0xFFFFFF40];
	v1 =	vmul.f32 v1, v3  }
0x81: {  	v3 =	vld [tilespmem:s30+$0xFFFFFF80];
	[tilespmem:s30+$0x80] =	vst v2  }
0x82: {  	v2 =	vld [tilespmem:s30+$0xFFFFFFC0];
	[tilespmem:s30+$0xC0] =	vst v1  }
0x83: {  	v1 =	vshll.u32 v6, $0x10;
	v9 =	vld [tilespmem:s1+$0x90]  }
0x84: {  	v6 =	vand.u32 $0xFFFF0000, v6;
	v1 =	vmul.f32 v1, v8;
	v8 =	vld [tilespmem:s30+$0x90]  }
0x85: {  	v10 =	vshll.u32 v4, $0x10;
	v6 =	vmul.f32 v6, v7;
	v7 =	vld [tilespmem:s30+$0xD0]  }
0x86: {  	v4 =	vand.u32 $0xFFFF0000, v4;
	[tilespmem:s30+$0xFFFFFF00] =	vst v1;
	v1 =	vmul.f32 v10, v3;
	v3 =	vld [tilespmem:s30+$0x0]  }
0x87: {  	v10 =	vld [tilespmem:s30+$0xFFFFFF10];
	[tilespmem:s30+$0xFFFFFF40] =	vst v6;
	v2 =	vmul.f32 v4, v2  }
0x88: {  	v4 =	vld [tilespmem:s30+$0x40];
	[tilespmem:s30+$0xFFFFFF80] =	vst v1;
	v1 =	vshll.u32 v9, $0x10  }
0x89: {  	v6 =	vld [tilespmem:s1+$0xFFFFFF10];
	[tilespmem:s30+$0xFFFFFFC0] =	vst v2;
	v2 =	vand.u32 $0xFFFF0000, v9;
	v1 =	vmul.f32 v1, v8  }
0x8a: {  	v9 =	vld [tilespmem:s30+$0xFFFFFF50];
	v2 =	vmul.f32 v2, v7  }
0x8b: {  	v8 =	vld [tilespmem:s1+$0xFFFFFF90];
	v7 =	vshll.u32 v5, $0x10;
	[tilespmem:s30+$0x90] =	vst v1  }
0x8c: {  	v1 =	vand.u32 $0xFFFF0000, v5;
	v3 =	vmul.f32 v7, v3;
	v5 =	vld [tilespmem:s30+$0xFFFFFF90];
	[tilespmem:s30+$0xD0] =	vst v2  }
0x8d: {  	v1 =	vmul.f32 v1, v4;
	v2 =	vld [tilespmem:s1+$0xA0]  }
0x8e: {  	[tilespmem:s30+$0x0] =	vst v3;
	v3 =	vld [tilespmem:s30+$0xA0]  }
0x8f: {  	v4 =	vshll.u32 v6, $0x10;
	v6 =	vand.u32 $0xFFFF0000, v6;
	[tilespmem:s30+$0x40] =	vst v1;
	v1 =	vld [tilespmem:s30+$0xE0]  }
0x90: {  	v4 =	vmul.f32 v4, v10;
	v6 =	vmul.f32 v6, v9;
	v9 =	vld [tilespmem:s30+$0xFFFFFFD0]  }
0x91: {  	v7 =	vld [tilespmem:s1+$0x10]  }
0x92: {  	[tilespmem:s30+$0xFFFFFF10] =	vst v4;
	v4 =	vld [tilespmem:s30+$0x10];
	v10 =	vshll.u32 v2, $0x10  }
0x93: {  	[tilespmem:s30+$0xFFFFFF50] =	vst v6;
	v6 =	vld [tilespmem:s30+$0x50];
	v2 =	vand.u32 $0xFFFF0000, v2;
	v3 =	vmul.f32 v10, v3  }
0x94: {  	v11 =	vld [tilespmem:s1+$0xFFFFFF20];
	v10 =	vshll.u32 v8, $0x10;
	v1 =	vmul.f32 v2, v1  }
0x95: {  	v2 =	vand.u32 $0xFFFF0000, v8;
	v8 =	vld [tilespmem:s30+$0xFFFFFF20];
	v5 =	vmul.f32 v10, v5;
	[tilespmem:s30+$0xA0] =	vst v3  }
0x96: {  	v10 =	vld [tilespmem:s30+$0xFFFFFF60];
	v2 =	vmul.f32 v2, v9;
	[tilespmem:s30+$0xE0] =	vst v1  }
0x97: {  	v3 =	vshll.u32 v7, $0x10;
	v1 =	vand.u32 $0xFFFF0000, v7;
	v7 =	vld [tilespmem:s30+$0xFFFFFFE0];
	[tilespmem:s30+$0xFFFFFF90] =	vst v5  }
0x98: {  	v3 =	vmul.f32 v3, v4;
	v9 =	vld [tilespmem:s1+$0xB0];
	[tilespmem:s30+$0xFFFFFFD0] =	vst v2  }
0x99: {  	v1 =	vmul.f32 v1, v6;
	v2 =	vld [tilespmem:s1+$0xFFFFFFA0]  }
0x9a: {  	v5 =	vld [tilespmem:s30+$0xFFFFFFA0];
	[tilespmem:s30+$0x10] =	vst v3;
	v3 =	vshll.u32 v11, $0x10  }
0x9b: {  	v4 =	vld [tilespmem:s30+$0xF0];
	[tilespmem:s30+$0x50] =	vst v1;
	v1 =	vand.u32 $0xFFFF0000, v11;
	v3 =	vmul.f32 v3, v8  }
0x9c: {  	v6 =	vld [tilespmem:s1+$0x20];
	v1 =	vmul.f32 v1, v10  }
0x9d: {  	v8 =	vld [tilespmem:s30+$0x60];
	[tilespmem:s30+$0xFFFFFF20] =	vst v3  }
0x9e: {  	v3 =	vld [tilespmem:s30+$0x20];
	[tilespmem:s30+$0xFFFFFF60] =	vst v1;
	v1 =	vshll.u32 v2, $0x10  }
0x9f: {  	v10 =	vld [tilespmem:s1+$0xFFFFFF30];
	v1 =	vmul.f32 v1, v5  }
0xa0: {  	v2 =	vand.u32 $0xFFFF0000, v2;
	v5 =	vld [tilespmem:s30+$0xFFFFFF30]  }
0xa1: {  	v7 =	vmul.f32 v2, v7;
	v11 =	vshll.u32 v6, $0x10;
	v6 =	vand.u32 $0xFFFF0000, v6;
	[tilespmem:s30+$0xFFFFFFA0] =	vst v1;
	v1 =	vld [tilespmem:s30+$0xFFFFFF70]  }
0xa2: {  	v2 =	vld [tilespmem:s30+$0xFFFFFFB0];
	v6 =	vmul.f32 v6, v8  }
0xa3: {  	[tilespmem:s30+$0xFFFFFFE0] =	vst v7;
	v7 =	vand.u32 $0xFFFF0000, v9;
	v11 =	vmul.f32 v11, v3;
	v3 =	vld [tilespmem:s30+$0xFFFFFFF0]  }
0xa4: {  	v8 =	vmul.f32 v7, v4;
	v7 =	vld [tilespmem:s1+$0xFFFFFFB0];
	v4 =	vshll.u32 v10, $0x10;
	[tilespmem:s30+$0x60] =	vst v6  }
0xa5: {  	v6 =	vand.u32 $0xFFFF0000, v10;
	[tilespmem:s30+$0x20] =	vst v11;
	v5 =	vmul.f32 v4, v5;
	v4 =	vld [tilespmem:s30+$0x30]  }
0xa6: {  	[tilespmem:s30+$0xF0] =	vst v8;
	v8 =	vld [tilespmem:s1+$0x30];
	v6 =	vmul.f32 v6, v1  }
0xa7: {  	s31 =	sadd.s32 $0x1, s31;
	[tilespmem:s30+$0xFFFFFF30] =	vst v5;
	v5 =	vld [tilespmem:s30+$0x70]  }
0xa8: {  	s7 =	sadd.s32 $0x200, s1;
	s0 =	simm.s32 $0x0;
	s1 =	smov.u32 s30;
	v1 =	vshll.u32 v9, $0x10;
	[tilespmem:s30+$0xFFFFFF70] =	vst v6;
	v6 =	vld [tilespmem:s30+$0xB0]  }
.LBB2_8:
0xa9: {  	v9 =	vld [tilespmem:s7+$0x80];
	v10 =	vshll.u32 v7, $0x10;
	v7 =	vand.u32 $0xFFFF0000, v7;
	s30 =	sadd.s32 $0x200, s30  }
0xaa: {  	v11 =	vld [tilespmem:s30+$0x80];
	v2 =	vmul.f32 v10, v2;
	v3 =	vmul.f32 v7, v3  }
0xab: {  	v7 =	vld [tilespmem:s30+$0xC0];
	v10 =	vshll.u32 v8, $0x10;
	v8 =	vand.u32 $0xFFFF0000, v8  }
0xac: {  	s0 =	sadd.s32 $0x4, s0;
	v12 =	vld [tilespmem:s7+$0xFFFFFF80];
	[tilespmem:s1+$0xFFFFFFB0] =	vst v2;
	v2 =	vmul.f32 v10, v4;
	v4 =	vmul.f32 v8, v5  }
0xad: {  	p3 =	slt.u32 s0, $0x4C;
	v5 =	vld [tilespmem:s7+$0x0];
	[tilespmem:s1+$0xFFFFFFF0] =	vst v3;
	v1 =	vmul.f32 v1, v6  }
0xae: {  	v3 =	vld [tilespmem:s7+$0xFFFFFF00];
	v6 =	vshll.u32 v9, $0x10;
	[tilespmem:s1+$0x30] =	vst v2  }
0xaf: {  	v8 =	vand.u32 $0xFFFF0000, v9;
	v2 =	vld [tilespmem:s30+$0xFFFFFF00];
	v6 =	vmul.f32 v6, v11;
	[tilespmem:s1+$0x70] =	vst v4  }
0xb0: {  	v4 =	vld [tilespmem:s30+$0xFFFFFF40];
	v7 =	vmul.f32 v8, v7;
	[tilespmem:s1+$0xB0] =	vst v1;
	s1 =	smov.u32 s30  }
0xb1: {  	v1 =	vshll.u32 v12, $0x10;
	v8 =	vand.u32 $0xFFFF0000, v12;
	v9 =	vld [tilespmem:s30+$0xFFFFFF80];
	[tilespmem:s30+$0x80] =	vst v6  }
0xb2: {  	v6 =	vld [tilespmem:s30+$0xFFFFFFC0];
	v10 =	vshll.u32 v5, $0x10;
	v5 =	vand.u32 $0xFFFF0000, v5;
	[tilespmem:s30+$0xC0] =	vst v7  }
0xb3: {  	v7 =	vshll.u32 v3, $0x10;
	v3 =	vand.u32 $0xFFFF0000, v3;
	v11 =	vld [tilespmem:s7+$0x90]  }
0xb4: {  	v2 =	vmul.f32 v7, v2;
	v7 =	vld [tilespmem:s30+$0x90]  }
0xb5: {  	v3 =	vmul.f32 v3, v4;
	v4 =	vld [tilespmem:s30+$0xD0]  }
0xb6: {  	[tilespmem:s30+$0xFFFFFF00] =	vst v2;
	v1 =	vmul.f32 v1, v9;
	v2 =	vld [tilespmem:s30+$0x0]  }
0xb7: {  	[tilespmem:s30+$0xFFFFFF40] =	vst v3;
	v3 =	vmul.f32 v8, v6;
	v6 =	vld [tilespmem:s30+$0x40]  }
0xb8: {  	v8 =	vld [tilespmem:s7+$0xFFFFFF10];
	[tilespmem:s30+$0xFFFFFF80] =	vst v1;
	v1 =	vshll.u32 v11, $0x10  }
0xb9: {  	v9 =	vld [tilespmem:s30+$0xFFFFFF10];
	[tilespmem:s30+$0xFFFFFFC0] =	vst v3;
	v3 =	vand.u32 $0xFFFF0000, v11;
	v1 =	vmul.f32 v1, v7  }
0xba: {  	v7 =	vld [tilespmem:s7+$0xFFFFFF90];
	v3 =	vmul.f32 v3, v4  }
0xbb: {  	v4 =	vld [tilespmem:s30+$0xFFFFFF50];
	v2 =	vmul.f32 v10, v2;
	[tilespmem:s30+$0x90] =	vst v1  }
0xbc: {  	v1 =	vld [tilespmem:s30+$0xFFFFFF90];
	v5 =	vmul.f32 v5, v6;
	[tilespmem:s30+$0xD0] =	vst v3  }
0xbd: {  	v3 =	vshll.u32 v8, $0x10;
	v6 =	vand.u32 $0xFFFF0000, v8;
	[tilespmem:s30+$0x0] =	vst v2;
	v2 =	vld [tilespmem:s7+$0xA0]  }
0xbe: {  	v3 =	vmul.f32 v3, v9;
	[tilespmem:s30+$0x40] =	vst v5;
	v5 =	vld [tilespmem:s30+$0xA0]  }
0xbf: {  	v8 =	vshll.u32 v7, $0x10;
	v7 =	vand.u32 $0xFFFF0000, v7;
	v9 =	vld [tilespmem:s30+$0xE0]  }
0xc0: {  	[tilespmem:s30+$0xFFFFFF10] =	vst v3;
	v3 =	vmul.f32 v6, v4;
	v4 =	vld [tilespmem:s7+$0x10]  }
0xc1: {  	v1 =	vmul.f32 v8, v1;
	v6 =	vld [tilespmem:s30+$0xFFFFFFD0]  }
0xc2: {  	[tilespmem:s30+$0xFFFFFF50] =	vst v3;
	v3 =	vld [tilespmem:s30+$0x10];
	v8 =	vshll.u32 v2, $0x10  }
0xc3: {  	v2 =	vand.u32 $0xFFFF0000, v2;
	[tilespmem:s30+$0xFFFFFF90] =	vst v1;
	v1 =	vld [tilespmem:s30+$0x50];
	v5 =	vmul.f32 v8, v5  }
0xc4: {  	v8 =	vld [tilespmem:s7+$0xFFFFFF20];
	v2 =	vmul.f32 v2, v9  }
0xc5: {  	v9 =	vld [tilespmem:s30+$0xFFFFFF20];
	v10 =	vshll.u32 v4, $0x10;
	v4 =	vand.u32 $0xFFFF0000, v4;
	[tilespmem:s30+$0xA0] =	vst v5  }
0xc6: {  	v5 =	vld [tilespmem:s30+$0xFFFFFF60];
	v6 =	vmul.f32 v7, v6;
	[tilespmem:s30+$0xE0] =	vst v2  }
0xc7: {  	v2 =	vmul.f32 v10, v3;
	v3 =	vld [tilespmem:s7+$0xB0]  }
0xc8: {  	[tilespmem:s30+$0xFFFFFFD0] =	vst v6;
	v1 =	vmul.f32 v4, v1;
	v4 =	vld [tilespmem:s30+$0xF0]  }
0xc9: {  	v6 =	vshll.u32 v8, $0x10;
	v7 =	vand.u32 $0xFFFF0000, v8;
	v8 =	vld [tilespmem:s7+$0xFFFFFFA0];
	[tilespmem:s30+$0x10] =	vst v2  }
0xca: {  	v2 =	vmul.f32 v6, v9;
	v6 =	vld [tilespmem:s30+$0xFFFFFFA0];
	[tilespmem:s30+$0x50] =	vst v1  }
0xcb: {  	v5 =	vmul.f32 v7, v5;
	v7 =	vld [tilespmem:s7+$0x20]  }
0xcc: {  	[tilespmem:s30+$0xFFFFFF20] =	vst v2;
	v2 =	vld [tilespmem:s30+$0xFFFFFFE0];
	v1 =	vshll.u32 v3, $0x10;
	v3 =	vand.u32 $0xFFFF0000, v3  }
0xcd: {  	[tilespmem:s30+$0xFFFFFF60] =	vst v5;
	v5 =	vld [tilespmem:s30+$0x20];
	v3 =	vmul.f32 v3, v4  }
0xce: {  	v4 =	vshll.u32 v8, $0x10;
	v8 =	vand.u32 $0xFFFF0000, v8;
	v9 =	vld [tilespmem:s30+$0x60]  }
0xcf: {  	v10 =	vld [tilespmem:s7+$0xFFFFFF30];
	v4 =	vmul.f32 v4, v6;
	[tilespmem:s30+$0xF0] =	vst v3  }
0xd0: {  	v6 =	vld [tilespmem:s30+$0xFFFFFF30];
	v3 =	vshll.u32 v7, $0x10;
	v7 =	vand.u32 $0xFFFF0000, v7  }
0xd1: {  	v11 =	vld [tilespmem:s30+$0xFFFFFF70];
	[tilespmem:s30+$0xFFFFFFA0] =	vst v4;
	v4 =	vmul.f32 v8, v2  }
0xd2: {  	v2 =	vld [tilespmem:s30+$0xFFFFFFB0];
	v5 =	vmul.f32 v3, v5  }
0xd3: {  	[tilespmem:s30+$0xFFFFFFE0] =	vst v4;
	v3 =	vld [tilespmem:s30+$0xFFFFFFF0];
	v4 =	vmul.f32 v7, v9  }
.Ltmp3:
0xd4: {  	v8 =	vshll.u32 v10, $0x10;
	v9 =	vand.u32 $0xFFFF0000, v10;
	v7 =	vld [tilespmem:s7+$0xFFFFFFB0];
	[tilespmem:s30+$0x20] =	vst v5;
	(pc) =	sbr.rel @p3 .LBB2_8-.Ltmp3, $4  }
0xd5: {  	v5 =	vmul.f32 v8, v6;
	[tilespmem:s30+$0x60] =	vst v4;
	v4 =	vld [tilespmem:s30+$0x30]  }
0xd6: {  	v6 =	vmul.f32 v9, v11;
	v8 =	vld [tilespmem:s7+$0x30]  }
0xd7: {  	[tilespmem:s30+$0xFFFFFF30] =	vst v5;
	v5 =	vld [tilespmem:s30+$0x70]  }
0xd8: {  	s7 =	sadd.s32 $0x200, s7;
	[tilespmem:s30+$0xFFFFFF70] =	vst v6;
	v6 =	vld [tilespmem:s30+$0xB0]  }
0xd9: {  	v9 =	vshll.u32 v7, $0x10  }
0xda: {  	v60 =	vand.u32 $0xFFFF0000, v7;
	v2 =	vmul.f32 v9, v2  }
0xdb: {  	v3 =	vmul.f32 v60, v3;
	v61 =	vshll.u32 v8, $0x10  }
0xdc: {  	v62 =	vand.u32 $0xFFFF0000, v8;
	[tilespmem:s1+$0xFFFFFFB0] =	vst v2;
	v2 =	vmul.f32 v61, v4  }
0xdd: {  	s0 =	smul.u32 $0xA000, s29;
	v63 =	vmul.f32 v62, v5;
	[tilespmem:s1+$0xFFFFFFF0] =	vst v3  }
0xde: {  	v1 =	vmul.f32 v1, v6;
	[tilespmem:s1+$0x30] =	vst v2  }
0xdf: {  	s7 =	sshll.u32 s26, $0x8;
	s0 =	sshrl.u32 s0, $0x2;
	[tilespmem:s1+$0x70] =	vst v63  }
0xe0: {  	s30 =	sor.u32 $0x80, s7;
	s0 =	sadd.s32 $0x1900, s0;
	[tilespmem:s1+$0xB0] =	vst v1  }
0xe1: {  	[spmem:s2] =	stream.indirect.scatter.add.f32 [tilespmem:s0], [sflag:$0x5], $0x80, s30, s22, $0xb8;
	[tilespmem:$0x1F900] =	vst v63  }
0xe2: {  	p6 =	sgt.u32 s26, $0x16;
	s0 =	sand.u32 @!p2 $0xFF, s28;
	_ =	swait.ge [sflag:s21], $0x2800  }
0xe3: {  	p1 =	por !p1, !p1;
	p3 =	sgt.u32 @!p2 s0, $0x16;
	[sflag:s21] =	ssyncset.done $0x0  }
0xe4: {  	p1 =	por p6, p1;
	p2 =	por p3, p2;
	[sflag:s21] =	ssyncadd.s32 $0xFFFFD800  }
0xe5: {  	s0 =	sadd.s32 @!p2 $0x200, s7;
	s1 =	simm.s32 @!p2 $0x50;
	s28 =	simm.s32 @!p2 $0x1900  }
0xe6: {  	[tilespmem:s28], [sflag:$0x1] =	stream.indirect.gather @!p2 [hbm4b:s4+s1], $0x80, s0, s1, $0xb8;
	[tilespmem:$0x1F900] =	vst v63  }
0xe7: {  	s0 =	sadd.s32 @!p1 $0x200, s7;
	s1 =	simm.s32 @!p1 $0x50;
	s7 =	simm.s32 @!p1 $0x4100  }
0xe8: {  	[tilespmem:s7], [sflag:$0x2] =	stream.indirect.gather @!p1 [hbm4b:s4+s1], $0x80, s0, s1, $0xb8;
	[tilespmem:$0x1F900] =	vst v63  }
0xe9: {  	p1 =	sne.s32 s31, $0x7D  }
.Ltmp4:
0xea: {  	_ = 	snop;
	(pc) =	sbr.rel @p1 .LBB2_4-.Ltmp4, $2  }
0xeb: {  	_ =	sdelay $0x2  }
0xec: {  	p0 =	por !p0, !p0  }
0xed: {  	s0 =	stileid.u32;
	s25 =	sadd.s32 $0x1, s25  }
0xee: {  	[bflag:$0x0] =	sbarrier.arrive $0xFFFF;
	s0 =	sshll.u32 s0, $0x6;
	p0 =	sne.s32 s25, s19  }
.Ltmp5:
0xef: {  	s1 =	sshrl.u32 s6, $0x3;
	s0 =	sor.u32 $0x1C05, s0;
	(pc) =	sbr.rel @p0 .LBB2_1-.Ltmp5, $4  }
0xf0: {  	[hbm:s18], [sflag:s0] =	dma.local [spmem:s1], $0x2800  }
0xf1: {  	_ =	swait.ge [sflag:s21], $0x2800  }
0xf2: {  	[sflag:s21] =	ssyncset.done $0x0  }
0xf3: {  	[sflag:s21] =	ssyncadd.s32 $0xFFFFD800  }
0xf4: {  	_ =	sfence.sel $0x180000  }
0xf5: {  	[bflag:$0x0] =	sbarrier.arrive $0xFFFF  }
0xf6: {  	_ =	strace $0x9000004D  }
0xf7: {  	s0 =	stileid.u32;
	[bflag:$0x2] =	sbarrier.arrive $0xFFFF  }
0xf8: {  	p0 =	sne.s32 s0, $0x0;
	s0 =	rddreg [dreg:$0x2]  }
0xf9: {  	s0 =	sadd.s32 @!p0 $0x100000, s0  }
0xfa: {  	[sflag:s0] =	ssyncadd.tile.s32 @!p0 $0x1;
	_ =	shalt  }
.Lfunc_end2:
_tile_overlayer_lowered:
.L_overlay_start_2:
0xfb: {  	(tag) =	ssettag $0x2  }
0xfc: {  	s0 =	rddreg [dreg:$0x0];
	s2 =	stileid.u32  }
0xfd: {  	s1 =	rddreg [dreg:$0x1];
	p0 =	sne.s32 s2, $0x0  }
0xfe: {  	s3 =	rddreg [dreg:$0x2];
	[bflag:$0x3] =	sbarrier.arrive $0xFFFF;
	s2 =	simm.s32 @!p0 $0x1C05  }
0xff: {  	[timem:s3], [sflag:s2] =	dma.local @!p0 [hbm:s0], s1  }
0x100: {  	s0 =	simm.s32 @!p0 $0x5  }
0x101: {  	_ =	swait.ge @!p0 [sflag:s0], s1  }
0x102: {  	s1 =	ssub.s32 @!p0 $0x0, s1;
	[sflag:s0] =	ssyncset.done @!p0 $0x0  }
0x103: {  	[sflag:s0] =	ssyncadd.s32 @!p0 s1  }
0x104: {  	[bflag:$0x3] =	sbarrier.arrive $0xFFFF  }
0x105: {  	_ =	shalt  }

</sc_bundles>
